<compile_context>
chip_gen: v7x
topology: tpu7x:2x2x1
jax: 0.10.2.dev20260603
libtpu: 0.0.44.dev20260713+nightly
codegen_flags: <defaults>
</compile_context>

<pallas_src>
import functools

import jax
import jax.numpy as jnp
from jax import lax
from jax.experimental import pallas as pl
from jax.experimental.pallas import tpu as pltpu
from jax.experimental.pallas import tpu_sc as plsc

_NUM_ATOMS = 100000
_HIDDEN = 64
_B = 4096
_N = 200
_NC, _NS = 2, 16
_NW = _NC * _NS
_BT = _B // 128
_NT = _N // 8
_LANES = 16
_HG = _HIDDEN // _LANES
_CW = 128 * _HIDDEN
_OSTRIDE_N = 8 * _BT * 8 * 128
_OSTRIDE_HT = _BT * 8 * 128


def _sc_body(x4_hbm, din_hbm, dout_hbm, tab_hbm, w_hbm, b_hbm, out_hbm,
             idx_v, s_v, st_v, rows0, rows1, res0, res1, sidx_v, wv, bv,
             stage,
             sem_l, semg0, semg1, semsc0, semsc1, semo0, semo1):
    s_ax = lax.axis_index("s")
    c_ax = lax.axis_index("c")
    j = s_ax * _NC + c_ax
    slot0 = s_ax * (3 * _CW)

    pltpu.async_copy(x4_hbm.at[:, j], idx_v, sem_l)
    pltpu.async_copy(din_hbm.at[:, j], s_v, sem_l)
    pltpu.sync_copy(w_hbm, wv)
    pltpu.sync_copy(b_hbm, bv)
    pltpu.make_async_copy(x4_hbm.at[:, j], idx_v, sem_l).wait()
    pltpu.make_async_copy(din_hbm.at[:, j], s_v, sem_l).wait()

    for q in range(4):
        sl_n = pl.ds(q * 50, 50)
        pltpu.async_copy(dout_hbm.at[sl_n, j], st_v, sem_l)
        pltpu.make_async_copy(dout_hbm.at[sl_n, j], st_v, sem_l).wait()

        def sum_body(k, c, q=q):
            n = q * 50 + k
            for g in range(8):
                sl = pl.ds(g * _LANES, _LANES)
                s_v[n, sl] = s_v[n, sl] + st_v[k, sl]
            return c
        lax.fori_loop(0, 50, sum_body, 0)

    iot = lax.iota(jnp.int32, _LANES)

    def sidx_body(q, c):
        e = q * _LANES + iot
        h = lax.rem(e, _HIDDEN)
        bcol = lax.div(e, _HIDDEN)
        pat = (lax.div(h, 8) * 1024 + lax.rem(h, 8) * 128 + bcol)
        qq = lax.div(q, 8)
        csl = pl.ds(lax.rem(q, 8) * _LANES, _LANES)
        sidx_v[qq, csl] = pat
        return c
    lax.fori_loop(0, _CW // _LANES, sidx_body, 0)

    wg = [wv[pl.ds(g * _LANES, _LANES)] for g in range(_HG)]
    b2 = [bv[pl.ds(g * _LANES, _LANES)] + bv[pl.ds(g * _LANES, _LANES)]
          for g in range(_HG)]

    rows = (rows0, rows1)
    res = (res0, res1)
    semg = (semg0, semg1)
    semsc = (semsc0, semsc1)
    semo = (semo0, semo1)

    def gdesc(n, p):
        return pltpu.make_async_copy(
            tab_hbm.at[idx_v.at[n // 8, n % 8]], rows[p], semg[p])

    def scatters(p, s, start):
        if start:
            def sc_body(qq, c):
                pltpu.make_async_copy(
                    res[p].at[pl.ds(qq * 128, 128)],
                    stage.at[pl.ds(slot0 + s * _CW, _CW)].at[sidx_v.at[qq]],
                    semsc[p]).start()
                return c
            lax.fori_loop(0, _CW // 128, sc_body, 0)
        else:
            pltpu.make_async_copy(
                res[p], stage.at[pl.ds(slot0 + s * _CW, _CW)],
                semsc[p]).wait()

    def ostart(n, p, s):
        base = slot0 + s * _CW
        for ht in range(8):
            pltpu.make_async_copy(
                stage.at[pl.ds(base + ht * 1024, 1024)],
                out_hbm.at[pl.ds(n * _OSTRIDE_N + ht * _OSTRIDE_HT
                                 + j * 1024, 1024)],
                semo[p]).start()

    def owait(p, s):
        pltpu.make_async_copy(
            stage.at[pl.ds(slot0 + s * _CW, _CW)],
            out_hbm.at[pl.ds(j * 1024 * 8, _CW)], semo[p]).wait()

    def compute(n, p):
        rp = rows[p]
        re = res[p]

        def grp(g, c):
            sv = s_v[n, pl.ds(g * _LANES, _LANES)]
            for ii in range(_LANES):
                r_loc = g * _LANES + ii
                bc = lax.gather(
                    sv, jnp.full((_LANES, 1), ii, jnp.int32),
                    lax.GatherDimensionNumbers(
                        offset_dims=(), collapsed_slice_dims=(0,),
                        start_index_map=(0,)),
                    slice_sizes=(1,),
                    mode=lax.GatherScatterMode.PROMISE_IN_BOUNDS)
                for gg in range(_HG):
                    v = (rp[r_loc, pl.ds(gg * _LANES, _LANES)]
                         + (bc * wg[gg] + b2[gg]))
                    re[pl.ds(r_loc * _HIDDEN + gg * _LANES, _LANES)] = v
            return c
        lax.fori_loop(0, 128 // _LANES, grp, 0)

    gdesc(0, 0).start()

    def trip(t, c):
        for p in range(2):
            n = 2 * t + p
            s = n % 3

            @pl.when(t > 1 if p == 0 else t > 0)
            def _():
                owait(1 - p, s)

            @pl.when(t > 0)
            def _():
                scatters(p, (n - 2) % 3, False)
                ostart(n - 2, p, (n - 2) % 3)

            if p == 0:
                gdesc(n + 1, 1).start()
            else:
                @pl.when(t < _N // 2 - 1)
                def _():
                    gdesc(n + 1, 0).start()

            gdesc(n, p).wait()
            compute(n, p)
            scatters(p, s, True)
        return c

    lax.fori_loop(0, _N // 2, trip, 0)
    scatters(0, (_N - 2) % 3, False)
    ostart(_N - 2, 0, (_N - 2) % 3)
    scatters(1, (_N - 1) % 3, False)
    ostart(_N - 1, 1, (_N - 1) % 3)
    owait(1, (_N - 3) % 3)
    owait(0, (_N - 2) % 3)
    owait(1, (_N - 1) % 3)


_graph_node_feature_sc = functools.partial(
    pl.kernel,
    out_type=jax.ShapeDtypeStruct((_N * 8 * _BT * 8 * 128,), jnp.float32),
    mesh=plsc.VectorSubcoreMesh(core_axis_name="c", subcore_axis_name="s"),
    compiler_params=pltpu.CompilerParams(use_tc_tiling_on_sc=False,
                                         needs_layout_passes=False),
    scratch_types=[
        pltpu.VMEM((_NT, 8, 128), jnp.int32),
        pltpu.VMEM((_N, 128), jnp.float32),
        pltpu.VMEM((50, 128), jnp.float32),
        pltpu.VMEM((128, _HIDDEN), jnp.float32),
        pltpu.VMEM((128, _HIDDEN), jnp.float32),
        pltpu.VMEM((_CW,), jnp.float32),
        pltpu.VMEM((_CW,), jnp.float32),
        pltpu.VMEM((_CW // 128, 128), jnp.int32),
        pltpu.VMEM((_HIDDEN,), jnp.float32),
        pltpu.VMEM((_HIDDEN,), jnp.float32),
        pltpu.VMEM_SHARED((_NS * 3 * _CW,), jnp.float32),
        pltpu.SemaphoreType.DMA,
        pltpu.SemaphoreType.DMA,
        pltpu.SemaphoreType.DMA,
        pltpu.SemaphoreType.DMA,
        pltpu.SemaphoreType.DMA,
        pltpu.SemaphoreType.DMA,
        pltpu.SemaphoreType.DMA,
    ],
)(_sc_body)


def kernel(x, in_degree, out_degree, atom_table, W, b):
    x4 = x.astype(jnp.int32).reshape(_BT, 128, _NT, 8).transpose(2, 0, 3, 1)
    din = in_degree.reshape(_BT, 128, _N).transpose(2, 0, 1)
    dout = out_degree.reshape(_BT, 128, _N).transpose(2, 0, 1)
    wf = W.reshape(-1)
    outf = _graph_node_feature_sc(x4, din, dout, atom_table, wf, b)
    out5 = outf.reshape(_N, 8, _BT, 8, 128)
    return out5.transpose(2, 4, 0, 1, 3).reshape(_B, _N, _HIDDEN)

# --- scband reference (transcript-rebuilt; emitter-appended) ---
"""Pipeline reference for scband-graph-node-feature-89996744721066 (READ-ONLY COPY).

The authoritative reference and input builder live on the scoring server;
editing this copy changes nothing except your own understanding.
"""

import jax, jax.numpy as jnp
import numpy as np

NUM_ATOMS = 100000
HIDDEN = 64
B = 4096
N = 200

def setup_inputs(seed: int = 0) -> dict:
    key = jax.random.key(seed)
    k1, k2, k3, k4, k5, k6 = jax.random.split(key, 6)
    x = jax.random.randint(k1, (B, N), 0, NUM_ATOMS, dtype=jnp.int64)
    in_degree = jax.random.uniform(k2, (B, N, 1), dtype=jnp.float32)
    out_degree = jax.random.uniform(k3, (B, N, 1), dtype=jnp.float32)
    atom_table = jax.random.normal(k4, (NUM_ATOMS, HIDDEN), dtype=jnp.float32) * 0.02
    # nn.Linear(1, hidden): weight [hidden, 1], bias [hidden]; store transposed for matmul
    W = jax.random.normal(k5, (1, HIDDEN), dtype=jnp.float32) * (1.0 / np.sqrt(1.0))
    b = jax.random.normal(k6, (HIDDEN,), dtype=jnp.float32) * 0.01
    return {"x": x, "in_degree": in_degree, "out_degree": out_degree, "atom_table": atom_table, "W": W, "b": b}

def reference(x, in_degree, out_degree, atom_table, W, b):
    # atom_encoder(x): embedding gather
    node_feature = jnp.take(atom_table, x, axis=0)  # [B, N, HIDDEN]
    # linear_degree applied to both in_degree and out_degree (shared weights)
    in_degree_feature = in_degree @ W + b            # [B, N, HIDDEN]
    out_degree_feature = out_degree @ W + b          # [B, N, HIDDEN]
    node_feature = node_feature + in_degree_feature + out_degree_feature
    return node_feature

if __name__ == "__main__":
    import jax
    _d = setup_inputs()
    print(jax.jit(kernel)(*tuple(_d.values())))

</pallas_src>

<mosaic_0001>
#map = affine_map<(d0, d1) -> (0, 0, 0, 0)>
#map1 = affine_map<(d0, d1) -> (0, 0, 0)>
#map2 = affine_map<(d0, d1) -> (0, 0)>
#map3 = affine_map<(d0, d1) -> (0)>
module attributes {stable_mosaic.version = 14 : i64} {
  func.func @_sc_body(%arg0: i32, %arg1: i32, %arg2: memref<25x32x8x128xi32, #tpu.memory_space<hbm>>, %arg3: memref<200x32x128xf32, #tpu.memory_space<hbm>>, %arg4: memref<200x32x128xf32, #tpu.memory_space<hbm>>, %arg5: memref<100000x64xf32, #tpu.memory_space<hbm>>, %arg6: memref<64xf32, #tpu.memory_space<hbm>>, %arg7: memref<64xf32, #tpu.memory_space<hbm>>, %arg8: memref<52428800xf32, #tpu.memory_space<hbm>>, %arg9: memref<25x8x128xi32, #tpu.memory_space<vmem>>, %arg10: memref<200x128xf32, #tpu.memory_space<vmem>>, %arg11: memref<50x128xf32, #tpu.memory_space<vmem>>, %arg12: memref<128x64xf32, #tpu.memory_space<vmem>>, %arg13: memref<128x64xf32, #tpu.memory_space<vmem>>, %arg14: memref<8192xf32, #tpu.memory_space<vmem>>, %arg15: memref<8192xf32, #tpu.memory_space<vmem>>, %arg16: memref<64x128xi32, #tpu.memory_space<vmem>>, %arg17: memref<64xf32, #tpu.memory_space<vmem>>, %arg18: memref<64xf32, #tpu.memory_space<vmem>>, %arg19: memref<393216xf32, #tpu.memory_space<vmem_shared>>, %arg20: memref<!tpu.dma_semaphore, #tpu.memory_space<semaphore_mem>>, %arg21: memref<!tpu.dma_semaphore, #tpu.memory_space<semaphore_mem>>, %arg22: memref<!tpu.dma_semaphore, #tpu.memory_space<semaphore_mem>>, %arg23: memref<!tpu.dma_semaphore, #tpu.memory_space<semaphore_mem>>, %arg24: memref<!tpu.dma_semaphore, #tpu.memory_space<semaphore_mem>>, %arg25: memref<!tpu.dma_semaphore, #tpu.memory_space<semaphore_mem>>, %arg26: memref<!tpu.dma_semaphore, #tpu.memory_space<semaphore_mem>>) attributes {dimension_semantics = [#tpu.dimension_semantics<core_parallel>, #tpu.dimension_semantics<subcore_parallel>], iteration_bounds = array<i64: 2, 16>, scalar_prefetch = 0 : i64, scratch_operands = 18 : i64, tpu.core_type = #tpu.core_type<sc_vector_subcore>, window_params = [{transform_indices = #map}, {transform_indices = #map1}, {transform_indices = #map1}, {transform_indices = #map2}, {transform_indices = #map3}, {transform_indices = #map3}, {transform_indices = #map3}]} {
    %mul3A = arith.constant 2 : i32
    %mul3A_0 = arith.muli %arg1, %mul3A : i32
    %add3A = arith.addi %mul3A_0, %arg0 : i32
    %mul3A_1 = arith.constant 24576 : i32
    %mul3A_2 = arith.muli %arg1, %mul3A_1 : i32
    %dma_start3A = arith.constant 0 : i32
    %dma_start3A_3 = arith.constant 0 : i32
    %dma_start3A_4 = arith.constant 0 : i32
    %dma_start3A_5 = tpu.memref_slice %arg2[%dma_start3A, %add3A, %dma_start3A_3, %dma_start3A_4] : memref<25x32x8x128xi32, #tpu.memory_space<hbm>> -> memref<25x1x8x128xi32, #tpu.memory_space<hbm>>
    %dma_start3A_6 = tpu.memref_squeeze %dma_start3A_5 : memref<25x1x8x128xi32, #tpu.memory_space<hbm>> -> memref<25x8x128xi32, #tpu.memory_space<hbm>>
    %dma_start3A_7 = arith.constant 0 : i32
    %dma_start3A_8 = arith.constant 0 : i32
    %dma_start3A_9 = arith.constant 0 : i32
    %dma_start3A_10 = tpu.memref_slice %arg2[%dma_start3A_7, %add3A, %dma_start3A_8, %dma_start3A_9] : memref<25x32x8x128xi32, #tpu.memory_space<hbm>> -> memref<25x1x8x128xi32, #tpu.memory_space<hbm>>
    %dma_start3A_11 = tpu.memref_squeeze %dma_start3A_10 : memref<25x1x8x128xi32, #tpu.memory_space<hbm>> -> memref<25x8x128xi32, #tpu.memory_space<hbm>>
    tpu.enqueue_dma source(%dma_start3A_11 : memref<25x8x128xi32, #tpu.memory_space<hbm>>) target(%arg9 : memref<25x8x128xi32, #tpu.memory_space<vmem>>) target_semaphore(%arg20 : memref<!tpu.dma_semaphore, #tpu.memory_space<semaphore_mem>>)
    %dma_start3A_12 = arith.constant 0 : i32
    %dma_start3A_13 = arith.constant 0 : i32
    %dma_start3A_14 = tpu.memref_slice %arg3[%dma_start3A_12, %add3A, %dma_start3A_13] : memref<200x32x128xf32, #tpu.memory_space<hbm>> -> memref<200x1x128xf32, #tpu.memory_space<hbm>>
    %dma_start3A_15 = tpu.memref_squeeze %dma_start3A_14 : memref<200x1x128xf32, #tpu.memory_space<hbm>> -> memref<200x128xf32, #tpu.memory_space<hbm>>
    %dma_start3A_16 = arith.constant 0 : i32
    %dma_start3A_17 = arith.constant 0 : i32
    %dma_start3A_18 = tpu.memref_slice %arg3[%dma_start3A_16, %add3A, %dma_start3A_17] : memref<200x32x128xf32, #tpu.memory_space<hbm>> -> memref<200x1x128xf32, #tpu.memory_space<hbm>>
    %dma_start3A_19 = tpu.memref_squeeze %dma_start3A_18 : memref<200x1x128xf32, #tpu.memory_space<hbm>> -> memref<200x128xf32, #tpu.memory_space<hbm>>
    tpu.enqueue_dma source(%dma_start3A_19 : memref<200x128xf32, #tpu.memory_space<hbm>>) target(%arg10 : memref<200x128xf32, #tpu.memory_space<vmem>>) target_semaphore(%arg20 : memref<!tpu.dma_semaphore, #tpu.memory_space<semaphore_mem>>)
    "tpu.region"() ({
      %run_scoped3A = tpu.sem_alloc : memref<!tpu.dma_semaphore, #tpu.memory_space<semaphore_mem>>
      tpu.enqueue_dma source(%arg6 : memref<64xf32, #tpu.memory_space<hbm>>) target(%arg17 : memref<64xf32, #tpu.memory_space<vmem>>) target_semaphore(%run_scoped3A : memref<!tpu.dma_semaphore, #tpu.memory_space<semaphore_mem>>)
      tpu.wait_dma2 semaphore(%run_scoped3A : memref<!tpu.dma_semaphore, #tpu.memory_space<semaphore_mem>>) src(%arg6 : memref<64xf32, #tpu.memory_space<hbm>>) dst(%arg17 : memref<64xf32, #tpu.memory_space<vmem>>)
      tpu.yield
    }) : () -> ()
    "tpu.region"() ({
      %run_scoped3A = tpu.sem_alloc : memref<!tpu.dma_semaphore, #tpu.memory_space<semaphore_mem>>
      tpu.enqueue_dma source(%arg7 : memref<64xf32, #tpu.memory_space<hbm>>) target(%arg18 : memref<64xf32, #tpu.memory_space<vmem>>) target_semaphore(%run_scoped3A : memref<!tpu.dma_semaphore, #tpu.memory_space<semaphore_mem>>)
      tpu.wait_dma2 semaphore(%run_scoped3A : memref<!tpu.dma_semaphore, #tpu.memory_space<semaphore_mem>>) src(%arg7 : memref<64xf32, #tpu.memory_space<hbm>>) dst(%arg18 : memref<64xf32, #tpu.memory_space<vmem>>)
      tpu.yield
    }) : () -> ()
    %dma_wait3A = arith.constant 0 : i32
    %dma_wait3A_20 = arith.constant 0 : i32
    %dma_wait3A_21 = arith.constant 0 : i32
    %dma_wait3A_22 = tpu.memref_slice %arg2[%dma_wait3A, %add3A, %dma_wait3A_20, %dma_wait3A_21] : memref<25x32x8x128xi32, #tpu.memory_space<hbm>> -> memref<25x1x8x128xi32, #tpu.memory_space<hbm>>
    %dma_wait3A_23 = tpu.memref_squeeze %dma_wait3A_22 : memref<25x1x8x128xi32, #tpu.memory_space<hbm>> -> memref<25x8x128xi32, #tpu.memory_space<hbm>>
    %dma_wait3A_24 = arith.constant 0 : i32
    %dma_wait3A_25 = arith.constant 0 : i32
    %dma_wait3A_26 = arith.constant 0 : i32
    %dma_wait3A_27 = tpu.memref_slice %arg2[%dma_wait3A_24, %add3A, %dma_wait3A_25, %dma_wait3A_26] : memref<25x32x8x128xi32, #tpu.memory_space<hbm>> -> memref<25x1x8x128xi32, #tpu.memory_space<hbm>>
    %dma_wait3A_28 = tpu.memref_squeeze %dma_wait3A_27 : memref<25x1x8x128xi32, #tpu.memory_space<hbm>> -> memref<25x8x128xi32, #tpu.memory_space<hbm>>
    tpu.wait_dma2 semaphore(%arg20 : memref<!tpu.dma_semaphore, #tpu.memory_space<semaphore_mem>>) src(%dma_wait3A_28 : memref<25x8x128xi32, #tpu.memory_space<hbm>>) dst(%arg9 : memref<25x8x128xi32, #tpu.memory_space<vmem>>)
    %dma_wait3A_29 = arith.constant 0 : i32
    %dma_wait3A_30 = arith.constant 0 : i32
    %dma_wait3A_31 = tpu.memref_slice %arg3[%dma_wait3A_29, %add3A, %dma_wait3A_30] : memref<200x32x128xf32, #tpu.memory_space<hbm>> -> memref<200x1x128xf32, #tpu.memory_space<hbm>>
    %dma_wait3A_32 = tpu.memref_squeeze %dma_wait3A_31 : memref<200x1x128xf32, #tpu.memory_space<hbm>> -> memref<200x128xf32, #tpu.memory_space<hbm>>
    %dma_wait3A_33 = arith.constant 0 : i32
    %dma_wait3A_34 = arith.constant 0 : i32
    %dma_wait3A_35 = tpu.memref_slice %arg3[%dma_wait3A_33, %add3A, %dma_wait3A_34] : memref<200x32x128xf32, #tpu.memory_space<hbm>> -> memref<200x1x128xf32, #tpu.memory_space<hbm>>
    %dma_wait3A_36 = tpu.memref_squeeze %dma_wait3A_35 : memref<200x1x128xf32, #tpu.memory_space<hbm>> -> memref<200x128xf32, #tpu.memory_space<hbm>>
    tpu.wait_dma2 semaphore(%arg20 : memref<!tpu.dma_semaphore, #tpu.memory_space<semaphore_mem>>) src(%dma_wait3A_36 : memref<200x128xf32, #tpu.memory_space<hbm>>) dst(%arg10 : memref<200x128xf32, #tpu.memory_space<vmem>>)
    %dma_start3A_37 = arith.constant 0 : i32
    %dma_start3A_38 = arith.constant 0 : i32
    %dma_start3A_39 = tpu.memref_slice %arg4[%dma_start3A_37, %add3A, %dma_start3A_38] : memref<200x32x128xf32, #tpu.memory_space<hbm>> -> memref<50x1x128xf32, #tpu.memory_space<hbm>>
    %dma_start3A_40 = tpu.memref_squeeze %dma_start3A_39 : memref<50x1x128xf32, #tpu.memory_space<hbm>> -> memref<50x128xf32, #tpu.memory_space<hbm>>
    %dma_start3A_41 = arith.constant 0 : i32
    %dma_start3A_42 = arith.constant 0 : i32
    %dma_start3A_43 = tpu.memref_slice %arg4[%dma_start3A_41, %add3A, %dma_start3A_42] : memref<200x32x128xf32, #tpu.memory_space<hbm>> -> memref<50x1x128xf32, #tpu.memory_space<hbm>>
    %dma_start3A_44 = tpu.memref_squeeze %dma_start3A_43 : memref<50x1x128xf32, #tpu.memory_space<hbm>> -> memref<50x128xf32, #tpu.memory_space<hbm>>
    tpu.enqueue_dma source(%dma_start3A_44 : memref<50x128xf32, #tpu.memory_space<hbm>>) target(%arg11 : memref<50x128xf32, #tpu.memory_space<vmem>>) target_semaphore(%arg20 : memref<!tpu.dma_semaphore, #tpu.memory_space<semaphore_mem>>)
    %dma_wait3A_45 = arith.constant 0 : i32
    %dma_wait3A_46 = arith.constant 0 : i32
    %dma_wait3A_47 = tpu.memref_slice %arg4[%dma_wait3A_45, %add3A, %dma_wait3A_46] : memref<200x32x128xf32, #tpu.memory_space<hbm>> -> memref<50x1x128xf32, #tpu.memory_space<hbm>>
    %dma_wait3A_48 = tpu.memref_squeeze %dma_wait3A_47 : memref<50x1x128xf32, #tpu.memory_space<hbm>> -> memref<50x128xf32, #tpu.memory_space<hbm>>
    %dma_wait3A_49 = arith.constant 0 : i32
    %dma_wait3A_50 = arith.constant 0 : i32
    %dma_wait3A_51 = tpu.memref_slice %arg4[%dma_wait3A_49, %add3A, %dma_wait3A_50] : memref<200x32x128xf32, #tpu.memory_space<hbm>> -> memref<50x1x128xf32, #tpu.memory_space<hbm>>
    %dma_wait3A_52 = tpu.memref_squeeze %dma_wait3A_51 : memref<50x1x128xf32, #tpu.memory_space<hbm>> -> memref<50x128xf32, #tpu.memory_space<hbm>>
    tpu.wait_dma2 semaphore(%arg20 : memref<!tpu.dma_semaphore, #tpu.memory_space<semaphore_mem>>) src(%dma_wait3A_52 : memref<50x128xf32, #tpu.memory_space<hbm>>) dst(%arg11 : memref<50x128xf32, #tpu.memory_space<vmem>>)
    %scan3A = arith.constant 0 : i32
    %scan3A_53 = arith.constant 0 : i32
    %scan3A_54 = arith.constant 50 : i32
    %scan3A_55 = arith.addi %scan3A_53, %scan3A_54 : i32
    %scan3A_56 = arith.constant 1 : i32
    scf.for %scan3A_335 = %scan3A_53 to %scan3A_55 step %scan3A_56  : i32 {
      %add3A_336 = arith.constant 0 : i32
      %add3A_337 = arith.addi %add3A_336, %scan3A_335 : i32
      %get3A_338 = arith.index_cast %add3A_337 : i32 to index
      %get3A_339 = arith.constant 0 : index
      %get3A_340 = tpu.vector_load %arg10[%get3A_338, %get3A_339] {strides = array<i32>} : memref<200x128xf32, #tpu.memory_space<vmem>>, vector<16xf32>,
      %get3A_341 = arith.index_cast %scan3A_335 : i32 to index
      %get3A_342 = arith.constant 0 : index
      %get3A_343 = tpu.vector_load %arg11[%get3A_341, %get3A_342] {strides = array<i32>} : memref<50x128xf32, #tpu.memory_space<vmem>>, vector<16xf32>,
      %add3A_344 = arith.addf %get3A_340, %get3A_343 : vector<16xf32>
      %swap3A = arith.index_cast %add3A_337 : i32 to index
      %swap3A_345 = arith.constant 0 : index
      %swap3A_346 = tpu.vector_load %arg10[%swap3A, %swap3A_345] {strides = array<i32>} : memref<200x128xf32, #tpu.memory_space<vmem>>, vector<16xf32>,
      tpu.vector_store %arg10[%swap3A, %swap3A_345], %add3A_344 {strides = array<i32>} : memref<200x128xf32, #tpu.memory_space<vmem>>, vector<16xf32>,
      %get3A_347 = arith.index_cast %add3A_337 : i32 to index
      %get3A_348 = arith.constant 16 : index
      %get3A_349 = tpu.vector_load %arg10[%get3A_347, %get3A_348] {strides = array<i32>} : memref<200x128xf32, #tpu.memory_space<vmem>>, vector<16xf32>,
      %get3A_350 = arith.index_cast %scan3A_335 : i32 to index
      %get3A_351 = arith.constant 16 : index
      %get3A_352 = tpu.vector_load %arg11[%get3A_350, %get3A_351] {strides = array<i32>} : memref<50x128xf32, #tpu.memory_space<vmem>>, vector<16xf32>,
      %add3A_353 = arith.addf %get3A_349, %get3A_352 : vector<16xf32>
      %swap3A_354 = arith.index_cast %add3A_337 : i32 to index
      %swap3A_355 = arith.constant 16 : index
      %swap3A_356 = tpu.vector_load %arg10[%swap3A_354, %swap3A_355] {strides = array<i32>} : memref<200x128xf32, #tpu.memory_space<vmem>>, vector<16xf32>,
      tpu.vector_store %arg10[%swap3A_354, %swap3A_355], %add3A_353 {strides = array<i32>} : memref<200x128xf32, #tpu.memory_space<vmem>>, vector<16xf32>,
      %get3A_357 = arith.index_cast %add3A_337 : i32 to index
      %get3A_358 = arith.constant 32 : index
      %get3A_359 = tpu.vector_load %arg10[%get3A_357, %get3A_358] {strides = array<i32>} : memref<200x128xf32, #tpu.memory_space<vmem>>, vector<16xf32>,
      %get3A_360 = arith.index_cast %scan3A_335 : i32 to index
      %get3A_361 = arith.constant 32 : index
      %get3A_362 = tpu.vector_load %arg11[%get3A_360, %get3A_361] {strides = array<i32>} : memref<50x128xf32, #tpu.memory_space<vmem>>, vector<16xf32>,
      %add3A_363 = arith.addf %get3A_359, %get3A_362 : vector<16xf32>
      %swap3A_364 = arith.index_cast %add3A_337 : i32 to index
      %swap3A_365 = arith.constant 32 : index
      %swap3A_366 = tpu.vector_load %arg10[%swap3A_364, %swap3A_365] {strides = array<i32>} : memref<200x128xf32, #tpu.memory_space<vmem>>, vector<16xf32>,
      tpu.vector_store %arg10[%swap3A_364, %swap3A_365], %add3A_363 {strides = array<i32>} : memref<200x128xf32, #tpu.memory_space<vmem>>, vector<16xf32>,
      %get3A_367 = arith.index_cast %add3A_337 : i32 to index
      %get3A_368 = arith.constant 48 : index
      %get3A_369 = tpu.vector_load %arg10[%get3A_367, %get3A_368] {strides = array<i32>} : memref<200x128xf32, #tpu.memory_space<vmem>>, vector<16xf32>,
      %get3A_370 = arith.index_cast %scan3A_335 : i32 to index
      %get3A_371 = arith.constant 48 : index
      %get3A_372 = tpu.vector_load %arg11[%get3A_370, %get3A_371] {strides = array<i32>} : memref<50x128xf32, #tpu.memory_space<vmem>>, vector<16xf32>,
      %add3A_373 = arith.addf %get3A_369, %get3A_372 : vector<16xf32>
      %swap3A_374 = arith.index_cast %add3A_337 : i32 to index
      %swap3A_375 = arith.constant 48 : index
      %swap3A_376 = tpu.vector_load %arg10[%swap3A_374, %swap3A_375] {strides = array<i32>} : memref<200x128xf32, #tpu.memory_space<vmem>>, vector<16xf32>,
      tpu.vector_store %arg10[%swap3A_374, %swap3A_375], %add3A_373 {strides = array<i32>} : memref<200x128xf32, #tpu.memory_space<vmem>>, vector<16xf32>,
      %get3A_377 = arith.index_cast %add3A_337 : i32 to index
      %get3A_378 = arith.constant 64 : index
      %get3A_379 = tpu.vector_load %arg10[%get3A_377, %get3A_378] {strides = array<i32>} : memref<200x128xf32, #tpu.memory_space<vmem>>, vector<16xf32>,
      %get3A_380 = arith.index_cast %scan3A_335 : i32 to index
      %get3A_381 = arith.constant 64 : index
      %get3A_382 = tpu.vector_load %arg11[%get3A_380, %get3A_381] {strides = array<i32>} : memref<50x128xf32, #tpu.memory_space<vmem>>, vector<16xf32>,
      %add3A_383 = arith.addf %get3A_379, %get3A_382 : vector<16xf32>
      %swap3A_384 = arith.index_cast %add3A_337 : i32 to index
      %swap3A_385 = arith.constant 64 : index
      %swap3A_386 = tpu.vector_load %arg10[%swap3A_384, %swap3A_385] {strides = array<i32>} : memref<200x128xf32, #tpu.memory_space<vmem>>, vector<16xf32>,
      tpu.vector_store %arg10[%swap3A_384, %swap3A_385], %add3A_383 {strides = array<i32>} : memref<200x128xf32, #tpu.memory_space<vmem>>, vector<16xf32>,
      %get3A_387 = arith.index_cast %add3A_337 : i32 to index
      %get3A_388 = arith.constant 80 : index
      %get3A_389 = tpu.vector_load %arg10[%get3A_387, %get3A_388] {strides = array<i32>} : memref<200x128xf32, #tpu.memory_space<vmem>>, vector<16xf32>,
      %get3A_390 = arith.index_cast %scan3A_335 : i32 to index
      %get3A_391 = arith.constant 80 : index
      %get3A_392 = tpu.vector_load %arg11[%get3A_390, %get3A_391] {strides = array<i32>} : memref<50x128xf32, #tpu.memory_space<vmem>>, vector<16xf32>,
      %add3A_393 = arith.addf %get3A_389, %get3A_392 : vector<16xf32>
      %swap3A_394 = arith.index_cast %add3A_337 : i32 to index
      %swap3A_395 = arith.constant 80 : index
      %swap3A_396 = tpu.vector_load %arg10[%swap3A_394, %swap3A_395] {strides = array<i32>} : memref<200x128xf32, #tpu.memory_space<vmem>>, vector<16xf32>,
      tpu.vector_store %arg10[%swap3A_394, %swap3A_395], %add3A_393 {strides = array<i32>} : memref<200x128xf32, #tpu.memory_space<vmem>>, vector<16xf32>,
      %get3A_397 = arith.index_cast %add3A_337 : i32 to index
      %get3A_398 = arith.constant 96 : index
      %get3A_399 = tpu.vector_load %arg10[%get3A_397, %get3A_398] {strides = array<i32>} : memref<200x128xf32, #tpu.memory_space<vmem>>, vector<16xf32>,
      %get3A_400 = arith.index_cast %scan3A_335 : i32 to index
      %get3A_401 = arith.constant 96 : index
      %get3A_402 = tpu.vector_load %arg11[%get3A_400, %get3A_401] {strides = array<i32>} : memref<50x128xf32, #tpu.memory_space<vmem>>, vector<16xf32>,
      %add3A_403 = arith.addf %get3A_399, %get3A_402 : vector<16xf32>
      %swap3A_404 = arith.index_cast %add3A_337 : i32 to index
      %swap3A_405 = arith.constant 96 : index
      %swap3A_406 = tpu.vector_load %arg10[%swap3A_404, %swap3A_405] {strides = array<i32>} : memref<200x128xf32, #tpu.memory_space<vmem>>, vector<16xf32>,
      tpu.vector_store %arg10[%swap3A_404, %swap3A_405], %add3A_403 {strides = array<i32>} : memref<200x128xf32, #tpu.memory_space<vmem>>, vector<16xf32>,
      %get3A_407 = arith.index_cast %add3A_337 : i32 to index
      %get3A_408 = arith.constant 112 : index
      %get3A_409 = tpu.vector_load %arg10[%get3A_407, %get3A_408] {strides = array<i32>} : memref<200x128xf32, #tpu.memory_space<vmem>>, vector<16xf32>,
      %get3A_410 = arith.index_cast %scan3A_335 : i32 to index
      %get3A_411 = arith.constant 112 : index
      %get3A_412 = tpu.vector_load %arg11[%get3A_410, %get3A_411] {strides = array<i32>} : memref<50x128xf32, #tpu.memory_space<vmem>>, vector<16xf32>,
      %add3A_413 = arith.addf %get3A_409, %get3A_412 : vector<16xf32>
      %swap3A_414 = arith.index_cast %add3A_337 : i32 to index
      %swap3A_415 = arith.constant 112 : index
      %swap3A_416 = tpu.vector_load %arg10[%swap3A_414, %swap3A_415] {strides = array<i32>} : memref<200x128xf32, #tpu.memory_space<vmem>>, vector<16xf32>,
      tpu.vector_store %arg10[%swap3A_414, %swap3A_415], %add3A_413 {strides = array<i32>} : memref<200x128xf32, #tpu.memory_space<vmem>>, vector<16xf32>,
    }
    %scan3A_57 = arith.constant 50 : i32
    %dma_start3A_58 = arith.constant 50 : i32
    %dma_start3A_59 = arith.constant 0 : i32
    %dma_start3A_60 = tpu.memref_slice %arg4[%dma_start3A_58, %add3A, %dma_start3A_59] : memref<200x32x128xf32, #tpu.memory_space<hbm>> -> memref<50x1x128xf32, #tpu.memory_space<hbm>>
    %dma_start3A_61 = tpu.memref_squeeze %dma_start3A_60 : memref<50x1x128xf32, #tpu.memory_space<hbm>> -> memref<50x128xf32, #tpu.memory_space<hbm>>
    %dma_start3A_62 = arith.constant 50 : i32
    %dma_start3A_63 = arith.constant 0 : i32
    %dma_start3A_64 = tpu.memref_slice %arg4[%dma_start3A_62, %add3A, %dma_start3A_63] : memref<200x32x128xf32, #tpu.memory_space<hbm>> -> memref<50x1x128xf32, #tpu.memory_space<hbm>>
    %dma_start3A_65 = tpu.memref_squeeze %dma_start3A_64 : memref<50x1x128xf32, #tpu.memory_space<hbm>> -> memref<50x128xf32, #tpu.memory_space<hbm>>
    tpu.enqueue_dma source(%dma_start3A_65 : memref<50x128xf32, #tpu.memory_space<hbm>>) target(%arg11 : memref<50x128xf32, #tpu.memory_space<vmem>>) target_semaphore(%arg20 : memref<!tpu.dma_semaphore, #tpu.memory_space<semaphore_mem>>)
    %dma_wait3A_66 = arith.constant 50 : i32
    %dma_wait3A_67 = arith.constant 0 : i32
    %dma_wait3A_68 = tpu.memref_slice %arg4[%dma_wait3A_66, %add3A, %dma_wait3A_67] : memref<200x32x128xf32, #tpu.memory_space<hbm>> -> memref<50x1x128xf32, #tpu.memory_space<hbm>>
    %dma_wait3A_69 = tpu.memref_squeeze %dma_wait3A_68 : memref<50x1x128xf32, #tpu.memory_space<hbm>> -> memref<50x128xf32, #tpu.memory_space<hbm>>
    %dma_wait3A_70 = arith.constant 50 : i32
    %dma_wait3A_71 = arith.constant 0 : i32
    %dma_wait3A_72 = tpu.memref_slice %arg4[%dma_wait3A_70, %add3A, %dma_wait3A_71] : memref<200x32x128xf32, #tpu.memory_space<hbm>> -> memref<50x1x128xf32, #tpu.memory_space<hbm>>
    %dma_wait3A_73 = tpu.memref_squeeze %dma_wait3A_72 : memref<50x1x128xf32, #tpu.memory_space<hbm>> -> memref<50x128xf32, #tpu.memory_space<hbm>>
    tpu.wait_dma2 semaphore(%arg20 : memref<!tpu.dma_semaphore, #tpu.memory_space<semaphore_mem>>) src(%dma_wait3A_73 : memref<50x128xf32, #tpu.memory_space<hbm>>) dst(%arg11 : memref<50x128xf32, #tpu.memory_space<vmem>>)
    %scan3A_74 = arith.constant 0 : i32
    %scan3A_75 = arith.constant 0 : i32
    %scan3A_76 = arith.constant 50 : i32
    %scan3A_77 = arith.addi %scan3A_75, %scan3A_76 : i32
    %scan3A_78 = arith.constant 1 : i32
    scf.for %scan3A_335 = %scan3A_75 to %scan3A_77 step %scan3A_78  : i32 {
      %add3A_336 = arith.constant 50 : i32
      %add3A_337 = arith.addi %add3A_336, %scan3A_335 : i32
      %get3A_338 = arith.index_cast %add3A_337 : i32 to index
      %get3A_339 = arith.constant 0 : index
      %get3A_340 = tpu.vector_load %arg10[%get3A_338, %get3A_339] {strides = array<i32>} : memref<200x128xf32, #tpu.memory_space<vmem>>, vector<16xf32>,
      %get3A_341 = arith.index_cast %scan3A_335 : i32 to index
      %get3A_342 = arith.constant 0 : index
      %get3A_343 = tpu.vector_load %arg11[%get3A_341, %get3A_342] {strides = array<i32>} : memref<50x128xf32, #tpu.memory_space<vmem>>, vector<16xf32>,
      %add3A_344 = arith.addf %get3A_340, %get3A_343 : vector<16xf32>
      %swap3A = arith.index_cast %add3A_337 : i32 to index
      %swap3A_345 = arith.constant 0 : index
      %swap3A_346 = tpu.vector_load %arg10[%swap3A, %swap3A_345] {strides = array<i32>} : memref<200x128xf32, #tpu.memory_space<vmem>>, vector<16xf32>,
      tpu.vector_store %arg10[%swap3A, %swap3A_345], %add3A_344 {strides = array<i32>} : memref<200x128xf32, #tpu.memory_space<vmem>>, vector<16xf32>,
      %get3A_347 = arith.index_cast %add3A_337 : i32 to index
      %get3A_348 = arith.constant 16 : index
      %get3A_349 = tpu.vector_load %arg10[%get3A_347, %get3A_348] {strides = array<i32>} : memref<200x128xf32, #tpu.memory_space<vmem>>, vector<16xf32>,
      %get3A_350 = arith.index_cast %scan3A_335 : i32 to index
      %get3A_351 = arith.constant 16 : index
      %get3A_352 = tpu.vector_load %arg11[%get3A_350, %get3A_351] {strides = array<i32>} : memref<50x128xf32, #tpu.memory_space<vmem>>, vector<16xf32>,
      %add3A_353 = arith.addf %get3A_349, %get3A_352 : vector<16xf32>
      %swap3A_354 = arith.index_cast %add3A_337 : i32 to index
      %swap3A_355 = arith.constant 16 : index
      %swap3A_356 = tpu.vector_load %arg10[%swap3A_354, %swap3A_355] {strides = array<i32>} : memref<200x128xf32, #tpu.memory_space<vmem>>, vector<16xf32>,
      tpu.vector_store %arg10[%swap3A_354, %swap3A_355], %add3A_353 {strides = array<i32>} : memref<200x128xf32, #tpu.memory_space<vmem>>, vector<16xf32>,
      %get3A_357 = arith.index_cast %add3A_337 : i32 to index
      %get3A_358 = arith.constant 32 : index
      %get3A_359 = tpu.vector_load %arg10[%get3A_357, %get3A_358] {strides = array<i32>} : memref<200x128xf32, #tpu.memory_space<vmem>>, vector<16xf32>,
      %get3A_360 = arith.index_cast %scan3A_335 : i32 to index
      %get3A_361 = arith.constant 32 : index
      %get3A_362 = tpu.vector_load %arg11[%get3A_360, %get3A_361] {strides = array<i32>} : memref<50x128xf32, #tpu.memory_space<vmem>>, vector<16xf32>,
      %add3A_363 = arith.addf %get3A_359, %get3A_362 : vector<16xf32>
      %swap3A_364 = arith.index_cast %add3A_337 : i32 to index
      %swap3A_365 = arith.constant 32 : index
      %swap3A_366 = tpu.vector_load %arg10[%swap3A_364, %swap3A_365] {strides = array<i32>} : memref<200x128xf32, #tpu.memory_space<vmem>>, vector<16xf32>,
      tpu.vector_store %arg10[%swap3A_364, %swap3A_365], %add3A_363 {strides = array<i32>} : memref<200x128xf32, #tpu.memory_space<vmem>>, vector<16xf32>,
      %get3A_367 = arith.index_cast %add3A_337 : i32 to index
      %get3A_368 = arith.constant 48 : index
      %get3A_369 = tpu.vector_load %arg10[%get3A_367, %get3A_368] {strides = array<i32>} : memref<200x128xf32, #tpu.memory_space<vmem>>, vector<16xf32>,
      %get3A_370 = arith.index_cast %scan3A_335 : i32 to index
      %get3A_371 = arith.constant 48 : index
      %get3A_372 = tpu.vector_load %arg11[%get3A_370, %get3A_371] {strides = array<i32>} : memref<50x128xf32, #tpu.memory_space<vmem>>, vector<16xf32>,
      %add3A_373 = arith.addf %get3A_369, %get3A_372 : vector<16xf32>
      %swap3A_374 = arith.index_cast %add3A_337 : i32 to index
      %swap3A_375 = arith.constant 48 : index
      %swap3A_376 = tpu.vector_load %arg10[%swap3A_374, %swap3A_375] {strides = array<i32>} : memref<200x128xf32, #tpu.memory_space<vmem>>, vector<16xf32>,
      tpu.vector_store %arg10[%swap3A_374, %swap3A_375], %add3A_373 {strides = array<i32>} : memref<200x128xf32, #tpu.memory_space<vmem>>, vector<16xf32>,
      %get3A_377 = arith.index_cast %add3A_337 : i32 to index
      %get3A_378 = arith.constant 64 : index
      %get3A_379 = tpu.vector_load %arg10[%get3A_377, %get3A_378] {strides = array<i32>} : memref<200x128xf32, #tpu.memory_space<vmem>>, vector<16xf32>,
      %get3A_380 = arith.index_cast %scan3A_335 : i32 to index
      %get3A_381 = arith.constant 64 : index
      %get3A_382 = tpu.vector_load %arg11[%get3A_380, %get3A_381] {strides = array<i32>} : memref<50x128xf32, #tpu.memory_space<vmem>>, vector<16xf32>,
      %add3A_383 = arith.addf %get3A_379, %get3A_382 : vector<16xf32>
      %swap3A_384 = arith.index_cast %add3A_337 : i32 to index
      %swap3A_385 = arith.constant 64 : index
      %swap3A_386 = tpu.vector_load %arg10[%swap3A_384, %swap3A_385] {strides = array<i32>} : memref<200x128xf32, #tpu.memory_space<vmem>>, vector<16xf32>,
      tpu.vector_store %arg10[%swap3A_384, %swap3A_385], %add3A_383 {strides = array<i32>} : memref<200x128xf32, #tpu.memory_space<vmem>>, vector<16xf32>,
      %get3A_387 = arith.index_cast %add3A_337 : i32 to index
      %get3A_388 = arith.constant 80 : index
      %get3A_389 = tpu.vector_load %arg10[%get3A_387, %get3A_388] {strides = array<i32>} : memref<200x128xf32, #tpu.memory_space<vmem>>, vector<16xf32>,
      %get3A_390 = arith.index_cast %scan3A_335 : i32 to index
      %get3A_391 = arith.constant 80 : index
      %get3A_392 = tpu.vector_load %arg11[%get3A_390, %get3A_391] {strides = array<i32>} : memref<50x128xf32, #tpu.memory_space<vmem>>, vector<16xf32>,
      %add3A_393 = arith.addf %get3A_389, %get3A_392 : vector<16xf32>
      %swap3A_394 = arith.index_cast %add3A_337 : i32 to index
      %swap3A_395 = arith.constant 80 : index
      %swap3A_396 = tpu.vector_load %arg10[%swap3A_394, %swap3A_395] {strides = array<i32>} : memref<200x128xf32, #tpu.memory_space<vmem>>, vector<16xf32>,
      tpu.vector_store %arg10[%swap3A_394, %swap3A_395], %add3A_393 {strides = array<i32>} : memref<200x128xf32, #tpu.memory_space<vmem>>, vector<16xf32>,
      %get3A_397 = arith.index_cast %add3A_337 : i32 to index
      %get3A_398 = arith.constant 96 : index
      %get3A_399 = tpu.vector_load %arg10[%get3A_397, %get3A_398] {strides = array<i32>} : memref<200x128xf32, #tpu.memory_space<vmem>>, vector<16xf32>,
      %get3A_400 = arith.index_cast %scan3A_335 : i32 to index
      %get3A_401 = arith.constant 96 : index
      %get3A_402 = tpu.vector_load %arg11[%get3A_400, %get3A_401] {strides = array<i32>} : memref<50x128xf32, #tpu.memory_space<vmem>>, vector<16xf32>,
      %add3A_403 = arith.addf %get3A_399, %get3A_402 : vector<16xf32>
      %swap3A_404 = arith.index_cast %add3A_337 : i32 to index
      %swap3A_405 = arith.constant 96 : index
      %swap3A_406 = tpu.vector_load %arg10[%swap3A_404, %swap3A_405] {strides = array<i32>} : memref<200x128xf32, #tpu.memory_space<vmem>>, vector<16xf32>,
      tpu.vector_store %arg10[%swap3A_404, %swap3A_405], %add3A_403 {strides = array<i32>} : memref<200x128xf32, #tpu.memory_space<vmem>>, vector<16xf32>,
      %get3A_407 = arith.index_cast %add3A_337 : i32 to index
      %get3A_408 = arith.constant 112 : index
      %get3A_409 = tpu.vector_load %arg10[%get3A_407, %get3A_408] {strides = array<i32>} : memref<200x128xf32, #tpu.memory_space<vmem>>, vector<16xf32>,
      %get3A_410 = arith.index_cast %scan3A_335 : i32 to index
      %get3A_411 = arith.constant 112 : index
      %get3A_412 = tpu.vector_load %arg11[%get3A_410, %get3A_411] {strides = array<i32>} : memref<50x128xf32, #tpu.memory_space<vmem>>, vector<16xf32>,
      %add3A_413 = arith.addf %get3A_409, %get3A_412 : vector<16xf32>
      %swap3A_414 = arith.index_cast %add3A_337 : i32 to index
      %swap3A_415 = arith.constant 112 : index
      %swap3A_416 = tpu.vector_load %arg10[%swap3A_414, %swap3A_415] {strides = array<i32>} : memref<200x128xf32, #tpu.memory_space<vmem>>, vector<16xf32>,
      tpu.vector_store %arg10[%swap3A_414, %swap3A_415], %add3A_413 {strides = array<i32>} : memref<200x128xf32, #tpu.memory_space<vmem>>, vector<16xf32>,
    }
    %scan3A_79 = arith.constant 50 : i32
    %dma_start3A_80 = arith.constant 100 : i32
    %dma_start3A_81 = arith.constant 0 : i32
    %dma_start3A_82 = tpu.memref_slice %arg4[%dma_start3A_80, %add3A, %dma_start3A_81] : memref<200x32x128xf32, #tpu.memory_space<hbm>> -> memref<50x1x128xf32, #tpu.memory_space<hbm>>
    %dma_start3A_83 = tpu.memref_squeeze %dma_start3A_82 : memref<50x1x128xf32, #tpu.memory_space<hbm>> -> memref<50x128xf32, #tpu.memory_space<hbm>>
    %dma_start3A_84 = arith.constant 100 : i32
    %dma_start3A_85 = arith.constant 0 : i32
    %dma_start3A_86 = tpu.memref_slice %arg4[%dma_start3A_84, %add3A, %dma_start3A_85] : memref<200x32x128xf32, #tpu.memory_space<hbm>> -> memref<50x1x128xf32, #tpu.memory_space<hbm>>
    %dma_start3A_87 = tpu.memref_squeeze %dma_start3A_86 : memref<50x1x128xf32, #tpu.memory_space<hbm>> -> memref<50x128xf32, #tpu.memory_space<hbm>>
    tpu.enqueue_dma source(%dma_start3A_87 : memref<50x128xf32, #tpu.memory_space<hbm>>) target(%arg11 : memref<50x128xf32, #tpu.memory_space<vmem>>) target_semaphore(%arg20 : memref<!tpu.dma_semaphore, #tpu.memory_space<semaphore_mem>>)
    %dma_wait3A_88 = arith.constant 100 : i32
    %dma_wait3A_89 = arith.constant 0 : i32
    %dma_wait3A_90 = tpu.memref_slice %arg4[%dma_wait3A_88, %add3A, %dma_wait3A_89] : memref<200x32x128xf32, #tpu.memory_space<hbm>> -> memref<50x1x128xf32, #tpu.memory_space<hbm>>
    %dma_wait3A_91 = tpu.memref_squeeze %dma_wait3A_90 : memref<50x1x128xf32, #tpu.memory_space<hbm>> -> memref<50x128xf32, #tpu.memory_space<hbm>>
    %dma_wait3A_92 = arith.constant 100 : i32
    %dma_wait3A_93 = arith.constant 0 : i32
    %dma_wait3A_94 = tpu.memref_slice %arg4[%dma_wait3A_92, %add3A, %dma_wait3A_93] : memref<200x32x128xf32, #tpu.memory_space<hbm>> -> memref<50x1x128xf32, #tpu.memory_space<hbm>>
    %dma_wait3A_95 = tpu.memref_squeeze %dma_wait3A_94 : memref<50x1x128xf32, #tpu.memory_space<hbm>> -> memref<50x128xf32, #tpu.memory_space<hbm>>
    tpu.wait_dma2 semaphore(%arg20 : memref<!tpu.dma_semaphore, #tpu.memory_space<semaphore_mem>>) src(%dma_wait3A_95 : memref<50x128xf32, #tpu.memory_space<hbm>>) dst(%arg11 : memref<50x128xf32, #tpu.memory_space<vmem>>)
    %scan3A_96 = arith.constant 0 : i32
    %scan3A_97 = arith.constant 0 : i32
    %scan3A_98 = arith.constant 50 : i32
    %scan3A_99 = arith.addi %scan3A_97, %scan3A_98 : i32
    %scan3A_100 = arith.constant 1 : i32
    scf.for %scan3A_335 = %scan3A_97 to %scan3A_99 step %scan3A_100  : i32 {
      %add3A_336 = arith.constant 100 : i32
      %add3A_337 = arith.addi %add3A_336, %scan3A_335 : i32
      %get3A_338 = arith.index_cast %add3A_337 : i32 to index
      %get3A_339 = arith.constant 0 : index
      %get3A_340 = tpu.vector_load %arg10[%get3A_338, %get3A_339] {strides = array<i32>} : memref<200x128xf32, #tpu.memory_space<vmem>>, vector<16xf32>,
      %get3A_341 = arith.index_cast %scan3A_335 : i32 to index
      %get3A_342 = arith.constant 0 : index
      %get3A_343 = tpu.vector_load %arg11[%get3A_341, %get3A_342] {strides = array<i32>} : memref<50x128xf32, #tpu.memory_space<vmem>>, vector<16xf32>,
      %add3A_344 = arith.addf %get3A_340, %get3A_343 : vector<16xf32>
      %swap3A = arith.index_cast %add3A_337 : i32 to index
      %swap3A_345 = arith.constant 0 : index
      %swap3A_346 = tpu.vector_load %arg10[%swap3A, %swap3A_345] {strides = array<i32>} : memref<200x128xf32, #tpu.memory_space<vmem>>, vector<16xf32>,
      tpu.vector_store %arg10[%swap3A, %swap3A_345], %add3A_344 {strides = array<i32>} : memref<200x128xf32, #tpu.memory_space<vmem>>, vector<16xf32>,
      %get3A_347 = arith.index_cast %add3A_337 : i32 to index
      %get3A_348 = arith.constant 16 : index
      %get3A_349 = tpu.vector_load %arg10[%get3A_347, %get3A_348] {strides = array<i32>} : memref<200x128xf32, #tpu.memory_space<vmem>>, vector<16xf32>,
      %get3A_350 = arith.index_cast %scan3A_335 : i32 to index
      %get3A_351 = arith.constant 16 : index
      %get3A_352 = tpu.vector_load %arg11[%get3A_350, %get3A_351] {strides = array<i32>} : memref<50x128xf32, #tpu.memory_space<vmem>>, vector<16xf32>,
      %add3A_353 = arith.addf %get3A_349, %get3A_352 : vector<16xf32>
      %swap3A_354 = arith.index_cast %add3A_337 : i32 to index
      %swap3A_355 = arith.constant 16 : index
      %swap3A_356 = tpu.vector_load %arg10[%swap3A_354, %swap3A_355] {strides = array<i32>} : memref<200x128xf32, #tpu.memory_space<vmem>>, vector<16xf32>,
      tpu.vector_store %arg10[%swap3A_354, %swap3A_355], %add3A_353 {strides = array<i32>} : memref<200x128xf32, #tpu.memory_space<vmem>>, vector<16xf32>,
      %get3A_357 = arith.index_cast %add3A_337 : i32 to index
      %get3A_358 = arith.constant 32 : index
      %get3A_359 = tpu.vector_load %arg10[%get3A_357, %get3A_358] {strides = array<i32>} : memref<200x128xf32, #tpu.memory_space<vmem>>, vector<16xf32>,
      %get3A_360 = arith.index_cast %scan3A_335 : i32 to index
      %get3A_361 = arith.constant 32 : index
      %get3A_362 = tpu.vector_load %arg11[%get3A_360, %get3A_361] {strides = array<i32>} : memref<50x128xf32, #tpu.memory_space<vmem>>, vector<16xf32>,
      %add3A_363 = arith.addf %get3A_359, %get3A_362 : vector<16xf32>
      %swap3A_364 = arith.index_cast %add3A_337 : i32 to index
      %swap3A_365 = arith.constant 32 : index
      %swap3A_366 = tpu.vector_load %arg10[%swap3A_364, %swap3A_365] {strides = array<i32>} : memref<200x128xf32, #tpu.memory_space<vmem>>, vector<16xf32>,
      tpu.vector_store %arg10[%swap3A_364, %swap3A_365], %add3A_363 {strides = array<i32>} : memref<200x128xf32, #tpu.memory_space<vmem>>, vector<16xf32>,
      %get3A_367 = arith.index_cast %add3A_337 : i32 to index
      %get3A_368 = arith.constant 48 : index
      %get3A_369 = tpu.vector_load %arg10[%get3A_367, %get3A_368] {strides = array<i32>} : memref<200x128xf32, #tpu.memory_space<vmem>>, vector<16xf32>,
      %get3A_370 = arith.index_cast %scan3A_335 : i32 to index
      %get3A_371 = arith.constant 48 : index
      %get3A_372 = tpu.vector_load %arg11[%get3A_370, %get3A_371] {strides = array<i32>} : memref<50x128xf32, #tpu.memory_space<vmem>>, vector<16xf32>,
      %add3A_373 = arith.addf %get3A_369, %get3A_372 : vector<16xf32>
      %swap3A_374 = arith.index_cast %add3A_337 : i32 to index
      %swap3A_375 = arith.constant 48 : index
      %swap3A_376 = tpu.vector_load %arg10[%swap3A_374, %swap3A_375] {strides = array<i32>} : memref<200x128xf32, #tpu.memory_space<vmem>>, vector<16xf32>,
      tpu.vector_store %arg10[%swap3A_374, %swap3A_375], %add3A_373 {strides = array<i32>} : memref<200x128xf32, #tpu.memory_space<vmem>>, vector<16xf32>,
      %get3A_377 = arith.index_cast %add3A_337 : i32 to index
      %get3A_378 = arith.constant 64 : index
      %get3A_379 = tpu.vector_load %arg10[%get3A_377, %get3A_378] {strides = array<i32>} : memref<200x128xf32, #tpu.memory_space<vmem>>, vector<16xf32>,
      %get3A_380 = arith.index_cast %scan3A_335 : i32 to index
      %get3A_381 = arith.constant 64 : index
      %get3A_382 = tpu.vector_load %arg11[%get3A_380, %get3A_381] {strides = array<i32>} : memref<50x128xf32, #tpu.memory_space<vmem>>, vector<16xf32>,
      %add3A_383 = arith.addf %get3A_379, %get3A_382 : vector<16xf32>
      %swap3A_384 = arith.index_cast %add3A_337 : i32 to index
      %swap3A_385 = arith.constant 64 : index
      %swap3A_386 = tpu.vector_load %arg10[%swap3A_384, %swap3A_385] {strides = array<i32>} : memref<200x128xf32, #tpu.memory_space<vmem>>, vector<16xf32>,
      tpu.vector_store %arg10[%swap3A_384, %swap3A_385], %add3A_383 {strides = array<i32>} : memref<200x128xf32, #tpu.memory_space<vmem>>, vector<16xf32>,
      %get3A_387 = arith.index_cast %add3A_337 : i32 to index
      %get3A_388 = arith.constant 80 : index
      %get3A_389 = tpu.vector_load %arg10[%get3A_387, %get3A_388] {strides = array<i32>} : memref<200x128xf32, #tpu.memory_space<vmem>>, vector<16xf32>,
      %get3A_390 = arith.index_cast %scan3A_335 : i32 to index
      %get3A_391 = arith.constant 80 : index
      %get3A_392 = tpu.vector_load %arg11[%get3A_390, %get3A_391] {strides = array<i32>} : memref<50x128xf32, #tpu.memory_space<vmem>>, vector<16xf32>,
      %add3A_393 = arith.addf %get3A_389, %get3A_392 : vector<16xf32>
      %swap3A_394 = arith.index_cast %add3A_337 : i32 to index
      %swap3A_395 = arith.constant 80 : index
      %swap3A_396 = tpu.vector_load %arg10[%swap3A_394, %swap3A_395] {strides = array<i32>} : memref<200x128xf32, #tpu.memory_space<vmem>>, vector<16xf32>,
      tpu.vector_store %arg10[%swap3A_394, %swap3A_395], %add3A_393 {strides = array<i32>} : memref<200x128xf32, #tpu.memory_space<vmem>>, vector<16xf32>,
      %get3A_397 = arith.index_cast %add3A_337 : i32 to index
      %get3A_398 = arith.constant 96 : index
      %get3A_399 = tpu.vector_load %arg10[%get3A_397, %get3A_398] {strides = array<i32>} : memref<200x128xf32, #tpu.memory_space<vmem>>, vector<16xf32>,
      %get3A_400 = arith.index_cast %scan3A_335 : i32 to index
      %get3A_401 = arith.constant 96 : index
      %get3A_402 = tpu.vector_load %arg11[%get3A_400, %get3A_401] {strides = array<i32>} : memref<50x128xf32, #tpu.memory_space<vmem>>, vector<16xf32>,
      %add3A_403 = arith.addf %get3A_399, %get3A_402 : vector<16xf32>
      %swap3A_404 = arith.index_cast %add3A_337 : i32 to index
      %swap3A_405 = arith.constant 96 : index
      %swap3A_406 = tpu.vector_load %arg10[%swap3A_404, %swap3A_405] {strides = array<i32>} : memref<200x128xf32, #tpu.memory_space<vmem>>, vector<16xf32>,
      tpu.vector_store %arg10[%swap3A_404, %swap3A_405], %add3A_403 {strides = array<i32>} : memref<200x128xf32, #tpu.memory_space<vmem>>, vector<16xf32>,
      %get3A_407 = arith.index_cast %add3A_337 : i32 to index
      %get3A_408 = arith.constant 112 : index
      %get3A_409 = tpu.vector_load %arg10[%get3A_407, %get3A_408] {strides = array<i32>} : memref<200x128xf32, #tpu.memory_space<vmem>>, vector<16xf32>,
      %get3A_410 = arith.index_cast %scan3A_335 : i32 to index
      %get3A_411 = arith.constant 112 : index
      %get3A_412 = tpu.vector_load %arg11[%get3A_410, %get3A_411] {strides = array<i32>} : memref<50x128xf32, #tpu.memory_space<vmem>>, vector<16xf32>,
      %add3A_413 = arith.addf %get3A_409, %get3A_412 : vector<16xf32>
      %swap3A_414 = arith.index_cast %add3A_337 : i32 to index
      %swap3A_415 = arith.constant 112 : index
      %swap3A_416 = tpu.vector_load %arg10[%swap3A_414, %swap3A_415] {strides = array<i32>} : memref<200x128xf32, #tpu.memory_space<vmem>>, vector<16xf32>,
      tpu.vector_store %arg10[%swap3A_414, %swap3A_415], %add3A_413 {strides = array<i32>} : memref<200x128xf32, #tpu.memory_space<vmem>>, vector<16xf32>,
    }
    %scan3A_101 = arith.constant 50 : i32
    %dma_start3A_102 = arith.constant 150 : i32
    %dma_start3A_103 = arith.constant 0 : i32
    %dma_start3A_104 = tpu.memref_slice %arg4[%dma_start3A_102, %add3A, %dma_start3A_103] : memref<200x32x128xf32, #tpu.memory_space<hbm>> -> memref<50x1x128xf32, #tpu.memory_space<hbm>>
    %dma_start3A_105 = tpu.memref_squeeze %dma_start3A_104 : memref<50x1x128xf32, #tpu.memory_space<hbm>> -> memref<50x128xf32, #tpu.memory_space<hbm>>
    %dma_start3A_106 = arith.constant 150 : i32
    %dma_start3A_107 = arith.constant 0 : i32
    %dma_start3A_108 = tpu.memref_slice %arg4[%dma_start3A_106, %add3A, %dma_start3A_107] : memref<200x32x128xf32, #tpu.memory_space<hbm>> -> memref<50x1x128xf32, #tpu.memory_space<hbm>>
    %dma_start3A_109 = tpu.memref_squeeze %dma_start3A_108 : memref<50x1x128xf32, #tpu.memory_space<hbm>> -> memref<50x128xf32, #tpu.memory_space<hbm>>
    tpu.enqueue_dma source(%dma_start3A_109 : memref<50x128xf32, #tpu.memory_space<hbm>>) target(%arg11 : memref<50x128xf32, #tpu.memory_space<vmem>>) target_semaphore(%arg20 : memref<!tpu.dma_semaphore, #tpu.memory_space<semaphore_mem>>)
    %dma_wait3A_110 = arith.constant 150 : i32
    %dma_wait3A_111 = arith.constant 0 : i32
    %dma_wait3A_112 = tpu.memref_slice %arg4[%dma_wait3A_110, %add3A, %dma_wait3A_111] : memref<200x32x128xf32, #tpu.memory_space<hbm>> -> memref<50x1x128xf32, #tpu.memory_space<hbm>>
    %dma_wait3A_113 = tpu.memref_squeeze %dma_wait3A_112 : memref<50x1x128xf32, #tpu.memory_space<hbm>> -> memref<50x128xf32, #tpu.memory_space<hbm>>
    %dma_wait3A_114 = arith.constant 150 : i32
    %dma_wait3A_115 = arith.constant 0 : i32
    %dma_wait3A_116 = tpu.memref_slice %arg4[%dma_wait3A_114, %add3A, %dma_wait3A_115] : memref<200x32x128xf32, #tpu.memory_space<hbm>> -> memref<50x1x128xf32, #tpu.memory_space<hbm>>
    %dma_wait3A_117 = tpu.memref_squeeze %dma_wait3A_116 : memref<50x1x128xf32, #tpu.memory_space<hbm>> -> memref<50x128xf32, #tpu.memory_space<hbm>>
    tpu.wait_dma2 semaphore(%arg20 : memref<!tpu.dma_semaphore, #tpu.memory_space<semaphore_mem>>) src(%dma_wait3A_117 : memref<50x128xf32, #tpu.memory_space<hbm>>) dst(%arg11 : memref<50x128xf32, #tpu.memory_space<vmem>>)
    %scan3A_118 = arith.constant 0 : i32
    %scan3A_119 = arith.constant 0 : i32
    %scan3A_120 = arith.constant 50 : i32
    %scan3A_121 = arith.addi %scan3A_119, %scan3A_120 : i32
    %scan3A_122 = arith.constant 1 : i32
    scf.for %scan3A_335 = %scan3A_119 to %scan3A_121 step %scan3A_122  : i32 {
      %add3A_336 = arith.constant 150 : i32
      %add3A_337 = arith.addi %add3A_336, %scan3A_335 : i32
      %get3A_338 = arith.index_cast %add3A_337 : i32 to index
      %get3A_339 = arith.constant 0 : index
      %get3A_340 = tpu.vector_load %arg10[%get3A_338, %get3A_339] {strides = array<i32>} : memref<200x128xf32, #tpu.memory_space<vmem>>, vector<16xf32>,
      %get3A_341 = arith.index_cast %scan3A_335 : i32 to index
      %get3A_342 = arith.constant 0 : index
      %get3A_343 = tpu.vector_load %arg11[%get3A_341, %get3A_342] {strides = array<i32>} : memref<50x128xf32, #tpu.memory_space<vmem>>, vector<16xf32>,
      %add3A_344 = arith.addf %get3A_340, %get3A_343 : vector<16xf32>
      %swap3A = arith.index_cast %add3A_337 : i32 to index
      %swap3A_345 = arith.constant 0 : index
      %swap3A_346 = tpu.vector_load %arg10[%swap3A, %swap3A_345] {strides = array<i32>} : memref<200x128xf32, #tpu.memory_space<vmem>>, vector<16xf32>,
      tpu.vector_store %arg10[%swap3A, %swap3A_345], %add3A_344 {strides = array<i32>} : memref<200x128xf32, #tpu.memory_space<vmem>>, vector<16xf32>,
      %get3A_347 = arith.index_cast %add3A_337 : i32 to index
      %get3A_348 = arith.constant 16 : index
      %get3A_349 = tpu.vector_load %arg10[%get3A_347, %get3A_348] {strides = array<i32>} : memref<200x128xf32, #tpu.memory_space<vmem>>, vector<16xf32>,
      %get3A_350 = arith.index_cast %scan3A_335 : i32 to index
      %get3A_351 = arith.constant 16 : index
      %get3A_352 = tpu.vector_load %arg11[%get3A_350, %get3A_351] {strides = array<i32>} : memref<50x128xf32, #tpu.memory_space<vmem>>, vector<16xf32>,
      %add3A_353 = arith.addf %get3A_349, %get3A_352 : vector<16xf32>
      %swap3A_354 = arith.index_cast %add3A_337 : i32 to index
      %swap3A_355 = arith.constant 16 : index
      %swap3A_356 = tpu.vector_load %arg10[%swap3A_354, %swap3A_355] {strides = array<i32>} : memref<200x128xf32, #tpu.memory_space<vmem>>, vector<16xf32>,
      tpu.vector_store %arg10[%swap3A_354, %swap3A_355], %add3A_353 {strides = array<i32>} : memref<200x128xf32, #tpu.memory_space<vmem>>, vector<16xf32>,
      %get3A_357 = arith.index_cast %add3A_337 : i32 to index
      %get3A_358 = arith.constant 32 : index
      %get3A_359 = tpu.vector_load %arg10[%get3A_357, %get3A_358] {strides = array<i32>} : memref<200x128xf32, #tpu.memory_space<vmem>>, vector<16xf32>,
      %get3A_360 = arith.index_cast %scan3A_335 : i32 to index
      %get3A_361 = arith.constant 32 : index
      %get3A_362 = tpu.vector_load %arg11[%get3A_360, %get3A_361] {strides = array<i32>} : memref<50x128xf32, #tpu.memory_space<vmem>>, vector<16xf32>,
      %add3A_363 = arith.addf %get3A_359, %get3A_362 : vector<16xf32>
      %swap3A_364 = arith.index_cast %add3A_337 : i32 to index
      %swap3A_365 = arith.constant 32 : index
      %swap3A_366 = tpu.vector_load %arg10[%swap3A_364, %swap3A_365] {strides = array<i32>} : memref<200x128xf32, #tpu.memory_space<vmem>>, vector<16xf32>,
      tpu.vector_store %arg10[%swap3A_364, %swap3A_365], %add3A_363 {strides = array<i32>} : memref<200x128xf32, #tpu.memory_space<vmem>>, vector<16xf32>,
      %get3A_367 = arith.index_cast %add3A_337 : i32 to index
      %get3A_368 = arith.constant 48 : index
      %get3A_369 = tpu.vector_load %arg10[%get3A_367, %get3A_368] {strides = array<i32>} : memref<200x128xf32, #tpu.memory_space<vmem>>, vector<16xf32>,
      %get3A_370 = arith.index_cast %scan3A_335 : i32 to index
      %get3A_371 = arith.constant 48 : index
      %get3A_372 = tpu.vector_load %arg11[%get3A_370, %get3A_371] {strides = array<i32>} : memref<50x128xf32, #tpu.memory_space<vmem>>, vector<16xf32>,
      %add3A_373 = arith.addf %get3A_369, %get3A_372 : vector<16xf32>
      %swap3A_374 = arith.index_cast %add3A_337 : i32 to index
      %swap3A_375 = arith.constant 48 : index
      %swap3A_376 = tpu.vector_load %arg10[%swap3A_374, %swap3A_375] {strides = array<i32>} : memref<200x128xf32, #tpu.memory_space<vmem>>, vector<16xf32>,
      tpu.vector_store %arg10[%swap3A_374, %swap3A_375], %add3A_373 {strides = array<i32>} : memref<200x128xf32, #tpu.memory_space<vmem>>, vector<16xf32>,
      %get3A_377 = arith.index_cast %add3A_337 : i32 to index
      %get3A_378 = arith.constant 64 : index
      %get3A_379 = tpu.vector_load %arg10[%get3A_377, %get3A_378] {strides = array<i32>} : memref<200x128xf32, #tpu.memory_space<vmem>>, vector<16xf32>,
      %get3A_380 = arith.index_cast %scan3A_335 : i32 to index
      %get3A_381 = arith.constant 64 : index
      %get3A_382 = tpu.vector_load %arg11[%get3A_380, %get3A_381] {strides = array<i32>} : memref<50x128xf32, #tpu.memory_space<vmem>>, vector<16xf32>,
      %add3A_383 = arith.addf %get3A_379, %get3A_382 : vector<16xf32>
      %swap3A_384 = arith.index_cast %add3A_337 : i32 to index
      %swap3A_385 = arith.constant 64 : index
      %swap3A_386 = tpu.vector_load %arg10[%swap3A_384, %swap3A_385] {strides = array<i32>} : memref<200x128xf32, #tpu.memory_space<vmem>>, vector<16xf32>,
      tpu.vector_store %arg10[%swap3A_384, %swap3A_385], %add3A_383 {strides = array<i32>} : memref<200x128xf32, #tpu.memory_space<vmem>>, vector<16xf32>,
      %get3A_387 = arith.index_cast %add3A_337 : i32 to index
      %get3A_388 = arith.constant 80 : index
      %get3A_389 = tpu.vector_load %arg10[%get3A_387, %get3A_388] {strides = array<i32>} : memref<200x128xf32, #tpu.memory_space<vmem>>, vector<16xf32>,
      %get3A_390 = arith.index_cast %scan3A_335 : i32 to index
      %get3A_391 = arith.constant 80 : index
      %get3A_392 = tpu.vector_load %arg11[%get3A_390, %get3A_391] {strides = array<i32>} : memref<50x128xf32, #tpu.memory_space<vmem>>, vector<16xf32>,
      %add3A_393 = arith.addf %get3A_389, %get3A_392 : vector<16xf32>
      %swap3A_394 = arith.index_cast %add3A_337 : i32 to index
      %swap3A_395 = arith.constant 80 : index
      %swap3A_396 = tpu.vector_load %arg10[%swap3A_394, %swap3A_395] {strides = array<i32>} : memref<200x128xf32, #tpu.memory_space<vmem>>, vector<16xf32>,
      tpu.vector_store %arg10[%swap3A_394, %swap3A_395], %add3A_393 {strides = array<i32>} : memref<200x128xf32, #tpu.memory_space<vmem>>, vector<16xf32>,
      %get3A_397 = arith.index_cast %add3A_337 : i32 to index
      %get3A_398 = arith.constant 96 : index
      %get3A_399 = tpu.vector_load %arg10[%get3A_397, %get3A_398] {strides = array<i32>} : memref<200x128xf32, #tpu.memory_space<vmem>>, vector<16xf32>,
      %get3A_400 = arith.index_cast %scan3A_335 : i32 to index
      %get3A_401 = arith.constant 96 : index
      %get3A_402 = tpu.vector_load %arg11[%get3A_400, %get3A_401] {strides = array<i32>} : memref<50x128xf32, #tpu.memory_space<vmem>>, vector<16xf32>,
      %add3A_403 = arith.addf %get3A_399, %get3A_402 : vector<16xf32>
      %swap3A_404 = arith.index_cast %add3A_337 : i32 to index
      %swap3A_405 = arith.constant 96 : index
      %swap3A_406 = tpu.vector_load %arg10[%swap3A_404, %swap3A_405] {strides = array<i32>} : memref<200x128xf32, #tpu.memory_space<vmem>>, vector<16xf32>,
      tpu.vector_store %arg10[%swap3A_404, %swap3A_405], %add3A_403 {strides = array<i32>} : memref<200x128xf32, #tpu.memory_space<vmem>>, vector<16xf32>,
      %get3A_407 = arith.index_cast %add3A_337 : i32 to index
      %get3A_408 = arith.constant 112 : index
      %get3A_409 = tpu.vector_load %arg10[%get3A_407, %get3A_408] {strides = array<i32>} : memref<200x128xf32, #tpu.memory_space<vmem>>, vector<16xf32>,
      %get3A_410 = arith.index_cast %scan3A_335 : i32 to index
      %get3A_411 = arith.constant 112 : index
      %get3A_412 = tpu.vector_load %arg11[%get3A_410, %get3A_411] {strides = array<i32>} : memref<50x128xf32, #tpu.memory_space<vmem>>, vector<16xf32>,
      %add3A_413 = arith.addf %get3A_409, %get3A_412 : vector<16xf32>
      %swap3A_414 = arith.index_cast %add3A_337 : i32 to index
      %swap3A_415 = arith.constant 112 : index
      %swap3A_416 = tpu.vector_load %arg10[%swap3A_414, %swap3A_415] {strides = array<i32>} : memref<200x128xf32, #tpu.memory_space<vmem>>, vector<16xf32>,
      tpu.vector_store %arg10[%swap3A_414, %swap3A_415], %add3A_413 {strides = array<i32>} : memref<200x128xf32, #tpu.memory_space<vmem>>, vector<16xf32>,
    }
    %scan3A_123 = arith.constant 50 : i32
    %iota3A = tpu.iota {dimensions = array<i32: 0>} : vector<16xi32>
    %scan3A_124 = arith.constant 0 : i32
    %scan3A_125 = arith.constant 0 : i32
    %scan3A_126 = arith.constant 512 : i32
    %scan3A_127 = arith.addi %scan3A_125, %scan3A_126 : i32
    %scan3A_128 = arith.constant 1 : i32
    scf.for %scan3A_335 = %scan3A_125 to %scan3A_127 step %scan3A_128  : i32 {
      %mul3A_336 = arith.constant 16 : i32
      %mul3A_337 = arith.muli %scan3A_335, %mul3A_336 : i32
      %add3A_338 = vector.broadcast %mul3A_337 : i32 to vector<16xi32>
      %add3A_339 = arith.addi %add3A_338, %iota3A : vector<16xi32>
      %rem3A = arith.constant 64 : i32
      %rem3A_340 = vector.broadcast %rem3A : i32 to vector<16xi32>
      %rem3A_341 = arith.remsi %add3A_339, %rem3A_340 : vector<16xi32>
      %div3A = arith.constant 64 : i32
      %div3A_342 = vector.broadcast %div3A : i32 to vector<16xi32>
      %div3A_343 = arith.divsi %add3A_339, %div3A_342 : vector<16xi32>
      %div3A_344 = arith.constant 8 : i32
      %div3A_345 = vector.broadcast %div3A_344 : i32 to vector<16xi32>
      %div3A_346 = arith.divsi %rem3A_341, %div3A_345 : vector<16xi32>
      %mul3A_347 = arith.constant 1024 : i32
      %mul3A_348 = vector.broadcast %mul3A_347 : i32 to vector<16xi32>
      %mul3A_349 = arith.muli %div3A_346, %mul3A_348 : vector<16xi32>
      %rem3A_350 = arith.constant 8 : i32
      %rem3A_351 = vector.broadcast %rem3A_350 : i32 to vector<16xi32>
      %rem3A_352 = arith.remsi %rem3A_341, %rem3A_351 : vector<16xi32>
      %mul3A_353 = arith.constant 128 : i32
      %mul3A_354 = vector.broadcast %mul3A_353 : i32 to vector<16xi32>
      %mul3A_355 = arith.muli %rem3A_352, %mul3A_354 : vector<16xi32>
      %add3A_356 = arith.addi %mul3A_349, %mul3A_355 : vector<16xi32>
      %add3A_357 = arith.addi %add3A_356, %div3A_343 : vector<16xi32>
      %div3A_358 = arith.constant 8 : i32
      %div3A_359 = arith.divsi %scan3A_335, %div3A_358 : i32
      %rem3A_360 = arith.constant 8 : i32
      %rem3A_361 = arith.remsi %scan3A_335, %rem3A_360 : i32
      %mul3A_362 = arith.constant 16 : i32
      %mul3A_363 = arith.muli %rem3A_361, %mul3A_362 : i32
      %swap3A = arith.index_cast %div3A_359 : i32 to index
      %swap3A_364 = arith.index_cast %mul3A_363 : i32 to index
      %swap3A_365 = tpu.vector_load %arg16[%swap3A, %swap3A_364] {strides = array<i32>} : memref<64x128xi32, #tpu.memory_space<vmem>>, vector<16xi32>,
      tpu.vector_store %arg16[%swap3A, %swap3A_364], %add3A_357 {strides = array<i32>} : memref<64x128xi32, #tpu.memory_space<vmem>>, vector<16xi32>,
    }
    %scan3A_129 = arith.constant 512 : i32
    %get3A = arith.constant 0 : index
    %get3A_130 = tpu.vector_load %arg17[%get3A] {strides = array<i32>} : memref<64xf32, #tpu.memory_space<vmem>>, vector<16xf32>,
    %get3A_131 = arith.constant 16 : index
    %get3A_132 = tpu.vector_load %arg17[%get3A_131] {strides = array<i32>} : memref<64xf32, #tpu.memory_space<vmem>>, vector<16xf32>,
    %get3A_133 = arith.constant 32 : index
    %get3A_134 = tpu.vector_load %arg17[%get3A_133] {strides = array<i32>} : memref<64xf32, #tpu.memory_space<vmem>>, vector<16xf32>,
    %get3A_135 = arith.constant 48 : index
    %get3A_136 = tpu.vector_load %arg17[%get3A_135] {strides = array<i32>} : memref<64xf32, #tpu.memory_space<vmem>>, vector<16xf32>,
    %get3A_137 = arith.constant 0 : index
    %get3A_138 = tpu.vector_load %arg18[%get3A_137] {strides = array<i32>} : memref<64xf32, #tpu.memory_space<vmem>>, vector<16xf32>,
    %get3A_139 = arith.constant 0 : index
    %get3A_140 = tpu.vector_load %arg18[%get3A_139] {strides = array<i32>} : memref<64xf32, #tpu.memory_space<vmem>>, vector<16xf32>,
    %add3A_141 = arith.addf %get3A_138, %get3A_140 : vector<16xf32>
    %get3A_142 = arith.constant 16 : index
    %get3A_143 = tpu.vector_load %arg18[%get3A_142] {strides = array<i32>} : memref<64xf32, #tpu.memory_space<vmem>>, vector<16xf32>,
    %get3A_144 = arith.constant 16 : index
    %get3A_145 = tpu.vector_load %arg18[%get3A_144] {strides = array<i32>} : memref<64xf32, #tpu.memory_space<vmem>>, vector<16xf32>,
    %add3A_146 = arith.addf %get3A_143, %get3A_145 : vector<16xf32>
    %get3A_147 = arith.constant 32 : index
    %get3A_148 = tpu.vector_load %arg18[%get3A_147] {strides = array<i32>} : memref<64xf32, #tpu.memory_space<vmem>>, vector<16xf32>,
    %get3A_149 = arith.constant 32 : index
    %get3A_150 = tpu.vector_load %arg18[%get3A_149] {strides = array<i32>} : memref<64xf32, #tpu.memory_space<vmem>>, vector<16xf32>,
    %add3A_151 = arith.addf %get3A_148, %get3A_150 : vector<16xf32>
    %get3A_152 = arith.constant 48 : index
    %get3A_153 = tpu.vector_load %arg18[%get3A_152] {strides = array<i32>} : memref<64xf32, #tpu.memory_space<vmem>>, vector<16xf32>,
    %get3A_154 = arith.constant 48 : index
    %get3A_155 = tpu.vector_load %arg18[%get3A_154] {strides = array<i32>} : memref<64xf32, #tpu.memory_space<vmem>>, vector<16xf32>,
    %add3A_156 = arith.addf %get3A_153, %get3A_155 : vector<16xf32>
    %dma_start3A_157 = arith.constant 0 : i32
    %dma_start3A_158 = arith.constant 0 : i32
    %dma_start3A_159 = arith.constant 0 : i32
    %dma_start3A_160 = tpu.memref_slice %arg9[%dma_start3A_157, %dma_start3A_158, %dma_start3A_159] : memref<25x8x128xi32, #tpu.memory_space<vmem>> -> memref<1x1x128xi32, #tpu.memory_space<vmem>>
    %dma_start3A_161 = tpu.memref_squeeze %dma_start3A_160 : memref<1x1x128xi32, #tpu.memory_space<vmem>> -> memref<128xi32, #tpu.memory_space<vmem>>
    %dma_start3A_162 = arith.constant 0 : i32
    %dma_start3A_163 = arith.constant 0 : i32
    %dma_start3A_164 = tpu.memref_slice %arg5[%dma_start3A_162, %dma_start3A_163] : memref<100000x64xf32, #tpu.memory_space<hbm>> -> memref<100000x64xf32, #tpu.memory_space<hbm>>
    tpu.enqueue_indirect_dma source(%dma_start3A_164 : memref<100000x64xf32, #tpu.memory_space<hbm>>) target(%arg12 : memref<128x64xf32, #tpu.memory_space<vmem>>) offsets(%dma_start3A_161 : memref<128xi32, #tpu.memory_space<vmem>>) semaphore(%arg21 : memref<!tpu.dma_semaphore, #tpu.memory_space<semaphore_mem>>)
    %scan3A_165 = arith.constant 0 : i32
    %scan3A_166 = arith.constant 0 : i32
    %scan3A_167 = arith.constant 100 : i32
    %scan3A_168 = arith.addi %scan3A_166, %scan3A_167 : i32
    %scan3A_169 = arith.constant 1 : i32
    scf.for %scan3A_335 = %scan3A_166 to %scan3A_168 step %scan3A_169  : i32 {
      %mul3A_336 = arith.constant 2 : i32
      %mul3A_337 = arith.muli %mul3A_336, %scan3A_335 : i32
      %add3A_338 = arith.constant 0 : i32
      %add3A_339 = arith.addi %mul3A_337, %add3A_338 : i32
      %jit3A = arith.constant 3 : i32
      %eq3A = arith.constant 0 : i32
      %eq3A_340 = arith.cmpi eq, %jit3A, %eq3A : i32
      %jit3A_341 = arith.constant 1 : i32
      %select_n3A = arith.select %eq3A_340, %jit3A_341, %jit3A : i32
      %rem3A = arith.remsi %add3A_339, %select_n3A : i32
      %ne3A = arith.constant 0 : i32
      %ne3A_342 = arith.cmpi ne, %rem3A, %ne3A : i32
      %lt3A = arith.constant 0 : i32
      %lt3A_343 = arith.cmpi slt, %rem3A, %lt3A : i32
      %lt3A_344 = arith.constant 0 : i32
      %lt3A_345 = arith.cmpi slt, %select_n3A, %lt3A_344 : i32
      %ne3A_346 = arith.xori %lt3A_343, %lt3A_345 : i1
      %and3A = arith.andi %ne3A_346, %ne3A_342 : i1
      %add3A_347 = arith.addi %rem3A, %select_n3A : i32
      %select_n3A_348 = arith.select %and3A, %add3A_347, %rem3A : i32
      %gt3A = arith.constant 1 : i32
      %gt3A_349 = arith.cmpi sgt, %scan3A_335, %gt3A : i32
      %convert_element_type3A = arith.extui %gt3A_349 : i1 to i32
      %cond3A = arith.constant 0 : i32
      %cond3A_350 = arith.cmpi ne, %convert_element_type3A, %cond3A : i32
      scf.if %cond3A_350 {
        %mul3A_552 = arith.constant 8192 : i32
        %mul3A_553 = arith.muli %select_n3A_348, %mul3A_552 : i32
        %add3A_554 = arith.addi %mul3A_2, %mul3A_553 : i32
        %mul3A_555 = arith.constant 1024 : i32
        %mul3A_556 = arith.muli %add3A, %mul3A_555 : i32
        %mul3A_557 = arith.constant 8 : i32
        %mul3A_558 = arith.muli %mul3A_556, %mul3A_557 : i32
        %dma_wait3A_559 = tpu.memref_slice %arg8[%mul3A_558] : memref<52428800xf32, #tpu.memory_space<hbm>> -> memref<8192xf32, #tpu.memory_space<hbm>>
        %dma_wait3A_560 = tpu.memref_slice %arg19[%add3A_554] : memref<393216xf32, #tpu.memory_space<vmem_shared>> -> memref<8192xf32, #tpu.memory_space<vmem_shared>>
        tpu.wait_dma2 semaphore(%arg26 : memref<!tpu.dma_semaphore, #tpu.memory_space<semaphore_mem>>) src(%dma_wait3A_560 : memref<8192xf32, #tpu.memory_space<vmem_shared>>) dst(%dma_wait3A_559 : memref<8192xf32, #tpu.memory_space<hbm>>)
      } else {
      }
      %gt3A_351 = arith.constant 0 : i32
      %gt3A_352 = arith.cmpi sgt, %scan3A_335, %gt3A_351 : i32
      %convert_element_type3A_353 = arith.extui %gt3A_352 : i1 to i32
      %cond3A_354 = arith.constant 0 : i32
      %cond3A_355 = arith.cmpi ne, %convert_element_type3A_353, %cond3A_354 : i32
      scf.if %cond3A_355 {
        %sub3A_552 = arith.constant 2 : i32
        %sub3A_553 = arith.subi %add3A_339, %sub3A_552 : i32
        %jit3A_554 = arith.constant 3 : i32
        %eq3A_555 = arith.constant 0 : i32
        %eq3A_556 = arith.cmpi eq, %jit3A_554, %eq3A_555 : i32
        %jit3A_557 = arith.constant 1 : i32
        %select_n3A_558 = arith.select %eq3A_556, %jit3A_557, %jit3A_554 : i32
        %rem3A_559 = arith.remsi %sub3A_553, %select_n3A_558 : i32
        %ne3A_560 = arith.constant 0 : i32
        %ne3A_561 = arith.cmpi ne, %rem3A_559, %ne3A_560 : i32
        %lt3A_562 = arith.constant 0 : i32
        %lt3A_563 = arith.cmpi slt, %rem3A_559, %lt3A_562 : i32
        %lt3A_564 = arith.constant 0 : i32
        %lt3A_565 = arith.cmpi slt, %select_n3A_558, %lt3A_564 : i32
        %ne3A_566 = arith.xori %lt3A_563, %lt3A_565 : i1
        %and3A_567 = arith.andi %ne3A_566, %ne3A_561 : i1
        %add3A_568 = arith.addi %rem3A_559, %select_n3A_558 : i32
        %select_n3A_569 = arith.select %and3A_567, %add3A_568, %rem3A_559 : i32
        %mul3A_570 = arith.constant 8192 : i32
        %mul3A_571 = arith.muli %select_n3A_569, %mul3A_570 : i32
        %add3A_572 = arith.addi %mul3A_2, %mul3A_571 : i32
        %dma_wait3A_573 = tpu.memref_slice %arg19[%add3A_572] : memref<393216xf32, #tpu.memory_space<vmem_shared>> -> memref<8192xf32, #tpu.memory_space<vmem_shared>>
        %dma_wait3A_574 = tpu.memref_slice %arg19[%add3A_572] : memref<393216xf32, #tpu.memory_space<vmem_shared>> -> memref<8192xf32, #tpu.memory_space<vmem_shared>>
        tpu.wait_dma2 semaphore(%arg23 : memref<!tpu.dma_semaphore, #tpu.memory_space<semaphore_mem>>) src(%arg14 : memref<8192xf32, #tpu.memory_space<vmem>>) dst(%dma_wait3A_574 : memref<8192xf32, #tpu.memory_space<vmem_shared>>)
        %sub3A_575 = arith.constant 2 : i32
        %sub3A_576 = arith.subi %add3A_339, %sub3A_575 : i32
        %sub3A_577 = arith.constant 2 : i32
        %sub3A_578 = arith.subi %add3A_339, %sub3A_577 : i32
        %jit3A_579 = arith.constant 3 : i32
        %eq3A_580 = arith.constant 0 : i32
        %eq3A_581 = arith.cmpi eq, %jit3A_579, %eq3A_580 : i32
        %jit3A_582 = arith.constant 1 : i32
        %select_n3A_583 = arith.select %eq3A_581, %jit3A_582, %jit3A_579 : i32
        %rem3A_584 = arith.remsi %sub3A_578, %select_n3A_583 : i32
        %ne3A_585 = arith.constant 0 : i32
        %ne3A_586 = arith.cmpi ne, %rem3A_584, %ne3A_585 : i32
        %lt3A_587 = arith.constant 0 : i32
        %lt3A_588 = arith.cmpi slt, %rem3A_584, %lt3A_587 : i32
        %lt3A_589 = arith.constant 0 : i32
        %lt3A_590 = arith.cmpi slt, %select_n3A_583, %lt3A_589 : i32
        %ne3A_591 = arith.xori %lt3A_588, %lt3A_590 : i1
        %and3A_592 = arith.andi %ne3A_591, %ne3A_586 : i1
        %add3A_593 = arith.addi %rem3A_584, %select_n3A_583 : i32
        %select_n3A_594 = arith.select %and3A_592, %add3A_593, %rem3A_584 : i32
        %mul3A_595 = arith.constant 8192 : i32
        %mul3A_596 = arith.muli %select_n3A_594, %mul3A_595 : i32
        %add3A_597 = arith.addi %mul3A_2, %mul3A_596 : i32
        %add3A_598 = arith.constant 0 : i32
        %add3A_599 = arith.addi %add3A_597, %add3A_598 : i32
        %mul3A_600 = arith.constant 262144 : i32
        %mul3A_601 = arith.muli %sub3A_576, %mul3A_600 : i32
        %add3A_602 = arith.constant 0 : i32
        %add3A_603 = arith.addi %mul3A_601, %add3A_602 : i32
        %mul3A_604 = arith.constant 1024 : i32
        %mul3A_605 = arith.muli %add3A, %mul3A_604 : i32
        %add3A_606 = arith.addi %add3A_603, %mul3A_605 : i32
        %dma_start3A_607 = tpu.memref_slice %arg8[%add3A_606] : memref<52428800xf32, #tpu.memory_space<hbm>> -> memref<1024xf32, #tpu.memory_space<hbm>>
        %dma_start3A_608 = tpu.memref_slice %arg19[%add3A_599] : memref<393216xf32, #tpu.memory_space<vmem_shared>> -> memref<1024xf32, #tpu.memory_space<vmem_shared>>
        tpu.enqueue_dma source(%dma_start3A_608 : memref<1024xf32, #tpu.memory_space<vmem_shared>>) target(%dma_start3A_607 : memref<1024xf32, #tpu.memory_space<hbm>>) target_semaphore(%arg25 : memref<!tpu.dma_semaphore, #tpu.memory_space<semaphore_mem>>)
        %add3A_609 = arith.constant 1024 : i32
        %add3A_610 = arith.addi %add3A_597, %add3A_609 : i32
        %mul3A_611 = arith.constant 262144 : i32
        %mul3A_612 = arith.muli %sub3A_576, %mul3A_611 : i32
        %add3A_613 = arith.constant 32768 : i32
        %add3A_614 = arith.addi %mul3A_612, %add3A_613 : i32
        %mul3A_615 = arith.constant 1024 : i32
        %mul3A_616 = arith.muli %add3A, %mul3A_615 : i32
        %add3A_617 = arith.addi %add3A_614, %mul3A_616 : i32
        %dma_start3A_618 = tpu.memref_slice %arg8[%add3A_617] : memref<52428800xf32, #tpu.memory_space<hbm>> -> memref<1024xf32, #tpu.memory_space<hbm>>
        %dma_start3A_619 = tpu.memref_slice %arg19[%add3A_610] : memref<393216xf32, #tpu.memory_space<vmem_shared>> -> memref<1024xf32, #tpu.memory_space<vmem_shared>>
        tpu.enqueue_dma source(%dma_start3A_619 : memref<1024xf32, #tpu.memory_space<vmem_shared>>) target(%dma_start3A_618 : memref<1024xf32, #tpu.memory_space<hbm>>) target_semaphore(%arg25 : memref<!tpu.dma_semaphore, #tpu.memory_space<semaphore_mem>>)
        %add3A_620 = arith.constant 2048 : i32
        %add3A_621 = arith.addi %add3A_597, %add3A_620 : i32
        %mul3A_622 = arith.constant 262144 : i32
        %mul3A_623 = arith.muli %sub3A_576, %mul3A_622 : i32
        %add3A_624 = arith.constant 65536 : i32
        %add3A_625 = arith.addi %mul3A_623, %add3A_624 : i32
        %mul3A_626 = arith.constant 1024 : i32
        %mul3A_627 = arith.muli %add3A, %mul3A_626 : i32
        %add3A_628 = arith.addi %add3A_625, %mul3A_627 : i32
        %dma_start3A_629 = tpu.memref_slice %arg8[%add3A_628] : memref<52428800xf32, #tpu.memory_space<hbm>> -> memref<1024xf32, #tpu.memory_space<hbm>>
        %dma_start3A_630 = tpu.memref_slice %arg19[%add3A_621] : memref<393216xf32, #tpu.memory_space<vmem_shared>> -> memref<1024xf32, #tpu.memory_space<vmem_shared>>
        tpu.enqueue_dma source(%dma_start3A_630 : memref<1024xf32, #tpu.memory_space<vmem_shared>>) target(%dma_start3A_629 : memref<1024xf32, #tpu.memory_space<hbm>>) target_semaphore(%arg25 : memref<!tpu.dma_semaphore, #tpu.memory_space<semaphore_mem>>)
        %add3A_631 = arith.constant 3072 : i32
        %add3A_632 = arith.addi %add3A_597, %add3A_631 : i32
        %mul3A_633 = arith.constant 262144 : i32
        %mul3A_634 = arith.muli %sub3A_576, %mul3A_633 : i32
        %add3A_635 = arith.constant 98304 : i32
        %add3A_636 = arith.addi %mul3A_634, %add3A_635 : i32
        %mul3A_637 = arith.constant 1024 : i32
        %mul3A_638 = arith.muli %add3A, %mul3A_637 : i32
        %add3A_639 = arith.addi %add3A_636, %mul3A_638 : i32
        %dma_start3A_640 = tpu.memref_slice %arg8[%add3A_639] : memref<52428800xf32, #tpu.memory_space<hbm>> -> memref<1024xf32, #tpu.memory_space<hbm>>
        %dma_start3A_641 = tpu.memref_slice %arg19[%add3A_632] : memref<393216xf32, #tpu.memory_space<vmem_shared>> -> memref<1024xf32, #tpu.memory_space<vmem_shared>>
        tpu.enqueue_dma source(%dma_start3A_641 : memref<1024xf32, #tpu.memory_space<vmem_shared>>) target(%dma_start3A_640 : memref<1024xf32, #tpu.memory_space<hbm>>) target_semaphore(%arg25 : memref<!tpu.dma_semaphore, #tpu.memory_space<semaphore_mem>>)
        %add3A_642 = arith.constant 4096 : i32
        %add3A_643 = arith.addi %add3A_597, %add3A_642 : i32
        %mul3A_644 = arith.constant 262144 : i32
        %mul3A_645 = arith.muli %sub3A_576, %mul3A_644 : i32
        %add3A_646 = arith.constant 131072 : i32
        %add3A_647 = arith.addi %mul3A_645, %add3A_646 : i32
        %mul3A_648 = arith.constant 1024 : i32
        %mul3A_649 = arith.muli %add3A, %mul3A_648 : i32
        %add3A_650 = arith.addi %add3A_647, %mul3A_649 : i32
        %dma_start3A_651 = tpu.memref_slice %arg8[%add3A_650] : memref<52428800xf32, #tpu.memory_space<hbm>> -> memref<1024xf32, #tpu.memory_space<hbm>>
        %dma_start3A_652 = tpu.memref_slice %arg19[%add3A_643] : memref<393216xf32, #tpu.memory_space<vmem_shared>> -> memref<1024xf32, #tpu.memory_space<vmem_shared>>
        tpu.enqueue_dma source(%dma_start3A_652 : memref<1024xf32, #tpu.memory_space<vmem_shared>>) target(%dma_start3A_651 : memref<1024xf32, #tpu.memory_space<hbm>>) target_semaphore(%arg25 : memref<!tpu.dma_semaphore, #tpu.memory_space<semaphore_mem>>)
        %add3A_653 = arith.constant 5120 : i32
        %add3A_654 = arith.addi %add3A_597, %add3A_653 : i32
        %mul3A_655 = arith.constant 262144 : i32
        %mul3A_656 = arith.muli %sub3A_576, %mul3A_655 : i32
        %add3A_657 = arith.constant 163840 : i32
        %add3A_658 = arith.addi %mul3A_656, %add3A_657 : i32
        %mul3A_659 = arith.constant 1024 : i32
        %mul3A_660 = arith.muli %add3A, %mul3A_659 : i32
        %add3A_661 = arith.addi %add3A_658, %mul3A_660 : i32
        %dma_start3A_662 = tpu.memref_slice %arg8[%add3A_661] : memref<52428800xf32, #tpu.memory_space<hbm>> -> memref<1024xf32, #tpu.memory_space<hbm>>
        %dma_start3A_663 = tpu.memref_slice %arg19[%add3A_654] : memref<393216xf32, #tpu.memory_space<vmem_shared>> -> memref<1024xf32, #tpu.memory_space<vmem_shared>>
        tpu.enqueue_dma source(%dma_start3A_663 : memref<1024xf32, #tpu.memory_space<vmem_shared>>) target(%dma_start3A_662 : memref<1024xf32, #tpu.memory_space<hbm>>) target_semaphore(%arg25 : memref<!tpu.dma_semaphore, #tpu.memory_space<semaphore_mem>>)
        %add3A_664 = arith.constant 6144 : i32
        %add3A_665 = arith.addi %add3A_597, %add3A_664 : i32
        %mul3A_666 = arith.constant 262144 : i32
        %mul3A_667 = arith.muli %sub3A_576, %mul3A_666 : i32
        %add3A_668 = arith.constant 196608 : i32
        %add3A_669 = arith.addi %mul3A_667, %add3A_668 : i32
        %mul3A_670 = arith.constant 1024 : i32
        %mul3A_671 = arith.muli %add3A, %mul3A_670 : i32
        %add3A_672 = arith.addi %add3A_669, %mul3A_671 : i32
        %dma_start3A_673 = tpu.memref_slice %arg8[%add3A_672] : memref<52428800xf32, #tpu.memory_space<hbm>> -> memref<1024xf32, #tpu.memory_space<hbm>>
        %dma_start3A_674 = tpu.memref_slice %arg19[%add3A_665] : memref<393216xf32, #tpu.memory_space<vmem_shared>> -> memref<1024xf32, #tpu.memory_space<vmem_shared>>
        tpu.enqueue_dma source(%dma_start3A_674 : memref<1024xf32, #tpu.memory_space<vmem_shared>>) target(%dma_start3A_673 : memref<1024xf32, #tpu.memory_space<hbm>>) target_semaphore(%arg25 : memref<!tpu.dma_semaphore, #tpu.memory_space<semaphore_mem>>)
        %add3A_675 = arith.constant 7168 : i32
        %add3A_676 = arith.addi %add3A_597, %add3A_675 : i32
        %mul3A_677 = arith.constant 262144 : i32
        %mul3A_678 = arith.muli %sub3A_576, %mul3A_677 : i32
        %add3A_679 = arith.constant 229376 : i32
        %add3A_680 = arith.addi %mul3A_678, %add3A_679 : i32
        %mul3A_681 = arith.constant 1024 : i32
        %mul3A_682 = arith.muli %add3A, %mul3A_681 : i32
        %add3A_683 = arith.addi %add3A_680, %mul3A_682 : i32
        %dma_start3A_684 = tpu.memref_slice %arg8[%add3A_683] : memref<52428800xf32, #tpu.memory_space<hbm>> -> memref<1024xf32, #tpu.memory_space<hbm>>
        %dma_start3A_685 = tpu.memref_slice %arg19[%add3A_676] : memref<393216xf32, #tpu.memory_space<vmem_shared>> -> memref<1024xf32, #tpu.memory_space<vmem_shared>>
        tpu.enqueue_dma source(%dma_start3A_685 : memref<1024xf32, #tpu.memory_space<vmem_shared>>) target(%dma_start3A_684 : memref<1024xf32, #tpu.memory_space<hbm>>) target_semaphore(%arg25 : memref<!tpu.dma_semaphore, #tpu.memory_space<semaphore_mem>>)
      } else {
      }
      %add3A_356 = arith.constant 1 : i32
      %add3A_357 = arith.addi %add3A_339, %add3A_356 : i32
      %jit3A_358 = arith.constant 8 : i32
      %div3A = arith.divsi %add3A_357, %jit3A_358 : i32
      %sign3A = arith.constant 0 : i32
      %sign3A_359 = arith.cmpi sgt, %add3A_357, %sign3A : i32
      %sign3A_360 = arith.extui %sign3A_359 : i1 to i32
      %sign3A_361 = arith.constant 0 : i32
      %sign3A_362 = arith.cmpi slt, %add3A_357, %sign3A_361 : i32
      %sign3A_363 = arith.extui %sign3A_362 : i1 to i32
      %sign3A_364 = arith.subi %sign3A_360, %sign3A_363 : i32
      %sign3A_365 = arith.constant 0 : i32
      %sign3A_366 = arith.cmpi sgt, %jit3A_358, %sign3A_365 : i32
      %sign3A_367 = arith.extui %sign3A_366 : i1 to i32
      %sign3A_368 = arith.constant 0 : i32
      %sign3A_369 = arith.cmpi slt, %jit3A_358, %sign3A_368 : i32
      %sign3A_370 = arith.extui %sign3A_369 : i1 to i32
      %sign3A_371 = arith.subi %sign3A_367, %sign3A_370 : i32
      %ne3A_372 = arith.cmpi ne, %sign3A_364, %sign3A_371 : i32
      %rem3A_373 = arith.remsi %add3A_357, %jit3A_358 : i32
      %ne3A_374 = arith.constant 0 : i32
      %ne3A_375 = arith.cmpi ne, %rem3A_373, %ne3A_374 : i32
      %and3A_376 = arith.andi %ne3A_372, %ne3A_375 : i1
      %sub3A = arith.constant 1 : i32
      %sub3A_377 = arith.subi %div3A, %sub3A : i32
      %select_n3A_378 = arith.select %and3A_376, %sub3A_377, %div3A : i32
      %jit3A_379 = arith.constant 8 : i32
      %eq3A_380 = arith.constant 0 : i32
      %eq3A_381 = arith.cmpi eq, %jit3A_379, %eq3A_380 : i32
      %jit3A_382 = arith.constant 1 : i32
      %select_n3A_383 = arith.select %eq3A_381, %jit3A_382, %jit3A_379 : i32
      %rem3A_384 = arith.remsi %add3A_357, %select_n3A_383 : i32
      %ne3A_385 = arith.constant 0 : i32
      %ne3A_386 = arith.cmpi ne, %rem3A_384, %ne3A_385 : i32
      %lt3A_387 = arith.constant 0 : i32
      %lt3A_388 = arith.cmpi slt, %rem3A_384, %lt3A_387 : i32
      %lt3A_389 = arith.constant 0 : i32
      %lt3A_390 = arith.cmpi slt, %select_n3A_383, %lt3A_389 : i32
      %ne3A_391 = arith.xori %lt3A_388, %lt3A_390 : i1
      %and3A_392 = arith.andi %ne3A_391, %ne3A_386 : i1
      %add3A_393 = arith.addi %rem3A_384, %select_n3A_383 : i32
      %select_n3A_394 = arith.select %and3A_392, %add3A_393, %rem3A_384 : i32
      %dma_start3A_395 = arith.constant 0 : i32
      %dma_start3A_396 = tpu.memref_slice %arg9[%select_n3A_378, %select_n3A_394, %dma_start3A_395] : memref<25x8x128xi32, #tpu.memory_space<vmem>> -> memref<1x1x128xi32, #tpu.memory_space<vmem>>
      %dma_start3A_397 = tpu.memref_squeeze %dma_start3A_396 : memref<1x1x128xi32, #tpu.memory_space<vmem>> -> memref<128xi32, #tpu.memory_space<vmem>>
      %dma_start3A_398 = arith.constant 0 : i32
      %dma_start3A_399 = arith.constant 0 : i32
      %dma_start3A_400 = tpu.memref_slice %arg5[%dma_start3A_398, %dma_start3A_399] : memref<100000x64xf32, #tpu.memory_space<hbm>> -> memref<100000x64xf32, #tpu.memory_space<hbm>>
      tpu.enqueue_indirect_dma source(%dma_start3A_400 : memref<100000x64xf32, #tpu.memory_space<hbm>>) target(%arg13 : memref<128x64xf32, #tpu.memory_space<vmem>>) offsets(%dma_start3A_397 : memref<128xi32, #tpu.memory_space<vmem>>) semaphore(%arg22 : memref<!tpu.dma_semaphore, #tpu.memory_space<semaphore_mem>>)
      %jit3A_401 = arith.constant 8 : i32
      %div3A_402 = arith.divsi %add3A_339, %jit3A_401 : i32
      %sign3A_403 = arith.constant 0 : i32
      %sign3A_404 = arith.cmpi sgt, %add3A_339, %sign3A_403 : i32
      %sign3A_405 = arith.extui %sign3A_404 : i1 to i32
      %sign3A_406 = arith.constant 0 : i32
      %sign3A_407 = arith.cmpi slt, %add3A_339, %sign3A_406 : i32
      %sign3A_408 = arith.extui %sign3A_407 : i1 to i32
      %sign3A_409 = arith.subi %sign3A_405, %sign3A_408 : i32
      %sign3A_410 = arith.constant 0 : i32
      %sign3A_411 = arith.cmpi sgt, %jit3A_401, %sign3A_410 : i32
      %sign3A_412 = arith.extui %sign3A_411 : i1 to i32
      %sign3A_413 = arith.constant 0 : i32
      %sign3A_414 = arith.cmpi slt, %jit3A_401, %sign3A_413 : i32
      %sign3A_415 = arith.extui %sign3A_414 : i1 to i32
      %sign3A_416 = arith.subi %sign3A_412, %sign3A_415 : i32
      %ne3A_417 = arith.cmpi ne, %sign3A_409, %sign3A_416 : i32
      %rem3A_418 = arith.remsi %add3A_339, %jit3A_401 : i32
      %ne3A_419 = arith.constant 0 : i32
      %ne3A_420 = arith.cmpi ne, %rem3A_418, %ne3A_419 : i32
      %and3A_421 = arith.andi %ne3A_417, %ne3A_420 : i1
      %sub3A_422 = arith.constant 1 : i32
      %sub3A_423 = arith.subi %div3A_402, %sub3A_422 : i32
      %select_n3A_424 = arith.select %and3A_421, %sub3A_423, %div3A_402 : i32
      %jit3A_425 = arith.constant 8 : i32
      %eq3A_426 = arith.constant 0 : i32
      %eq3A_427 = arith.cmpi eq, %jit3A_425, %eq3A_426 : i32
      %jit3A_428 = arith.constant 1 : i32
      %select_n3A_429 = arith.select %eq3A_427, %jit3A_428, %jit3A_425 : i32
      %rem3A_430 = arith.remsi %add3A_339, %select_n3A_429 : i32
      %ne3A_431 = arith.constant 0 : i32
      %ne3A_432 = arith.cmpi ne, %rem3A_430, %ne3A_431 : i32
      %lt3A_433 = arith.constant 0 : i32
      %lt3A_434 = arith.cmpi slt, %rem3A_430, %lt3A_433 : i32
      %lt3A_435 = arith.constant 0 : i32
      %lt3A_436 = arith.cmpi slt, %select_n3A_429, %lt3A_435 : i32
      %ne3A_437 = arith.xori %lt3A_434, %lt3A_436 : i1
      %and3A_438 = arith.andi %ne3A_437, %ne3A_432 : i1
      %add3A_439 = arith.addi %rem3A_430, %select_n3A_429 : i32
      %select_n3A_440 = arith.select %and3A_438, %add3A_439, %rem3A_430 : i32
      %dma_wait3A_441 = arith.constant 0 : i32
      %dma_wait3A_442 = tpu.memref_slice %arg9[%select_n3A_424, %select_n3A_440, %dma_wait3A_441] : memref<25x8x128xi32, #tpu.memory_space<vmem>> -> memref<1x1x128xi32, #tpu.memory_space<vmem>>
      %dma_wait3A_443 = tpu.memref_squeeze %dma_wait3A_442 : memref<1x1x128xi32, #tpu.memory_space<vmem>> -> memref<128xi32, #tpu.memory_space<vmem>>
      %dma_wait3A_444 = arith.constant 0 : i32
      %dma_wait3A_445 = arith.constant 0 : i32
      %dma_wait3A_446 = tpu.memref_slice %arg5[%dma_wait3A_444, %dma_wait3A_445] : memref<100000x64xf32, #tpu.memory_space<hbm>> -> memref<100000x64xf32, #tpu.memory_space<hbm>>
      tpu.wait_indirect_dma semaphore(%arg21 : memref<!tpu.dma_semaphore, #tpu.memory_space<semaphore_mem>>) src(%dma_wait3A_446 : memref<100000x64xf32, #tpu.memory_space<hbm>>) dst(%arg12 : memref<128x64xf32, #tpu.memory_space<vmem>>)
      %scan3A_447 = arith.constant 0 : i32
      %scan3A_448 = arith.constant 0 : i32
      %scan3A_449 = arith.constant 8 : i32
      %scan3A_450 = arith.addi %scan3A_448, %scan3A_449 : i32
      %scan3A_451 = arith.constant 1 : i32
      scf.for %scan3A_552 = %scan3A_448 to %scan3A_450 step %scan3A_451  : i32 {
        %mul3A_553 = arith.constant 16 : i32
        %mul3A_554 = arith.muli %scan3A_552, %mul3A_553 : i32
        %get3A_555 = arith.index_cast %add3A_339 : i32 to index
        %get3A_556 = arith.index_cast %mul3A_554 : i32 to index
        %get3A_557 = tpu.vector_load %arg10[%get3A_555, %get3A_556] {strides = array<i32>} : memref<200x128xf32, #tpu.memory_space<vmem>>, vector<16xf32>,
        %mul3A_558 = arith.constant 16 : i32
        %mul3A_559 = arith.muli %scan3A_552, %mul3A_558 : i32
        %add3A_560 = arith.constant 0 : i32
        %add3A_561 = arith.addi %mul3A_559, %add3A_560 : i32
        %broadcast_in_dim3A = arith.constant 0 : i32
        %broadcast_in_dim3A_562 = vector.broadcast %broadcast_in_dim3A : i32 to vector<16x1xi32>
        %gather3A = vector.shape_cast %broadcast_in_dim3A_562 : vector<16x1xi32> to vector<16xi32>
        %gather3A_563 = tpu.dynamic_gather %get3A_557[%gather3A] in [0] : vector<16xf32>, vector<16xi32> -> vector<16xf32>
        %get3A_564 = arith.index_cast %add3A_561 : i32 to index
        %get3A_565 = arith.constant 0 : index
        %get3A_566 = tpu.vector_load %arg12[%get3A_564, %get3A_565] {strides = array<i32>} : memref<128x64xf32, #tpu.memory_space<vmem>>, vector<16xf32>,
        %mul3A_567 = arith.mulf %gather3A_563, %get3A_130 : vector<16xf32>
        %add3A_568 = arith.addf %mul3A_567, %add3A_141 : vector<16xf32>
        %add3A_569 = arith.addf %get3A_566, %add3A_568 : vector<16xf32>
        %mul3A_570 = arith.constant 64 : i32
        %mul3A_571 = arith.muli %add3A_561, %mul3A_570 : i32
        %add3A_572 = arith.constant 0 : i32
        %add3A_573 = arith.addi %mul3A_571, %add3A_572 : i32
        %swap3A = arith.index_cast %add3A_573 : i32 to index
        %swap3A_574 = tpu.vector_load %arg14[%swap3A] {strides = array<i32>} : memref<8192xf32, #tpu.memory_space<vmem>>, vector<16xf32>,
        tpu.vector_store %arg14[%swap3A], %add3A_569 {strides = array<i32>} : memref<8192xf32, #tpu.memory_space<vmem>>, vector<16xf32>,
        %get3A_575 = arith.index_cast %add3A_561 : i32 to index
        %get3A_576 = arith.constant 16 : index
        %get3A_577 = tpu.vector_load %arg12[%get3A_575, %get3A_576] {strides = array<i32>} : memref<128x64xf32, #tpu.memory_space<vmem>>, vector<16xf32>,
        %mul3A_578 = arith.mulf %gather3A_563, %get3A_132 : vector<16xf32>
        %add3A_579 = arith.addf %mul3A_578, %add3A_146 : vector<16xf32>
        %add3A_580 = arith.addf %get3A_577, %add3A_579 : vector<16xf32>
        %mul3A_581 = arith.constant 64 : i32
        %mul3A_582 = arith.muli %add3A_561, %mul3A_581 : i32
        %add3A_583 = arith.constant 16 : i32
        %add3A_584 = arith.addi %mul3A_582, %add3A_583 : i32
        %swap3A_585 = arith.index_cast %add3A_584 : i32 to index
        %swap3A_586 = tpu.vector_load %arg14[%swap3A_585] {strides = array<i32>} : memref<8192xf32, #tpu.memory_space<vmem>>, vector<16xf32>,
        tpu.vector_store %arg14[%swap3A_585], %add3A_580 {strides = array<i32>} : memref<8192xf32, #tpu.memory_space<vmem>>, vector<16xf32>,
        %get3A_587 = arith.index_cast %add3A_561 : i32 to index
        %get3A_588 = arith.constant 32 : index
        %get3A_589 = tpu.vector_load %arg12[%get3A_587, %get3A_588] {strides = array<i32>} : memref<128x64xf32, #tpu.memory_space<vmem>>, vector<16xf32>,
        %mul3A_590 = arith.mulf %gather3A_563, %get3A_134 : vector<16xf32>
        %add3A_591 = arith.addf %mul3A_590, %add3A_151 : vector<16xf32>
        %add3A_592 = arith.addf %get3A_589, %add3A_591 : vector<16xf32>
        %mul3A_593 = arith.constant 64 : i32
        %mul3A_594 = arith.muli %add3A_561, %mul3A_593 : i32
        %add3A_595 = arith.constant 32 : i32
        %add3A_596 = arith.addi %mul3A_594, %add3A_595 : i32
        %swap3A_597 = arith.index_cast %add3A_596 : i32 to index
        %swap3A_598 = tpu.vector_load %arg14[%swap3A_597] {strides = array<i32>} : memref<8192xf32, #tpu.memory_space<vmem>>, vector<16xf32>,
        tpu.vector_store %arg14[%swap3A_597], %add3A_592 {strides = array<i32>} : memref<8192xf32, #tpu.memory_space<vmem>>, vector<16xf32>,
        %get3A_599 = arith.index_cast %add3A_561 : i32 to index
        %get3A_600 = arith.constant 48 : index
        %get3A_601 = tpu.vector_load %arg12[%get3A_599, %get3A_600] {strides = array<i32>} : memref<128x64xf32, #tpu.memory_space<vmem>>, vector<16xf32>,
        %mul3A_602 = arith.mulf %gather3A_563, %get3A_136 : vector<16xf32>
        %add3A_603 = arith.addf %mul3A_602, %add3A_156 : vector<16xf32>
        %add3A_604 = arith.addf %get3A_601, %add3A_603 : vector<16xf32>
        %mul3A_605 = arith.constant 64 : i32
        %mul3A_606 = arith.muli %add3A_561, %mul3A_605 : i32
        %add3A_607 = arith.constant 48 : i32
        %add3A_608 = arith.addi %mul3A_606, %add3A_607 : i32
        %swap3A_609 = arith.index_cast %add3A_608 : i32 to index
        %swap3A_610 = tpu.vector_load %arg14[%swap3A_609] {strides = array<i32>} : memref<8192xf32, #tpu.memory_space<vmem>>, vector<16xf32>,
        tpu.vector_store %arg14[%swap3A_609], %add3A_604 {strides = array<i32>} : memref<8192xf32, #tpu.memory_space<vmem>>, vector<16xf32>,
        %mul3A_611 = arith.constant 16 : i32
        %mul3A_612 = arith.muli %scan3A_552, %mul3A_611 : i32
        %add3A_613 = arith.constant 1 : i32
        %add3A_614 = arith.addi %mul3A_612, %add3A_613 : i32
        %broadcast_in_dim3A_615 = arith.constant 1 : i32
        %broadcast_in_dim3A_616 = vector.broadcast %broadcast_in_dim3A_615 : i32 to vector<16x1xi32>
        %gather3A_617 = vector.shape_cast %broadcast_in_dim3A_616 : vector<16x1xi32> to vector<16xi32>
        %gather3A_618 = tpu.dynamic_gather %get3A_557[%gather3A_617] in [0] : vector<16xf32>, vector<16xi32> -> vector<16xf32>
        %get3A_619 = arith.index_cast %add3A_614 : i32 to index
        %get3A_620 = arith.constant 0 : index
        %get3A_621 = tpu.vector_load %arg12[%get3A_619, %get3A_620] {strides = array<i32>} : memref<128x64xf32, #tpu.memory_space<vmem>>, vector<16xf32>,
        %mul3A_622 = arith.mulf %gather3A_618, %get3A_130 : vector<16xf32>
        %add3A_623 = arith.addf %mul3A_622, %add3A_141 : vector<16xf32>
        %add3A_624 = arith.addf %get3A_621, %add3A_623 : vector<16xf32>
        %mul3A_625 = arith.constant 64 : i32
        %mul3A_626 = arith.muli %add3A_614, %mul3A_625 : i32
        %add3A_627 = arith.constant 0 : i32
        %add3A_628 = arith.addi %mul3A_626, %add3A_627 : i32
        %swap3A_629 = arith.index_cast %add3A_628 : i32 to index
        %swap3A_630 = tpu.vector_load %arg14[%swap3A_629] {strides = array<i32>} : memref<8192xf32, #tpu.memory_space<vmem>>, vector<16xf32>,
        tpu.vector_store %arg14[%swap3A_629], %add3A_624 {strides = array<i32>} : memref<8192xf32, #tpu.memory_space<vmem>>, vector<16xf32>,
        %get3A_631 = arith.index_cast %add3A_614 : i32 to index
        %get3A_632 = arith.constant 16 : index
        %get3A_633 = tpu.vector_load %arg12[%get3A_631, %get3A_632] {strides = array<i32>} : memref<128x64xf32, #tpu.memory_space<vmem>>, vector<16xf32>,
        %mul3A_634 = arith.mulf %gather3A_618, %get3A_132 : vector<16xf32>
        %add3A_635 = arith.addf %mul3A_634, %add3A_146 : vector<16xf32>
        %add3A_636 = arith.addf %get3A_633, %add3A_635 : vector<16xf32>
        %mul3A_637 = arith.constant 64 : i32
        %mul3A_638 = arith.muli %add3A_614, %mul3A_637 : i32
        %add3A_639 = arith.constant 16 : i32
        %add3A_640 = arith.addi %mul3A_638, %add3A_639 : i32
        %swap3A_641 = arith.index_cast %add3A_640 : i32 to index
        %swap3A_642 = tpu.vector_load %arg14[%swap3A_641] {strides = array<i32>} : memref<8192xf32, #tpu.memory_space<vmem>>, vector<16xf32>,
        tpu.vector_store %arg14[%swap3A_641], %add3A_636 {strides = array<i32>} : memref<8192xf32, #tpu.memory_space<vmem>>, vector<16xf32>,
        %get3A_643 = arith.index_cast %add3A_614 : i32 to index
        %get3A_644 = arith.constant 32 : index
        %get3A_645 = tpu.vector_load %arg12[%get3A_643, %get3A_644] {strides = array<i32>} : memref<128x64xf32, #tpu.memory_space<vmem>>, vector<16xf32>,
        %mul3A_646 = arith.mulf %gather3A_618, %get3A_134 : vector<16xf32>
        %add3A_647 = arith.addf %mul3A_646, %add3A_151 : vector<16xf32>
        %add3A_648 = arith.addf %get3A_645, %add3A_647 : vector<16xf32>
        %mul3A_649 = arith.constant 64 : i32
        %mul3A_650 = arith.muli %add3A_614, %mul3A_649 : i32
        %add3A_651 = arith.constant 32 : i32
        %add3A_652 = arith.addi %mul3A_650, %add3A_651 : i32
        %swap3A_653 = arith.index_cast %add3A_652 : i32 to index
        %swap3A_654 = tpu.vector_load %arg14[%swap3A_653] {strides = array<i32>} : memref<8192xf32, #tpu.memory_space<vmem>>, vector<16xf32>,
        tpu.vector_store %arg14[%swap3A_653], %add3A_648 {strides = array<i32>} : memref<8192xf32, #tpu.memory_space<vmem>>, vector<16xf32>,
        %get3A_655 = arith.index_cast %add3A_614 : i32 to index
        %get3A_656 = arith.constant 48 : index
        %get3A_657 = tpu.vector_load %arg12[%get3A_655, %get3A_656] {strides = array<i32>} : memref<128x64xf32, #tpu.memory_space<vmem>>, vector<16xf32>,
        %mul3A_658 = arith.mulf %gather3A_618, %get3A_136 : vector<16xf32>
        %add3A_659 = arith.addf %mul3A_658, %add3A_156 : vector<16xf32>
        %add3A_660 = arith.addf %get3A_657, %add3A_659 : vector<16xf32>
        %mul3A_661 = arith.constant 64 : i32
        %mul3A_662 = arith.muli %add3A_614, %mul3A_661 : i32
        %add3A_663 = arith.constant 48 : i32
        %add3A_664 = arith.addi %mul3A_662, %add3A_663 : i32
        %swap3A_665 = arith.index_cast %add3A_664 : i32 to index
        %swap3A_666 = tpu.vector_load %arg14[%swap3A_665] {strides = array<i32>} : memref<8192xf32, #tpu.memory_space<vmem>>, vector<16xf32>,
        tpu.vector_store %arg14[%swap3A_665], %add3A_660 {strides = array<i32>} : memref<8192xf32, #tpu.memory_space<vmem>>, vector<16xf32>,
        %mul3A_667 = arith.constant 16 : i32
        %mul3A_668 = arith.muli %scan3A_552, %mul3A_667 : i32
        %add3A_669 = arith.constant 2 : i32
        %add3A_670 = arith.addi %mul3A_668, %add3A_669 : i32
        %broadcast_in_dim3A_671 = arith.constant 2 : i32
        %broadcast_in_dim3A_672 = vector.broadcast %broadcast_in_dim3A_671 : i32 to vector<16x1xi32>
        %gather3A_673 = vector.shape_cast %broadcast_in_dim3A_672 : vector<16x1xi32> to vector<16xi32>
        %gather3A_674 = tpu.dynamic_gather %get3A_557[%gather3A_673] in [0] : vector<16xf32>, vector<16xi32> -> vector<16xf32>
        %get3A_675 = arith.index_cast %add3A_670 : i32 to index
        %get3A_676 = arith.constant 0 : index
        %get3A_677 = tpu.vector_load %arg12[%get3A_675, %get3A_676] {strides = array<i32>} : memref<128x64xf32, #tpu.memory_space<vmem>>, vector<16xf32>,
        %mul3A_678 = arith.mulf %gather3A_674, %get3A_130 : vector<16xf32>
        %add3A_679 = arith.addf %mul3A_678, %add3A_141 : vector<16xf32>
        %add3A_680 = arith.addf %get3A_677, %add3A_679 : vector<16xf32>
        %mul3A_681 = arith.constant 64 : i32
        %mul3A_682 = arith.muli %add3A_670, %mul3A_681 : i32
        %add3A_683 = arith.constant 0 : i32
        %add3A_684 = arith.addi %mul3A_682, %add3A_683 : i32
        %swap3A_685 = arith.index_cast %add3A_684 : i32 to index
        %swap3A_686 = tpu.vector_load %arg14[%swap3A_685] {strides = array<i32>} : memref<8192xf32, #tpu.memory_space<vmem>>, vector<16xf32>,
        tpu.vector_store %arg14[%swap3A_685], %add3A_680 {strides = array<i32>} : memref<8192xf32, #tpu.memory_space<vmem>>, vector<16xf32>,
        %get3A_687 = arith.index_cast %add3A_670 : i32 to index
        %get3A_688 = arith.constant 16 : index
        %get3A_689 = tpu.vector_load %arg12[%get3A_687, %get3A_688] {strides = array<i32>} : memref<128x64xf32, #tpu.memory_space<vmem>>, vector<16xf32>,
        %mul3A_690 = arith.mulf %gather3A_674, %get3A_132 : vector<16xf32>
        %add3A_691 = arith.addf %mul3A_690, %add3A_146 : vector<16xf32>
        %add3A_692 = arith.addf %get3A_689, %add3A_691 : vector<16xf32>
        %mul3A_693 = arith.constant 64 : i32
        %mul3A_694 = arith.muli %add3A_670, %mul3A_693 : i32
        %add3A_695 = arith.constant 16 : i32
        %add3A_696 = arith.addi %mul3A_694, %add3A_695 : i32
        %swap3A_697 = arith.index_cast %add3A_696 : i32 to index
        %swap3A_698 = tpu.vector_load %arg14[%swap3A_697] {strides = array<i32>} : memref<8192xf32, #tpu.memory_space<vmem>>, vector<16xf32>,
        tpu.vector_store %arg14[%swap3A_697], %add3A_692 {strides = array<i32>} : memref<8192xf32, #tpu.memory_space<vmem>>, vector<16xf32>,
        %get3A_699 = arith.index_cast %add3A_670 : i32 to index
        %get3A_700 = arith.constant 32 : index
        %get3A_701 = tpu.vector_load %arg12[%get3A_699, %get3A_700] {strides = array<i32>} : memref<128x64xf32, #tpu.memory_space<vmem>>, vector<16xf32>,
        %mul3A_702 = arith.mulf %gather3A_674, %get3A_134 : vector<16xf32>
        %add3A_703 = arith.addf %mul3A_702, %add3A_151 : vector<16xf32>
        %add3A_704 = arith.addf %get3A_701, %add3A_703 : vector<16xf32>
        %mul3A_705 = arith.constant 64 : i32
        %mul3A_706 = arith.muli %add3A_670, %mul3A_705 : i32
        %add3A_707 = arith.constant 32 : i32
        %add3A_708 = arith.addi %mul3A_706, %add3A_707 : i32
        %swap3A_709 = arith.index_cast %add3A_708 : i32 to index
        %swap3A_710 = tpu.vector_load %arg14[%swap3A_709] {strides = array<i32>} : memref<8192xf32, #tpu.memory_space<vmem>>, vector<16xf32>,
        tpu.vector_store %arg14[%swap3A_709], %add3A_704 {strides = array<i32>} : memref<8192xf32, #tpu.memory_space<vmem>>, vector<16xf32>,
        %get3A_711 = arith.index_cast %add3A_670 : i32 to index
        %get3A_712 = arith.constant 48 : index
        %get3A_713 = tpu.vector_load %arg12[%get3A_711, %get3A_712] {strides = array<i32>} : memref<128x64xf32, #tpu.memory_space<vmem>>, vector<16xf32>,
        %mul3A_714 = arith.mulf %gather3A_674, %get3A_136 : vector<16xf32>
        %add3A_715 = arith.addf %mul3A_714, %add3A_156 : vector<16xf32>
        %add3A_716 = arith.addf %get3A_713, %add3A_715 : vector<16xf32>
        %mul3A_717 = arith.constant 64 : i32
        %mul3A_718 = arith.muli %add3A_670, %mul3A_717 : i32
        %add3A_719 = arith.constant 48 : i32
        %add3A_720 = arith.addi %mul3A_718, %add3A_719 : i32
        %swap3A_721 = arith.index_cast %add3A_720 : i32 to index
        %swap3A_722 = tpu.vector_load %arg14[%swap3A_721] {strides = array<i32>} : memref<8192xf32, #tpu.memory_space<vmem>>, vector<16xf32>,
        tpu.vector_store %arg14[%swap3A_721], %add3A_716 {strides = array<i32>} : memref<8192xf32, #tpu.memory_space<vmem>>, vector<16xf32>,
        %mul3A_723 = arith.constant 16 : i32
        %mul3A_724 = arith.muli %scan3A_552, %mul3A_723 : i32
        %add3A_725 = arith.constant 3 : i32
        %add3A_726 = arith.addi %mul3A_724, %add3A_725 : i32
        %broadcast_in_dim3A_727 = arith.constant 3 : i32
        %broadcast_in_dim3A_728 = vector.broadcast %broadcast_in_dim3A_727 : i32 to vector<16x1xi32>
        %gather3A_729 = vector.shape_cast %broadcast_in_dim3A_728 : vector<16x1xi32> to vector<16xi32>
        %gather3A_730 = tpu.dynamic_gather %get3A_557[%gather3A_729] in [0] : vector<16xf32>, vector<16xi32> -> vector<16xf32>
        %get3A_731 = arith.index_cast %add3A_726 : i32 to index
        %get3A_732 = arith.constant 0 : index
        %get3A_733 = tpu.vector_load %arg12[%get3A_731, %get3A_732] {strides = array<i32>} : memref<128x64xf32, #tpu.memory_space<vmem>>, vector<16xf32>,
        %mul3A_734 = arith.mulf %gather3A_730, %get3A_130 : vector<16xf32>
        %add3A_735 = arith.addf %mul3A_734, %add3A_141 : vector<16xf32>
        %add3A_736 = arith.addf %get3A_733, %add3A_735 : vector<16xf32>
        %mul3A_737 = arith.constant 64 : i32
        %mul3A_738 = arith.muli %add3A_726, %mul3A_737 : i32
        %add3A_739 = arith.constant 0 : i32
        %add3A_740 = arith.addi %mul3A_738, %add3A_739 : i32
        %swap3A_741 = arith.index_cast %add3A_740 : i32 to index
        %swap3A_742 = tpu.vector_load %arg14[%swap3A_741] {strides = array<i32>} : memref<8192xf32, #tpu.memory_space<vmem>>, vector<16xf32>,
        tpu.vector_store %arg14[%swap3A_741], %add3A_736 {strides = array<i32>} : memref<8192xf32, #tpu.memory_space<vmem>>, vector<16xf32>,
        %get3A_743 = arith.index_cast %add3A_726 : i32 to index
        %get3A_744 = arith.constant 16 : index
        %get3A_745 = tpu.vector_load %arg12[%get3A_743, %get3A_744] {strides = array<i32>} : memref<128x64xf32, #tpu.memory_space<vmem>>, vector<16xf32>,
        %mul3A_746 = arith.mulf %gather3A_730, %get3A_132 : vector<16xf32>
        %add3A_747 = arith.addf %mul3A_746, %add3A_146 : vector<16xf32>
        %add3A_748 = arith.addf %get3A_745, %add3A_747 : vector<16xf32>
        %mul3A_749 = arith.constant 64 : i32
        %mul3A_750 = arith.muli %add3A_726, %mul3A_749 : i32
        %add3A_751 = arith.constant 16 : i32
        %add3A_752 = arith.addi %mul3A_750, %add3A_751 : i32
        %swap3A_753 = arith.index_cast %add3A_752 : i32 to index
        %swap3A_754 = tpu.vector_load %arg14[%swap3A_753] {strides = array<i32>} : memref<8192xf32, #tpu.memory_space<vmem>>, vector<16xf32>,
        tpu.vector_store %arg14[%swap3A_753], %add3A_748 {strides = array<i32>} : memref<8192xf32, #tpu.memory_space<vmem>>, vector<16xf32>,
        %get3A_755 = arith.index_cast %add3A_726 : i32 to index
        %get3A_756 = arith.constant 32 : index
        %get3A_757 = tpu.vector_load %arg12[%get3A_755, %get3A_756] {strides = array<i32>} : memref<128x64xf32, #tpu.memory_space<vmem>>, vector<16xf32>,
        %mul3A_758 = arith.mulf %gather3A_730, %get3A_134 : vector<16xf32>
        %add3A_759 = arith.addf %mul3A_758, %add3A_151 : vector<16xf32>
        %add3A_760 = arith.addf %get3A_757, %add3A_759 : vector<16xf32>
        %mul3A_761 = arith.constant 64 : i32
        %mul3A_762 = arith.muli %add3A_726, %mul3A_761 : i32
        %add3A_763 = arith.constant 32 : i32
        %add3A_764 = arith.addi %mul3A_762, %add3A_763 : i32
        %swap3A_765 = arith.index_cast %add3A_764 : i32 to index
        %swap3A_766 = tpu.vector_load %arg14[%swap3A_765] {strides = array<i32>} : memref<8192xf32, #tpu.memory_space<vmem>>, vector<16xf32>,
        tpu.vector_store %arg14[%swap3A_765], %add3A_760 {strides = array<i32>} : memref<8192xf32, #tpu.memory_space<vmem>>, vector<16xf32>,
        %get3A_767 = arith.index_cast %add3A_726 : i32 to index
        %get3A_768 = arith.constant 48 : index
        %get3A_769 = tpu.vector_load %arg12[%get3A_767, %get3A_768] {strides = array<i32>} : memref<128x64xf32, #tpu.memory_space<vmem>>, vector<16xf32>,
        %mul3A_770 = arith.mulf %gather3A_730, %get3A_136 : vector<16xf32>
        %add3A_771 = arith.addf %mul3A_770, %add3A_156 : vector<16xf32>
        %add3A_772 = arith.addf %get3A_769, %add3A_771 : vector<16xf32>
        %mul3A_773 = arith.constant 64 : i32
        %mul3A_774 = arith.muli %add3A_726, %mul3A_773 : i32
        %add3A_775 = arith.constant 48 : i32
        %add3A_776 = arith.addi %mul3A_774, %add3A_775 : i32
        %swap3A_777 = arith.index_cast %add3A_776 : i32 to index
        %swap3A_778 = tpu.vector_load %arg14[%swap3A_777] {strides = array<i32>} : memref<8192xf32, #tpu.memory_space<vmem>>, vector<16xf32>,
        tpu.vector_store %arg14[%swap3A_777], %add3A_772 {strides = array<i32>} : memref<8192xf32, #tpu.memory_space<vmem>>, vector<16xf32>,
        %mul3A_779 = arith.constant 16 : i32
        %mul3A_780 = arith.muli %scan3A_552, %mul3A_779 : i32
        %add3A_781 = arith.constant 4 : i32
        %add3A_782 = arith.addi %mul3A_780, %add3A_781 : i32
        %broadcast_in_dim3A_783 = arith.constant 4 : i32
        %broadcast_in_dim3A_784 = vector.broadcast %broadcast_in_dim3A_783 : i32 to vector<16x1xi32>
        %gather3A_785 = vector.shape_cast %broadcast_in_dim3A_784 : vector<16x1xi32> to vector<16xi32>
        %gather3A_786 = tpu.dynamic_gather %get3A_557[%gather3A_785] in [0] : vector<16xf32>, vector<16xi32> -> vector<16xf32>
        %get3A_787 = arith.index_cast %add3A_782 : i32 to index
        %get3A_788 = arith.constant 0 : index
        %get3A_789 = tpu.vector_load %arg12[%get3A_787, %get3A_788] {strides = array<i32>} : memref<128x64xf32, #tpu.memory_space<vmem>>, vector<16xf32>,
        %mul3A_790 = arith.mulf %gather3A_786, %get3A_130 : vector<16xf32>
        %add3A_791 = arith.addf %mul3A_790, %add3A_141 : vector<16xf32>
        %add3A_792 = arith.addf %get3A_789, %add3A_791 : vector<16xf32>
        %mul3A_793 = arith.constant 64 : i32
        %mul3A_794 = arith.muli %add3A_782, %mul3A_793 : i32
        %add3A_795 = arith.constant 0 : i32
        %add3A_796 = arith.addi %mul3A_794, %add3A_795 : i32
        %swap3A_797 = arith.index_cast %add3A_796 : i32 to index
        %swap3A_798 = tpu.vector_load %arg14[%swap3A_797] {strides = array<i32>} : memref<8192xf32, #tpu.memory_space<vmem>>, vector<16xf32>,
        tpu.vector_store %arg14[%swap3A_797], %add3A_792 {strides = array<i32>} : memref<8192xf32, #tpu.memory_space<vmem>>, vector<16xf32>,
        %get3A_799 = arith.index_cast %add3A_782 : i32 to index
        %get3A_800 = arith.constant 16 : index
        %get3A_801 = tpu.vector_load %arg12[%get3A_799, %get3A_800] {strides = array<i32>} : memref<128x64xf32, #tpu.memory_space<vmem>>, vector<16xf32>,
        %mul3A_802 = arith.mulf %gather3A_786, %get3A_132 : vector<16xf32>
        %add3A_803 = arith.addf %mul3A_802, %add3A_146 : vector<16xf32>
        %add3A_804 = arith.addf %get3A_801, %add3A_803 : vector<16xf32>
        %mul3A_805 = arith.constant 64 : i32
        %mul3A_806 = arith.muli %add3A_782, %mul3A_805 : i32
        %add3A_807 = arith.constant 16 : i32
        %add3A_808 = arith.addi %mul3A_806, %add3A_807 : i32
        %swap3A_809 = arith.index_cast %add3A_808 : i32 to index
        %swap3A_810 = tpu.vector_load %arg14[%swap3A_809] {strides = array<i32>} : memref<8192xf32, #tpu.memory_space<vmem>>, vector<16xf32>,
        tpu.vector_store %arg14[%swap3A_809], %add3A_804 {strides = array<i32>} : memref<8192xf32, #tpu.memory_space<vmem>>, vector<16xf32>,
        %get3A_811 = arith.index_cast %add3A_782 : i32 to index
        %get3A_812 = arith.constant 32 : index
        %get3A_813 = tpu.vector_load %arg12[%get3A_811, %get3A_812] {strides = array<i32>} : memref<128x64xf32, #tpu.memory_space<vmem>>, vector<16xf32>,
        %mul3A_814 = arith.mulf %gather3A_786, %get3A_134 : vector<16xf32>
        %add3A_815 = arith.addf %mul3A_814, %add3A_151 : vector<16xf32>
        %add3A_816 = arith.addf %get3A_813, %add3A_815 : vector<16xf32>
        %mul3A_817 = arith.constant 64 : i32
        %mul3A_818 = arith.muli %add3A_782, %mul3A_817 : i32
        %add3A_819 = arith.constant 32 : i32
        %add3A_820 = arith.addi %mul3A_818, %add3A_819 : i32
        %swap3A_821 = arith.index_cast %add3A_820 : i32 to index
        %swap3A_822 = tpu.vector_load %arg14[%swap3A_821] {strides = array<i32>} : memref<8192xf32, #tpu.memory_space<vmem>>, vector<16xf32>,
        tpu.vector_store %arg14[%swap3A_821], %add3A_816 {strides = array<i32>} : memref<8192xf32, #tpu.memory_space<vmem>>, vector<16xf32>,
        %get3A_823 = arith.index_cast %add3A_782 : i32 to index
        %get3A_824 = arith.constant 48 : index
        %get3A_825 = tpu.vector_load %arg12[%get3A_823, %get3A_824] {strides = array<i32>} : memref<128x64xf32, #tpu.memory_space<vmem>>, vector<16xf32>,
        %mul3A_826 = arith.mulf %gather3A_786, %get3A_136 : vector<16xf32>
        %add3A_827 = arith.addf %mul3A_826, %add3A_156 : vector<16xf32>
        %add3A_828 = arith.addf %get3A_825, %add3A_827 : vector<16xf32>
        %mul3A_829 = arith.constant 64 : i32
        %mul3A_830 = arith.muli %add3A_782, %mul3A_829 : i32
        %add3A_831 = arith.constant 48 : i32
        %add3A_832 = arith.addi %mul3A_830, %add3A_831 : i32
        %swap3A_833 = arith.index_cast %add3A_832 : i32 to index
        %swap3A_834 = tpu.vector_load %arg14[%swap3A_833] {strides = array<i32>} : memref<8192xf32, #tpu.memory_space<vmem>>, vector<16xf32>,
        tpu.vector_store %arg14[%swap3A_833], %add3A_828 {strides = array<i32>} : memref<8192xf32, #tpu.memory_space<vmem>>, vector<16xf32>,
        %mul3A_835 = arith.constant 16 : i32
        %mul3A_836 = arith.muli %scan3A_552, %mul3A_835 : i32
        %add3A_837 = arith.constant 5 : i32
        %add3A_838 = arith.addi %mul3A_836, %add3A_837 : i32
        %broadcast_in_dim3A_839 = arith.constant 5 : i32
        %broadcast_in_dim3A_840 = vector.broadcast %broadcast_in_dim3A_839 : i32 to vector<16x1xi32>
        %gather3A_841 = vector.shape_cast %broadcast_in_dim3A_840 : vector<16x1xi32> to vector<16xi32>
        %gather3A_842 = tpu.dynamic_gather %get3A_557[%gather3A_841] in [0] : vector<16xf32>, vector<16xi32> -> vector<16xf32>
        %get3A_843 = arith.index_cast %add3A_838 : i32 to index
        %get3A_844 = arith.constant 0 : index
        %get3A_845 = tpu.vector_load %arg12[%get3A_843, %get3A_844] {strides = array<i32>} : memref<128x64xf32, #tpu.memory_space<vmem>>, vector<16xf32>,
        %mul3A_846 = arith.mulf %gather3A_842, %get3A_130 : vector<16xf32>
        %add3A_847 = arith.addf %mul3A_846, %add3A_141 : vector<16xf32>
        %add3A_848 = arith.addf %get3A_845, %add3A_847 : vector<16xf32>
        %mul3A_849 = arith.constant 64 : i32
        %mul3A_850 = arith.muli %add3A_838, %mul3A_849 : i32
        %add3A_851 = arith.constant 0 : i32
        %add3A_852 = arith.addi %mul3A_850, %add3A_851 : i32
        %swap3A_853 = arith.index_cast %add3A_852 : i32 to index
        %swap3A_854 = tpu.vector_load %arg14[%swap3A_853] {strides = array<i32>} : memref<8192xf32, #tpu.memory_space<vmem>>, vector<16xf32>,
        tpu.vector_store %arg14[%swap3A_853], %add3A_848 {strides = array<i32>} : memref<8192xf32, #tpu.memory_space<vmem>>, vector<16xf32>,
        %get3A_855 = arith.index_cast %add3A_838 : i32 to index
        %get3A_856 = arith.constant 16 : index
        %get3A_857 = tpu.vector_load %arg12[%get3A_855, %get3A_856] {strides = array<i32>} : memref<128x64xf32, #tpu.memory_space<vmem>>, vector<16xf32>,
        %mul3A_858 = arith.mulf %gather3A_842, %get3A_132 : vector<16xf32>
        %add3A_859 = arith.addf %mul3A_858, %add3A_146 : vector<16xf32>
        %add3A_860 = arith.addf %get3A_857, %add3A_859 : vector<16xf32>
        %mul3A_861 = arith.constant 64 : i32
        %mul3A_862 = arith.muli %add3A_838, %mul3A_861 : i32
        %add3A_863 = arith.constant 16 : i32
        %add3A_864 = arith.addi %mul3A_862, %add3A_863 : i32
        %swap3A_865 = arith.index_cast %add3A_864 : i32 to index
        %swap3A_866 = tpu.vector_load %arg14[%swap3A_865] {strides = array<i32>} : memref<8192xf32, #tpu.memory_space<vmem>>, vector<16xf32>,
        tpu.vector_store %arg14[%swap3A_865], %add3A_860 {strides = array<i32>} : memref<8192xf32, #tpu.memory_space<vmem>>, vector<16xf32>,
        %get3A_867 = arith.index_cast %add3A_838 : i32 to index
        %get3A_868 = arith.constant 32 : index
        %get3A_869 = tpu.vector_load %arg12[%get3A_867, %get3A_868] {strides = array<i32>} : memref<128x64xf32, #tpu.memory_space<vmem>>, vector<16xf32>,
        %mul3A_870 = arith.mulf %gather3A_842, %get3A_134 : vector<16xf32>
        %add3A_871 = arith.addf %mul3A_870, %add3A_151 : vector<16xf32>
        %add3A_872 = arith.addf %get3A_869, %add3A_871 : vector<16xf32>
        %mul3A_873 = arith.constant 64 : i32
        %mul3A_874 = arith.muli %add3A_838, %mul3A_873 : i32
        %add3A_875 = arith.constant 32 : i32
        %add3A_876 = arith.addi %mul3A_874, %add3A_875 : i32
        %swap3A_877 = arith.index_cast %add3A_876 : i32 to index
        %swap3A_878 = tpu.vector_load %arg14[%swap3A_877] {strides = array<i32>} : memref<8192xf32, #tpu.memory_space<vmem>>, vector<16xf32>,
        tpu.vector_store %arg14[%swap3A_877], %add3A_872 {strides = array<i32>} : memref<8192xf32, #tpu.memory_space<vmem>>, vector<16xf32>,
        %get3A_879 = arith.index_cast %add3A_838 : i32 to index
        %get3A_880 = arith.constant 48 : index
        %get3A_881 = tpu.vector_load %arg12[%get3A_879, %get3A_880] {strides = array<i32>} : memref<128x64xf32, #tpu.memory_space<vmem>>, vector<16xf32>,
        %mul3A_882 = arith.mulf %gather3A_842, %get3A_136 : vector<16xf32>
        %add3A_883 = arith.addf %mul3A_882, %add3A_156 : vector<16xf32>
        %add3A_884 = arith.addf %get3A_881, %add3A_883 : vector<16xf32>
        %mul3A_885 = arith.constant 64 : i32
        %mul3A_886 = arith.muli %add3A_838, %mul3A_885 : i32
        %add3A_887 = arith.constant 48 : i32
        %add3A_888 = arith.addi %mul3A_886, %add3A_887 : i32
        %swap3A_889 = arith.index_cast %add3A_888 : i32 to index
        %swap3A_890 = tpu.vector_load %arg14[%swap3A_889] {strides = array<i32>} : memref<8192xf32, #tpu.memory_space<vmem>>, vector<16xf32>,
        tpu.vector_store %arg14[%swap3A_889], %add3A_884 {strides = array<i32>} : memref<8192xf32, #tpu.memory_space<vmem>>, vector<16xf32>,
        %mul3A_891 = arith.constant 16 : i32
        %mul3A_892 = arith.muli %scan3A_552, %mul3A_891 : i32
        %add3A_893 = arith.constant 6 : i32
        %add3A_894 = arith.addi %mul3A_892, %add3A_893 : i32
        %broadcast_in_dim3A_895 = arith.constant 6 : i32
        %broadcast_in_dim3A_896 = vector.broadcast %broadcast_in_dim3A_895 : i32 to vector<16x1xi32>
        %gather3A_897 = vector.shape_cast %broadcast_in_dim3A_896 : vector<16x1xi32> to vector<16xi32>
        %gather3A_898 = tpu.dynamic_gather %get3A_557[%gather3A_897] in [0] : vector<16xf32>, vector<16xi32> -> vector<16xf32>
        %get3A_899 = arith.index_cast %add3A_894 : i32 to index
        %get3A_900 = arith.constant 0 : index
        %get3A_901 = tpu.vector_load %arg12[%get3A_899, %get3A_900] {strides = array<i32>} : memref<128x64xf32, #tpu.memory_space<vmem>>, vector<16xf32>,
        %mul3A_902 = arith.mulf %gather3A_898, %get3A_130 : vector<16xf32>
        %add3A_903 = arith.addf %mul3A_902, %add3A_141 : vector<16xf32>
        %add3A_904 = arith.addf %get3A_901, %add3A_903 : vector<16xf32>
        %mul3A_905 = arith.constant 64 : i32
        %mul3A_906 = arith.muli %add3A_894, %mul3A_905 : i32
        %add3A_907 = arith.constant 0 : i32
        %add3A_908 = arith.addi %mul3A_906, %add3A_907 : i32
        %swap3A_909 = arith.index_cast %add3A_908 : i32 to index
        %swap3A_910 = tpu.vector_load %arg14[%swap3A_909] {strides = array<i32>} : memref<8192xf32, #tpu.memory_space<vmem>>, vector<16xf32>,
        tpu.vector_store %arg14[%swap3A_909], %add3A_904 {strides = array<i32>} : memref<8192xf32, #tpu.memory_space<vmem>>, vector<16xf32>,
        %get3A_911 = arith.index_cast %add3A_894 : i32 to index
        %get3A_912 = arith.constant 16 : index
        %get3A_913 = tpu.vector_load %arg12[%get3A_911, %get3A_912] {strides = array<i32>} : memref<128x64xf32, #tpu.memory_space<vmem>>, vector<16xf32>,
        %mul3A_914 = arith.mulf %gather3A_898, %get3A_132 : vector<16xf32>
        %add3A_915 = arith.addf %mul3A_914, %add3A_146 : vector<16xf32>
        %add3A_916 = arith.addf %get3A_913, %add3A_915 : vector<16xf32>
        %mul3A_917 = arith.constant 64 : i32
        %mul3A_918 = arith.muli %add3A_894, %mul3A_917 : i32
        %add3A_919 = arith.constant 16 : i32
        %add3A_920 = arith.addi %mul3A_918, %add3A_919 : i32
        %swap3A_921 = arith.index_cast %add3A_920 : i32 to index
        %swap3A_922 = tpu.vector_load %arg14[%swap3A_921] {strides = array<i32>} : memref<8192xf32, #tpu.memory_space<vmem>>, vector<16xf32>,
        tpu.vector_store %arg14[%swap3A_921], %add3A_916 {strides = array<i32>} : memref<8192xf32, #tpu.memory_space<vmem>>, vector<16xf32>,
        %get3A_923 = arith.index_cast %add3A_894 : i32 to index
        %get3A_924 = arith.constant 32 : index
        %get3A_925 = tpu.vector_load %arg12[%get3A_923, %get3A_924] {strides = array<i32>} : memref<128x64xf32, #tpu.memory_space<vmem>>, vector<16xf32>,
        %mul3A_926 = arith.mulf %gather3A_898, %get3A_134 : vector<16xf32>
        %add3A_927 = arith.addf %mul3A_926, %add3A_151 : vector<16xf32>
        %add3A_928 = arith.addf %get3A_925, %add3A_927 : vector<16xf32>
        %mul3A_929 = arith.constant 64 : i32
        %mul3A_930 = arith.muli %add3A_894, %mul3A_929 : i32
        %add3A_931 = arith.constant 32 : i32
        %add3A_932 = arith.addi %mul3A_930, %add3A_931 : i32
        %swap3A_933 = arith.index_cast %add3A_932 : i32 to index
        %swap3A_934 = tpu.vector_load %arg14[%swap3A_933] {strides = array<i32>} : memref<8192xf32, #tpu.memory_space<vmem>>, vector<16xf32>,
        tpu.vector_store %arg14[%swap3A_933], %add3A_928 {strides = array<i32>} : memref<8192xf32, #tpu.memory_space<vmem>>, vector<16xf32>,
        %get3A_935 = arith.index_cast %add3A_894 : i32 to index
        %get3A_936 = arith.constant 48 : index
        %get3A_937 = tpu.vector_load %arg12[%get3A_935, %get3A_936] {strides = array<i32>} : memref<128x64xf32, #tpu.memory_space<vmem>>, vector<16xf32>,
        %mul3A_938 = arith.mulf %gather3A_898, %get3A_136 : vector<16xf32>
        %add3A_939 = arith.addf %mul3A_938, %add3A_156 : vector<16xf32>
        %add3A_940 = arith.addf %get3A_937, %add3A_939 : vector<16xf32>
        %mul3A_941 = arith.constant 64 : i32
        %mul3A_942 = arith.muli %add3A_894, %mul3A_941 : i32
        %add3A_943 = arith.constant 48 : i32
        %add3A_944 = arith.addi %mul3A_942, %add3A_943 : i32
        %swap3A_945 = arith.index_cast %add3A_944 : i32 to index
        %swap3A_946 = tpu.vector_load %arg14[%swap3A_945] {strides = array<i32>} : memref<8192xf32, #tpu.memory_space<vmem>>, vector<16xf32>,
        tpu.vector_store %arg14[%swap3A_945], %add3A_940 {strides = array<i32>} : memref<8192xf32, #tpu.memory_space<vmem>>, vector<16xf32>,
        %mul3A_947 = arith.constant 16 : i32
        %mul3A_948 = arith.muli %scan3A_552, %mul3A_947 : i32
        %add3A_949 = arith.constant 7 : i32
        %add3A_950 = arith.addi %mul3A_948, %add3A_949 : i32
        %broadcast_in_dim3A_951 = arith.constant 7 : i32
        %broadcast_in_dim3A_952 = vector.broadcast %broadcast_in_dim3A_951 : i32 to vector<16x1xi32>
        %gather3A_953 = vector.shape_cast %broadcast_in_dim3A_952 : vector<16x1xi32> to vector<16xi32>
        %gather3A_954 = tpu.dynamic_gather %get3A_557[%gather3A_953] in [0] : vector<16xf32>, vector<16xi32> -> vector<16xf32>
        %get3A_955 = arith.index_cast %add3A_950 : i32 to index
        %get3A_956 = arith.constant 0 : index
        %get3A_957 = tpu.vector_load %arg12[%get3A_955, %get3A_956] {strides = array<i32>} : memref<128x64xf32, #tpu.memory_space<vmem>>, vector<16xf32>,
        %mul3A_958 = arith.mulf %gather3A_954, %get3A_130 : vector<16xf32>
        %add3A_959 = arith.addf %mul3A_958, %add3A_141 : vector<16xf32>
        %add3A_960 = arith.addf %get3A_957, %add3A_959 : vector<16xf32>
        %mul3A_961 = arith.constant 64 : i32
        %mul3A_962 = arith.muli %add3A_950, %mul3A_961 : i32
        %add3A_963 = arith.constant 0 : i32
        %add3A_964 = arith.addi %mul3A_962, %add3A_963 : i32
        %swap3A_965 = arith.index_cast %add3A_964 : i32 to index
        %swap3A_966 = tpu.vector_load %arg14[%swap3A_965] {strides = array<i32>} : memref<8192xf32, #tpu.memory_space<vmem>>, vector<16xf32>,
        tpu.vector_store %arg14[%swap3A_965], %add3A_960 {strides = array<i32>} : memref<8192xf32, #tpu.memory_space<vmem>>, vector<16xf32>,
        %get3A_967 = arith.index_cast %add3A_950 : i32 to index
        %get3A_968 = arith.constant 16 : index
        %get3A_969 = tpu.vector_load %arg12[%get3A_967, %get3A_968] {strides = array<i32>} : memref<128x64xf32, #tpu.memory_space<vmem>>, vector<16xf32>,
        %mul3A_970 = arith.mulf %gather3A_954, %get3A_132 : vector<16xf32>
        %add3A_971 = arith.addf %mul3A_970, %add3A_146 : vector<16xf32>
        %add3A_972 = arith.addf %get3A_969, %add3A_971 : vector<16xf32>
        %mul3A_973 = arith.constant 64 : i32
        %mul3A_974 = arith.muli %add3A_950, %mul3A_973 : i32
        %add3A_975 = arith.constant 16 : i32
        %add3A_976 = arith.addi %mul3A_974, %add3A_975 : i32
        %swap3A_977 = arith.index_cast %add3A_976 : i32 to index
        %swap3A_978 = tpu.vector_load %arg14[%swap3A_977] {strides = array<i32>} : memref<8192xf32, #tpu.memory_space<vmem>>, vector<16xf32>,
        tpu.vector_store %arg14[%swap3A_977], %add3A_972 {strides = array<i32>} : memref<8192xf32, #tpu.memory_space<vmem>>, vector<16xf32>,
        %get3A_979 = arith.index_cast %add3A_950 : i32 to index
        %get3A_980 = arith.constant 32 : index
        %get3A_981 = tpu.vector_load %arg12[%get3A_979, %get3A_980] {strides = array<i32>} : memref<128x64xf32, #tpu.memory_space<vmem>>, vector<16xf32>,
        %mul3A_982 = arith.mulf %gather3A_954, %get3A_134 : vector<16xf32>
        %add3A_983 = arith.addf %mul3A_982, %add3A_151 : vector<16xf32>
        %add3A_984 = arith.addf %get3A_981, %add3A_983 : vector<16xf32>
        %mul3A_985 = arith.constant 64 : i32
        %mul3A_986 = arith.muli %add3A_950, %mul3A_985 : i32
        %add3A_987 = arith.constant 32 : i32
        %add3A_988 = arith.addi %mul3A_986, %add3A_987 : i32
        %swap3A_989 = arith.index_cast %add3A_988 : i32 to index
        %swap3A_990 = tpu.vector_load %arg14[%swap3A_989] {strides = array<i32>} : memref<8192xf32, #tpu.memory_space<vmem>>, vector<16xf32>,
        tpu.vector_store %arg14[%swap3A_989], %add3A_984 {strides = array<i32>} : memref<8192xf32, #tpu.memory_space<vmem>>, vector<16xf32>,
        %get3A_991 = arith.index_cast %add3A_950 : i32 to index
        %get3A_992 = arith.constant 48 : index
        %get3A_993 = tpu.vector_load %arg12[%get3A_991, %get3A_992] {strides = array<i32>} : memref<128x64xf32, #tpu.memory_space<vmem>>, vector<16xf32>,
        %mul3A_994 = arith.mulf %gather3A_954, %get3A_136 : vector<16xf32>
        %add3A_995 = arith.addf %mul3A_994, %add3A_156 : vector<16xf32>
        %add3A_996 = arith.addf %get3A_993, %add3A_995 : vector<16xf32>
        %mul3A_997 = arith.constant 64 : i32
        %mul3A_998 = arith.muli %add3A_950, %mul3A_997 : i32
        %add3A_999 = arith.constant 48 : i32
        %add3A_1000 = arith.addi %mul3A_998, %add3A_999 : i32
        %swap3A_1001 = arith.index_cast %add3A_1000 : i32 to index
        %swap3A_1002 = tpu.vector_load %arg14[%swap3A_1001] {strides = array<i32>} : memref<8192xf32, #tpu.memory_space<vmem>>, vector<16xf32>,
        tpu.vector_store %arg14[%swap3A_1001], %add3A_996 {strides = array<i32>} : memref<8192xf32, #tpu.memory_space<vmem>>, vector<16xf32>,
        %mul3A_1003 = arith.constant 16 : i32
        %mul3A_1004 = arith.muli %scan3A_552, %mul3A_1003 : i32
        %add3A_1005 = arith.constant 8 : i32
        %add3A_1006 = arith.addi %mul3A_1004, %add3A_1005 : i32
        %broadcast_in_dim3A_1007 = arith.constant 8 : i32
        %broadcast_in_dim3A_1008 = vector.broadcast %broadcast_in_dim3A_1007 : i32 to vector<16x1xi32>
        %gather3A_1009 = vector.shape_cast %broadcast_in_dim3A_1008 : vector<16x1xi32> to vector<16xi32>
        %gather3A_1010 = tpu.dynamic_gather %get3A_557[%gather3A_1009] in [0] : vector<16xf32>, vector<16xi32> -> vector<16xf32>
        %get3A_1011 = arith.index_cast %add3A_1006 : i32 to index
        %get3A_1012 = arith.constant 0 : index
        %get3A_1013 = tpu.vector_load %arg12[%get3A_1011, %get3A_1012] {strides = array<i32>} : memref<128x64xf32, #tpu.memory_space<vmem>>, vector<16xf32>,
        %mul3A_1014 = arith.mulf %gather3A_1010, %get3A_130 : vector<16xf32>
        %add3A_1015 = arith.addf %mul3A_1014, %add3A_141 : vector<16xf32>
        %add3A_1016 = arith.addf %get3A_1013, %add3A_1015 : vector<16xf32>
        %mul3A_1017 = arith.constant 64 : i32
        %mul3A_1018 = arith.muli %add3A_1006, %mul3A_1017 : i32
        %add3A_1019 = arith.constant 0 : i32
        %add3A_1020 = arith.addi %mul3A_1018, %add3A_1019 : i32
        %swap3A_1021 = arith.index_cast %add3A_1020 : i32 to index
        %swap3A_1022 = tpu.vector_load %arg14[%swap3A_1021] {strides = array<i32>} : memref<8192xf32, #tpu.memory_space<vmem>>, vector<16xf32>,
        tpu.vector_store %arg14[%swap3A_1021], %add3A_1016 {strides = array<i32>} : memref<8192xf32, #tpu.memory_space<vmem>>, vector<16xf32>,
        %get3A_1023 = arith.index_cast %add3A_1006 : i32 to index
        %get3A_1024 = arith.constant 16 : index
        %get3A_1025 = tpu.vector_load %arg12[%get3A_1023, %get3A_1024] {strides = array<i32>} : memref<128x64xf32, #tpu.memory_space<vmem>>, vector<16xf32>,
        %mul3A_1026 = arith.mulf %gather3A_1010, %get3A_132 : vector<16xf32>
        %add3A_1027 = arith.addf %mul3A_1026, %add3A_146 : vector<16xf32>
        %add3A_1028 = arith.addf %get3A_1025, %add3A_1027 : vector<16xf32>
        %mul3A_1029 = arith.constant 64 : i32
        %mul3A_1030 = arith.muli %add3A_1006, %mul3A_1029 : i32
        %add3A_1031 = arith.constant 16 : i32
        %add3A_1032 = arith.addi %mul3A_1030, %add3A_1031 : i32
        %swap3A_1033 = arith.index_cast %add3A_1032 : i32 to index
        %swap3A_1034 = tpu.vector_load %arg14[%swap3A_1033] {strides = array<i32>} : memref<8192xf32, #tpu.memory_space<vmem>>, vector<16xf32>,
        tpu.vector_store %arg14[%swap3A_1033], %add3A_1028 {strides = array<i32>} : memref<8192xf32, #tpu.memory_space<vmem>>, vector<16xf32>,
        %get3A_1035 = arith.index_cast %add3A_1006 : i32 to index
        %get3A_1036 = arith.constant 32 : index
        %get3A_1037 = tpu.vector_load %arg12[%get3A_1035, %get3A_1036] {strides = array<i32>} : memref<128x64xf32, #tpu.memory_space<vmem>>, vector<16xf32>,
        %mul3A_1038 = arith.mulf %gather3A_1010, %get3A_134 : vector<16xf32>
        %add3A_1039 = arith.addf %mul3A_1038, %add3A_151 : vector<16xf32>
        %add3A_1040 = arith.addf %get3A_1037, %add3A_1039 : vector<16xf32>
        %mul3A_1041 = arith.constant 64 : i32
        %mul3A_1042 = arith.muli %add3A_1006, %mul3A_1041 : i32
        %add3A_1043 = arith.constant 32 : i32
        %add3A_1044 = arith.addi %mul3A_1042, %add3A_1043 : i32
        %swap3A_1045 = arith.index_cast %add3A_1044 : i32 to index
        %swap3A_1046 = tpu.vector_load %arg14[%swap3A_1045] {strides = array<i32>} : memref<8192xf32, #tpu.memory_space<vmem>>, vector<16xf32>,
        tpu.vector_store %arg14[%swap3A_1045], %add3A_1040 {strides = array<i32>} : memref<8192xf32, #tpu.memory_space<vmem>>, vector<16xf32>,
        %get3A_1047 = arith.index_cast %add3A_1006 : i32 to index
        %get3A_1048 = arith.constant 48 : index
        %get3A_1049 = tpu.vector_load %arg12[%get3A_1047, %get3A_1048] {strides = array<i32>} : memref<128x64xf32, #tpu.memory_space<vmem>>, vector<16xf32>,
        %mul3A_1050 = arith.mulf %gather3A_1010, %get3A_136 : vector<16xf32>
        %add3A_1051 = arith.addf %mul3A_1050, %add3A_156 : vector<16xf32>
        %add3A_1052 = arith.addf %get3A_1049, %add3A_1051 : vector<16xf32>
        %mul3A_1053 = arith.constant 64 : i32
        %mul3A_1054 = arith.muli %add3A_1006, %mul3A_1053 : i32
        %add3A_1055 = arith.constant 48 : i32
        %add3A_1056 = arith.addi %mul3A_1054, %add3A_1055 : i32
        %swap3A_1057 = arith.index_cast %add3A_1056 : i32 to index
        %swap3A_1058 = tpu.vector_load %arg14[%swap3A_1057] {strides = array<i32>} : memref<8192xf32, #tpu.memory_space<vmem>>, vector<16xf32>,
        tpu.vector_store %arg14[%swap3A_1057], %add3A_1052 {strides = array<i32>} : memref<8192xf32, #tpu.memory_space<vmem>>, vector<16xf32>,
        %mul3A_1059 = arith.constant 16 : i32
        %mul3A_1060 = arith.muli %scan3A_552, %mul3A_1059 : i32
        %add3A_1061 = arith.constant 9 : i32
        %add3A_1062 = arith.addi %mul3A_1060, %add3A_1061 : i32
        %broadcast_in_dim3A_1063 = arith.constant 9 : i32
        %broadcast_in_dim3A_1064 = vector.broadcast %broadcast_in_dim3A_1063 : i32 to vector<16x1xi32>
        %gather3A_1065 = vector.shape_cast %broadcast_in_dim3A_1064 : vector<16x1xi32> to vector<16xi32>
        %gather3A_1066 = tpu.dynamic_gather %get3A_557[%gather3A_1065] in [0] : vector<16xf32>, vector<16xi32> -> vector<16xf32>
        %get3A_1067 = arith.index_cast %add3A_1062 : i32 to index
        %get3A_1068 = arith.constant 0 : index
        %get3A_1069 = tpu.vector_load %arg12[%get3A_1067, %get3A_1068] {strides = array<i32>} : memref<128x64xf32, #tpu.memory_space<vmem>>, vector<16xf32>,
        %mul3A_1070 = arith.mulf %gather3A_1066, %get3A_130 : vector<16xf32>
        %add3A_1071 = arith.addf %mul3A_1070, %add3A_141 : vector<16xf32>
        %add3A_1072 = arith.addf %get3A_1069, %add3A_1071 : vector<16xf32>
        %mul3A_1073 = arith.constant 64 : i32
        %mul3A_1074 = arith.muli %add3A_1062, %mul3A_1073 : i32
        %add3A_1075 = arith.constant 0 : i32
        %add3A_1076 = arith.addi %mul3A_1074, %add3A_1075 : i32
        %swap3A_1077 = arith.index_cast %add3A_1076 : i32 to index
        %swap3A_1078 = tpu.vector_load %arg14[%swap3A_1077] {strides = array<i32>} : memref<8192xf32, #tpu.memory_space<vmem>>, vector<16xf32>,
        tpu.vector_store %arg14[%swap3A_1077], %add3A_1072 {strides = array<i32>} : memref<8192xf32, #tpu.memory_space<vmem>>, vector<16xf32>,
        %get3A_1079 = arith.index_cast %add3A_1062 : i32 to index
        %get3A_1080 = arith.constant 16 : index
        %get3A_1081 = tpu.vector_load %arg12[%get3A_1079, %get3A_1080] {strides = array<i32>} : memref<128x64xf32, #tpu.memory_space<vmem>>, vector<16xf32>,
        %mul3A_1082 = arith.mulf %gather3A_1066, %get3A_132 : vector<16xf32>
        %add3A_1083 = arith.addf %mul3A_1082, %add3A_146 : vector<16xf32>
        %add3A_1084 = arith.addf %get3A_1081, %add3A_1083 : vector<16xf32>
        %mul3A_1085 = arith.constant 64 : i32
        %mul3A_1086 = arith.muli %add3A_1062, %mul3A_1085 : i32
        %add3A_1087 = arith.constant 16 : i32
        %add3A_1088 = arith.addi %mul3A_1086, %add3A_1087 : i32
        %swap3A_1089 = arith.index_cast %add3A_1088 : i32 to index
        %swap3A_1090 = tpu.vector_load %arg14[%swap3A_1089] {strides = array<i32>} : memref<8192xf32, #tpu.memory_space<vmem>>, vector<16xf32>,
        tpu.vector_store %arg14[%swap3A_1089], %add3A_1084 {strides = array<i32>} : memref<8192xf32, #tpu.memory_space<vmem>>, vector<16xf32>,
        %get3A_1091 = arith.index_cast %add3A_1062 : i32 to index
        %get3A_1092 = arith.constant 32 : index
        %get3A_1093 = tpu.vector_load %arg12[%get3A_1091, %get3A_1092] {strides = array<i32>} : memref<128x64xf32, #tpu.memory_space<vmem>>, vector<16xf32>,
        %mul3A_1094 = arith.mulf %gather3A_1066, %get3A_134 : vector<16xf32>
        %add3A_1095 = arith.addf %mul3A_1094, %add3A_151 : vector<16xf32>
        %add3A_1096 = arith.addf %get3A_1093, %add3A_1095 : vector<16xf32>
        %mul3A_1097 = arith.constant 64 : i32
        %mul3A_1098 = arith.muli %add3A_1062, %mul3A_1097 : i32
        %add3A_1099 = arith.constant 32 : i32
        %add3A_1100 = arith.addi %mul3A_1098, %add3A_1099 : i32
        %swap3A_1101 = arith.index_cast %add3A_1100 : i32 to index
        %swap3A_1102 = tpu.vector_load %arg14[%swap3A_1101] {strides = array<i32>} : memref<8192xf32, #tpu.memory_space<vmem>>, vector<16xf32>,
        tpu.vector_store %arg14[%swap3A_1101], %add3A_1096 {strides = array<i32>} : memref<8192xf32, #tpu.memory_space<vmem>>, vector<16xf32>,
        %get3A_1103 = arith.index_cast %add3A_1062 : i32 to index
        %get3A_1104 = arith.constant 48 : index
        %get3A_1105 = tpu.vector_load %arg12[%get3A_1103, %get3A_1104] {strides = array<i32>} : memref<128x64xf32, #tpu.memory_space<vmem>>, vector<16xf32>,
        %mul3A_1106 = arith.mulf %gather3A_1066, %get3A_136 : vector<16xf32>
        %add3A_1107 = arith.addf %mul3A_1106, %add3A_156 : vector<16xf32>
        %add3A_1108 = arith.addf %get3A_1105, %add3A_1107 : vector<16xf32>
        %mul3A_1109 = arith.constant 64 : i32
        %mul3A_1110 = arith.muli %add3A_1062, %mul3A_1109 : i32
        %add3A_1111 = arith.constant 48 : i32
        %add3A_1112 = arith.addi %mul3A_1110, %add3A_1111 : i32
        %swap3A_1113 = arith.index_cast %add3A_1112 : i32 to index
        %swap3A_1114 = tpu.vector_load %arg14[%swap3A_1113] {strides = array<i32>} : memref<8192xf32, #tpu.memory_space<vmem>>, vector<16xf32>,
        tpu.vector_store %arg14[%swap3A_1113], %add3A_1108 {strides = array<i32>} : memref<8192xf32, #tpu.memory_space<vmem>>, vector<16xf32>,
        %mul3A_1115 = arith.constant 16 : i32
        %mul3A_1116 = arith.muli %scan3A_552, %mul3A_1115 : i32
        %add3A_1117 = arith.constant 10 : i32
        %add3A_1118 = arith.addi %mul3A_1116, %add3A_1117 : i32
        %broadcast_in_dim3A_1119 = arith.constant 10 : i32
        %broadcast_in_dim3A_1120 = vector.broadcast %broadcast_in_dim3A_1119 : i32 to vector<16x1xi32>
        %gather3A_1121 = vector.shape_cast %broadcast_in_dim3A_1120 : vector<16x1xi32> to vector<16xi32>
        %gather3A_1122 = tpu.dynamic_gather %get3A_557[%gather3A_1121] in [0] : vector<16xf32>, vector<16xi32> -> vector<16xf32>
        %get3A_1123 = arith.index_cast %add3A_1118 : i32 to index
        %get3A_1124 = arith.constant 0 : index
        %get3A_1125 = tpu.vector_load %arg12[%get3A_1123, %get3A_1124] {strides = array<i32>} : memref<128x64xf32, #tpu.memory_space<vmem>>, vector<16xf32>,
        %mul3A_1126 = arith.mulf %gather3A_1122, %get3A_130 : vector<16xf32>
        %add3A_1127 = arith.addf %mul3A_1126, %add3A_141 : vector<16xf32>
        %add3A_1128 = arith.addf %get3A_1125, %add3A_1127 : vector<16xf32>
        %mul3A_1129 = arith.constant 64 : i32
        %mul3A_1130 = arith.muli %add3A_1118, %mul3A_1129 : i32
        %add3A_1131 = arith.constant 0 : i32
        %add3A_1132 = arith.addi %mul3A_1130, %add3A_1131 : i32
        %swap3A_1133 = arith.index_cast %add3A_1132 : i32 to index
        %swap3A_1134 = tpu.vector_load %arg14[%swap3A_1133] {strides = array<i32>} : memref<8192xf32, #tpu.memory_space<vmem>>, vector<16xf32>,
        tpu.vector_store %arg14[%swap3A_1133], %add3A_1128 {strides = array<i32>} : memref<8192xf32, #tpu.memory_space<vmem>>, vector<16xf32>,
        %get3A_1135 = arith.index_cast %add3A_1118 : i32 to index
        %get3A_1136 = arith.constant 16 : index
        %get3A_1137 = tpu.vector_load %arg12[%get3A_1135, %get3A_1136] {strides = array<i32>} : memref<128x64xf32, #tpu.memory_space<vmem>>, vector<16xf32>,
        %mul3A_1138 = arith.mulf %gather3A_1122, %get3A_132 : vector<16xf32>
        %add3A_1139 = arith.addf %mul3A_1138, %add3A_146 : vector<16xf32>
        %add3A_1140 = arith.addf %get3A_1137, %add3A_1139 : vector<16xf32>
        %mul3A_1141 = arith.constant 64 : i32
        %mul3A_1142 = arith.muli %add3A_1118, %mul3A_1141 : i32
        %add3A_1143 = arith.constant 16 : i32
        %add3A_1144 = arith.addi %mul3A_1142, %add3A_1143 : i32
        %swap3A_1145 = arith.index_cast %add3A_1144 : i32 to index
        %swap3A_1146 = tpu.vector_load %arg14[%swap3A_1145] {strides = array<i32>} : memref<8192xf32, #tpu.memory_space<vmem>>, vector<16xf32>,
        tpu.vector_store %arg14[%swap3A_1145], %add3A_1140 {strides = array<i32>} : memref<8192xf32, #tpu.memory_space<vmem>>, vector<16xf32>,
        %get3A_1147 = arith.index_cast %add3A_1118 : i32 to index
        %get3A_1148 = arith.constant 32 : index
        %get3A_1149 = tpu.vector_load %arg12[%get3A_1147, %get3A_1148] {strides = array<i32>} : memref<128x64xf32, #tpu.memory_space<vmem>>, vector<16xf32>,
        %mul3A_1150 = arith.mulf %gather3A_1122, %get3A_134 : vector<16xf32>
        %add3A_1151 = arith.addf %mul3A_1150, %add3A_151 : vector<16xf32>
        %add3A_1152 = arith.addf %get3A_1149, %add3A_1151 : vector<16xf32>
        %mul3A_1153 = arith.constant 64 : i32
        %mul3A_1154 = arith.muli %add3A_1118, %mul3A_1153 : i32
        %add3A_1155 = arith.constant 32 : i32
        %add3A_1156 = arith.addi %mul3A_1154, %add3A_1155 : i32
        %swap3A_1157 = arith.index_cast %add3A_1156 : i32 to index
        %swap3A_1158 = tpu.vector_load %arg14[%swap3A_1157] {strides = array<i32>} : memref<8192xf32, #tpu.memory_space<vmem>>, vector<16xf32>,
        tpu.vector_store %arg14[%swap3A_1157], %add3A_1152 {strides = array<i32>} : memref<8192xf32, #tpu.memory_space<vmem>>, vector<16xf32>,
        %get3A_1159 = arith.index_cast %add3A_1118 : i32 to index
        %get3A_1160 = arith.constant 48 : index
        %get3A_1161 = tpu.vector_load %arg12[%get3A_1159, %get3A_1160] {strides = array<i32>} : memref<128x64xf32, #tpu.memory_space<vmem>>, vector<16xf32>,
        %mul3A_1162 = arith.mulf %gather3A_1122, %get3A_136 : vector<16xf32>
        %add3A_1163 = arith.addf %mul3A_1162, %add3A_156 : vector<16xf32>
        %add3A_1164 = arith.addf %get3A_1161, %add3A_1163 : vector<16xf32>
        %mul3A_1165 = arith.constant 64 : i32
        %mul3A_1166 = arith.muli %add3A_1118, %mul3A_1165 : i32
        %add3A_1167 = arith.constant 48 : i32
        %add3A_1168 = arith.addi %mul3A_1166, %add3A_1167 : i32
        %swap3A_1169 = arith.index_cast %add3A_1168 : i32 to index
        %swap3A_1170 = tpu.vector_load %arg14[%swap3A_1169] {strides = array<i32>} : memref<8192xf32, #tpu.memory_space<vmem>>, vector<16xf32>,
        tpu.vector_store %arg14[%swap3A_1169], %add3A_1164 {strides = array<i32>} : memref<8192xf32, #tpu.memory_space<vmem>>, vector<16xf32>,
        %mul3A_1171 = arith.constant 16 : i32
        %mul3A_1172 = arith.muli %scan3A_552, %mul3A_1171 : i32
        %add3A_1173 = arith.constant 11 : i32
        %add3A_1174 = arith.addi %mul3A_1172, %add3A_1173 : i32
        %broadcast_in_dim3A_1175 = arith.constant 11 : i32
        %broadcast_in_dim3A_1176 = vector.broadcast %broadcast_in_dim3A_1175 : i32 to vector<16x1xi32>
        %gather3A_1177 = vector.shape_cast %broadcast_in_dim3A_1176 : vector<16x1xi32> to vector<16xi32>
        %gather3A_1178 = tpu.dynamic_gather %get3A_557[%gather3A_1177] in [0] : vector<16xf32>, vector<16xi32> -> vector<16xf32>
        %get3A_1179 = arith.index_cast %add3A_1174 : i32 to index
        %get3A_1180 = arith.constant 0 : index
        %get3A_1181 = tpu.vector_load %arg12[%get3A_1179, %get3A_1180] {strides = array<i32>} : memref<128x64xf32, #tpu.memory_space<vmem>>, vector<16xf32>,
        %mul3A_1182 = arith.mulf %gather3A_1178, %get3A_130 : vector<16xf32>
        %add3A_1183 = arith.addf %mul3A_1182, %add3A_141 : vector<16xf32>
        %add3A_1184 = arith.addf %get3A_1181, %add3A_1183 : vector<16xf32>
        %mul3A_1185 = arith.constant 64 : i32
        %mul3A_1186 = arith.muli %add3A_1174, %mul3A_1185 : i32
        %add3A_1187 = arith.constant 0 : i32
        %add3A_1188 = arith.addi %mul3A_1186, %add3A_1187 : i32
        %swap3A_1189 = arith.index_cast %add3A_1188 : i32 to index
        %swap3A_1190 = tpu.vector_load %arg14[%swap3A_1189] {strides = array<i32>} : memref<8192xf32, #tpu.memory_space<vmem>>, vector<16xf32>,
        tpu.vector_store %arg14[%swap3A_1189], %add3A_1184 {strides = array<i32>} : memref<8192xf32, #tpu.memory_space<vmem>>, vector<16xf32>,
        %get3A_1191 = arith.index_cast %add3A_1174 : i32 to index
        %get3A_1192 = arith.constant 16 : index
        %get3A_1193 = tpu.vector_load %arg12[%get3A_1191, %get3A_1192] {strides = array<i32>} : memref<128x64xf32, #tpu.memory_space<vmem>>, vector<16xf32>,
        %mul3A_1194 = arith.mulf %gather3A_1178, %get3A_132 : vector<16xf32>
        %add3A_1195 = arith.addf %mul3A_1194, %add3A_146 : vector<16xf32>
        %add3A_1196 = arith.addf %get3A_1193, %add3A_1195 : vector<16xf32>
        %mul3A_1197 = arith.constant 64 : i32
        %mul3A_1198 = arith.muli %add3A_1174, %mul3A_1197 : i32
        %add3A_1199 = arith.constant 16 : i32
        %add3A_1200 = arith.addi %mul3A_1198, %add3A_1199 : i32
        %swap3A_1201 = arith.index_cast %add3A_1200 : i32 to index
        %swap3A_1202 = tpu.vector_load %arg14[%swap3A_1201] {strides = array<i32>} : memref<8192xf32, #tpu.memory_space<vmem>>, vector<16xf32>,
        tpu.vector_store %arg14[%swap3A_1201], %add3A_1196 {strides = array<i32>} : memref<8192xf32, #tpu.memory_space<vmem>>, vector<16xf32>,
        %get3A_1203 = arith.index_cast %add3A_1174 : i32 to index
        %get3A_1204 = arith.constant 32 : index
        %get3A_1205 = tpu.vector_load %arg12[%get3A_1203, %get3A_1204] {strides = array<i32>} : memref<128x64xf32, #tpu.memory_space<vmem>>, vector<16xf32>,
        %mul3A_1206 = arith.mulf %gather3A_1178, %get3A_134 : vector<16xf32>
        %add3A_1207 = arith.addf %mul3A_1206, %add3A_151 : vector<16xf32>
        %add3A_1208 = arith.addf %get3A_1205, %add3A_1207 : vector<16xf32>
        %mul3A_1209 = arith.constant 64 : i32
        %mul3A_1210 = arith.muli %add3A_1174, %mul3A_1209 : i32
        %add3A_1211 = arith.constant 32 : i32
        %add3A_1212 = arith.addi %mul3A_1210, %add3A_1211 : i32
        %swap3A_1213 = arith.index_cast %add3A_1212 : i32 to index
        %swap3A_1214 = tpu.vector_load %arg14[%swap3A_1213] {strides = array<i32>} : memref<8192xf32, #tpu.memory_space<vmem>>, vector<16xf32>,
        tpu.vector_store %arg14[%swap3A_1213], %add3A_1208 {strides = array<i32>} : memref<8192xf32, #tpu.memory_space<vmem>>, vector<16xf32>,
        %get3A_1215 = arith.index_cast %add3A_1174 : i32 to index
        %get3A_1216 = arith.constant 48 : index
        %get3A_1217 = tpu.vector_load %arg12[%get3A_1215, %get3A_1216] {strides = array<i32>} : memref<128x64xf32, #tpu.memory_space<vmem>>, vector<16xf32>,
        %mul3A_1218 = arith.mulf %gather3A_1178, %get3A_136 : vector<16xf32>
        %add3A_1219 = arith.addf %mul3A_1218, %add3A_156 : vector<16xf32>
        %add3A_1220 = arith.addf %get3A_1217, %add3A_1219 : vector<16xf32>
        %mul3A_1221 = arith.constant 64 : i32
        %mul3A_1222 = arith.muli %add3A_1174, %mul3A_1221 : i32
        %add3A_1223 = arith.constant 48 : i32
        %add3A_1224 = arith.addi %mul3A_1222, %add3A_1223 : i32
        %swap3A_1225 = arith.index_cast %add3A_1224 : i32 to index
        %swap3A_1226 = tpu.vector_load %arg14[%swap3A_1225] {strides = array<i32>} : memref<8192xf32, #tpu.memory_space<vmem>>, vector<16xf32>,
        tpu.vector_store %arg14[%swap3A_1225], %add3A_1220 {strides = array<i32>} : memref<8192xf32, #tpu.memory_space<vmem>>, vector<16xf32>,
        %mul3A_1227 = arith.constant 16 : i32
        %mul3A_1228 = arith.muli %scan3A_552, %mul3A_1227 : i32
        %add3A_1229 = arith.constant 12 : i32
        %add3A_1230 = arith.addi %mul3A_1228, %add3A_1229 : i32
        %broadcast_in_dim3A_1231 = arith.constant 12 : i32
        %broadcast_in_dim3A_1232 = vector.broadcast %broadcast_in_dim3A_1231 : i32 to vector<16x1xi32>
        %gather3A_1233 = vector.shape_cast %broadcast_in_dim3A_1232 : vector<16x1xi32> to vector<16xi32>
        %gather3A_1234 = tpu.dynamic_gather %get3A_557[%gather3A_1233] in [0] : vector<16xf32>, vector<16xi32> -> vector<16xf32>
        %get3A_1235 = arith.index_cast %add3A_1230 : i32 to index
        %get3A_1236 = arith.constant 0 : index
        %get3A_1237 = tpu.vector_load %arg12[%get3A_1235, %get3A_1236] {strides = array<i32>} : memref<128x64xf32, #tpu.memory_space<vmem>>, vector<16xf32>,
        %mul3A_1238 = arith.mulf %gather3A_1234, %get3A_130 : vector<16xf32>
        %add3A_1239 = arith.addf %mul3A_1238, %add3A_141 : vector<16xf32>
        %add3A_1240 = arith.addf %get3A_1237, %add3A_1239 : vector<16xf32>
        %mul3A_1241 = arith.constant 64 : i32
        %mul3A_1242 = arith.muli %add3A_1230, %mul3A_1241 : i32
        %add3A_1243 = arith.constant 0 : i32
        %add3A_1244 = arith.addi %mul3A_1242, %add3A_1243 : i32
        %swap3A_1245 = arith.index_cast %add3A_1244 : i32 to index
        %swap3A_1246 = tpu.vector_load %arg14[%swap3A_1245] {strides = array<i32>} : memref<8192xf32, #tpu.memory_space<vmem>>, vector<16xf32>,
        tpu.vector_store %arg14[%swap3A_1245], %add3A_1240 {strides = array<i32>} : memref<8192xf32, #tpu.memory_space<vmem>>, vector<16xf32>,
        %get3A_1247 = arith.index_cast %add3A_1230 : i32 to index
        %get3A_1248 = arith.constant 16 : index
        %get3A_1249 = tpu.vector_load %arg12[%get3A_1247, %get3A_1248] {strides = array<i32>} : memref<128x64xf32, #tpu.memory_space<vmem>>, vector<16xf32>,
        %mul3A_1250 = arith.mulf %gather3A_1234, %get3A_132 : vector<16xf32>
        %add3A_1251 = arith.addf %mul3A_1250, %add3A_146 : vector<16xf32>
        %add3A_1252 = arith.addf %get3A_1249, %add3A_1251 : vector<16xf32>
        %mul3A_1253 = arith.constant 64 : i32
        %mul3A_1254 = arith.muli %add3A_1230, %mul3A_1253 : i32
        %add3A_1255 = arith.constant 16 : i32
        %add3A_1256 = arith.addi %mul3A_1254, %add3A_1255 : i32
        %swap3A_1257 = arith.index_cast %add3A_1256 : i32 to index
        %swap3A_1258 = tpu.vector_load %arg14[%swap3A_1257] {strides = array<i32>} : memref<8192xf32, #tpu.memory_space<vmem>>, vector<16xf32>,
        tpu.vector_store %arg14[%swap3A_1257], %add3A_1252 {strides = array<i32>} : memref<8192xf32, #tpu.memory_space<vmem>>, vector<16xf32>,
        %get3A_1259 = arith.index_cast %add3A_1230 : i32 to index
        %get3A_1260 = arith.constant 32 : index
        %get3A_1261 = tpu.vector_load %arg12[%get3A_1259, %get3A_1260] {strides = array<i32>} : memref<128x64xf32, #tpu.memory_space<vmem>>, vector<16xf32>,
        %mul3A_1262 = arith.mulf %gather3A_1234, %get3A_134 : vector<16xf32>
        %add3A_1263 = arith.addf %mul3A_1262, %add3A_151 : vector<16xf32>
        %add3A_1264 = arith.addf %get3A_1261, %add3A_1263 : vector<16xf32>
        %mul3A_1265 = arith.constant 64 : i32
        %mul3A_1266 = arith.muli %add3A_1230, %mul3A_1265 : i32
        %add3A_1267 = arith.constant 32 : i32
        %add3A_1268 = arith.addi %mul3A_1266, %add3A_1267 : i32
        %swap3A_1269 = arith.index_cast %add3A_1268 : i32 to index
        %swap3A_1270 = tpu.vector_load %arg14[%swap3A_1269] {strides = array<i32>} : memref<8192xf32, #tpu.memory_space<vmem>>, vector<16xf32>,
        tpu.vector_store %arg14[%swap3A_1269], %add3A_1264 {strides = array<i32>} : memref<8192xf32, #tpu.memory_space<vmem>>, vector<16xf32>,
        %get3A_1271 = arith.index_cast %add3A_1230 : i32 to index
        %get3A_1272 = arith.constant 48 : index
        %get3A_1273 = tpu.vector_load %arg12[%get3A_1271, %get3A_1272] {strides = array<i32>} : memref<128x64xf32, #tpu.memory_space<vmem>>, vector<16xf32>,
        %mul3A_1274 = arith.mulf %gather3A_1234, %get3A_136 : vector<16xf32>
        %add3A_1275 = arith.addf %mul3A_1274, %add3A_156 : vector<16xf32>
        %add3A_1276 = arith.addf %get3A_1273, %add3A_1275 : vector<16xf32>
        %mul3A_1277 = arith.constant 64 : i32
        %mul3A_1278 = arith.muli %add3A_1230, %mul3A_1277 : i32
        %add3A_1279 = arith.constant 48 : i32
        %add3A_1280 = arith.addi %mul3A_1278, %add3A_1279 : i32
        %swap3A_1281 = arith.index_cast %add3A_1280 : i32 to index
        %swap3A_1282 = tpu.vector_load %arg14[%swap3A_1281] {strides = array<i32>} : memref<8192xf32, #tpu.memory_space<vmem>>, vector<16xf32>,
        tpu.vector_store %arg14[%swap3A_1281], %add3A_1276 {strides = array<i32>} : memref<8192xf32, #tpu.memory_space<vmem>>, vector<16xf32>,
        %mul3A_1283 = arith.constant 16 : i32
        %mul3A_1284 = arith.muli %scan3A_552, %mul3A_1283 : i32
        %add3A_1285 = arith.constant 13 : i32
        %add3A_1286 = arith.addi %mul3A_1284, %add3A_1285 : i32
        %broadcast_in_dim3A_1287 = arith.constant 13 : i32
        %broadcast_in_dim3A_1288 = vector.broadcast %broadcast_in_dim3A_1287 : i32 to vector<16x1xi32>
        %gather3A_1289 = vector.shape_cast %broadcast_in_dim3A_1288 : vector<16x1xi32> to vector<16xi32>
        %gather3A_1290 = tpu.dynamic_gather %get3A_557[%gather3A_1289] in [0] : vector<16xf32>, vector<16xi32> -> vector<16xf32>
        %get3A_1291 = arith.index_cast %add3A_1286 : i32 to index
        %get3A_1292 = arith.constant 0 : index
        %get3A_1293 = tpu.vector_load %arg12[%get3A_1291, %get3A_1292] {strides = array<i32>} : memref<128x64xf32, #tpu.memory_space<vmem>>, vector<16xf32>,
        %mul3A_1294 = arith.mulf %gather3A_1290, %get3A_130 : vector<16xf32>
        %add3A_1295 = arith.addf %mul3A_1294, %add3A_141 : vector<16xf32>
        %add3A_1296 = arith.addf %get3A_1293, %add3A_1295 : vector<16xf32>
        %mul3A_1297 = arith.constant 64 : i32
        %mul3A_1298 = arith.muli %add3A_1286, %mul3A_1297 : i32
        %add3A_1299 = arith.constant 0 : i32
        %add3A_1300 = arith.addi %mul3A_1298, %add3A_1299 : i32
        %swap3A_1301 = arith.index_cast %add3A_1300 : i32 to index
        %swap3A_1302 = tpu.vector_load %arg14[%swap3A_1301] {strides = array<i32>} : memref<8192xf32, #tpu.memory_space<vmem>>, vector<16xf32>,
        tpu.vector_store %arg14[%swap3A_1301], %add3A_1296 {strides = array<i32>} : memref<8192xf32, #tpu.memory_space<vmem>>, vector<16xf32>,
        %get3A_1303 = arith.index_cast %add3A_1286 : i32 to index
        %get3A_1304 = arith.constant 16 : index
        %get3A_1305 = tpu.vector_load %arg12[%get3A_1303, %get3A_1304] {strides = array<i32>} : memref<128x64xf32, #tpu.memory_space<vmem>>, vector<16xf32>,
        %mul3A_1306 = arith.mulf %gather3A_1290, %get3A_132 : vector<16xf32>
        %add3A_1307 = arith.addf %mul3A_1306, %add3A_146 : vector<16xf32>
        %add3A_1308 = arith.addf %get3A_1305, %add3A_1307 : vector<16xf32>
        %mul3A_1309 = arith.constant 64 : i32
        %mul3A_1310 = arith.muli %add3A_1286, %mul3A_1309 : i32
        %add3A_1311 = arith.constant 16 : i32
        %add3A_1312 = arith.addi %mul3A_1310, %add3A_1311 : i32
        %swap3A_1313 = arith.index_cast %add3A_1312 : i32 to index
        %swap3A_1314 = tpu.vector_load %arg14[%swap3A_1313] {strides = array<i32>} : memref<8192xf32, #tpu.memory_space<vmem>>, vector<16xf32>,
        tpu.vector_store %arg14[%swap3A_1313], %add3A_1308 {strides = array<i32>} : memref<8192xf32, #tpu.memory_space<vmem>>, vector<16xf32>,
        %get3A_1315 = arith.index_cast %add3A_1286 : i32 to index
        %get3A_1316 = arith.constant 32 : index
        %get3A_1317 = tpu.vector_load %arg12[%get3A_1315, %get3A_1316] {strides = array<i32>} : memref<128x64xf32, #tpu.memory_space<vmem>>, vector<16xf32>,
        %mul3A_1318 = arith.mulf %gather3A_1290, %get3A_134 : vector<16xf32>
        %add3A_1319 = arith.addf %mul3A_1318, %add3A_151 : vector<16xf32>
        %add3A_1320 = arith.addf %get3A_1317, %add3A_1319 : vector<16xf32>
        %mul3A_1321 = arith.constant 64 : i32
        %mul3A_1322 = arith.muli %add3A_1286, %mul3A_1321 : i32
        %add3A_1323 = arith.constant 32 : i32
        %add3A_1324 = arith.addi %mul3A_1322, %add3A_1323 : i32
        %swap3A_1325 = arith.index_cast %add3A_1324 : i32 to index
        %swap3A_1326 = tpu.vector_load %arg14[%swap3A_1325] {strides = array<i32>} : memref<8192xf32, #tpu.memory_space<vmem>>, vector<16xf32>,
        tpu.vector_store %arg14[%swap3A_1325], %add3A_1320 {strides = array<i32>} : memref<8192xf32, #tpu.memory_space<vmem>>, vector<16xf32>,
        %get3A_1327 = arith.index_cast %add3A_1286 : i32 to index
        %get3A_1328 = arith.constant 48 : index
        %get3A_1329 = tpu.vector_load %arg12[%get3A_1327, %get3A_1328] {strides = array<i32>} : memref<128x64xf32, #tpu.memory_space<vmem>>, vector<16xf32>,
        %mul3A_1330 = arith.mulf %gather3A_1290, %get3A_136 : vector<16xf32>
        %add3A_1331 = arith.addf %mul3A_1330, %add3A_156 : vector<16xf32>
        %add3A_1332 = arith.addf %get3A_1329, %add3A_1331 : vector<16xf32>
        %mul3A_1333 = arith.constant 64 : i32
        %mul3A_1334 = arith.muli %add3A_1286, %mul3A_1333 : i32
        %add3A_1335 = arith.constant 48 : i32
        %add3A_1336 = arith.addi %mul3A_1334, %add3A_1335 : i32
        %swap3A_1337 = arith.index_cast %add3A_1336 : i32 to index
        %swap3A_1338 = tpu.vector_load %arg14[%swap3A_1337] {strides = array<i32>} : memref<8192xf32, #tpu.memory_space<vmem>>, vector<16xf32>,
        tpu.vector_store %arg14[%swap3A_1337], %add3A_1332 {strides = array<i32>} : memref<8192xf32, #tpu.memory_space<vmem>>, vector<16xf32>,
        %mul3A_1339 = arith.constant 16 : i32
        %mul3A_1340 = arith.muli %scan3A_552, %mul3A_1339 : i32
        %add3A_1341 = arith.constant 14 : i32
        %add3A_1342 = arith.addi %mul3A_1340, %add3A_1341 : i32
        %broadcast_in_dim3A_1343 = arith.constant 14 : i32
        %broadcast_in_dim3A_1344 = vector.broadcast %broadcast_in_dim3A_1343 : i32 to vector<16x1xi32>
        %gather3A_1345 = vector.shape_cast %broadcast_in_dim3A_1344 : vector<16x1xi32> to vector<16xi32>
        %gather3A_1346 = tpu.dynamic_gather %get3A_557[%gather3A_1345] in [0] : vector<16xf32>, vector<16xi32> -> vector<16xf32>
        %get3A_1347 = arith.index_cast %add3A_1342 : i32 to index
        %get3A_1348 = arith.constant 0 : index
        %get3A_1349 = tpu.vector_load %arg12[%get3A_1347, %get3A_1348] {strides = array<i32>} : memref<128x64xf32, #tpu.memory_space<vmem>>, vector<16xf32>,
        %mul3A_1350 = arith.mulf %gather3A_1346, %get3A_130 : vector<16xf32>
        %add3A_1351 = arith.addf %mul3A_1350, %add3A_141 : vector<16xf32>
        %add3A_1352 = arith.addf %get3A_1349, %add3A_1351 : vector<16xf32>
        %mul3A_1353 = arith.constant 64 : i32
        %mul3A_1354 = arith.muli %add3A_1342, %mul3A_1353 : i32
        %add3A_1355 = arith.constant 0 : i32
        %add3A_1356 = arith.addi %mul3A_1354, %add3A_1355 : i32
        %swap3A_1357 = arith.index_cast %add3A_1356 : i32 to index
        %swap3A_1358 = tpu.vector_load %arg14[%swap3A_1357] {strides = array<i32>} : memref<8192xf32, #tpu.memory_space<vmem>>, vector<16xf32>,
        tpu.vector_store %arg14[%swap3A_1357], %add3A_1352 {strides = array<i32>} : memref<8192xf32, #tpu.memory_space<vmem>>, vector<16xf32>,
        %get3A_1359 = arith.index_cast %add3A_1342 : i32 to index
        %get3A_1360 = arith.constant 16 : index
        %get3A_1361 = tpu.vector_load %arg12[%get3A_1359, %get3A_1360] {strides = array<i32>} : memref<128x64xf32, #tpu.memory_space<vmem>>, vector<16xf32>,
        %mul3A_1362 = arith.mulf %gather3A_1346, %get3A_132 : vector<16xf32>
        %add3A_1363 = arith.addf %mul3A_1362, %add3A_146 : vector<16xf32>
        %add3A_1364 = arith.addf %get3A_1361, %add3A_1363 : vector<16xf32>
        %mul3A_1365 = arith.constant 64 : i32
        %mul3A_1366 = arith.muli %add3A_1342, %mul3A_1365 : i32
        %add3A_1367 = arith.constant 16 : i32
        %add3A_1368 = arith.addi %mul3A_1366, %add3A_1367 : i32
        %swap3A_1369 = arith.index_cast %add3A_1368 : i32 to index
        %swap3A_1370 = tpu.vector_load %arg14[%swap3A_1369] {strides = array<i32>} : memref<8192xf32, #tpu.memory_space<vmem>>, vector<16xf32>,
        tpu.vector_store %arg14[%swap3A_1369], %add3A_1364 {strides = array<i32>} : memref<8192xf32, #tpu.memory_space<vmem>>, vector<16xf32>,
        %get3A_1371 = arith.index_cast %add3A_1342 : i32 to index
        %get3A_1372 = arith.constant 32 : index
        %get3A_1373 = tpu.vector_load %arg12[%get3A_1371, %get3A_1372] {strides = array<i32>} : memref<128x64xf32, #tpu.memory_space<vmem>>, vector<16xf32>,
        %mul3A_1374 = arith.mulf %gather3A_1346, %get3A_134 : vector<16xf32>
        %add3A_1375 = arith.addf %mul3A_1374, %add3A_151 : vector<16xf32>
        %add3A_1376 = arith.addf %get3A_1373, %add3A_1375 : vector<16xf32>
        %mul3A_1377 = arith.constant 64 : i32
        %mul3A_1378 = arith.muli %add3A_1342, %mul3A_1377 : i32
        %add3A_1379 = arith.constant 32 : i32
        %add3A_1380 = arith.addi %mul3A_1378, %add3A_1379 : i32
        %swap3A_1381 = arith.index_cast %add3A_1380 : i32 to index
        %swap3A_1382 = tpu.vector_load %arg14[%swap3A_1381] {strides = array<i32>} : memref<8192xf32, #tpu.memory_space<vmem>>, vector<16xf32>,
        tpu.vector_store %arg14[%swap3A_1381], %add3A_1376 {strides = array<i32>} : memref<8192xf32, #tpu.memory_space<vmem>>, vector<16xf32>,
        %get3A_1383 = arith.index_cast %add3A_1342 : i32 to index
        %get3A_1384 = arith.constant 48 : index
        %get3A_1385 = tpu.vector_load %arg12[%get3A_1383, %get3A_1384] {strides = array<i32>} : memref<128x64xf32, #tpu.memory_space<vmem>>, vector<16xf32>,
        %mul3A_1386 = arith.mulf %gather3A_1346, %get3A_136 : vector<16xf32>
        %add3A_1387 = arith.addf %mul3A_1386, %add3A_156 : vector<16xf32>
        %add3A_1388 = arith.addf %get3A_1385, %add3A_1387 : vector<16xf32>
        %mul3A_1389 = arith.constant 64 : i32
        %mul3A_1390 = arith.muli %add3A_1342, %mul3A_1389 : i32
        %add3A_1391 = arith.constant 48 : i32
        %add3A_1392 = arith.addi %mul3A_1390, %add3A_1391 : i32
        %swap3A_1393 = arith.index_cast %add3A_1392 : i32 to index
        %swap3A_1394 = tpu.vector_load %arg14[%swap3A_1393] {strides = array<i32>} : memref<8192xf32, #tpu.memory_space<vmem>>, vector<16xf32>,
        tpu.vector_store %arg14[%swap3A_1393], %add3A_1388 {strides = array<i32>} : memref<8192xf32, #tpu.memory_space<vmem>>, vector<16xf32>,
        %mul3A_1395 = arith.constant 16 : i32
        %mul3A_1396 = arith.muli %scan3A_552, %mul3A_1395 : i32
        %add3A_1397 = arith.constant 15 : i32
        %add3A_1398 = arith.addi %mul3A_1396, %add3A_1397 : i32
        %broadcast_in_dim3A_1399 = arith.constant 15 : i32
        %broadcast_in_dim3A_1400 = vector.broadcast %broadcast_in_dim3A_1399 : i32 to vector<16x1xi32>
        %gather3A_1401 = vector.shape_cast %broadcast_in_dim3A_1400 : vector<16x1xi32> to vector<16xi32>
        %gather3A_1402 = tpu.dynamic_gather %get3A_557[%gather3A_1401] in [0] : vector<16xf32>, vector<16xi32> -> vector<16xf32>
        %get3A_1403 = arith.index_cast %add3A_1398 : i32 to index
        %get3A_1404 = arith.constant 0 : index
        %get3A_1405 = tpu.vector_load %arg12[%get3A_1403, %get3A_1404] {strides = array<i32>} : memref<128x64xf32, #tpu.memory_space<vmem>>, vector<16xf32>,
        %mul3A_1406 = arith.mulf %gather3A_1402, %get3A_130 : vector<16xf32>
        %add3A_1407 = arith.addf %mul3A_1406, %add3A_141 : vector<16xf32>
        %add3A_1408 = arith.addf %get3A_1405, %add3A_1407 : vector<16xf32>
        %mul3A_1409 = arith.constant 64 : i32
        %mul3A_1410 = arith.muli %add3A_1398, %mul3A_1409 : i32
        %add3A_1411 = arith.constant 0 : i32
        %add3A_1412 = arith.addi %mul3A_1410, %add3A_1411 : i32
        %swap3A_1413 = arith.index_cast %add3A_1412 : i32 to index
        %swap3A_1414 = tpu.vector_load %arg14[%swap3A_1413] {strides = array<i32>} : memref<8192xf32, #tpu.memory_space<vmem>>, vector<16xf32>,
        tpu.vector_store %arg14[%swap3A_1413], %add3A_1408 {strides = array<i32>} : memref<8192xf32, #tpu.memory_space<vmem>>, vector<16xf32>,
        %get3A_1415 = arith.index_cast %add3A_1398 : i32 to index
        %get3A_1416 = arith.constant 16 : index
        %get3A_1417 = tpu.vector_load %arg12[%get3A_1415, %get3A_1416] {strides = array<i32>} : memref<128x64xf32, #tpu.memory_space<vmem>>, vector<16xf32>,
        %mul3A_1418 = arith.mulf %gather3A_1402, %get3A_132 : vector<16xf32>
        %add3A_1419 = arith.addf %mul3A_1418, %add3A_146 : vector<16xf32>
        %add3A_1420 = arith.addf %get3A_1417, %add3A_1419 : vector<16xf32>
        %mul3A_1421 = arith.constant 64 : i32
        %mul3A_1422 = arith.muli %add3A_1398, %mul3A_1421 : i32
        %add3A_1423 = arith.constant 16 : i32
        %add3A_1424 = arith.addi %mul3A_1422, %add3A_1423 : i32
        %swap3A_1425 = arith.index_cast %add3A_1424 : i32 to index
        %swap3A_1426 = tpu.vector_load %arg14[%swap3A_1425] {strides = array<i32>} : memref<8192xf32, #tpu.memory_space<vmem>>, vector<16xf32>,
        tpu.vector_store %arg14[%swap3A_1425], %add3A_1420 {strides = array<i32>} : memref<8192xf32, #tpu.memory_space<vmem>>, vector<16xf32>,
        %get3A_1427 = arith.index_cast %add3A_1398 : i32 to index
        %get3A_1428 = arith.constant 32 : index
        %get3A_1429 = tpu.vector_load %arg12[%get3A_1427, %get3A_1428] {strides = array<i32>} : memref<128x64xf32, #tpu.memory_space<vmem>>, vector<16xf32>,
        %mul3A_1430 = arith.mulf %gather3A_1402, %get3A_134 : vector<16xf32>
        %add3A_1431 = arith.addf %mul3A_1430, %add3A_151 : vector<16xf32>
        %add3A_1432 = arith.addf %get3A_1429, %add3A_1431 : vector<16xf32>
        %mul3A_1433 = arith.constant 64 : i32
        %mul3A_1434 = arith.muli %add3A_1398, %mul3A_1433 : i32
        %add3A_1435 = arith.constant 32 : i32
        %add3A_1436 = arith.addi %mul3A_1434, %add3A_1435 : i32
        %swap3A_1437 = arith.index_cast %add3A_1436 : i32 to index
        %swap3A_1438 = tpu.vector_load %arg14[%swap3A_1437] {strides = array<i32>} : memref<8192xf32, #tpu.memory_space<vmem>>, vector<16xf32>,
        tpu.vector_store %arg14[%swap3A_1437], %add3A_1432 {strides = array<i32>} : memref<8192xf32, #tpu.memory_space<vmem>>, vector<16xf32>,
        %get3A_1439 = arith.index_cast %add3A_1398 : i32 to index
        %get3A_1440 = arith.constant 48 : index
        %get3A_1441 = tpu.vector_load %arg12[%get3A_1439, %get3A_1440] {strides = array<i32>} : memref<128x64xf32, #tpu.memory_space<vmem>>, vector<16xf32>,
        %mul3A_1442 = arith.mulf %gather3A_1402, %get3A_136 : vector<16xf32>
        %add3A_1443 = arith.addf %mul3A_1442, %add3A_156 : vector<16xf32>
        %add3A_1444 = arith.addf %get3A_1441, %add3A_1443 : vector<16xf32>
        %mul3A_1445 = arith.constant 64 : i32
        %mul3A_1446 = arith.muli %add3A_1398, %mul3A_1445 : i32
        %add3A_1447 = arith.constant 48 : i32
        %add3A_1448 = arith.addi %mul3A_1446, %add3A_1447 : i32
        %swap3A_1449 = arith.index_cast %add3A_1448 : i32 to index
        %swap3A_1450 = tpu.vector_load %arg14[%swap3A_1449] {strides = array<i32>} : memref<8192xf32, #tpu.memory_space<vmem>>, vector<16xf32>,
        tpu.vector_store %arg14[%swap3A_1449], %add3A_1444 {strides = array<i32>} : memref<8192xf32, #tpu.memory_space<vmem>>, vector<16xf32>,
      }
      %scan3A_452 = arith.constant 8 : i32
      %scan3A_453 = arith.constant 0 : i32
      %scan3A_454 = arith.constant 0 : i32
      %scan3A_455 = arith.constant 64 : i32
      %scan3A_456 = arith.addi %scan3A_454, %scan3A_455 : i32
      %scan3A_457 = arith.constant 1 : i32
      scf.for %scan3A_552 = %scan3A_454 to %scan3A_456 step %scan3A_457  : i32 {
        %mul3A_553 = arith.constant 128 : i32
        %mul3A_554 = arith.muli %scan3A_552, %mul3A_553 : i32
        %mul3A_555 = arith.constant 8192 : i32
        %mul3A_556 = arith.muli %select_n3A_348, %mul3A_555 : i32
        %add3A_557 = arith.addi %mul3A_2, %mul3A_556 : i32
        %dma_start3A_558 = tpu.memref_slice %arg14[%mul3A_554] : memref<8192xf32, #tpu.memory_space<vmem>> -> memref<128xf32, #tpu.memory_space<vmem>>
        %dma_start3A_559 = arith.constant 0 : i32
        %dma_start3A_560 = tpu.memref_slice %arg16[%scan3A_552, %dma_start3A_559] : memref<64x128xi32, #tpu.memory_space<vmem>> -> memref<1x128xi32, #tpu.memory_space<vmem>>
        %dma_start3A_561 = tpu.memref_squeeze %dma_start3A_560 : memref<1x128xi32, #tpu.memory_space<vmem>> -> memref<128xi32, #tpu.memory_space<vmem>>
        %dma_start3A_562 = tpu.memref_slice %arg19[%add3A_557] : memref<393216xf32, #tpu.memory_space<vmem_shared>> -> memref<8192xf32, #tpu.memory_space<vmem_shared>>
        %dma_start3A_563 = arith.constant 0 : i32
        %dma_start3A_564 = tpu.memref_slice %dma_start3A_562[%dma_start3A_563] : memref<8192xf32, #tpu.memory_space<vmem_shared>> -> memref<8192xf32, #tpu.memory_space<vmem_shared>>
        tpu.enqueue_indirect_dma source(%dma_start3A_558 : memref<128xf32, #tpu.memory_space<vmem>>) target(%dma_start3A_564 : memref<8192xf32, #tpu.memory_space<vmem_shared>>) offsets(%dma_start3A_561 : memref<128xi32, #tpu.memory_space<vmem>>) semaphore(%arg23 : memref<!tpu.dma_semaphore, #tpu.memory_space<semaphore_mem>>)
      }
      %scan3A_458 = arith.constant 64 : i32
      %mul3A_459 = arith.constant 2 : i32
      %mul3A_460 = arith.muli %mul3A_459, %scan3A_335 : i32
      %add3A_461 = arith.constant 1 : i32
      %add3A_462 = arith.addi %mul3A_460, %add3A_461 : i32
      %jit3A_463 = arith.constant 3 : i32
      %eq3A_464 = arith.constant 0 : i32
      %eq3A_465 = arith.cmpi eq, %jit3A_463, %eq3A_464 : i32
      %jit3A_466 = arith.constant 1 : i32
      %select_n3A_467 = arith.select %eq3A_465, %jit3A_466, %jit3A_463 : i32
      %rem3A_468 = arith.remsi %add3A_462, %select_n3A_467 : i32
      %ne3A_469 = arith.constant 0 : i32
      %ne3A_470 = arith.cmpi ne, %rem3A_468, %ne3A_469 : i32
      %lt3A_471 = arith.constant 0 : i32
      %lt3A_472 = arith.cmpi slt, %rem3A_468, %lt3A_471 : i32
      %lt3A_473 = arith.constant 0 : i32
      %lt3A_474 = arith.cmpi slt, %select_n3A_467, %lt3A_473 : i32
      %ne3A_475 = arith.xori %lt3A_472, %lt3A_474 : i1
      %and3A_476 = arith.andi %ne3A_475, %ne3A_470 : i1
      %add3A_477 = arith.addi %rem3A_468, %select_n3A_467 : i32
      %select_n3A_478 = arith.select %and3A_476, %add3A_477, %rem3A_468 : i32
      %gt3A_479 = arith.constant 0 : i32
      %gt3A_480 = arith.cmpi sgt, %scan3A_335, %gt3A_479 : i32
      %convert_element_type3A_481 = arith.extui %gt3A_480 : i1 to i32
      %cond3A_482 = arith.constant 0 : i32
      %cond3A_483 = arith.cmpi ne, %convert_element_type3A_481, %cond3A_482 : i32
      scf.if %cond3A_483 {
        %mul3A_552 = arith.constant 8192 : i32
        %mul3A_553 = arith.muli %select_n3A_478, %mul3A_552 : i32
        %add3A_554 = arith.addi %mul3A_2, %mul3A_553 : i32
        %mul3A_555 = arith.constant 1024 : i32
        %mul3A_556 = arith.muli %add3A, %mul3A_555 : i32
        %mul3A_557 = arith.constant 8 : i32
        %mul3A_558 = arith.muli %mul3A_556, %mul3A_557 : i32
        %dma_wait3A_559 = tpu.memref_slice %arg8[%mul3A_558] : memref<52428800xf32, #tpu.memory_space<hbm>> -> memref<8192xf32, #tpu.memory_space<hbm>>
        %dma_wait3A_560 = tpu.memref_slice %arg19[%add3A_554] : memref<393216xf32, #tpu.memory_space<vmem_shared>> -> memref<8192xf32, #tpu.memory_space<vmem_shared>>
        tpu.wait_dma2 semaphore(%arg25 : memref<!tpu.dma_semaphore, #tpu.memory_space<semaphore_mem>>) src(%dma_wait3A_560 : memref<8192xf32, #tpu.memory_space<vmem_shared>>) dst(%dma_wait3A_559 : memref<8192xf32, #tpu.memory_space<hbm>>)
      } else {
      }
      %gt3A_484 = arith.constant 0 : i32
      %gt3A_485 = arith.cmpi sgt, %scan3A_335, %gt3A_484 : i32
      %convert_element_type3A_486 = arith.extui %gt3A_485 : i1 to i32
      %cond3A_487 = arith.constant 0 : i32
      %cond3A_488 = arith.cmpi ne, %convert_element_type3A_486, %cond3A_487 : i32
      scf.if %cond3A_488 {
        %sub3A_552 = arith.constant 2 : i32
        %sub3A_553 = arith.subi %add3A_462, %sub3A_552 : i32
        %jit3A_554 = arith.constant 3 : i32
        %eq3A_555 = arith.constant 0 : i32
        %eq3A_556 = arith.cmpi eq, %jit3A_554, %eq3A_555 : i32
        %jit3A_557 = arith.constant 1 : i32
        %select_n3A_558 = arith.select %eq3A_556, %jit3A_557, %jit3A_554 : i32
        %rem3A_559 = arith.remsi %sub3A_553, %select_n3A_558 : i32
        %ne3A_560 = arith.constant 0 : i32
        %ne3A_561 = arith.cmpi ne, %rem3A_559, %ne3A_560 : i32
        %lt3A_562 = arith.constant 0 : i32
        %lt3A_563 = arith.cmpi slt, %rem3A_559, %lt3A_562 : i32
        %lt3A_564 = arith.constant 0 : i32
        %lt3A_565 = arith.cmpi slt, %select_n3A_558, %lt3A_564 : i32
        %ne3A_566 = arith.xori %lt3A_563, %lt3A_565 : i1
        %and3A_567 = arith.andi %ne3A_566, %ne3A_561 : i1
        %add3A_568 = arith.addi %rem3A_559, %select_n3A_558 : i32
        %select_n3A_569 = arith.select %and3A_567, %add3A_568, %rem3A_559 : i32
        %mul3A_570 = arith.constant 8192 : i32
        %mul3A_571 = arith.muli %select_n3A_569, %mul3A_570 : i32
        %add3A_572 = arith.addi %mul3A_2, %mul3A_571 : i32
        %dma_wait3A_573 = tpu.memref_slice %arg19[%add3A_572] : memref<393216xf32, #tpu.memory_space<vmem_shared>> -> memref<8192xf32, #tpu.memory_space<vmem_shared>>
        %dma_wait3A_574 = tpu.memref_slice %arg19[%add3A_572] : memref<393216xf32, #tpu.memory_space<vmem_shared>> -> memref<8192xf32, #tpu.memory_space<vmem_shared>>
        tpu.wait_dma2 semaphore(%arg24 : memref<!tpu.dma_semaphore, #tpu.memory_space<semaphore_mem>>) src(%arg15 : memref<8192xf32, #tpu.memory_space<vmem>>) dst(%dma_wait3A_574 : memref<8192xf32, #tpu.memory_space<vmem_shared>>)
        %sub3A_575 = arith.constant 2 : i32
        %sub3A_576 = arith.subi %add3A_462, %sub3A_575 : i32
        %sub3A_577 = arith.constant 2 : i32
        %sub3A_578 = arith.subi %add3A_462, %sub3A_577 : i32
        %jit3A_579 = arith.constant 3 : i32
        %eq3A_580 = arith.constant 0 : i32
        %eq3A_581 = arith.cmpi eq, %jit3A_579, %eq3A_580 : i32
        %jit3A_582 = arith.constant 1 : i32
        %select_n3A_583 = arith.select %eq3A_581, %jit3A_582, %jit3A_579 : i32
        %rem3A_584 = arith.remsi %sub3A_578, %select_n3A_583 : i32
        %ne3A_585 = arith.constant 0 : i32
        %ne3A_586 = arith.cmpi ne, %rem3A_584, %ne3A_585 : i32
        %lt3A_587 = arith.constant 0 : i32
        %lt3A_588 = arith.cmpi slt, %rem3A_584, %lt3A_587 : i32
        %lt3A_589 = arith.constant 0 : i32
        %lt3A_590 = arith.cmpi slt, %select_n3A_583, %lt3A_589 : i32
        %ne3A_591 = arith.xori %lt3A_588, %lt3A_590 : i1
        %and3A_592 = arith.andi %ne3A_591, %ne3A_586 : i1
        %add3A_593 = arith.addi %rem3A_584, %select_n3A_583 : i32
        %select_n3A_594 = arith.select %and3A_592, %add3A_593, %rem3A_584 : i32
        %mul3A_595 = arith.constant 8192 : i32
        %mul3A_596 = arith.muli %select_n3A_594, %mul3A_595 : i32
        %add3A_597 = arith.addi %mul3A_2, %mul3A_596 : i32
        %add3A_598 = arith.constant 0 : i32
        %add3A_599 = arith.addi %add3A_597, %add3A_598 : i32
        %mul3A_600 = arith.constant 262144 : i32
        %mul3A_601 = arith.muli %sub3A_576, %mul3A_600 : i32
        %add3A_602 = arith.constant 0 : i32
        %add3A_603 = arith.addi %mul3A_601, %add3A_602 : i32
        %mul3A_604 = arith.constant 1024 : i32
        %mul3A_605 = arith.muli %add3A, %mul3A_604 : i32
        %add3A_606 = arith.addi %add3A_603, %mul3A_605 : i32
        %dma_start3A_607 = tpu.memref_slice %arg8[%add3A_606] : memref<52428800xf32, #tpu.memory_space<hbm>> -> memref<1024xf32, #tpu.memory_space<hbm>>
        %dma_start3A_608 = tpu.memref_slice %arg19[%add3A_599] : memref<393216xf32, #tpu.memory_space<vmem_shared>> -> memref<1024xf32, #tpu.memory_space<vmem_shared>>
        tpu.enqueue_dma source(%dma_start3A_608 : memref<1024xf32, #tpu.memory_space<vmem_shared>>) target(%dma_start3A_607 : memref<1024xf32, #tpu.memory_space<hbm>>) target_semaphore(%arg26 : memref<!tpu.dma_semaphore, #tpu.memory_space<semaphore_mem>>)
        %add3A_609 = arith.constant 1024 : i32
        %add3A_610 = arith.addi %add3A_597, %add3A_609 : i32
        %mul3A_611 = arith.constant 262144 : i32
        %mul3A_612 = arith.muli %sub3A_576, %mul3A_611 : i32
        %add3A_613 = arith.constant 32768 : i32
        %add3A_614 = arith.addi %mul3A_612, %add3A_613 : i32
        %mul3A_615 = arith.constant 1024 : i32
        %mul3A_616 = arith.muli %add3A, %mul3A_615 : i32
        %add3A_617 = arith.addi %add3A_614, %mul3A_616 : i32
        %dma_start3A_618 = tpu.memref_slice %arg8[%add3A_617] : memref<52428800xf32, #tpu.memory_space<hbm>> -> memref<1024xf32, #tpu.memory_space<hbm>>
        %dma_start3A_619 = tpu.memref_slice %arg19[%add3A_610] : memref<393216xf32, #tpu.memory_space<vmem_shared>> -> memref<1024xf32, #tpu.memory_space<vmem_shared>>
        tpu.enqueue_dma source(%dma_start3A_619 : memref<1024xf32, #tpu.memory_space<vmem_shared>>) target(%dma_start3A_618 : memref<1024xf32, #tpu.memory_space<hbm>>) target_semaphore(%arg26 : memref<!tpu.dma_semaphore, #tpu.memory_space<semaphore_mem>>)
        %add3A_620 = arith.constant 2048 : i32
        %add3A_621 = arith.addi %add3A_597, %add3A_620 : i32
        %mul3A_622 = arith.constant 262144 : i32
        %mul3A_623 = arith.muli %sub3A_576, %mul3A_622 : i32
        %add3A_624 = arith.constant 65536 : i32
        %add3A_625 = arith.addi %mul3A_623, %add3A_624 : i32
        %mul3A_626 = arith.constant 1024 : i32
        %mul3A_627 = arith.muli %add3A, %mul3A_626 : i32
        %add3A_628 = arith.addi %add3A_625, %mul3A_627 : i32
        %dma_start3A_629 = tpu.memref_slice %arg8[%add3A_628] : memref<52428800xf32, #tpu.memory_space<hbm>> -> memref<1024xf32, #tpu.memory_space<hbm>>
        %dma_start3A_630 = tpu.memref_slice %arg19[%add3A_621] : memref<393216xf32, #tpu.memory_space<vmem_shared>> -> memref<1024xf32, #tpu.memory_space<vmem_shared>>
        tpu.enqueue_dma source(%dma_start3A_630 : memref<1024xf32, #tpu.memory_space<vmem_shared>>) target(%dma_start3A_629 : memref<1024xf32, #tpu.memory_space<hbm>>) target_semaphore(%arg26 : memref<!tpu.dma_semaphore, #tpu.memory_space<semaphore_mem>>)
        %add3A_631 = arith.constant 3072 : i32
        %add3A_632 = arith.addi %add3A_597, %add3A_631 : i32
        %mul3A_633 = arith.constant 262144 : i32
        %mul3A_634 = arith.muli %sub3A_576, %mul3A_633 : i32
        %add3A_635 = arith.constant 98304 : i32
        %add3A_636 = arith.addi %mul3A_634, %add3A_635 : i32
        %mul3A_637 = arith.constant 1024 : i32
        %mul3A_638 = arith.muli %add3A, %mul3A_637 : i32
        %add3A_639 = arith.addi %add3A_636, %mul3A_638 : i32
        %dma_start3A_640 = tpu.memref_slice %arg8[%add3A_639] : memref<52428800xf32, #tpu.memory_space<hbm>> -> memref<1024xf32, #tpu.memory_space<hbm>>
        %dma_start3A_641 = tpu.memref_slice %arg19[%add3A_632] : memref<393216xf32, #tpu.memory_space<vmem_shared>> -> memref<1024xf32, #tpu.memory_space<vmem_shared>>
        tpu.enqueue_dma source(%dma_start3A_641 : memref<1024xf32, #tpu.memory_space<vmem_shared>>) target(%dma_start3A_640 : memref<1024xf32, #tpu.memory_space<hbm>>) target_semaphore(%arg26 : memref<!tpu.dma_semaphore, #tpu.memory_space<semaphore_mem>>)
        %add3A_642 = arith.constant 4096 : i32
        %add3A_643 = arith.addi %add3A_597, %add3A_642 : i32
        %mul3A_644 = arith.constant 262144 : i32
        %mul3A_645 = arith.muli %sub3A_576, %mul3A_644 : i32
        %add3A_646 = arith.constant 131072 : i32
        %add3A_647 = arith.addi %mul3A_645, %add3A_646 : i32
        %mul3A_648 = arith.constant 1024 : i32
        %mul3A_649 = arith.muli %add3A, %mul3A_648 : i32
        %add3A_650 = arith.addi %add3A_647, %mul3A_649 : i32
        %dma_start3A_651 = tpu.memref_slice %arg8[%add3A_650] : memref<52428800xf32, #tpu.memory_space<hbm>> -> memref<1024xf32, #tpu.memory_space<hbm>>
        %dma_start3A_652 = tpu.memref_slice %arg19[%add3A_643] : memref<393216xf32, #tpu.memory_space<vmem_shared>> -> memref<1024xf32, #tpu.memory_space<vmem_shared>>
        tpu.enqueue_dma source(%dma_start3A_652 : memref<1024xf32, #tpu.memory_space<vmem_shared>>) target(%dma_start3A_651 : memref<1024xf32, #tpu.memory_space<hbm>>) target_semaphore(%arg26 : memref<!tpu.dma_semaphore, #tpu.memory_space<semaphore_mem>>)
        %add3A_653 = arith.constant 5120 : i32
        %add3A_654 = arith.addi %add3A_597, %add3A_653 : i32
        %mul3A_655 = arith.constant 262144 : i32
        %mul3A_656 = arith.muli %sub3A_576, %mul3A_655 : i32
        %add3A_657 = arith.constant 163840 : i32
        %add3A_658 = arith.addi %mul3A_656, %add3A_657 : i32
        %mul3A_659 = arith.constant 1024 : i32
        %mul3A_660 = arith.muli %add3A, %mul3A_659 : i32
        %add3A_661 = arith.addi %add3A_658, %mul3A_660 : i32
        %dma_start3A_662 = tpu.memref_slice %arg8[%add3A_661] : memref<52428800xf32, #tpu.memory_space<hbm>> -> memref<1024xf32, #tpu.memory_space<hbm>>
        %dma_start3A_663 = tpu.memref_slice %arg19[%add3A_654] : memref<393216xf32, #tpu.memory_space<vmem_shared>> -> memref<1024xf32, #tpu.memory_space<vmem_shared>>
        tpu.enqueue_dma source(%dma_start3A_663 : memref<1024xf32, #tpu.memory_space<vmem_shared>>) target(%dma_start3A_662 : memref<1024xf32, #tpu.memory_space<hbm>>) target_semaphore(%arg26 : memref<!tpu.dma_semaphore, #tpu.memory_space<semaphore_mem>>)
        %add3A_664 = arith.constant 6144 : i32
        %add3A_665 = arith.addi %add3A_597, %add3A_664 : i32
        %mul3A_666 = arith.constant 262144 : i32
        %mul3A_667 = arith.muli %sub3A_576, %mul3A_666 : i32
        %add3A_668 = arith.constant 196608 : i32
        %add3A_669 = arith.addi %mul3A_667, %add3A_668 : i32
        %mul3A_670 = arith.constant 1024 : i32
        %mul3A_671 = arith.muli %add3A, %mul3A_670 : i32
        %add3A_672 = arith.addi %add3A_669, %mul3A_671 : i32
        %dma_start3A_673 = tpu.memref_slice %arg8[%add3A_672] : memref<52428800xf32, #tpu.memory_space<hbm>> -> memref<1024xf32, #tpu.memory_space<hbm>>
        %dma_start3A_674 = tpu.memref_slice %arg19[%add3A_665] : memref<393216xf32, #tpu.memory_space<vmem_shared>> -> memref<1024xf32, #tpu.memory_space<vmem_shared>>
        tpu.enqueue_dma source(%dma_start3A_674 : memref<1024xf32, #tpu.memory_space<vmem_shared>>) target(%dma_start3A_673 : memref<1024xf32, #tpu.memory_space<hbm>>) target_semaphore(%arg26 : memref<!tpu.dma_semaphore, #tpu.memory_space<semaphore_mem>>)
        %add3A_675 = arith.constant 7168 : i32
        %add3A_676 = arith.addi %add3A_597, %add3A_675 : i32
        %mul3A_677 = arith.constant 262144 : i32
        %mul3A_678 = arith.muli %sub3A_576, %mul3A_677 : i32
        %add3A_679 = arith.constant 229376 : i32
        %add3A_680 = arith.addi %mul3A_678, %add3A_679 : i32
        %mul3A_681 = arith.constant 1024 : i32
        %mul3A_682 = arith.muli %add3A, %mul3A_681 : i32
        %add3A_683 = arith.addi %add3A_680, %mul3A_682 : i32
        %dma_start3A_684 = tpu.memref_slice %arg8[%add3A_683] : memref<52428800xf32, #tpu.memory_space<hbm>> -> memref<1024xf32, #tpu.memory_space<hbm>>
        %dma_start3A_685 = tpu.memref_slice %arg19[%add3A_676] : memref<393216xf32, #tpu.memory_space<vmem_shared>> -> memref<1024xf32, #tpu.memory_space<vmem_shared>>
        tpu.enqueue_dma source(%dma_start3A_685 : memref<1024xf32, #tpu.memory_space<vmem_shared>>) target(%dma_start3A_684 : memref<1024xf32, #tpu.memory_space<hbm>>) target_semaphore(%arg26 : memref<!tpu.dma_semaphore, #tpu.memory_space<semaphore_mem>>)
      } else {
      }
      %lt3A_489 = arith.constant 99 : i32
      %lt3A_490 = arith.cmpi slt, %scan3A_335, %lt3A_489 : i32
      %convert_element_type3A_491 = arith.extui %lt3A_490 : i1 to i32
      %cond3A_492 = arith.constant 0 : i32
      %cond3A_493 = arith.cmpi ne, %convert_element_type3A_491, %cond3A_492 : i32
      scf.if %cond3A_493 {
        %add3A_552 = arith.constant 1 : i32
        %add3A_553 = arith.addi %add3A_462, %add3A_552 : i32
        %jit3A_554 = arith.constant 8 : i32
        %div3A_555 = arith.divsi %add3A_553, %jit3A_554 : i32
        %sign3A_556 = arith.constant 0 : i32
        %sign3A_557 = arith.cmpi sgt, %add3A_553, %sign3A_556 : i32
        %sign3A_558 = arith.extui %sign3A_557 : i1 to i32
        %sign3A_559 = arith.constant 0 : i32
        %sign3A_560 = arith.cmpi slt, %add3A_553, %sign3A_559 : i32
        %sign3A_561 = arith.extui %sign3A_560 : i1 to i32
        %sign3A_562 = arith.subi %sign3A_558, %sign3A_561 : i32
        %sign3A_563 = arith.constant 0 : i32
        %sign3A_564 = arith.cmpi sgt, %jit3A_554, %sign3A_563 : i32
        %sign3A_565 = arith.extui %sign3A_564 : i1 to i32
        %sign3A_566 = arith.constant 0 : i32
        %sign3A_567 = arith.cmpi slt, %jit3A_554, %sign3A_566 : i32
        %sign3A_568 = arith.extui %sign3A_567 : i1 to i32
        %sign3A_569 = arith.subi %sign3A_565, %sign3A_568 : i32
        %ne3A_570 = arith.cmpi ne, %sign3A_562, %sign3A_569 : i32
        %rem3A_571 = arith.remsi %add3A_553, %jit3A_554 : i32
        %ne3A_572 = arith.constant 0 : i32
        %ne3A_573 = arith.cmpi ne, %rem3A_571, %ne3A_572 : i32
        %and3A_574 = arith.andi %ne3A_570, %ne3A_573 : i1
        %sub3A_575 = arith.constant 1 : i32
        %sub3A_576 = arith.subi %div3A_555, %sub3A_575 : i32
        %select_n3A_577 = arith.select %and3A_574, %sub3A_576, %div3A_555 : i32
        %jit3A_578 = arith.constant 8 : i32
        %eq3A_579 = arith.constant 0 : i32
        %eq3A_580 = arith.cmpi eq, %jit3A_578, %eq3A_579 : i32
        %jit3A_581 = arith.constant 1 : i32
        %select_n3A_582 = arith.select %eq3A_580, %jit3A_581, %jit3A_578 : i32
        %rem3A_583 = arith.remsi %add3A_553, %select_n3A_582 : i32
        %ne3A_584 = arith.constant 0 : i32
        %ne3A_585 = arith.cmpi ne, %rem3A_583, %ne3A_584 : i32
        %lt3A_586 = arith.constant 0 : i32
        %lt3A_587 = arith.cmpi slt, %rem3A_583, %lt3A_586 : i32
        %lt3A_588 = arith.constant 0 : i32
        %lt3A_589 = arith.cmpi slt, %select_n3A_582, %lt3A_588 : i32
        %ne3A_590 = arith.xori %lt3A_587, %lt3A_589 : i1
        %and3A_591 = arith.andi %ne3A_590, %ne3A_585 : i1
        %add3A_592 = arith.addi %rem3A_583, %select_n3A_582 : i32
        %select_n3A_593 = arith.select %and3A_591, %add3A_592, %rem3A_583 : i32
        %dma_start3A_594 = arith.constant 0 : i32
        %dma_start3A_595 = tpu.memref_slice %arg9[%select_n3A_577, %select_n3A_593, %dma_start3A_594] : memref<25x8x128xi32, #tpu.memory_space<vmem>> -> memref<1x1x128xi32, #tpu.memory_space<vmem>>
        %dma_start3A_596 = tpu.memref_squeeze %dma_start3A_595 : memref<1x1x128xi32, #tpu.memory_space<vmem>> -> memref<128xi32, #tpu.memory_space<vmem>>
        %dma_start3A_597 = arith.constant 0 : i32
        %dma_start3A_598 = arith.constant 0 : i32
        %dma_start3A_599 = tpu.memref_slice %arg5[%dma_start3A_597, %dma_start3A_598] : memref<100000x64xf32, #tpu.memory_space<hbm>> -> memref<100000x64xf32, #tpu.memory_space<hbm>>
        tpu.enqueue_indirect_dma source(%dma_start3A_599 : memref<100000x64xf32, #tpu.memory_space<hbm>>) target(%arg12 : memref<128x64xf32, #tpu.memory_space<vmem>>) offsets(%dma_start3A_596 : memref<128xi32, #tpu.memory_space<vmem>>) semaphore(%arg21 : memref<!tpu.dma_semaphore, #tpu.memory_space<semaphore_mem>>)
      } else {
      }
      %jit3A_494 = arith.constant 8 : i32
      %div3A_495 = arith.divsi %add3A_462, %jit3A_494 : i32
      %sign3A_496 = arith.constant 0 : i32
      %sign3A_497 = arith.cmpi sgt, %add3A_462, %sign3A_496 : i32
      %sign3A_498 = arith.extui %sign3A_497 : i1 to i32
      %sign3A_499 = arith.constant 0 : i32
      %sign3A_500 = arith.cmpi slt, %add3A_462, %sign3A_499 : i32
      %sign3A_501 = arith.extui %sign3A_500 : i1 to i32
      %sign3A_502 = arith.subi %sign3A_498, %sign3A_501 : i32
      %sign3A_503 = arith.constant 0 : i32
      %sign3A_504 = arith.cmpi sgt, %jit3A_494, %sign3A_503 : i32
      %sign3A_505 = arith.extui %sign3A_504 : i1 to i32
      %sign3A_506 = arith.constant 0 : i32
      %sign3A_507 = arith.cmpi slt, %jit3A_494, %sign3A_506 : i32
      %sign3A_508 = arith.extui %sign3A_507 : i1 to i32
      %sign3A_509 = arith.subi %sign3A_505, %sign3A_508 : i32
      %ne3A_510 = arith.cmpi ne, %sign3A_502, %sign3A_509 : i32
      %rem3A_511 = arith.remsi %add3A_462, %jit3A_494 : i32
      %ne3A_512 = arith.constant 0 : i32
      %ne3A_513 = arith.cmpi ne, %rem3A_511, %ne3A_512 : i32
      %and3A_514 = arith.andi %ne3A_510, %ne3A_513 : i1
      %sub3A_515 = arith.constant 1 : i32
      %sub3A_516 = arith.subi %div3A_495, %sub3A_515 : i32
      %select_n3A_517 = arith.select %and3A_514, %sub3A_516, %div3A_495 : i32
      %jit3A_518 = arith.constant 8 : i32
      %eq3A_519 = arith.constant 0 : i32
      %eq3A_520 = arith.cmpi eq, %jit3A_518, %eq3A_519 : i32
      %jit3A_521 = arith.constant 1 : i32
      %select_n3A_522 = arith.select %eq3A_520, %jit3A_521, %jit3A_518 : i32
      %rem3A_523 = arith.remsi %add3A_462, %select_n3A_522 : i32
      %ne3A_524 = arith.constant 0 : i32
      %ne3A_525 = arith.cmpi ne, %rem3A_523, %ne3A_524 : i32
      %lt3A_526 = arith.constant 0 : i32
      %lt3A_527 = arith.cmpi slt, %rem3A_523, %lt3A_526 : i32
      %lt3A_528 = arith.constant 0 : i32
      %lt3A_529 = arith.cmpi slt, %select_n3A_522, %lt3A_528 : i32
      %ne3A_530 = arith.xori %lt3A_527, %lt3A_529 : i1
      %and3A_531 = arith.andi %ne3A_530, %ne3A_525 : i1
      %add3A_532 = arith.addi %rem3A_523, %select_n3A_522 : i32
      %select_n3A_533 = arith.select %and3A_531, %add3A_532, %rem3A_523 : i32
      %dma_wait3A_534 = arith.constant 0 : i32
      %dma_wait3A_535 = tpu.memref_slice %arg9[%select_n3A_517, %select_n3A_533, %dma_wait3A_534] : memref<25x8x128xi32, #tpu.memory_space<vmem>> -> memref<1x1x128xi32, #tpu.memory_space<vmem>>
      %dma_wait3A_536 = tpu.memref_squeeze %dma_wait3A_535 : memref<1x1x128xi32, #tpu.memory_space<vmem>> -> memref<128xi32, #tpu.memory_space<vmem>>
      %dma_wait3A_537 = arith.constant 0 : i32
      %dma_wait3A_538 = arith.constant 0 : i32
      %dma_wait3A_539 = tpu.memref_slice %arg5[%dma_wait3A_537, %dma_wait3A_538] : memref<100000x64xf32, #tpu.memory_space<hbm>> -> memref<100000x64xf32, #tpu.memory_space<hbm>>
      tpu.wait_indirect_dma semaphore(%arg22 : memref<!tpu.dma_semaphore, #tpu.memory_space<semaphore_mem>>) src(%dma_wait3A_539 : memref<100000x64xf32, #tpu.memory_space<hbm>>) dst(%arg13 : memref<128x64xf32, #tpu.memory_space<vmem>>)
      %scan3A_540 = arith.constant 0 : i32
      %scan3A_541 = arith.constant 0 : i32
      %scan3A_542 = arith.constant 8 : i32
      %scan3A_543 = arith.addi %scan3A_541, %scan3A_542 : i32
      %scan3A_544 = arith.constant 1 : i32
      scf.for %scan3A_552 = %scan3A_541 to %scan3A_543 step %scan3A_544  : i32 {
        %mul3A_553 = arith.constant 16 : i32
        %mul3A_554 = arith.muli %scan3A_552, %mul3A_553 : i32
        %get3A_555 = arith.index_cast %add3A_462 : i32 to index
        %get3A_556 = arith.index_cast %mul3A_554 : i32 to index
        %get3A_557 = tpu.vector_load %arg10[%get3A_555, %get3A_556] {strides = array<i32>} : memref<200x128xf32, #tpu.memory_space<vmem>>, vector<16xf32>,
        %mul3A_558 = arith.constant 16 : i32
        %mul3A_559 = arith.muli %scan3A_552, %mul3A_558 : i32
        %add3A_560 = arith.constant 0 : i32
        %add3A_561 = arith.addi %mul3A_559, %add3A_560 : i32
        %broadcast_in_dim3A = arith.constant 0 : i32
        %broadcast_in_dim3A_562 = vector.broadcast %broadcast_in_dim3A : i32 to vector<16x1xi32>
        %gather3A = vector.shape_cast %broadcast_in_dim3A_562 : vector<16x1xi32> to vector<16xi32>
        %gather3A_563 = tpu.dynamic_gather %get3A_557[%gather3A] in [0] : vector<16xf32>, vector<16xi32> -> vector<16xf32>
        %get3A_564 = arith.index_cast %add3A_561 : i32 to index
        %get3A_565 = arith.constant 0 : index
        %get3A_566 = tpu.vector_load %arg13[%get3A_564, %get3A_565] {strides = array<i32>} : memref<128x64xf32, #tpu.memory_space<vmem>>, vector<16xf32>,
        %mul3A_567 = arith.mulf %gather3A_563, %get3A_130 : vector<16xf32>
        %add3A_568 = arith.addf %mul3A_567, %add3A_141 : vector<16xf32>
        %add3A_569 = arith.addf %get3A_566, %add3A_568 : vector<16xf32>
        %mul3A_570 = arith.constant 64 : i32
        %mul3A_571 = arith.muli %add3A_561, %mul3A_570 : i32
        %add3A_572 = arith.constant 0 : i32
        %add3A_573 = arith.addi %mul3A_571, %add3A_572 : i32
        %swap3A = arith.index_cast %add3A_573 : i32 to index
        %swap3A_574 = tpu.vector_load %arg15[%swap3A] {strides = array<i32>} : memref<8192xf32, #tpu.memory_space<vmem>>, vector<16xf32>,
        tpu.vector_store %arg15[%swap3A], %add3A_569 {strides = array<i32>} : memref<8192xf32, #tpu.memory_space<vmem>>, vector<16xf32>,
        %get3A_575 = arith.index_cast %add3A_561 : i32 to index
        %get3A_576 = arith.constant 16 : index
        %get3A_577 = tpu.vector_load %arg13[%get3A_575, %get3A_576] {strides = array<i32>} : memref<128x64xf32, #tpu.memory_space<vmem>>, vector<16xf32>,
        %mul3A_578 = arith.mulf %gather3A_563, %get3A_132 : vector<16xf32>
        %add3A_579 = arith.addf %mul3A_578, %add3A_146 : vector<16xf32>
        %add3A_580 = arith.addf %get3A_577, %add3A_579 : vector<16xf32>
        %mul3A_581 = arith.constant 64 : i32
        %mul3A_582 = arith.muli %add3A_561, %mul3A_581 : i32
        %add3A_583 = arith.constant 16 : i32
        %add3A_584 = arith.addi %mul3A_582, %add3A_583 : i32
        %swap3A_585 = arith.index_cast %add3A_584 : i32 to index
        %swap3A_586 = tpu.vector_load %arg15[%swap3A_585] {strides = array<i32>} : memref<8192xf32, #tpu.memory_space<vmem>>, vector<16xf32>,
        tpu.vector_store %arg15[%swap3A_585], %add3A_580 {strides = array<i32>} : memref<8192xf32, #tpu.memory_space<vmem>>, vector<16xf32>,
        %get3A_587 = arith.index_cast %add3A_561 : i32 to index
        %get3A_588 = arith.constant 32 : index
        %get3A_589 = tpu.vector_load %arg13[%get3A_587, %get3A_588] {strides = array<i32>} : memref<128x64xf32, #tpu.memory_space<vmem>>, vector<16xf32>,
        %mul3A_590 = arith.mulf %gather3A_563, %get3A_134 : vector<16xf32>
        %add3A_591 = arith.addf %mul3A_590, %add3A_151 : vector<16xf32>
        %add3A_592 = arith.addf %get3A_589, %add3A_591 : vector<16xf32>
        %mul3A_593 = arith.constant 64 : i32
        %mul3A_594 = arith.muli %add3A_561, %mul3A_593 : i32
        %add3A_595 = arith.constant 32 : i32
        %add3A_596 = arith.addi %mul3A_594, %add3A_595 : i32
        %swap3A_597 = arith.index_cast %add3A_596 : i32 to index
        %swap3A_598 = tpu.vector_load %arg15[%swap3A_597] {strides = array<i32>} : memref<8192xf32, #tpu.memory_space<vmem>>, vector<16xf32>,
        tpu.vector_store %arg15[%swap3A_597], %add3A_592 {strides = array<i32>} : memref<8192xf32, #tpu.memory_space<vmem>>, vector<16xf32>,
        %get3A_599 = arith.index_cast %add3A_561 : i32 to index
        %get3A_600 = arith.constant 48 : index
        %get3A_601 = tpu.vector_load %arg13[%get3A_599, %get3A_600] {strides = array<i32>} : memref<128x64xf32, #tpu.memory_space<vmem>>, vector<16xf32>,
        %mul3A_602 = arith.mulf %gather3A_563, %get3A_136 : vector<16xf32>
        %add3A_603 = arith.addf %mul3A_602, %add3A_156 : vector<16xf32>
        %add3A_604 = arith.addf %get3A_601, %add3A_603 : vector<16xf32>
        %mul3A_605 = arith.constant 64 : i32
        %mul3A_606 = arith.muli %add3A_561, %mul3A_605 : i32
        %add3A_607 = arith.constant 48 : i32
        %add3A_608 = arith.addi %mul3A_606, %add3A_607 : i32
        %swap3A_609 = arith.index_cast %add3A_608 : i32 to index
        %swap3A_610 = tpu.vector_load %arg15[%swap3A_609] {strides = array<i32>} : memref<8192xf32, #tpu.memory_space<vmem>>, vector<16xf32>,
        tpu.vector_store %arg15[%swap3A_609], %add3A_604 {strides = array<i32>} : memref<8192xf32, #tpu.memory_space<vmem>>, vector<16xf32>,
        %mul3A_611 = arith.constant 16 : i32
        %mul3A_612 = arith.muli %scan3A_552, %mul3A_611 : i32
        %add3A_613 = arith.constant 1 : i32
        %add3A_614 = arith.addi %mul3A_612, %add3A_613 : i32
        %broadcast_in_dim3A_615 = arith.constant 1 : i32
        %broadcast_in_dim3A_616 = vector.broadcast %broadcast_in_dim3A_615 : i32 to vector<16x1xi32>
        %gather3A_617 = vector.shape_cast %broadcast_in_dim3A_616 : vector<16x1xi32> to vector<16xi32>
        %gather3A_618 = tpu.dynamic_gather %get3A_557[%gather3A_617] in [0] : vector<16xf32>, vector<16xi32> -> vector<16xf32>
        %get3A_619 = arith.index_cast %add3A_614 : i32 to index
        %get3A_620 = arith.constant 0 : index
        %get3A_621 = tpu.vector_load %arg13[%get3A_619, %get3A_620] {strides = array<i32>} : memref<128x64xf32, #tpu.memory_space<vmem>>, vector<16xf32>,
        %mul3A_622 = arith.mulf %gather3A_618, %get3A_130 : vector<16xf32>
        %add3A_623 = arith.addf %mul3A_622, %add3A_141 : vector<16xf32>
        %add3A_624 = arith.addf %get3A_621, %add3A_623 : vector<16xf32>
        %mul3A_625 = arith.constant 64 : i32
        %mul3A_626 = arith.muli %add3A_614, %mul3A_625 : i32
        %add3A_627 = arith.constant 0 : i32
        %add3A_628 = arith.addi %mul3A_626, %add3A_627 : i32
        %swap3A_629 = arith.index_cast %add3A_628 : i32 to index
        %swap3A_630 = tpu.vector_load %arg15[%swap3A_629] {strides = array<i32>} : memref<8192xf32, #tpu.memory_space<vmem>>, vector<16xf32>,
        tpu.vector_store %arg15[%swap3A_629], %add3A_624 {strides = array<i32>} : memref<8192xf32, #tpu.memory_space<vmem>>, vector<16xf32>,
        %get3A_631 = arith.index_cast %add3A_614 : i32 to index
        %get3A_632 = arith.constant 16 : index
        %get3A_633 = tpu.vector_load %arg13[%get3A_631, %get3A_632] {strides = array<i32>} : memref<128x64xf32, #tpu.memory_space<vmem>>, vector<16xf32>,
        %mul3A_634 = arith.mulf %gather3A_618, %get3A_132 : vector<16xf32>
        %add3A_635 = arith.addf %mul3A_634, %add3A_146 : vector<16xf32>
        %add3A_636 = arith.addf %get3A_633, %add3A_635 : vector<16xf32>
        %mul3A_637 = arith.constant 64 : i32
        %mul3A_638 = arith.muli %add3A_614, %mul3A_637 : i32
        %add3A_639 = arith.constant 16 : i32
        %add3A_640 = arith.addi %mul3A_638, %add3A_639 : i32
        %swap3A_641 = arith.index_cast %add3A_640 : i32 to index
        %swap3A_642 = tpu.vector_load %arg15[%swap3A_641] {strides = array<i32>} : memref<8192xf32, #tpu.memory_space<vmem>>, vector<16xf32>,
        tpu.vector_store %arg15[%swap3A_641], %add3A_636 {strides = array<i32>} : memref<8192xf32, #tpu.memory_space<vmem>>, vector<16xf32>,
        %get3A_643 = arith.index_cast %add3A_614 : i32 to index
        %get3A_644 = arith.constant 32 : index
        %get3A_645 = tpu.vector_load %arg13[%get3A_643, %get3A_644] {strides = array<i32>} : memref<128x64xf32, #tpu.memory_space<vmem>>, vector<16xf32>,
        %mul3A_646 = arith.mulf %gather3A_618, %get3A_134 : vector<16xf32>
        %add3A_647 = arith.addf %mul3A_646, %add3A_151 : vector<16xf32>
        %add3A_648 = arith.addf %get3A_645, %add3A_647 : vector<16xf32>
        %mul3A_649 = arith.constant 64 : i32
        %mul3A_650 = arith.muli %add3A_614, %mul3A_649 : i32
        %add3A_651 = arith.constant 32 : i32
        %add3A_652 = arith.addi %mul3A_650, %add3A_651 : i32
        %swap3A_653 = arith.index_cast %add3A_652 : i32 to index
        %swap3A_654 = tpu.vector_load %arg15[%swap3A_653] {strides = array<i32>} : memref<8192xf32, #tpu.memory_space<vmem>>, vector<16xf32>,
        tpu.vector_store %arg15[%swap3A_653], %add3A_648 {strides = array<i32>} : memref<8192xf32, #tpu.memory_space<vmem>>, vector<16xf32>,
        %get3A_655 = arith.index_cast %add3A_614 : i32 to index
        %get3A_656 = arith.constant 48 : index
        %get3A_657 = tpu.vector_load %arg13[%get3A_655, %get3A_656] {strides = array<i32>} : memref<128x64xf32, #tpu.memory_space<vmem>>, vector<16xf32>,
        %mul3A_658 = arith.mulf %gather3A_618, %get3A_136 : vector<16xf32>
        %add3A_659 = arith.addf %mul3A_658, %add3A_156 : vector<16xf32>
        %add3A_660 = arith.addf %get3A_657, %add3A_659 : vector<16xf32>
        %mul3A_661 = arith.constant 64 : i32
        %mul3A_662 = arith.muli %add3A_614, %mul3A_661 : i32
        %add3A_663 = arith.constant 48 : i32
        %add3A_664 = arith.addi %mul3A_662, %add3A_663 : i32
        %swap3A_665 = arith.index_cast %add3A_664 : i32 to index
        %swap3A_666 = tpu.vector_load %arg15[%swap3A_665] {strides = array<i32>} : memref<8192xf32, #tpu.memory_space<vmem>>, vector<16xf32>,
        tpu.vector_store %arg15[%swap3A_665], %add3A_660 {strides = array<i32>} : memref<8192xf32, #tpu.memory_space<vmem>>, vector<16xf32>,
        %mul3A_667 = arith.constant 16 : i32
        %mul3A_668 = arith.muli %scan3A_552, %mul3A_667 : i32
        %add3A_669 = arith.constant 2 : i32
        %add3A_670 = arith.addi %mul3A_668, %add3A_669 : i32
        %broadcast_in_dim3A_671 = arith.constant 2 : i32
        %broadcast_in_dim3A_672 = vector.broadcast %broadcast_in_dim3A_671 : i32 to vector<16x1xi32>
        %gather3A_673 = vector.shape_cast %broadcast_in_dim3A_672 : vector<16x1xi32> to vector<16xi32>
        %gather3A_674 = tpu.dynamic_gather %get3A_557[%gather3A_673] in [0] : vector<16xf32>, vector<16xi32> -> vector<16xf32>
        %get3A_675 = arith.index_cast %add3A_670 : i32 to index
        %get3A_676 = arith.constant 0 : index
        %get3A_677 = tpu.vector_load %arg13[%get3A_675, %get3A_676] {strides = array<i32>} : memref<128x64xf32, #tpu.memory_space<vmem>>, vector<16xf32>,
        %mul3A_678 = arith.mulf %gather3A_674, %get3A_130 : vector<16xf32>
        %add3A_679 = arith.addf %mul3A_678, %add3A_141 : vector<16xf32>
        %add3A_680 = arith.addf %get3A_677, %add3A_679 : vector<16xf32>
        %mul3A_681 = arith.constant 64 : i32
        %mul3A_682 = arith.muli %add3A_670, %mul3A_681 : i32
        %add3A_683 = arith.constant 0 : i32
        %add3A_684 = arith.addi %mul3A_682, %add3A_683 : i32
        %swap3A_685 = arith.index_cast %add3A_684 : i32 to index
        %swap3A_686 = tpu.vector_load %arg15[%swap3A_685] {strides = array<i32>} : memref<8192xf32, #tpu.memory_space<vmem>>, vector<16xf32>,
        tpu.vector_store %arg15[%swap3A_685], %add3A_680 {strides = array<i32>} : memref<8192xf32, #tpu.memory_space<vmem>>, vector<16xf32>,
        %get3A_687 = arith.index_cast %add3A_670 : i32 to index
        %get3A_688 = arith.constant 16 : index
        %get3A_689 = tpu.vector_load %arg13[%get3A_687, %get3A_688] {strides = array<i32>} : memref<128x64xf32, #tpu.memory_space<vmem>>, vector<16xf32>,
        %mul3A_690 = arith.mulf %gather3A_674, %get3A_132 : vector<16xf32>
        %add3A_691 = arith.addf %mul3A_690, %add3A_146 : vector<16xf32>
        %add3A_692 = arith.addf %get3A_689, %add3A_691 : vector<16xf32>
        %mul3A_693 = arith.constant 64 : i32
        %mul3A_694 = arith.muli %add3A_670, %mul3A_693 : i32
        %add3A_695 = arith.constant 16 : i32
        %add3A_696 = arith.addi %mul3A_694, %add3A_695 : i32
        %swap3A_697 = arith.index_cast %add3A_696 : i32 to index
        %swap3A_698 = tpu.vector_load %arg15[%swap3A_697] {strides = array<i32>} : memref<8192xf32, #tpu.memory_space<vmem>>, vector<16xf32>,
        tpu.vector_store %arg15[%swap3A_697], %add3A_692 {strides = array<i32>} : memref<8192xf32, #tpu.memory_space<vmem>>, vector<16xf32>,
        %get3A_699 = arith.index_cast %add3A_670 : i32 to index
        %get3A_700 = arith.constant 32 : index
        %get3A_701 = tpu.vector_load %arg13[%get3A_699, %get3A_700] {strides = array<i32>} : memref<128x64xf32, #tpu.memory_space<vmem>>, vector<16xf32>,
        %mul3A_702 = arith.mulf %gather3A_674, %get3A_134 : vector<16xf32>
        %add3A_703 = arith.addf %mul3A_702, %add3A_151 : vector<16xf32>
        %add3A_704 = arith.addf %get3A_701, %add3A_703 : vector<16xf32>
        %mul3A_705 = arith.constant 64 : i32
        %mul3A_706 = arith.muli %add3A_670, %mul3A_705 : i32
        %add3A_707 = arith.constant 32 : i32
        %add3A_708 = arith.addi %mul3A_706, %add3A_707 : i32
        %swap3A_709 = arith.index_cast %add3A_708 : i32 to index
        %swap3A_710 = tpu.vector_load %arg15[%swap3A_709] {strides = array<i32>} : memref<8192xf32, #tpu.memory_space<vmem>>, vector<16xf32>,
        tpu.vector_store %arg15[%swap3A_709], %add3A_704 {strides = array<i32>} : memref<8192xf32, #tpu.memory_space<vmem>>, vector<16xf32>,
        %get3A_711 = arith.index_cast %add3A_670 : i32 to index
        %get3A_712 = arith.constant 48 : index
        %get3A_713 = tpu.vector_load %arg13[%get3A_711, %get3A_712] {strides = array<i32>} : memref<128x64xf32, #tpu.memory_space<vmem>>, vector<16xf32>,
        %mul3A_714 = arith.mulf %gather3A_674, %get3A_136 : vector<16xf32>
        %add3A_715 = arith.addf %mul3A_714, %add3A_156 : vector<16xf32>
        %add3A_716 = arith.addf %get3A_713, %add3A_715 : vector<16xf32>
        %mul3A_717 = arith.constant 64 : i32
        %mul3A_718 = arith.muli %add3A_670, %mul3A_717 : i32
        %add3A_719 = arith.constant 48 : i32
        %add3A_720 = arith.addi %mul3A_718, %add3A_719 : i32
        %swap3A_721 = arith.index_cast %add3A_720 : i32 to index
        %swap3A_722 = tpu.vector_load %arg15[%swap3A_721] {strides = array<i32>} : memref<8192xf32, #tpu.memory_space<vmem>>, vector<16xf32>,
        tpu.vector_store %arg15[%swap3A_721], %add3A_716 {strides = array<i32>} : memref<8192xf32, #tpu.memory_space<vmem>>, vector<16xf32>,
        %mul3A_723 = arith.constant 16 : i32
        %mul3A_724 = arith.muli %scan3A_552, %mul3A_723 : i32
        %add3A_725 = arith.constant 3 : i32
        %add3A_726 = arith.addi %mul3A_724, %add3A_725 : i32
        %broadcast_in_dim3A_727 = arith.constant 3 : i32
        %broadcast_in_dim3A_728 = vector.broadcast %broadcast_in_dim3A_727 : i32 to vector<16x1xi32>
        %gather3A_729 = vector.shape_cast %broadcast_in_dim3A_728 : vector<16x1xi32> to vector<16xi32>
        %gather3A_730 = tpu.dynamic_gather %get3A_557[%gather3A_729] in [0] : vector<16xf32>, vector<16xi32> -> vector<16xf32>
        %get3A_731 = arith.index_cast %add3A_726 : i32 to index
        %get3A_732 = arith.constant 0 : index
        %get3A_733 = tpu.vector_load %arg13[%get3A_731, %get3A_732] {strides = array<i32>} : memref<128x64xf32, #tpu.memory_space<vmem>>, vector<16xf32>,
        %mul3A_734 = arith.mulf %gather3A_730, %get3A_130 : vector<16xf32>
        %add3A_735 = arith.addf %mul3A_734, %add3A_141 : vector<16xf32>
        %add3A_736 = arith.addf %get3A_733, %add3A_735 : vector<16xf32>
        %mul3A_737 = arith.constant 64 : i32
        %mul3A_738 = arith.muli %add3A_726, %mul3A_737 : i32
        %add3A_739 = arith.constant 0 : i32
        %add3A_740 = arith.addi %mul3A_738, %add3A_739 : i32
        %swap3A_741 = arith.index_cast %add3A_740 : i32 to index
        %swap3A_742 = tpu.vector_load %arg15[%swap3A_741] {strides = array<i32>} : memref<8192xf32, #tpu.memory_space<vmem>>, vector<16xf32>,
        tpu.vector_store %arg15[%swap3A_741], %add3A_736 {strides = array<i32>} : memref<8192xf32, #tpu.memory_space<vmem>>, vector<16xf32>,
        %get3A_743 = arith.index_cast %add3A_726 : i32 to index
        %get3A_744 = arith.constant 16 : index
        %get3A_745 = tpu.vector_load %arg13[%get3A_743, %get3A_744] {strides = array<i32>} : memref<128x64xf32, #tpu.memory_space<vmem>>, vector<16xf32>,
        %mul3A_746 = arith.mulf %gather3A_730, %get3A_132 : vector<16xf32>
        %add3A_747 = arith.addf %mul3A_746, %add3A_146 : vector<16xf32>
        %add3A_748 = arith.addf %get3A_745, %add3A_747 : vector<16xf32>
        %mul3A_749 = arith.constant 64 : i32
        %mul3A_750 = arith.muli %add3A_726, %mul3A_749 : i32
        %add3A_751 = arith.constant 16 : i32
        %add3A_752 = arith.addi %mul3A_750, %add3A_751 : i32
        %swap3A_753 = arith.index_cast %add3A_752 : i32 to index
        %swap3A_754 = tpu.vector_load %arg15[%swap3A_753] {strides = array<i32>} : memref<8192xf32, #tpu.memory_space<vmem>>, vector<16xf32>,
        tpu.vector_store %arg15[%swap3A_753], %add3A_748 {strides = array<i32>} : memref<8192xf32, #tpu.memory_space<vmem>>, vector<16xf32>,
        %get3A_755 = arith.index_cast %add3A_726 : i32 to index
        %get3A_756 = arith.constant 32 : index
        %get3A_757 = tpu.vector_load %arg13[%get3A_755, %get3A_756] {strides = array<i32>} : memref<128x64xf32, #tpu.memory_space<vmem>>, vector<16xf32>,
        %mul3A_758 = arith.mulf %gather3A_730, %get3A_134 : vector<16xf32>
        %add3A_759 = arith.addf %mul3A_758, %add3A_151 : vector<16xf32>
        %add3A_760 = arith.addf %get3A_757, %add3A_759 : vector<16xf32>
        %mul3A_761 = arith.constant 64 : i32
        %mul3A_762 = arith.muli %add3A_726, %mul3A_761 : i32
        %add3A_763 = arith.constant 32 : i32
        %add3A_764 = arith.addi %mul3A_762, %add3A_763 : i32
        %swap3A_765 = arith.index_cast %add3A_764 : i32 to index
        %swap3A_766 = tpu.vector_load %arg15[%swap3A_765] {strides = array<i32>} : memref<8192xf32, #tpu.memory_space<vmem>>, vector<16xf32>,
        tpu.vector_store %arg15[%swap3A_765], %add3A_760 {strides = array<i32>} : memref<8192xf32, #tpu.memory_space<vmem>>, vector<16xf32>,
        %get3A_767 = arith.index_cast %add3A_726 : i32 to index
        %get3A_768 = arith.constant 48 : index
        %get3A_769 = tpu.vector_load %arg13[%get3A_767, %get3A_768] {strides = array<i32>} : memref<128x64xf32, #tpu.memory_space<vmem>>, vector<16xf32>,
        %mul3A_770 = arith.mulf %gather3A_730, %get3A_136 : vector<16xf32>
        %add3A_771 = arith.addf %mul3A_770, %add3A_156 : vector<16xf32>
        %add3A_772 = arith.addf %get3A_769, %add3A_771 : vector<16xf32>
        %mul3A_773 = arith.constant 64 : i32
        %mul3A_774 = arith.muli %add3A_726, %mul3A_773 : i32
        %add3A_775 = arith.constant 48 : i32
        %add3A_776 = arith.addi %mul3A_774, %add3A_775 : i32
        %swap3A_777 = arith.index_cast %add3A_776 : i32 to index
        %swap3A_778 = tpu.vector_load %arg15[%swap3A_777] {strides = array<i32>} : memref<8192xf32, #tpu.memory_space<vmem>>, vector<16xf32>,
        tpu.vector_store %arg15[%swap3A_777], %add3A_772 {strides = array<i32>} : memref<8192xf32, #tpu.memory_space<vmem>>, vector<16xf32>,
        %mul3A_779 = arith.constant 16 : i32
        %mul3A_780 = arith.muli %scan3A_552, %mul3A_779 : i32
        %add3A_781 = arith.constant 4 : i32
        %add3A_782 = arith.addi %mul3A_780, %add3A_781 : i32
        %broadcast_in_dim3A_783 = arith.constant 4 : i32
        %broadcast_in_dim3A_784 = vector.broadcast %broadcast_in_dim3A_783 : i32 to vector<16x1xi32>
        %gather3A_785 = vector.shape_cast %broadcast_in_dim3A_784 : vector<16x1xi32> to vector<16xi32>
        %gather3A_786 = tpu.dynamic_gather %get3A_557[%gather3A_785] in [0] : vector<16xf32>, vector<16xi32> -> vector<16xf32>
        %get3A_787 = arith.index_cast %add3A_782 : i32 to index
        %get3A_788 = arith.constant 0 : index
        %get3A_789 = tpu.vector_load %arg13[%get3A_787, %get3A_788] {strides = array<i32>} : memref<128x64xf32, #tpu.memory_space<vmem>>, vector<16xf32>,
        %mul3A_790 = arith.mulf %gather3A_786, %get3A_130 : vector<16xf32>
        %add3A_791 = arith.addf %mul3A_790, %add3A_141 : vector<16xf32>
        %add3A_792 = arith.addf %get3A_789, %add3A_791 : vector<16xf32>
        %mul3A_793 = arith.constant 64 : i32
        %mul3A_794 = arith.muli %add3A_782, %mul3A_793 : i32
        %add3A_795 = arith.constant 0 : i32
        %add3A_796 = arith.addi %mul3A_794, %add3A_795 : i32
        %swap3A_797 = arith.index_cast %add3A_796 : i32 to index
        %swap3A_798 = tpu.vector_load %arg15[%swap3A_797] {strides = array<i32>} : memref<8192xf32, #tpu.memory_space<vmem>>, vector<16xf32>,
        tpu.vector_store %arg15[%swap3A_797], %add3A_792 {strides = array<i32>} : memref<8192xf32, #tpu.memory_space<vmem>>, vector<16xf32>,
        %get3A_799 = arith.index_cast %add3A_782 : i32 to index
        %get3A_800 = arith.constant 16 : index
        %get3A_801 = tpu.vector_load %arg13[%get3A_799, %get3A_800] {strides = array<i32>} : memref<128x64xf32, #tpu.memory_space<vmem>>, vector<16xf32>,
        %mul3A_802 = arith.mulf %gather3A_786, %get3A_132 : vector<16xf32>
        %add3A_803 = arith.addf %mul3A_802, %add3A_146 : vector<16xf32>
        %add3A_804 = arith.addf %get3A_801, %add3A_803 : vector<16xf32>
        %mul3A_805 = arith.constant 64 : i32
        %mul3A_806 = arith.muli %add3A_782, %mul3A_805 : i32
        %add3A_807 = arith.constant 16 : i32
        %add3A_808 = arith.addi %mul3A_806, %add3A_807 : i32
        %swap3A_809 = arith.index_cast %add3A_808 : i32 to index
        %swap3A_810 = tpu.vector_load %arg15[%swap3A_809] {strides = array<i32>} : memref<8192xf32, #tpu.memory_space<vmem>>, vector<16xf32>,
        tpu.vector_store %arg15[%swap3A_809], %add3A_804 {strides = array<i32>} : memref<8192xf32, #tpu.memory_space<vmem>>, vector<16xf32>,
        %get3A_811 = arith.index_cast %add3A_782 : i32 to index
        %get3A_812 = arith.constant 32 : index
        %get3A_813 = tpu.vector_load %arg13[%get3A_811, %get3A_812] {strides = array<i32>} : memref<128x64xf32, #tpu.memory_space<vmem>>, vector<16xf32>,
        %mul3A_814 = arith.mulf %gather3A_786, %get3A_134 : vector<16xf32>
        %add3A_815 = arith.addf %mul3A_814, %add3A_151 : vector<16xf32>
        %add3A_816 = arith.addf %get3A_813, %add3A_815 : vector<16xf32>
        %mul3A_817 = arith.constant 64 : i32
        %mul3A_818 = arith.muli %add3A_782, %mul3A_817 : i32
        %add3A_819 = arith.constant 32 : i32
        %add3A_820 = arith.addi %mul3A_818, %add3A_819 : i32
        %swap3A_821 = arith.index_cast %add3A_820 : i32 to index
        %swap3A_822 = tpu.vector_load %arg15[%swap3A_821] {strides = array<i32>} : memref<8192xf32, #tpu.memory_space<vmem>>, vector<16xf32>,
        tpu.vector_store %arg15[%swap3A_821], %add3A_816 {strides = array<i32>} : memref<8192xf32, #tpu.memory_space<vmem>>, vector<16xf32>,
        %get3A_823 = arith.index_cast %add3A_782 : i32 to index
        %get3A_824 = arith.constant 48 : index
        %get3A_825 = tpu.vector_load %arg13[%get3A_823, %get3A_824] {strides = array<i32>} : memref<128x64xf32, #tpu.memory_space<vmem>>, vector<16xf32>,
        %mul3A_826 = arith.mulf %gather3A_786, %get3A_136 : vector<16xf32>
        %add3A_827 = arith.addf %mul3A_826, %add3A_156 : vector<16xf32>
        %add3A_828 = arith.addf %get3A_825, %add3A_827 : vector<16xf32>
        %mul3A_829 = arith.constant 64 : i32
        %mul3A_830 = arith.muli %add3A_782, %mul3A_829 : i32
        %add3A_831 = arith.constant 48 : i32
        %add3A_832 = arith.addi %mul3A_830, %add3A_831 : i32
        %swap3A_833 = arith.index_cast %add3A_832 : i32 to index
        %swap3A_834 = tpu.vector_load %arg15[%swap3A_833] {strides = array<i32>} : memref<8192xf32, #tpu.memory_space<vmem>>, vector<16xf32>,
        tpu.vector_store %arg15[%swap3A_833], %add3A_828 {strides = array<i32>} : memref<8192xf32, #tpu.memory_space<vmem>>, vector<16xf32>,
        %mul3A_835 = arith.constant 16 : i32
        %mul3A_836 = arith.muli %scan3A_552, %mul3A_835 : i32
        %add3A_837 = arith.constant 5 : i32
        %add3A_838 = arith.addi %mul3A_836, %add3A_837 : i32
        %broadcast_in_dim3A_839 = arith.constant 5 : i32
        %broadcast_in_dim3A_840 = vector.broadcast %broadcast_in_dim3A_839 : i32 to vector<16x1xi32>
        %gather3A_841 = vector.shape_cast %broadcast_in_dim3A_840 : vector<16x1xi32> to vector<16xi32>
        %gather3A_842 = tpu.dynamic_gather %get3A_557[%gather3A_841] in [0] : vector<16xf32>, vector<16xi32> -> vector<16xf32>
        %get3A_843 = arith.index_cast %add3A_838 : i32 to index
        %get3A_844 = arith.constant 0 : index
        %get3A_845 = tpu.vector_load %arg13[%get3A_843, %get3A_844] {strides = array<i32>} : memref<128x64xf32, #tpu.memory_space<vmem>>, vector<16xf32>,
        %mul3A_846 = arith.mulf %gather3A_842, %get3A_130 : vector<16xf32>
        %add3A_847 = arith.addf %mul3A_846, %add3A_141 : vector<16xf32>
        %add3A_848 = arith.addf %get3A_845, %add3A_847 : vector<16xf32>
        %mul3A_849 = arith.constant 64 : i32
        %mul3A_850 = arith.muli %add3A_838, %mul3A_849 : i32
        %add3A_851 = arith.constant 0 : i32
        %add3A_852 = arith.addi %mul3A_850, %add3A_851 : i32
        %swap3A_853 = arith.index_cast %add3A_852 : i32 to index
        %swap3A_854 = tpu.vector_load %arg15[%swap3A_853] {strides = array<i32>} : memref<8192xf32, #tpu.memory_space<vmem>>, vector<16xf32>,
        tpu.vector_store %arg15[%swap3A_853], %add3A_848 {strides = array<i32>} : memref<8192xf32, #tpu.memory_space<vmem>>, vector<16xf32>,
        %get3A_855 = arith.index_cast %add3A_838 : i32 to index
        %get3A_856 = arith.constant 16 : index
        %get3A_857 = tpu.vector_load %arg13[%get3A_855, %get3A_856] {strides = array<i32>} : memref<128x64xf32, #tpu.memory_space<vmem>>, vector<16xf32>,
        %mul3A_858 = arith.mulf %gather3A_842, %get3A_132 : vector<16xf32>
        %add3A_859 = arith.addf %mul3A_858, %add3A_146 : vector<16xf32>
        %add3A_860 = arith.addf %get3A_857, %add3A_859 : vector<16xf32>
        %mul3A_861 = arith.constant 64 : i32
        %mul3A_862 = arith.muli %add3A_838, %mul3A_861 : i32
        %add3A_863 = arith.constant 16 : i32
        %add3A_864 = arith.addi %mul3A_862, %add3A_863 : i32
        %swap3A_865 = arith.index_cast %add3A_864 : i32 to index
        %swap3A_866 = tpu.vector_load %arg15[%swap3A_865] {strides = array<i32>} : memref<8192xf32, #tpu.memory_space<vmem>>, vector<16xf32>,
        tpu.vector_store %arg15[%swap3A_865], %add3A_860 {strides = array<i32>} : memref<8192xf32, #tpu.memory_space<vmem>>, vector<16xf32>,
        %get3A_867 = arith.index_cast %add3A_838 : i32 to index
        %get3A_868 = arith.constant 32 : index
        %get3A_869 = tpu.vector_load %arg13[%get3A_867, %get3A_868] {strides = array<i32>} : memref<128x64xf32, #tpu.memory_space<vmem>>, vector<16xf32>,
        %mul3A_870 = arith.mulf %gather3A_842, %get3A_134 : vector<16xf32>
        %add3A_871 = arith.addf %mul3A_870, %add3A_151 : vector<16xf32>
        %add3A_872 = arith.addf %get3A_869, %add3A_871 : vector<16xf32>
        %mul3A_873 = arith.constant 64 : i32
        %mul3A_874 = arith.muli %add3A_838, %mul3A_873 : i32
        %add3A_875 = arith.constant 32 : i32
        %add3A_876 = arith.addi %mul3A_874, %add3A_875 : i32
        %swap3A_877 = arith.index_cast %add3A_876 : i32 to index
        %swap3A_878 = tpu.vector_load %arg15[%swap3A_877] {strides = array<i32>} : memref<8192xf32, #tpu.memory_space<vmem>>, vector<16xf32>,
        tpu.vector_store %arg15[%swap3A_877], %add3A_872 {strides = array<i32>} : memref<8192xf32, #tpu.memory_space<vmem>>, vector<16xf32>,
        %get3A_879 = arith.index_cast %add3A_838 : i32 to index
        %get3A_880 = arith.constant 48 : index
        %get3A_881 = tpu.vector_load %arg13[%get3A_879, %get3A_880] {strides = array<i32>} : memref<128x64xf32, #tpu.memory_space<vmem>>, vector<16xf32>,
        %mul3A_882 = arith.mulf %gather3A_842, %get3A_136 : vector<16xf32>
        %add3A_883 = arith.addf %mul3A_882, %add3A_156 : vector<16xf32>
        %add3A_884 = arith.addf %get3A_881, %add3A_883 : vector<16xf32>
        %mul3A_885 = arith.constant 64 : i32
        %mul3A_886 = arith.muli %add3A_838, %mul3A_885 : i32
        %add3A_887 = arith.constant 48 : i32
        %add3A_888 = arith.addi %mul3A_886, %add3A_887 : i32
        %swap3A_889 = arith.index_cast %add3A_888 : i32 to index
        %swap3A_890 = tpu.vector_load %arg15[%swap3A_889] {strides = array<i32>} : memref<8192xf32, #tpu.memory_space<vmem>>, vector<16xf32>,
        tpu.vector_store %arg15[%swap3A_889], %add3A_884 {strides = array<i32>} : memref<8192xf32, #tpu.memory_space<vmem>>, vector<16xf32>,
        %mul3A_891 = arith.constant 16 : i32
        %mul3A_892 = arith.muli %scan3A_552, %mul3A_891 : i32
        %add3A_893 = arith.constant 6 : i32
        %add3A_894 = arith.addi %mul3A_892, %add3A_893 : i32
        %broadcast_in_dim3A_895 = arith.constant 6 : i32
        %broadcast_in_dim3A_896 = vector.broadcast %broadcast_in_dim3A_895 : i32 to vector<16x1xi32>
        %gather3A_897 = vector.shape_cast %broadcast_in_dim3A_896 : vector<16x1xi32> to vector<16xi32>
        %gather3A_898 = tpu.dynamic_gather %get3A_557[%gather3A_897] in [0] : vector<16xf32>, vector<16xi32> -> vector<16xf32>
        %get3A_899 = arith.index_cast %add3A_894 : i32 to index
        %get3A_900 = arith.constant 0 : index
        %get3A_901 = tpu.vector_load %arg13[%get3A_899, %get3A_900] {strides = array<i32>} : memref<128x64xf32, #tpu.memory_space<vmem>>, vector<16xf32>,
        %mul3A_902 = arith.mulf %gather3A_898, %get3A_130 : vector<16xf32>
        %add3A_903 = arith.addf %mul3A_902, %add3A_141 : vector<16xf32>
        %add3A_904 = arith.addf %get3A_901, %add3A_903 : vector<16xf32>
        %mul3A_905 = arith.constant 64 : i32
        %mul3A_906 = arith.muli %add3A_894, %mul3A_905 : i32
        %add3A_907 = arith.constant 0 : i32
        %add3A_908 = arith.addi %mul3A_906, %add3A_907 : i32
        %swap3A_909 = arith.index_cast %add3A_908 : i32 to index
        %swap3A_910 = tpu.vector_load %arg15[%swap3A_909] {strides = array<i32>} : memref<8192xf32, #tpu.memory_space<vmem>>, vector<16xf32>,
        tpu.vector_store %arg15[%swap3A_909], %add3A_904 {strides = array<i32>} : memref<8192xf32, #tpu.memory_space<vmem>>, vector<16xf32>,
        %get3A_911 = arith.index_cast %add3A_894 : i32 to index
        %get3A_912 = arith.constant 16 : index
        %get3A_913 = tpu.vector_load %arg13[%get3A_911, %get3A_912] {strides = array<i32>} : memref<128x64xf32, #tpu.memory_space<vmem>>, vector<16xf32>,
        %mul3A_914 = arith.mulf %gather3A_898, %get3A_132 : vector<16xf32>
        %add3A_915 = arith.addf %mul3A_914, %add3A_146 : vector<16xf32>
        %add3A_916 = arith.addf %get3A_913, %add3A_915 : vector<16xf32>
        %mul3A_917 = arith.constant 64 : i32
        %mul3A_918 = arith.muli %add3A_894, %mul3A_917 : i32
        %add3A_919 = arith.constant 16 : i32
        %add3A_920 = arith.addi %mul3A_918, %add3A_919 : i32
        %swap3A_921 = arith.index_cast %add3A_920 : i32 to index
        %swap3A_922 = tpu.vector_load %arg15[%swap3A_921] {strides = array<i32>} : memref<8192xf32, #tpu.memory_space<vmem>>, vector<16xf32>,
        tpu.vector_store %arg15[%swap3A_921], %add3A_916 {strides = array<i32>} : memref<8192xf32, #tpu.memory_space<vmem>>, vector<16xf32>,
        %get3A_923 = arith.index_cast %add3A_894 : i32 to index
        %get3A_924 = arith.constant 32 : index
        %get3A_925 = tpu.vector_load %arg13[%get3A_923, %get3A_924] {strides = array<i32>} : memref<128x64xf32, #tpu.memory_space<vmem>>, vector<16xf32>,
        %mul3A_926 = arith.mulf %gather3A_898, %get3A_134 : vector<16xf32>
        %add3A_927 = arith.addf %mul3A_926, %add3A_151 : vector<16xf32>
        %add3A_928 = arith.addf %get3A_925, %add3A_927 : vector<16xf32>
        %mul3A_929 = arith.constant 64 : i32
        %mul3A_930 = arith.muli %add3A_894, %mul3A_929 : i32
        %add3A_931 = arith.constant 32 : i32
        %add3A_932 = arith.addi %mul3A_930, %add3A_931 : i32
        %swap3A_933 = arith.index_cast %add3A_932 : i32 to index
        %swap3A_934 = tpu.vector_load %arg15[%swap3A_933] {strides = array<i32>} : memref<8192xf32, #tpu.memory_space<vmem>>, vector<16xf32>,
        tpu.vector_store %arg15[%swap3A_933], %add3A_928 {strides = array<i32>} : memref<8192xf32, #tpu.memory_space<vmem>>, vector<16xf32>,
        %get3A_935 = arith.index_cast %add3A_894 : i32 to index
        %get3A_936 = arith.constant 48 : index
        %get3A_937 = tpu.vector_load %arg13[%get3A_935, %get3A_936] {strides = array<i32>} : memref<128x64xf32, #tpu.memory_space<vmem>>, vector<16xf32>,
        %mul3A_938 = arith.mulf %gather3A_898, %get3A_136 : vector<16xf32>
        %add3A_939 = arith.addf %mul3A_938, %add3A_156 : vector<16xf32>
        %add3A_940 = arith.addf %get3A_937, %add3A_939 : vector<16xf32>
        %mul3A_941 = arith.constant 64 : i32
        %mul3A_942 = arith.muli %add3A_894, %mul3A_941 : i32
        %add3A_943 = arith.constant 48 : i32
        %add3A_944 = arith.addi %mul3A_942, %add3A_943 : i32
        %swap3A_945 = arith.index_cast %add3A_944 : i32 to index
        %swap3A_946 = tpu.vector_load %arg15[%swap3A_945] {strides = array<i32>} : memref<8192xf32, #tpu.memory_space<vmem>>, vector<16xf32>,
        tpu.vector_store %arg15[%swap3A_945], %add3A_940 {strides = array<i32>} : memref<8192xf32, #tpu.memory_space<vmem>>, vector<16xf32>,
        %mul3A_947 = arith.constant 16 : i32
        %mul3A_948 = arith.muli %scan3A_552, %mul3A_947 : i32
        %add3A_949 = arith.constant 7 : i32
        %add3A_950 = arith.addi %mul3A_948, %add3A_949 : i32
        %broadcast_in_dim3A_951 = arith.constant 7 : i32
        %broadcast_in_dim3A_952 = vector.broadcast %broadcast_in_dim3A_951 : i32 to vector<16x1xi32>
        %gather3A_953 = vector.shape_cast %broadcast_in_dim3A_952 : vector<16x1xi32> to vector<16xi32>
        %gather3A_954 = tpu.dynamic_gather %get3A_557[%gather3A_953] in [0] : vector<16xf32>, vector<16xi32> -> vector<16xf32>
        %get3A_955 = arith.index_cast %add3A_950 : i32 to index
        %get3A_956 = arith.constant 0 : index
        %get3A_957 = tpu.vector_load %arg13[%get3A_955, %get3A_956] {strides = array<i32>} : memref<128x64xf32, #tpu.memory_space<vmem>>, vector<16xf32>,
        %mul3A_958 = arith.mulf %gather3A_954, %get3A_130 : vector<16xf32>
        %add3A_959 = arith.addf %mul3A_958, %add3A_141 : vector<16xf32>
        %add3A_960 = arith.addf %get3A_957, %add3A_959 : vector<16xf32>
        %mul3A_961 = arith.constant 64 : i32
        %mul3A_962 = arith.muli %add3A_950, %mul3A_961 : i32
        %add3A_963 = arith.constant 0 : i32
        %add3A_964 = arith.addi %mul3A_962, %add3A_963 : i32
        %swap3A_965 = arith.index_cast %add3A_964 : i32 to index
        %swap3A_966 = tpu.vector_load %arg15[%swap3A_965] {strides = array<i32>} : memref<8192xf32, #tpu.memory_space<vmem>>, vector<16xf32>,
        tpu.vector_store %arg15[%swap3A_965], %add3A_960 {strides = array<i32>} : memref<8192xf32, #tpu.memory_space<vmem>>, vector<16xf32>,
        %get3A_967 = arith.index_cast %add3A_950 : i32 to index
        %get3A_968 = arith.constant 16 : index
        %get3A_969 = tpu.vector_load %arg13[%get3A_967, %get3A_968] {strides = array<i32>} : memref<128x64xf32, #tpu.memory_space<vmem>>, vector<16xf32>,
        %mul3A_970 = arith.mulf %gather3A_954, %get3A_132 : vector<16xf32>
        %add3A_971 = arith.addf %mul3A_970, %add3A_146 : vector<16xf32>
        %add3A_972 = arith.addf %get3A_969, %add3A_971 : vector<16xf32>
        %mul3A_973 = arith.constant 64 : i32
        %mul3A_974 = arith.muli %add3A_950, %mul3A_973 : i32
        %add3A_975 = arith.constant 16 : i32
        %add3A_976 = arith.addi %mul3A_974, %add3A_975 : i32
        %swap3A_977 = arith.index_cast %add3A_976 : i32 to index
        %swap3A_978 = tpu.vector_load %arg15[%swap3A_977] {strides = array<i32>} : memref<8192xf32, #tpu.memory_space<vmem>>, vector<16xf32>,
        tpu.vector_store %arg15[%swap3A_977], %add3A_972 {strides = array<i32>} : memref<8192xf32, #tpu.memory_space<vmem>>, vector<16xf32>,
        %get3A_979 = arith.index_cast %add3A_950 : i32 to index
        %get3A_980 = arith.constant 32 : index
        %get3A_981 = tpu.vector_load %arg13[%get3A_979, %get3A_980] {strides = array<i32>} : memref<128x64xf32, #tpu.memory_space<vmem>>, vector<16xf32>,
        %mul3A_982 = arith.mulf %gather3A_954, %get3A_134 : vector<16xf32>
        %add3A_983 = arith.addf %mul3A_982, %add3A_151 : vector<16xf32>
        %add3A_984 = arith.addf %get3A_981, %add3A_983 : vector<16xf32>
        %mul3A_985 = arith.constant 64 : i32
        %mul3A_986 = arith.muli %add3A_950, %mul3A_985 : i32
        %add3A_987 = arith.constant 32 : i32
        %add3A_988 = arith.addi %mul3A_986, %add3A_987 : i32
        %swap3A_989 = arith.index_cast %add3A_988 : i32 to index
        %swap3A_990 = tpu.vector_load %arg15[%swap3A_989] {strides = array<i32>} : memref<8192xf32, #tpu.memory_space<vmem>>, vector<16xf32>,
        tpu.vector_store %arg15[%swap3A_989], %add3A_984 {strides = array<i32>} : memref<8192xf32, #tpu.memory_space<vmem>>, vector<16xf32>,
        %get3A_991 = arith.index_cast %add3A_950 : i32 to index
        %get3A_992 = arith.constant 48 : index
        %get3A_993 = tpu.vector_load %arg13[%get3A_991, %get3A_992] {strides = array<i32>} : memref<128x64xf32, #tpu.memory_space<vmem>>, vector<16xf32>,
        %mul3A_994 = arith.mulf %gather3A_954, %get3A_136 : vector<16xf32>
        %add3A_995 = arith.addf %mul3A_994, %add3A_156 : vector<16xf32>
        %add3A_996 = arith.addf %get3A_993, %add3A_995 : vector<16xf32>
        %mul3A_997 = arith.constant 64 : i32
        %mul3A_998 = arith.muli %add3A_950, %mul3A_997 : i32
        %add3A_999 = arith.constant 48 : i32
        %add3A_1000 = arith.addi %mul3A_998, %add3A_999 : i32
        %swap3A_1001 = arith.index_cast %add3A_1000 : i32 to index
        %swap3A_1002 = tpu.vector_load %arg15[%swap3A_1001] {strides = array<i32>} : memref<8192xf32, #tpu.memory_space<vmem>>, vector<16xf32>,
        tpu.vector_store %arg15[%swap3A_1001], %add3A_996 {strides = array<i32>} : memref<8192xf32, #tpu.memory_space<vmem>>, vector<16xf32>,
        %mul3A_1003 = arith.constant 16 : i32
        %mul3A_1004 = arith.muli %scan3A_552, %mul3A_1003 : i32
        %add3A_1005 = arith.constant 8 : i32
        %add3A_1006 = arith.addi %mul3A_1004, %add3A_1005 : i32
        %broadcast_in_dim3A_1007 = arith.constant 8 : i32
        %broadcast_in_dim3A_1008 = vector.broadcast %broadcast_in_dim3A_1007 : i32 to vector<16x1xi32>
        %gather3A_1009 = vector.shape_cast %broadcast_in_dim3A_1008 : vector<16x1xi32> to vector<16xi32>
        %gather3A_1010 = tpu.dynamic_gather %get3A_557[%gather3A_1009] in [0] : vector<16xf32>, vector<16xi32> -> vector<16xf32>
        %get3A_1011 = arith.index_cast %add3A_1006 : i32 to index
        %get3A_1012 = arith.constant 0 : index
        %get3A_1013 = tpu.vector_load %arg13[%get3A_1011, %get3A_1012] {strides = array<i32>} : memref<128x64xf32, #tpu.memory_space<vmem>>, vector<16xf32>,
        %mul3A_1014 = arith.mulf %gather3A_1010, %get3A_130 : vector<16xf32>
        %add3A_1015 = arith.addf %mul3A_1014, %add3A_141 : vector<16xf32>
        %add3A_1016 = arith.addf %get3A_1013, %add3A_1015 : vector<16xf32>
        %mul3A_1017 = arith.constant 64 : i32
        %mul3A_1018 = arith.muli %add3A_1006, %mul3A_1017 : i32
        %add3A_1019 = arith.constant 0 : i32
        %add3A_1020 = arith.addi %mul3A_1018, %add3A_1019 : i32
        %swap3A_1021 = arith.index_cast %add3A_1020 : i32 to index
        %swap3A_1022 = tpu.vector_load %arg15[%swap3A_1021] {strides = array<i32>} : memref<8192xf32, #tpu.memory_space<vmem>>, vector<16xf32>,
        tpu.vector_store %arg15[%swap3A_1021], %add3A_1016 {strides = array<i32>} : memref<8192xf32, #tpu.memory_space<vmem>>, vector<16xf32>,
        %get3A_1023 = arith.index_cast %add3A_1006 : i32 to index
        %get3A_1024 = arith.constant 16 : index
        %get3A_1025 = tpu.vector_load %arg13[%get3A_1023, %get3A_1024] {strides = array<i32>} : memref<128x64xf32, #tpu.memory_space<vmem>>, vector<16xf32>,
        %mul3A_1026 = arith.mulf %gather3A_1010, %get3A_132 : vector<16xf32>
        %add3A_1027 = arith.addf %mul3A_1026, %add3A_146 : vector<16xf32>
        %add3A_1028 = arith.addf %get3A_1025, %add3A_1027 : vector<16xf32>
        %mul3A_1029 = arith.constant 64 : i32
        %mul3A_1030 = arith.muli %add3A_1006, %mul3A_1029 : i32
        %add3A_1031 = arith.constant 16 : i32
        %add3A_1032 = arith.addi %mul3A_1030, %add3A_1031 : i32
        %swap3A_1033 = arith.index_cast %add3A_1032 : i32 to index
        %swap3A_1034 = tpu.vector_load %arg15[%swap3A_1033] {strides = array<i32>} : memref<8192xf32, #tpu.memory_space<vmem>>, vector<16xf32>,
        tpu.vector_store %arg15[%swap3A_1033], %add3A_1028 {strides = array<i32>} : memref<8192xf32, #tpu.memory_space<vmem>>, vector<16xf32>,
        %get3A_1035 = arith.index_cast %add3A_1006 : i32 to index
        %get3A_1036 = arith.constant 32 : index
        %get3A_1037 = tpu.vector_load %arg13[%get3A_1035, %get3A_1036] {strides = array<i32>} : memref<128x64xf32, #tpu.memory_space<vmem>>, vector<16xf32>,
        %mul3A_1038 = arith.mulf %gather3A_1010, %get3A_134 : vector<16xf32>
        %add3A_1039 = arith.addf %mul3A_1038, %add3A_151 : vector<16xf32>
        %add3A_1040 = arith.addf %get3A_1037, %add3A_1039 : vector<16xf32>
        %mul3A_1041 = arith.constant 64 : i32
        %mul3A_1042 = arith.muli %add3A_1006, %mul3A_1041 : i32
        %add3A_1043 = arith.constant 32 : i32
        %add3A_1044 = arith.addi %mul3A_1042, %add3A_1043 : i32
        %swap3A_1045 = arith.index_cast %add3A_1044 : i32 to index
        %swap3A_1046 = tpu.vector_load %arg15[%swap3A_1045] {strides = array<i32>} : memref<8192xf32, #tpu.memory_space<vmem>>, vector<16xf32>,
        tpu.vector_store %arg15[%swap3A_1045], %add3A_1040 {strides = array<i32>} : memref<8192xf32, #tpu.memory_space<vmem>>, vector<16xf32>,
        %get3A_1047 = arith.index_cast %add3A_1006 : i32 to index
        %get3A_1048 = arith.constant 48 : index
        %get3A_1049 = tpu.vector_load %arg13[%get3A_1047, %get3A_1048] {strides = array<i32>} : memref<128x64xf32, #tpu.memory_space<vmem>>, vector<16xf32>,
        %mul3A_1050 = arith.mulf %gather3A_1010, %get3A_136 : vector<16xf32>
        %add3A_1051 = arith.addf %mul3A_1050, %add3A_156 : vector<16xf32>
        %add3A_1052 = arith.addf %get3A_1049, %add3A_1051 : vector<16xf32>
        %mul3A_1053 = arith.constant 64 : i32
        %mul3A_1054 = arith.muli %add3A_1006, %mul3A_1053 : i32
        %add3A_1055 = arith.constant 48 : i32
        %add3A_1056 = arith.addi %mul3A_1054, %add3A_1055 : i32
        %swap3A_1057 = arith.index_cast %add3A_1056 : i32 to index
        %swap3A_1058 = tpu.vector_load %arg15[%swap3A_1057] {strides = array<i32>} : memref<8192xf32, #tpu.memory_space<vmem>>, vector<16xf32>,
        tpu.vector_store %arg15[%swap3A_1057], %add3A_1052 {strides = array<i32>} : memref<8192xf32, #tpu.memory_space<vmem>>, vector<16xf32>,
        %mul3A_1059 = arith.constant 16 : i32
        %mul3A_1060 = arith.muli %scan3A_552, %mul3A_1059 : i32
        %add3A_1061 = arith.constant 9 : i32
        %add3A_1062 = arith.addi %mul3A_1060, %add3A_1061 : i32
        %broadcast_in_dim3A_1063 = arith.constant 9 : i32
        %broadcast_in_dim3A_1064 = vector.broadcast %broadcast_in_dim3A_1063 : i32 to vector<16x1xi32>
        %gather3A_1065 = vector.shape_cast %broadcast_in_dim3A_1064 : vector<16x1xi32> to vector<16xi32>
        %gather3A_1066 = tpu.dynamic_gather %get3A_557[%gather3A_1065] in [0] : vector<16xf32>, vector<16xi32> -> vector<16xf32>
        %get3A_1067 = arith.index_cast %add3A_1062 : i32 to index
        %get3A_1068 = arith.constant 0 : index
        %get3A_1069 = tpu.vector_load %arg13[%get3A_1067, %get3A_1068] {strides = array<i32>} : memref<128x64xf32, #tpu.memory_space<vmem>>, vector<16xf32>,
        %mul3A_1070 = arith.mulf %gather3A_1066, %get3A_130 : vector<16xf32>
        %add3A_1071 = arith.addf %mul3A_1070, %add3A_141 : vector<16xf32>
        %add3A_1072 = arith.addf %get3A_1069, %add3A_1071 : vector<16xf32>
        %mul3A_1073 = arith.constant 64 : i32
        %mul3A_1074 = arith.muli %add3A_1062, %mul3A_1073 : i32
        %add3A_1075 = arith.constant 0 : i32
        %add3A_1076 = arith.addi %mul3A_1074, %add3A_1075 : i32
        %swap3A_1077 = arith.index_cast %add3A_1076 : i32 to index
        %swap3A_1078 = tpu.vector_load %arg15[%swap3A_1077] {strides = array<i32>} : memref<8192xf32, #tpu.memory_space<vmem>>, vector<16xf32>,
        tpu.vector_store %arg15[%swap3A_1077], %add3A_1072 {strides = array<i32>} : memref<8192xf32, #tpu.memory_space<vmem>>, vector<16xf32>,
        %get3A_1079 = arith.index_cast %add3A_1062 : i32 to index
        %get3A_1080 = arith.constant 16 : index
        %get3A_1081 = tpu.vector_load %arg13[%get3A_1079, %get3A_1080] {strides = array<i32>} : memref<128x64xf32, #tpu.memory_space<vmem>>, vector<16xf32>,
        %mul3A_1082 = arith.mulf %gather3A_1066, %get3A_132 : vector<16xf32>
        %add3A_1083 = arith.addf %mul3A_1082, %add3A_146 : vector<16xf32>
        %add3A_1084 = arith.addf %get3A_1081, %add3A_1083 : vector<16xf32>
        %mul3A_1085 = arith.constant 64 : i32
        %mul3A_1086 = arith.muli %add3A_1062, %mul3A_1085 : i32
        %add3A_1087 = arith.constant 16 : i32
        %add3A_1088 = arith.addi %mul3A_1086, %add3A_1087 : i32
        %swap3A_1089 = arith.index_cast %add3A_1088 : i32 to index
        %swap3A_1090 = tpu.vector_load %arg15[%swap3A_1089] {strides = array<i32>} : memref<8192xf32, #tpu.memory_space<vmem>>, vector<16xf32>,
        tpu.vector_store %arg15[%swap3A_1089], %add3A_1084 {strides = array<i32>} : memref<8192xf32, #tpu.memory_space<vmem>>, vector<16xf32>,
        %get3A_1091 = arith.index_cast %add3A_1062 : i32 to index
        %get3A_1092 = arith.constant 32 : index
        %get3A_1093 = tpu.vector_load %arg13[%get3A_1091, %get3A_1092] {strides = array<i32>} : memref<128x64xf32, #tpu.memory_space<vmem>>, vector<16xf32>,
        %mul3A_1094 = arith.mulf %gather3A_1066, %get3A_134 : vector<16xf32>
        %add3A_1095 = arith.addf %mul3A_1094, %add3A_151 : vector<16xf32>
        %add3A_1096 = arith.addf %get3A_1093, %add3A_1095 : vector<16xf32>
        %mul3A_1097 = arith.constant 64 : i32
        %mul3A_1098 = arith.muli %add3A_1062, %mul3A_1097 : i32
        %add3A_1099 = arith.constant 32 : i32
        %add3A_1100 = arith.addi %mul3A_1098, %add3A_1099 : i32
        %swap3A_1101 = arith.index_cast %add3A_1100 : i32 to index
        %swap3A_1102 = tpu.vector_load %arg15[%swap3A_1101] {strides = array<i32>} : memref<8192xf32, #tpu.memory_space<vmem>>, vector<16xf32>,
        tpu.vector_store %arg15[%swap3A_1101], %add3A_1096 {strides = array<i32>} : memref<8192xf32, #tpu.memory_space<vmem>>, vector<16xf32>,
        %get3A_1103 = arith.index_cast %add3A_1062 : i32 to index
        %get3A_1104 = arith.constant 48 : index
        %get3A_1105 = tpu.vector_load %arg13[%get3A_1103, %get3A_1104] {strides = array<i32>} : memref<128x64xf32, #tpu.memory_space<vmem>>, vector<16xf32>,
        %mul3A_1106 = arith.mulf %gather3A_1066, %get3A_136 : vector<16xf32>
        %add3A_1107 = arith.addf %mul3A_1106, %add3A_156 : vector<16xf32>
        %add3A_1108 = arith.addf %get3A_1105, %add3A_1107 : vector<16xf32>
        %mul3A_1109 = arith.constant 64 : i32
        %mul3A_1110 = arith.muli %add3A_1062, %mul3A_1109 : i32
        %add3A_1111 = arith.constant 48 : i32
        %add3A_1112 = arith.addi %mul3A_1110, %add3A_1111 : i32
        %swap3A_1113 = arith.index_cast %add3A_1112 : i32 to index
        %swap3A_1114 = tpu.vector_load %arg15[%swap3A_1113] {strides = array<i32>} : memref<8192xf32, #tpu.memory_space<vmem>>, vector<16xf32>,
        tpu.vector_store %arg15[%swap3A_1113], %add3A_1108 {strides = array<i32>} : memref<8192xf32, #tpu.memory_space<vmem>>, vector<16xf32>,
        %mul3A_1115 = arith.constant 16 : i32
        %mul3A_1116 = arith.muli %scan3A_552, %mul3A_1115 : i32
        %add3A_1117 = arith.constant 10 : i32
        %add3A_1118 = arith.addi %mul3A_1116, %add3A_1117 : i32
        %broadcast_in_dim3A_1119 = arith.constant 10 : i32
        %broadcast_in_dim3A_1120 = vector.broadcast %broadcast_in_dim3A_1119 : i32 to vector<16x1xi32>
        %gather3A_1121 = vector.shape_cast %broadcast_in_dim3A_1120 : vector<16x1xi32> to vector<16xi32>
        %gather3A_1122 = tpu.dynamic_gather %get3A_557[%gather3A_1121] in [0] : vector<16xf32>, vector<16xi32> -> vector<16xf32>
        %get3A_1123 = arith.index_cast %add3A_1118 : i32 to index
        %get3A_1124 = arith.constant 0 : index
        %get3A_1125 = tpu.vector_load %arg13[%get3A_1123, %get3A_1124] {strides = array<i32>} : memref<128x64xf32, #tpu.memory_space<vmem>>, vector<16xf32>,
        %mul3A_1126 = arith.mulf %gather3A_1122, %get3A_130 : vector<16xf32>
        %add3A_1127 = arith.addf %mul3A_1126, %add3A_141 : vector<16xf32>
        %add3A_1128 = arith.addf %get3A_1125, %add3A_1127 : vector<16xf32>
        %mul3A_1129 = arith.constant 64 : i32
        %mul3A_1130 = arith.muli %add3A_1118, %mul3A_1129 : i32
        %add3A_1131 = arith.constant 0 : i32
        %add3A_1132 = arith.addi %mul3A_1130, %add3A_1131 : i32
        %swap3A_1133 = arith.index_cast %add3A_1132 : i32 to index
        %swap3A_1134 = tpu.vector_load %arg15[%swap3A_1133] {strides = array<i32>} : memref<8192xf32, #tpu.memory_space<vmem>>, vector<16xf32>,
        tpu.vector_store %arg15[%swap3A_1133], %add3A_1128 {strides = array<i32>} : memref<8192xf32, #tpu.memory_space<vmem>>, vector<16xf32>,
        %get3A_1135 = arith.index_cast %add3A_1118 : i32 to index
        %get3A_1136 = arith.constant 16 : index
        %get3A_1137 = tpu.vector_load %arg13[%get3A_1135, %get3A_1136] {strides = array<i32>} : memref<128x64xf32, #tpu.memory_space<vmem>>, vector<16xf32>,
        %mul3A_1138 = arith.mulf %gather3A_1122, %get3A_132 : vector<16xf32>
        %add3A_1139 = arith.addf %mul3A_1138, %add3A_146 : vector<16xf32>
        %add3A_1140 = arith.addf %get3A_1137, %add3A_1139 : vector<16xf32>
        %mul3A_1141 = arith.constant 64 : i32
        %mul3A_1142 = arith.muli %add3A_1118, %mul3A_1141 : i32
        %add3A_1143 = arith.constant 16 : i32
        %add3A_1144 = arith.addi %mul3A_1142, %add3A_1143 : i32
        %swap3A_1145 = arith.index_cast %add3A_1144 : i32 to index
        %swap3A_1146 = tpu.vector_load %arg15[%swap3A_1145] {strides = array<i32>} : memref<8192xf32, #tpu.memory_space<vmem>>, vector<16xf32>,
        tpu.vector_store %arg15[%swap3A_1145], %add3A_1140 {strides = array<i32>} : memref<8192xf32, #tpu.memory_space<vmem>>, vector<16xf32>,
        %get3A_1147 = arith.index_cast %add3A_1118 : i32 to index
        %get3A_1148 = arith.constant 32 : index
        %get3A_1149 = tpu.vector_load %arg13[%get3A_1147, %get3A_1148] {strides = array<i32>} : memref<128x64xf32, #tpu.memory_space<vmem>>, vector<16xf32>,
        %mul3A_1150 = arith.mulf %gather3A_1122, %get3A_134 : vector<16xf32>
        %add3A_1151 = arith.addf %mul3A_1150, %add3A_151 : vector<16xf32>
        %add3A_1152 = arith.addf %get3A_1149, %add3A_1151 : vector<16xf32>
        %mul3A_1153 = arith.constant 64 : i32
        %mul3A_1154 = arith.muli %add3A_1118, %mul3A_1153 : i32
        %add3A_1155 = arith.constant 32 : i32
        %add3A_1156 = arith.addi %mul3A_1154, %add3A_1155 : i32
        %swap3A_1157 = arith.index_cast %add3A_1156 : i32 to index
        %swap3A_1158 = tpu.vector_load %arg15[%swap3A_1157] {strides = array<i32>} : memref<8192xf32, #tpu.memory_space<vmem>>, vector<16xf32>,
        tpu.vector_store %arg15[%swap3A_1157], %add3A_1152 {strides = array<i32>} : memref<8192xf32, #tpu.memory_space<vmem>>, vector<16xf32>,
        %get3A_1159 = arith.index_cast %add3A_1118 : i32 to index
        %get3A_1160 = arith.constant 48 : index
        %get3A_1161 = tpu.vector_load %arg13[%get3A_1159, %get3A_1160] {strides = array<i32>} : memref<128x64xf32, #tpu.memory_space<vmem>>, vector<16xf32>,
        %mul3A_1162 = arith.mulf %gather3A_1122, %get3A_136 : vector<16xf32>
        %add3A_1163 = arith.addf %mul3A_1162, %add3A_156 : vector<16xf32>
        %add3A_1164 = arith.addf %get3A_1161, %add3A_1163 : vector<16xf32>
        %mul3A_1165 = arith.constant 64 : i32
        %mul3A_1166 = arith.muli %add3A_1118, %mul3A_1165 : i32
        %add3A_1167 = arith.constant 48 : i32
        %add3A_1168 = arith.addi %mul3A_1166, %add3A_1167 : i32
        %swap3A_1169 = arith.index_cast %add3A_1168 : i32 to index
        %swap3A_1170 = tpu.vector_load %arg15[%swap3A_1169] {strides = array<i32>} : memref<8192xf32, #tpu.memory_space<vmem>>, vector<16xf32>,
        tpu.vector_store %arg15[%swap3A_1169], %add3A_1164 {strides = array<i32>} : memref<8192xf32, #tpu.memory_space<vmem>>, vector<16xf32>,
        %mul3A_1171 = arith.constant 16 : i32
        %mul3A_1172 = arith.muli %scan3A_552, %mul3A_1171 : i32
        %add3A_1173 = arith.constant 11 : i32
        %add3A_1174 = arith.addi %mul3A_1172, %add3A_1173 : i32
        %broadcast_in_dim3A_1175 = arith.constant 11 : i32
        %broadcast_in_dim3A_1176 = vector.broadcast %broadcast_in_dim3A_1175 : i32 to vector<16x1xi32>
        %gather3A_1177 = vector.shape_cast %broadcast_in_dim3A_1176 : vector<16x1xi32> to vector<16xi32>
        %gather3A_1178 = tpu.dynamic_gather %get3A_557[%gather3A_1177] in [0] : vector<16xf32>, vector<16xi32> -> vector<16xf32>
        %get3A_1179 = arith.index_cast %add3A_1174 : i32 to index
        %get3A_1180 = arith.constant 0 : index
        %get3A_1181 = tpu.vector_load %arg13[%get3A_1179, %get3A_1180] {strides = array<i32>} : memref<128x64xf32, #tpu.memory_space<vmem>>, vector<16xf32>,
        %mul3A_1182 = arith.mulf %gather3A_1178, %get3A_130 : vector<16xf32>
        %add3A_1183 = arith.addf %mul3A_1182, %add3A_141 : vector<16xf32>
        %add3A_1184 = arith.addf %get3A_1181, %add3A_1183 : vector<16xf32>
        %mul3A_1185 = arith.constant 64 : i32
        %mul3A_1186 = arith.muli %add3A_1174, %mul3A_1185 : i32
        %add3A_1187 = arith.constant 0 : i32
        %add3A_1188 = arith.addi %mul3A_1186, %add3A_1187 : i32
        %swap3A_1189 = arith.index_cast %add3A_1188 : i32 to index
        %swap3A_1190 = tpu.vector_load %arg15[%swap3A_1189] {strides = array<i32>} : memref<8192xf32, #tpu.memory_space<vmem>>, vector<16xf32>,
        tpu.vector_store %arg15[%swap3A_1189], %add3A_1184 {strides = array<i32>} : memref<8192xf32, #tpu.memory_space<vmem>>, vector<16xf32>,
        %get3A_1191 = arith.index_cast %add3A_1174 : i32 to index
        %get3A_1192 = arith.constant 16 : index
        %get3A_1193 = tpu.vector_load %arg13[%get3A_1191, %get3A_1192] {strides = array<i32>} : memref<128x64xf32, #tpu.memory_space<vmem>>, vector<16xf32>,
        %mul3A_1194 = arith.mulf %gather3A_1178, %get3A_132 : vector<16xf32>
        %add3A_1195 = arith.addf %mul3A_1194, %add3A_146 : vector<16xf32>
        %add3A_1196 = arith.addf %get3A_1193, %add3A_1195 : vector<16xf32>
        %mul3A_1197 = arith.constant 64 : i32
        %mul3A_1198 = arith.muli %add3A_1174, %mul3A_1197 : i32
        %add3A_1199 = arith.constant 16 : i32
        %add3A_1200 = arith.addi %mul3A_1198, %add3A_1199 : i32
        %swap3A_1201 = arith.index_cast %add3A_1200 : i32 to index
        %swap3A_1202 = tpu.vector_load %arg15[%swap3A_1201] {strides = array<i32>} : memref<8192xf32, #tpu.memory_space<vmem>>, vector<16xf32>,
        tpu.vector_store %arg15[%swap3A_1201], %add3A_1196 {strides = array<i32>} : memref<8192xf32, #tpu.memory_space<vmem>>, vector<16xf32>,
        %get3A_1203 = arith.index_cast %add3A_1174 : i32 to index
        %get3A_1204 = arith.constant 32 : index
        %get3A_1205 = tpu.vector_load %arg13[%get3A_1203, %get3A_1204] {strides = array<i32>} : memref<128x64xf32, #tpu.memory_space<vmem>>, vector<16xf32>,
        %mul3A_1206 = arith.mulf %gather3A_1178, %get3A_134 : vector<16xf32>
        %add3A_1207 = arith.addf %mul3A_1206, %add3A_151 : vector<16xf32>
        %add3A_1208 = arith.addf %get3A_1205, %add3A_1207 : vector<16xf32>
        %mul3A_1209 = arith.constant 64 : i32
        %mul3A_1210 = arith.muli %add3A_1174, %mul3A_1209 : i32
        %add3A_1211 = arith.constant 32 : i32
        %add3A_1212 = arith.addi %mul3A_1210, %add3A_1211 : i32
        %swap3A_1213 = arith.index_cast %add3A_1212 : i32 to index
        %swap3A_1214 = tpu.vector_load %arg15[%swap3A_1213] {strides = array<i32>} : memref<8192xf32, #tpu.memory_space<vmem>>, vector<16xf32>,
        tpu.vector_store %arg15[%swap3A_1213], %add3A_1208 {strides = array<i32>} : memref<8192xf32, #tpu.memory_space<vmem>>, vector<16xf32>,
        %get3A_1215 = arith.index_cast %add3A_1174 : i32 to index
        %get3A_1216 = arith.constant 48 : index
        %get3A_1217 = tpu.vector_load %arg13[%get3A_1215, %get3A_1216] {strides = array<i32>} : memref<128x64xf32, #tpu.memory_space<vmem>>, vector<16xf32>,
        %mul3A_1218 = arith.mulf %gather3A_1178, %get3A_136 : vector<16xf32>
        %add3A_1219 = arith.addf %mul3A_1218, %add3A_156 : vector<16xf32>
        %add3A_1220 = arith.addf %get3A_1217, %add3A_1219 : vector<16xf32>
        %mul3A_1221 = arith.constant 64 : i32
        %mul3A_1222 = arith.muli %add3A_1174, %mul3A_1221 : i32
        %add3A_1223 = arith.constant 48 : i32
        %add3A_1224 = arith.addi %mul3A_1222, %add3A_1223 : i32
        %swap3A_1225 = arith.index_cast %add3A_1224 : i32 to index
        %swap3A_1226 = tpu.vector_load %arg15[%swap3A_1225] {strides = array<i32>} : memref<8192xf32, #tpu.memory_space<vmem>>, vector<16xf32>,
        tpu.vector_store %arg15[%swap3A_1225], %add3A_1220 {strides = array<i32>} : memref<8192xf32, #tpu.memory_space<vmem>>, vector<16xf32>,
        %mul3A_1227 = arith.constant 16 : i32
        %mul3A_1228 = arith.muli %scan3A_552, %mul3A_1227 : i32
        %add3A_1229 = arith.constant 12 : i32
        %add3A_1230 = arith.addi %mul3A_1228, %add3A_1229 : i32
        %broadcast_in_dim3A_1231 = arith.constant 12 : i32
        %broadcast_in_dim3A_1232 = vector.broadcast %broadcast_in_dim3A_1231 : i32 to vector<16x1xi32>
        %gather3A_1233 = vector.shape_cast %broadcast_in_dim3A_1232 : vector<16x1xi32> to vector<16xi32>
        %gather3A_1234 = tpu.dynamic_gather %get3A_557[%gather3A_1233] in [0] : vector<16xf32>, vector<16xi32> -> vector<16xf32>
        %get3A_1235 = arith.index_cast %add3A_1230 : i32 to index
        %get3A_1236 = arith.constant 0 : index
        %get3A_1237 = tpu.vector_load %arg13[%get3A_1235, %get3A_1236] {strides = array<i32>} : memref<128x64xf32, #tpu.memory_space<vmem>>, vector<16xf32>,
        %mul3A_1238 = arith.mulf %gather3A_1234, %get3A_130 : vector<16xf32>
        %add3A_1239 = arith.addf %mul3A_1238, %add3A_141 : vector<16xf32>
        %add3A_1240 = arith.addf %get3A_1237, %add3A_1239 : vector<16xf32>
        %mul3A_1241 = arith.constant 64 : i32
        %mul3A_1242 = arith.muli %add3A_1230, %mul3A_1241 : i32
        %add3A_1243 = arith.constant 0 : i32
        %add3A_1244 = arith.addi %mul3A_1242, %add3A_1243 : i32
        %swap3A_1245 = arith.index_cast %add3A_1244 : i32 to index
        %swap3A_1246 = tpu.vector_load %arg15[%swap3A_1245] {strides = array<i32>} : memref<8192xf32, #tpu.memory_space<vmem>>, vector<16xf32>,
        tpu.vector_store %arg15[%swap3A_1245], %add3A_1240 {strides = array<i32>} : memref<8192xf32, #tpu.memory_space<vmem>>, vector<16xf32>,
        %get3A_1247 = arith.index_cast %add3A_1230 : i32 to index
        %get3A_1248 = arith.constant 16 : index
        %get3A_1249 = tpu.vector_load %arg13[%get3A_1247, %get3A_1248] {strides = array<i32>} : memref<128x64xf32, #tpu.memory_space<vmem>>, vector<16xf32>,
        %mul3A_1250 = arith.mulf %gather3A_1234, %get3A_132 : vector<16xf32>
        %add3A_1251 = arith.addf %mul3A_1250, %add3A_146 : vector<16xf32>
        %add3A_1252 = arith.addf %get3A_1249, %add3A_1251 : vector<16xf32>
        %mul3A_1253 = arith.constant 64 : i32
        %mul3A_1254 = arith.muli %add3A_1230, %mul3A_1253 : i32
        %add3A_1255 = arith.constant 16 : i32
        %add3A_1256 = arith.addi %mul3A_1254, %add3A_1255 : i32
        %swap3A_1257 = arith.index_cast %add3A_1256 : i32 to index
        %swap3A_1258 = tpu.vector_load %arg15[%swap3A_1257] {strides = array<i32>} : memref<8192xf32, #tpu.memory_space<vmem>>, vector<16xf32>,
        tpu.vector_store %arg15[%swap3A_1257], %add3A_1252 {strides = array<i32>} : memref<8192xf32, #tpu.memory_space<vmem>>, vector<16xf32>,
        %get3A_1259 = arith.index_cast %add3A_1230 : i32 to index
        %get3A_1260 = arith.constant 32 : index
        %get3A_1261 = tpu.vector_load %arg13[%get3A_1259, %get3A_1260] {strides = array<i32>} : memref<128x64xf32, #tpu.memory_space<vmem>>, vector<16xf32>,
        %mul3A_1262 = arith.mulf %gather3A_1234, %get3A_134 : vector<16xf32>
        %add3A_1263 = arith.addf %mul3A_1262, %add3A_151 : vector<16xf32>
        %add3A_1264 = arith.addf %get3A_1261, %add3A_1263 : vector<16xf32>
        %mul3A_1265 = arith.constant 64 : i32
        %mul3A_1266 = arith.muli %add3A_1230, %mul3A_1265 : i32
        %add3A_1267 = arith.constant 32 : i32
        %add3A_1268 = arith.addi %mul3A_1266, %add3A_1267 : i32
        %swap3A_1269 = arith.index_cast %add3A_1268 : i32 to index
        %swap3A_1270 = tpu.vector_load %arg15[%swap3A_1269] {strides = array<i32>} : memref<8192xf32, #tpu.memory_space<vmem>>, vector<16xf32>,
        tpu.vector_store %arg15[%swap3A_1269], %add3A_1264 {strides = array<i32>} : memref<8192xf32, #tpu.memory_space<vmem>>, vector<16xf32>,
        %get3A_1271 = arith.index_cast %add3A_1230 : i32 to index
        %get3A_1272 = arith.constant 48 : index
        %get3A_1273 = tpu.vector_load %arg13[%get3A_1271, %get3A_1272] {strides = array<i32>} : memref<128x64xf32, #tpu.memory_space<vmem>>, vector<16xf32>,
        %mul3A_1274 = arith.mulf %gather3A_1234, %get3A_136 : vector<16xf32>
        %add3A_1275 = arith.addf %mul3A_1274, %add3A_156 : vector<16xf32>
        %add3A_1276 = arith.addf %get3A_1273, %add3A_1275 : vector<16xf32>
        %mul3A_1277 = arith.constant 64 : i32
        %mul3A_1278 = arith.muli %add3A_1230, %mul3A_1277 : i32
        %add3A_1279 = arith.constant 48 : i32
        %add3A_1280 = arith.addi %mul3A_1278, %add3A_1279 : i32
        %swap3A_1281 = arith.index_cast %add3A_1280 : i32 to index
        %swap3A_1282 = tpu.vector_load %arg15[%swap3A_1281] {strides = array<i32>} : memref<8192xf32, #tpu.memory_space<vmem>>, vector<16xf32>,
        tpu.vector_store %arg15[%swap3A_1281], %add3A_1276 {strides = array<i32>} : memref<8192xf32, #tpu.memory_space<vmem>>, vector<16xf32>,
        %mul3A_1283 = arith.constant 16 : i32
        %mul3A_1284 = arith.muli %scan3A_552, %mul3A_1283 : i32
        %add3A_1285 = arith.constant 13 : i32
        %add3A_1286 = arith.addi %mul3A_1284, %add3A_1285 : i32
        %broadcast_in_dim3A_1287 = arith.constant 13 : i32
        %broadcast_in_dim3A_1288 = vector.broadcast %broadcast_in_dim3A_1287 : i32 to vector<16x1xi32>
        %gather3A_1289 = vector.shape_cast %broadcast_in_dim3A_1288 : vector<16x1xi32> to vector<16xi32>
        %gather3A_1290 = tpu.dynamic_gather %get3A_557[%gather3A_1289] in [0] : vector<16xf32>, vector<16xi32> -> vector<16xf32>
        %get3A_1291 = arith.index_cast %add3A_1286 : i32 to index
        %get3A_1292 = arith.constant 0 : index
        %get3A_1293 = tpu.vector_load %arg13[%get3A_1291, %get3A_1292] {strides = array<i32>} : memref<128x64xf32, #tpu.memory_space<vmem>>, vector<16xf32>,
        %mul3A_1294 = arith.mulf %gather3A_1290, %get3A_130 : vector<16xf32>
        %add3A_1295 = arith.addf %mul3A_1294, %add3A_141 : vector<16xf32>
        %add3A_1296 = arith.addf %get3A_1293, %add3A_1295 : vector<16xf32>
        %mul3A_1297 = arith.constant 64 : i32
        %mul3A_1298 = arith.muli %add3A_1286, %mul3A_1297 : i32
        %add3A_1299 = arith.constant 0 : i32
        %add3A_1300 = arith.addi %mul3A_1298, %add3A_1299 : i32
        %swap3A_1301 = arith.index_cast %add3A_1300 : i32 to index
        %swap3A_1302 = tpu.vector_load %arg15[%swap3A_1301] {strides = array<i32>} : memref<8192xf32, #tpu.memory_space<vmem>>, vector<16xf32>,
        tpu.vector_store %arg15[%swap3A_1301], %add3A_1296 {strides = array<i32>} : memref<8192xf32, #tpu.memory_space<vmem>>, vector<16xf32>,
        %get3A_1303 = arith.index_cast %add3A_1286 : i32 to index
        %get3A_1304 = arith.constant 16 : index
        %get3A_1305 = tpu.vector_load %arg13[%get3A_1303, %get3A_1304] {strides = array<i32>} : memref<128x64xf32, #tpu.memory_space<vmem>>, vector<16xf32>,
        %mul3A_1306 = arith.mulf %gather3A_1290, %get3A_132 : vector<16xf32>
        %add3A_1307 = arith.addf %mul3A_1306, %add3A_146 : vector<16xf32>
        %add3A_1308 = arith.addf %get3A_1305, %add3A_1307 : vector<16xf32>
        %mul3A_1309 = arith.constant 64 : i32
        %mul3A_1310 = arith.muli %add3A_1286, %mul3A_1309 : i32
        %add3A_1311 = arith.constant 16 : i32
        %add3A_1312 = arith.addi %mul3A_1310, %add3A_1311 : i32
        %swap3A_1313 = arith.index_cast %add3A_1312 : i32 to index
        %swap3A_1314 = tpu.vector_load %arg15[%swap3A_1313] {strides = array<i32>} : memref<8192xf32, #tpu.memory_space<vmem>>, vector<16xf32>,
        tpu.vector_store %arg15[%swap3A_1313], %add3A_1308 {strides = array<i32>} : memref<8192xf32, #tpu.memory_space<vmem>>, vector<16xf32>,
        %get3A_1315 = arith.index_cast %add3A_1286 : i32 to index
        %get3A_1316 = arith.constant 32 : index
        %get3A_1317 = tpu.vector_load %arg13[%get3A_1315, %get3A_1316] {strides = array<i32>} : memref<128x64xf32, #tpu.memory_space<vmem>>, vector<16xf32>,
        %mul3A_1318 = arith.mulf %gather3A_1290, %get3A_134 : vector<16xf32>
        %add3A_1319 = arith.addf %mul3A_1318, %add3A_151 : vector<16xf32>
        %add3A_1320 = arith.addf %get3A_1317, %add3A_1319 : vector<16xf32>
        %mul3A_1321 = arith.constant 64 : i32
        %mul3A_1322 = arith.muli %add3A_1286, %mul3A_1321 : i32
        %add3A_1323 = arith.constant 32 : i32
        %add3A_1324 = arith.addi %mul3A_1322, %add3A_1323 : i32
        %swap3A_1325 = arith.index_cast %add3A_1324 : i32 to index
        %swap3A_1326 = tpu.vector_load %arg15[%swap3A_1325] {strides = array<i32>} : memref<8192xf32, #tpu.memory_space<vmem>>, vector<16xf32>,
        tpu.vector_store %arg15[%swap3A_1325], %add3A_1320 {strides = array<i32>} : memref<8192xf32, #tpu.memory_space<vmem>>, vector<16xf32>,
        %get3A_1327 = arith.index_cast %add3A_1286 : i32 to index
        %get3A_1328 = arith.constant 48 : index
        %get3A_1329 = tpu.vector_load %arg13[%get3A_1327, %get3A_1328] {strides = array<i32>} : memref<128x64xf32, #tpu.memory_space<vmem>>, vector<16xf32>,
        %mul3A_1330 = arith.mulf %gather3A_1290, %get3A_136 : vector<16xf32>
        %add3A_1331 = arith.addf %mul3A_1330, %add3A_156 : vector<16xf32>
        %add3A_1332 = arith.addf %get3A_1329, %add3A_1331 : vector<16xf32>
        %mul3A_1333 = arith.constant 64 : i32
        %mul3A_1334 = arith.muli %add3A_1286, %mul3A_1333 : i32
        %add3A_1335 = arith.constant 48 : i32
        %add3A_1336 = arith.addi %mul3A_1334, %add3A_1335 : i32
        %swap3A_1337 = arith.index_cast %add3A_1336 : i32 to index
        %swap3A_1338 = tpu.vector_load %arg15[%swap3A_1337] {strides = array<i32>} : memref<8192xf32, #tpu.memory_space<vmem>>, vector<16xf32>,
        tpu.vector_store %arg15[%swap3A_1337], %add3A_1332 {strides = array<i32>} : memref<8192xf32, #tpu.memory_space<vmem>>, vector<16xf32>,
        %mul3A_1339 = arith.constant 16 : i32
        %mul3A_1340 = arith.muli %scan3A_552, %mul3A_1339 : i32
        %add3A_1341 = arith.constant 14 : i32
        %add3A_1342 = arith.addi %mul3A_1340, %add3A_1341 : i32
        %broadcast_in_dim3A_1343 = arith.constant 14 : i32
        %broadcast_in_dim3A_1344 = vector.broadcast %broadcast_in_dim3A_1343 : i32 to vector<16x1xi32>
        %gather3A_1345 = vector.shape_cast %broadcast_in_dim3A_1344 : vector<16x1xi32> to vector<16xi32>
        %gather3A_1346 = tpu.dynamic_gather %get3A_557[%gather3A_1345] in [0] : vector<16xf32>, vector<16xi32> -> vector<16xf32>
        %get3A_1347 = arith.index_cast %add3A_1342 : i32 to index
        %get3A_1348 = arith.constant 0 : index
        %get3A_1349 = tpu.vector_load %arg13[%get3A_1347, %get3A_1348] {strides = array<i32>} : memref<128x64xf32, #tpu.memory_space<vmem>>, vector<16xf32>,
        %mul3A_1350 = arith.mulf %gather3A_1346, %get3A_130 : vector<16xf32>
        %add3A_1351 = arith.addf %mul3A_1350, %add3A_141 : vector<16xf32>
        %add3A_1352 = arith.addf %get3A_1349, %add3A_1351 : vector<16xf32>
        %mul3A_1353 = arith.constant 64 : i32
        %mul3A_1354 = arith.muli %add3A_1342, %mul3A_1353 : i32
        %add3A_1355 = arith.constant 0 : i32
        %add3A_1356 = arith.addi %mul3A_1354, %add3A_1355 : i32
        %swap3A_1357 = arith.index_cast %add3A_1356 : i32 to index
        %swap3A_1358 = tpu.vector_load %arg15[%swap3A_1357] {strides = array<i32>} : memref<8192xf32, #tpu.memory_space<vmem>>, vector<16xf32>,
        tpu.vector_store %arg15[%swap3A_1357], %add3A_1352 {strides = array<i32>} : memref<8192xf32, #tpu.memory_space<vmem>>, vector<16xf32>,
        %get3A_1359 = arith.index_cast %add3A_1342 : i32 to index
        %get3A_1360 = arith.constant 16 : index
        %get3A_1361 = tpu.vector_load %arg13[%get3A_1359, %get3A_1360] {strides = array<i32>} : memref<128x64xf32, #tpu.memory_space<vmem>>, vector<16xf32>,
        %mul3A_1362 = arith.mulf %gather3A_1346, %get3A_132 : vector<16xf32>
        %add3A_1363 = arith.addf %mul3A_1362, %add3A_146 : vector<16xf32>
        %add3A_1364 = arith.addf %get3A_1361, %add3A_1363 : vector<16xf32>
        %mul3A_1365 = arith.constant 64 : i32
        %mul3A_1366 = arith.muli %add3A_1342, %mul3A_1365 : i32
        %add3A_1367 = arith.constant 16 : i32
        %add3A_1368 = arith.addi %mul3A_1366, %add3A_1367 : i32
        %swap3A_1369 = arith.index_cast %add3A_1368 : i32 to index
        %swap3A_1370 = tpu.vector_load %arg15[%swap3A_1369] {strides = array<i32>} : memref<8192xf32, #tpu.memory_space<vmem>>, vector<16xf32>,
        tpu.vector_store %arg15[%swap3A_1369], %add3A_1364 {strides = array<i32>} : memref<8192xf32, #tpu.memory_space<vmem>>, vector<16xf32>,
        %get3A_1371 = arith.index_cast %add3A_1342 : i32 to index
        %get3A_1372 = arith.constant 32 : index
        %get3A_1373 = tpu.vector_load %arg13[%get3A_1371, %get3A_1372] {strides = array<i32>} : memref<128x64xf32, #tpu.memory_space<vmem>>, vector<16xf32>,
        %mul3A_1374 = arith.mulf %gather3A_1346, %get3A_134 : vector<16xf32>
        %add3A_1375 = arith.addf %mul3A_1374, %add3A_151 : vector<16xf32>
        %add3A_1376 = arith.addf %get3A_1373, %add3A_1375 : vector<16xf32>
        %mul3A_1377 = arith.constant 64 : i32
        %mul3A_1378 = arith.muli %add3A_1342, %mul3A_1377 : i32
        %add3A_1379 = arith.constant 32 : i32
        %add3A_1380 = arith.addi %mul3A_1378, %add3A_1379 : i32
        %swap3A_1381 = arith.index_cast %add3A_1380 : i32 to index
        %swap3A_1382 = tpu.vector_load %arg15[%swap3A_1381] {strides = array<i32>} : memref<8192xf32, #tpu.memory_space<vmem>>, vector<16xf32>,
        tpu.vector_store %arg15[%swap3A_1381], %add3A_1376 {strides = array<i32>} : memref<8192xf32, #tpu.memory_space<vmem>>, vector<16xf32>,
        %get3A_1383 = arith.index_cast %add3A_1342 : i32 to index
        %get3A_1384 = arith.constant 48 : index
        %get3A_1385 = tpu.vector_load %arg13[%get3A_1383, %get3A_1384] {strides = array<i32>} : memref<128x64xf32, #tpu.memory_space<vmem>>, vector<16xf32>,
        %mul3A_1386 = arith.mulf %gather3A_1346, %get3A_136 : vector<16xf32>
        %add3A_1387 = arith.addf %mul3A_1386, %add3A_156 : vector<16xf32>
        %add3A_1388 = arith.addf %get3A_1385, %add3A_1387 : vector<16xf32>
        %mul3A_1389 = arith.constant 64 : i32
        %mul3A_1390 = arith.muli %add3A_1342, %mul3A_1389 : i32
        %add3A_1391 = arith.constant 48 : i32
        %add3A_1392 = arith.addi %mul3A_1390, %add3A_1391 : i32
        %swap3A_1393 = arith.index_cast %add3A_1392 : i32 to index
        %swap3A_1394 = tpu.vector_load %arg15[%swap3A_1393] {strides = array<i32>} : memref<8192xf32, #tpu.memory_space<vmem>>, vector<16xf32>,
        tpu.vector_store %arg15[%swap3A_1393], %add3A_1388 {strides = array<i32>} : memref<8192xf32, #tpu.memory_space<vmem>>, vector<16xf32>,
        %mul3A_1395 = arith.constant 16 : i32
        %mul3A_1396 = arith.muli %scan3A_552, %mul3A_1395 : i32
        %add3A_1397 = arith.constant 15 : i32
        %add3A_1398 = arith.addi %mul3A_1396, %add3A_1397 : i32
        %broadcast_in_dim3A_1399 = arith.constant 15 : i32
        %broadcast_in_dim3A_1400 = vector.broadcast %broadcast_in_dim3A_1399 : i32 to vector<16x1xi32>
        %gather3A_1401 = vector.shape_cast %broadcast_in_dim3A_1400 : vector<16x1xi32> to vector<16xi32>
        %gather3A_1402 = tpu.dynamic_gather %get3A_557[%gather3A_1401] in [0] : vector<16xf32>, vector<16xi32> -> vector<16xf32>
        %get3A_1403 = arith.index_cast %add3A_1398 : i32 to index
        %get3A_1404 = arith.constant 0 : index
        %get3A_1405 = tpu.vector_load %arg13[%get3A_1403, %get3A_1404] {strides = array<i32>} : memref<128x64xf32, #tpu.memory_space<vmem>>, vector<16xf32>,
        %mul3A_1406 = arith.mulf %gather3A_1402, %get3A_130 : vector<16xf32>
        %add3A_1407 = arith.addf %mul3A_1406, %add3A_141 : vector<16xf32>
        %add3A_1408 = arith.addf %get3A_1405, %add3A_1407 : vector<16xf32>
        %mul3A_1409 = arith.constant 64 : i32
        %mul3A_1410 = arith.muli %add3A_1398, %mul3A_1409 : i32
        %add3A_1411 = arith.constant 0 : i32
        %add3A_1412 = arith.addi %mul3A_1410, %add3A_1411 : i32
        %swap3A_1413 = arith.index_cast %add3A_1412 : i32 to index
        %swap3A_1414 = tpu.vector_load %arg15[%swap3A_1413] {strides = array<i32>} : memref<8192xf32, #tpu.memory_space<vmem>>, vector<16xf32>,
        tpu.vector_store %arg15[%swap3A_1413], %add3A_1408 {strides = array<i32>} : memref<8192xf32, #tpu.memory_space<vmem>>, vector<16xf32>,
        %get3A_1415 = arith.index_cast %add3A_1398 : i32 to index
        %get3A_1416 = arith.constant 16 : index
        %get3A_1417 = tpu.vector_load %arg13[%get3A_1415, %get3A_1416] {strides = array<i32>} : memref<128x64xf32, #tpu.memory_space<vmem>>, vector<16xf32>,
        %mul3A_1418 = arith.mulf %gather3A_1402, %get3A_132 : vector<16xf32>
        %add3A_1419 = arith.addf %mul3A_1418, %add3A_146 : vector<16xf32>
        %add3A_1420 = arith.addf %get3A_1417, %add3A_1419 : vector<16xf32>
        %mul3A_1421 = arith.constant 64 : i32
        %mul3A_1422 = arith.muli %add3A_1398, %mul3A_1421 : i32
        %add3A_1423 = arith.constant 16 : i32
        %add3A_1424 = arith.addi %mul3A_1422, %add3A_1423 : i32
        %swap3A_1425 = arith.index_cast %add3A_1424 : i32 to index
        %swap3A_1426 = tpu.vector_load %arg15[%swap3A_1425] {strides = array<i32>} : memref<8192xf32, #tpu.memory_space<vmem>>, vector<16xf32>,
        tpu.vector_store %arg15[%swap3A_1425], %add3A_1420 {strides = array<i32>} : memref<8192xf32, #tpu.memory_space<vmem>>, vector<16xf32>,
        %get3A_1427 = arith.index_cast %add3A_1398 : i32 to index
        %get3A_1428 = arith.constant 32 : index
        %get3A_1429 = tpu.vector_load %arg13[%get3A_1427, %get3A_1428] {strides = array<i32>} : memref<128x64xf32, #tpu.memory_space<vmem>>, vector<16xf32>,
        %mul3A_1430 = arith.mulf %gather3A_1402, %get3A_134 : vector<16xf32>
        %add3A_1431 = arith.addf %mul3A_1430, %add3A_151 : vector<16xf32>
        %add3A_1432 = arith.addf %get3A_1429, %add3A_1431 : vector<16xf32>
        %mul3A_1433 = arith.constant 64 : i32
        %mul3A_1434 = arith.muli %add3A_1398, %mul3A_1433 : i32
        %add3A_1435 = arith.constant 32 : i32
        %add3A_1436 = arith.addi %mul3A_1434, %add3A_1435 : i32
        %swap3A_1437 = arith.index_cast %add3A_1436 : i32 to index
        %swap3A_1438 = tpu.vector_load %arg15[%swap3A_1437] {strides = array<i32>} : memref<8192xf32, #tpu.memory_space<vmem>>, vector<16xf32>,
        tpu.vector_store %arg15[%swap3A_1437], %add3A_1432 {strides = array<i32>} : memref<8192xf32, #tpu.memory_space<vmem>>, vector<16xf32>,
        %get3A_1439 = arith.index_cast %add3A_1398 : i32 to index
        %get3A_1440 = arith.constant 48 : index
        %get3A_1441 = tpu.vector_load %arg13[%get3A_1439, %get3A_1440] {strides = array<i32>} : memref<128x64xf32, #tpu.memory_space<vmem>>, vector<16xf32>,
        %mul3A_1442 = arith.mulf %gather3A_1402, %get3A_136 : vector<16xf32>
        %add3A_1443 = arith.addf %mul3A_1442, %add3A_156 : vector<16xf32>
        %add3A_1444 = arith.addf %get3A_1441, %add3A_1443 : vector<16xf32>
        %mul3A_1445 = arith.constant 64 : i32
        %mul3A_1446 = arith.muli %add3A_1398, %mul3A_1445 : i32
        %add3A_1447 = arith.constant 48 : i32
        %add3A_1448 = arith.addi %mul3A_1446, %add3A_1447 : i32
        %swap3A_1449 = arith.index_cast %add3A_1448 : i32 to index
        %swap3A_1450 = tpu.vector_load %arg15[%swap3A_1449] {strides = array<i32>} : memref<8192xf32, #tpu.memory_space<vmem>>, vector<16xf32>,
        tpu.vector_store %arg15[%swap3A_1449], %add3A_1444 {strides = array<i32>} : memref<8192xf32, #tpu.memory_space<vmem>>, vector<16xf32>,
      }
      %scan3A_545 = arith.constant 8 : i32
      %scan3A_546 = arith.constant 0 : i32
      %scan3A_547 = arith.constant 0 : i32
      %scan3A_548 = arith.constant 64 : i32
      %scan3A_549 = arith.addi %scan3A_547, %scan3A_548 : i32
      %scan3A_550 = arith.constant 1 : i32
      scf.for %scan3A_552 = %scan3A_547 to %scan3A_549 step %scan3A_550  : i32 {
        %mul3A_553 = arith.constant 128 : i32
        %mul3A_554 = arith.muli %scan3A_552, %mul3A_553 : i32
        %mul3A_555 = arith.constant 8192 : i32
        %mul3A_556 = arith.muli %select_n3A_478, %mul3A_555 : i32
        %add3A_557 = arith.addi %mul3A_2, %mul3A_556 : i32
        %dma_start3A_558 = tpu.memref_slice %arg15[%mul3A_554] : memref<8192xf32, #tpu.memory_space<vmem>> -> memref<128xf32, #tpu.memory_space<vmem>>
        %dma_start3A_559 = arith.constant 0 : i32
        %dma_start3A_560 = tpu.memref_slice %arg16[%scan3A_552, %dma_start3A_559] : memref<64x128xi32, #tpu.memory_space<vmem>> -> memref<1x128xi32, #tpu.memory_space<vmem>>
        %dma_start3A_561 = tpu.memref_squeeze %dma_start3A_560 : memref<1x128xi32, #tpu.memory_space<vmem>> -> memref<128xi32, #tpu.memory_space<vmem>>
        %dma_start3A_562 = tpu.memref_slice %arg19[%add3A_557] : memref<393216xf32, #tpu.memory_space<vmem_shared>> -> memref<8192xf32, #tpu.memory_space<vmem_shared>>
        %dma_start3A_563 = arith.constant 0 : i32
        %dma_start3A_564 = tpu.memref_slice %dma_start3A_562[%dma_start3A_563] : memref<8192xf32, #tpu.memory_space<vmem_shared>> -> memref<8192xf32, #tpu.memory_space<vmem_shared>>
        tpu.enqueue_indirect_dma source(%dma_start3A_558 : memref<128xf32, #tpu.memory_space<vmem>>) target(%dma_start3A_564 : memref<8192xf32, #tpu.memory_space<vmem_shared>>) offsets(%dma_start3A_561 : memref<128xi32, #tpu.memory_space<vmem>>) semaphore(%arg24 : memref<!tpu.dma_semaphore, #tpu.memory_space<semaphore_mem>>)
      }
      %scan3A_551 = arith.constant 64 : i32
    }
    %scan3A_170 = arith.constant 100 : i32
    %add3A_171 = arith.constant 0 : i32
    %add3A_172 = arith.addi %mul3A_2, %add3A_171 : i32
    %dma_wait3A_173 = tpu.memref_slice %arg19[%add3A_172] : memref<393216xf32, #tpu.memory_space<vmem_shared>> -> memref<8192xf32, #tpu.memory_space<vmem_shared>>
    %dma_wait3A_174 = tpu.memref_slice %arg19[%add3A_172] : memref<393216xf32, #tpu.memory_space<vmem_shared>> -> memref<8192xf32, #tpu.memory_space<vmem_shared>>
    tpu.wait_dma2 semaphore(%arg23 : memref<!tpu.dma_semaphore, #tpu.memory_space<semaphore_mem>>) src(%arg14 : memref<8192xf32, #tpu.memory_space<vmem>>) dst(%dma_wait3A_174 : memref<8192xf32, #tpu.memory_space<vmem_shared>>)
    %add3A_175 = arith.constant 0 : i32
    %add3A_176 = arith.addi %mul3A_2, %add3A_175 : i32
    %add3A_177 = arith.constant 0 : i32
    %add3A_178 = arith.addi %add3A_176, %add3A_177 : i32
    %mul3A_179 = arith.constant 1024 : i32
    %mul3A_180 = arith.muli %add3A, %mul3A_179 : i32
    %add3A_181 = arith.constant 51904512 : i32
    %add3A_182 = arith.addi %add3A_181, %mul3A_180 : i32
    %dma_start3A_183 = tpu.memref_slice %arg8[%add3A_182] : memref<52428800xf32, #tpu.memory_space<hbm>> -> memref<1024xf32, #tpu.memory_space<hbm>>
    %dma_start3A_184 = tpu.memref_slice %arg19[%add3A_178] : memref<393216xf32, #tpu.memory_space<vmem_shared>> -> memref<1024xf32, #tpu.memory_space<vmem_shared>>
    tpu.enqueue_dma source(%dma_start3A_184 : memref<1024xf32, #tpu.memory_space<vmem_shared>>) target(%dma_start3A_183 : memref<1024xf32, #tpu.memory_space<hbm>>) target_semaphore(%arg25 : memref<!tpu.dma_semaphore, #tpu.memory_space<semaphore_mem>>)
    %add3A_185 = arith.constant 1024 : i32
    %add3A_186 = arith.addi %add3A_176, %add3A_185 : i32
    %mul3A_187 = arith.constant 1024 : i32
    %mul3A_188 = arith.muli %add3A, %mul3A_187 : i32
    %add3A_189 = arith.constant 51937280 : i32
    %add3A_190 = arith.addi %add3A_189, %mul3A_188 : i32
    %dma_start3A_191 = tpu.memref_slice %arg8[%add3A_190] : memref<52428800xf32, #tpu.memory_space<hbm>> -> memref<1024xf32, #tpu.memory_space<hbm>>
    %dma_start3A_192 = tpu.memref_slice %arg19[%add3A_186] : memref<393216xf32, #tpu.memory_space<vmem_shared>> -> memref<1024xf32, #tpu.memory_space<vmem_shared>>
    tpu.enqueue_dma source(%dma_start3A_192 : memref<1024xf32, #tpu.memory_space<vmem_shared>>) target(%dma_start3A_191 : memref<1024xf32, #tpu.memory_space<hbm>>) target_semaphore(%arg25 : memref<!tpu.dma_semaphore, #tpu.memory_space<semaphore_mem>>)
    %add3A_193 = arith.constant 2048 : i32
    %add3A_194 = arith.addi %add3A_176, %add3A_193 : i32
    %mul3A_195 = arith.constant 1024 : i32
    %mul3A_196 = arith.muli %add3A, %mul3A_195 : i32
    %add3A_197 = arith.constant 51970048 : i32
    %add3A_198 = arith.addi %add3A_197, %mul3A_196 : i32
    %dma_start3A_199 = tpu.memref_slice %arg8[%add3A_198] : memref<52428800xf32, #tpu.memory_space<hbm>> -> memref<1024xf32, #tpu.memory_space<hbm>>
    %dma_start3A_200 = tpu.memref_slice %arg19[%add3A_194] : memref<393216xf32, #tpu.memory_space<vmem_shared>> -> memref<1024xf32, #tpu.memory_space<vmem_shared>>
    tpu.enqueue_dma source(%dma_start3A_200 : memref<1024xf32, #tpu.memory_space<vmem_shared>>) target(%dma_start3A_199 : memref<1024xf32, #tpu.memory_space<hbm>>) target_semaphore(%arg25 : memref<!tpu.dma_semaphore, #tpu.memory_space<semaphore_mem>>)
    %add3A_201 = arith.constant 3072 : i32
    %add3A_202 = arith.addi %add3A_176, %add3A_201 : i32
    %mul3A_203 = arith.constant 1024 : i32
    %mul3A_204 = arith.muli %add3A, %mul3A_203 : i32
    %add3A_205 = arith.constant 52002816 : i32
    %add3A_206 = arith.addi %add3A_205, %mul3A_204 : i32
    %dma_start3A_207 = tpu.memref_slice %arg8[%add3A_206] : memref<52428800xf32, #tpu.memory_space<hbm>> -> memref<1024xf32, #tpu.memory_space<hbm>>
    %dma_start3A_208 = tpu.memref_slice %arg19[%add3A_202] : memref<393216xf32, #tpu.memory_space<vmem_shared>> -> memref<1024xf32, #tpu.memory_space<vmem_shared>>
    tpu.enqueue_dma source(%dma_start3A_208 : memref<1024xf32, #tpu.memory_space<vmem_shared>>) target(%dma_start3A_207 : memref<1024xf32, #tpu.memory_space<hbm>>) target_semaphore(%arg25 : memref<!tpu.dma_semaphore, #tpu.memory_space<semaphore_mem>>)
    %add3A_209 = arith.constant 4096 : i32
    %add3A_210 = arith.addi %add3A_176, %add3A_209 : i32
    %mul3A_211 = arith.constant 1024 : i32
    %mul3A_212 = arith.muli %add3A, %mul3A_211 : i32
    %add3A_213 = arith.constant 52035584 : i32
    %add3A_214 = arith.addi %add3A_213, %mul3A_212 : i32
    %dma_start3A_215 = tpu.memref_slice %arg8[%add3A_214] : memref<52428800xf32, #tpu.memory_space<hbm>> -> memref<1024xf32, #tpu.memory_space<hbm>>
    %dma_start3A_216 = tpu.memref_slice %arg19[%add3A_210] : memref<393216xf32, #tpu.memory_space<vmem_shared>> -> memref<1024xf32, #tpu.memory_space<vmem_shared>>
    tpu.enqueue_dma source(%dma_start3A_216 : memref<1024xf32, #tpu.memory_space<vmem_shared>>) target(%dma_start3A_215 : memref<1024xf32, #tpu.memory_space<hbm>>) target_semaphore(%arg25 : memref<!tpu.dma_semaphore, #tpu.memory_space<semaphore_mem>>)
    %add3A_217 = arith.constant 5120 : i32
    %add3A_218 = arith.addi %add3A_176, %add3A_217 : i32
    %mul3A_219 = arith.constant 1024 : i32
    %mul3A_220 = arith.muli %add3A, %mul3A_219 : i32
    %add3A_221 = arith.constant 52068352 : i32
    %add3A_222 = arith.addi %add3A_221, %mul3A_220 : i32
    %dma_start3A_223 = tpu.memref_slice %arg8[%add3A_222] : memref<52428800xf32, #tpu.memory_space<hbm>> -> memref<1024xf32, #tpu.memory_space<hbm>>
    %dma_start3A_224 = tpu.memref_slice %arg19[%add3A_218] : memref<393216xf32, #tpu.memory_space<vmem_shared>> -> memref<1024xf32, #tpu.memory_space<vmem_shared>>
    tpu.enqueue_dma source(%dma_start3A_224 : memref<1024xf32, #tpu.memory_space<vmem_shared>>) target(%dma_start3A_223 : memref<1024xf32, #tpu.memory_space<hbm>>) target_semaphore(%arg25 : memref<!tpu.dma_semaphore, #tpu.memory_space<semaphore_mem>>)
    %add3A_225 = arith.constant 6144 : i32
    %add3A_226 = arith.addi %add3A_176, %add3A_225 : i32
    %mul3A_227 = arith.constant 1024 : i32
    %mul3A_228 = arith.muli %add3A, %mul3A_227 : i32
    %add3A_229 = arith.constant 52101120 : i32
    %add3A_230 = arith.addi %add3A_229, %mul3A_228 : i32
    %dma_start3A_231 = tpu.memref_slice %arg8[%add3A_230] : memref<52428800xf32, #tpu.memory_space<hbm>> -> memref<1024xf32, #tpu.memory_space<hbm>>
    %dma_start3A_232 = tpu.memref_slice %arg19[%add3A_226] : memref<393216xf32, #tpu.memory_space<vmem_shared>> -> memref<1024xf32, #tpu.memory_space<vmem_shared>>
    tpu.enqueue_dma source(%dma_start3A_232 : memref<1024xf32, #tpu.memory_space<vmem_shared>>) target(%dma_start3A_231 : memref<1024xf32, #tpu.memory_space<hbm>>) target_semaphore(%arg25 : memref<!tpu.dma_semaphore, #tpu.memory_space<semaphore_mem>>)
    %add3A_233 = arith.constant 7168 : i32
    %add3A_234 = arith.addi %add3A_176, %add3A_233 : i32
    %mul3A_235 = arith.constant 1024 : i32
    %mul3A_236 = arith.muli %add3A, %mul3A_235 : i32
    %add3A_237 = arith.constant 52133888 : i32
    %add3A_238 = arith.addi %add3A_237, %mul3A_236 : i32
    %dma_start3A_239 = tpu.memref_slice %arg8[%add3A_238] : memref<52428800xf32, #tpu.memory_space<hbm>> -> memref<1024xf32, #tpu.memory_space<hbm>>
    %dma_start3A_240 = tpu.memref_slice %arg19[%add3A_234] : memref<393216xf32, #tpu.memory_space<vmem_shared>> -> memref<1024xf32, #tpu.memory_space<vmem_shared>>
    tpu.enqueue_dma source(%dma_start3A_240 : memref<1024xf32, #tpu.memory_space<vmem_shared>>) target(%dma_start3A_239 : memref<1024xf32, #tpu.memory_space<hbm>>) target_semaphore(%arg25 : memref<!tpu.dma_semaphore, #tpu.memory_space<semaphore_mem>>)
    %add3A_241 = arith.constant 8192 : i32
    %add3A_242 = arith.addi %mul3A_2, %add3A_241 : i32
    %dma_wait3A_243 = tpu.memref_slice %arg19[%add3A_242] : memref<393216xf32, #tpu.memory_space<vmem_shared>> -> memref<8192xf32, #tpu.memory_space<vmem_shared>>
    %dma_wait3A_244 = tpu.memref_slice %arg19[%add3A_242] : memref<393216xf32, #tpu.memory_space<vmem_shared>> -> memref<8192xf32, #tpu.memory_space<vmem_shared>>
    tpu.wait_dma2 semaphore(%arg24 : memref<!tpu.dma_semaphore, #tpu.memory_space<semaphore_mem>>) src(%arg15 : memref<8192xf32, #tpu.memory_space<vmem>>) dst(%dma_wait3A_244 : memref<8192xf32, #tpu.memory_space<vmem_shared>>)
    %add3A_245 = arith.constant 8192 : i32
    %add3A_246 = arith.addi %mul3A_2, %add3A_245 : i32
    %add3A_247 = arith.constant 0 : i32
    %add3A_248 = arith.addi %add3A_246, %add3A_247 : i32
    %mul3A_249 = arith.constant 1024 : i32
    %mul3A_250 = arith.muli %add3A, %mul3A_249 : i32
    %add3A_251 = arith.constant 52166656 : i32
    %add3A_252 = arith.addi %add3A_251, %mul3A_250 : i32
    %dma_start3A_253 = tpu.memref_slice %arg8[%add3A_252] : memref<52428800xf32, #tpu.memory_space<hbm>> -> memref<1024xf32, #tpu.memory_space<hbm>>
    %dma_start3A_254 = tpu.memref_slice %arg19[%add3A_248] : memref<393216xf32, #tpu.memory_space<vmem_shared>> -> memref<1024xf32, #tpu.memory_space<vmem_shared>>
    tpu.enqueue_dma source(%dma_start3A_254 : memref<1024xf32, #tpu.memory_space<vmem_shared>>) target(%dma_start3A_253 : memref<1024xf32, #tpu.memory_space<hbm>>) target_semaphore(%arg26 : memref<!tpu.dma_semaphore, #tpu.memory_space<semaphore_mem>>)
    %add3A_255 = arith.constant 1024 : i32
    %add3A_256 = arith.addi %add3A_246, %add3A_255 : i32
    %mul3A_257 = arith.constant 1024 : i32
    %mul3A_258 = arith.muli %add3A, %mul3A_257 : i32
    %add3A_259 = arith.constant 52199424 : i32
    %add3A_260 = arith.addi %add3A_259, %mul3A_258 : i32
    %dma_start3A_261 = tpu.memref_slice %arg8[%add3A_260] : memref<52428800xf32, #tpu.memory_space<hbm>> -> memref<1024xf32, #tpu.memory_space<hbm>>
    %dma_start3A_262 = tpu.memref_slice %arg19[%add3A_256] : memref<393216xf32, #tpu.memory_space<vmem_shared>> -> memref<1024xf32, #tpu.memory_space<vmem_shared>>
    tpu.enqueue_dma source(%dma_start3A_262 : memref<1024xf32, #tpu.memory_space<vmem_shared>>) target(%dma_start3A_261 : memref<1024xf32, #tpu.memory_space<hbm>>) target_semaphore(%arg26 : memref<!tpu.dma_semaphore, #tpu.memory_space<semaphore_mem>>)
    %add3A_263 = arith.constant 2048 : i32
    %add3A_264 = arith.addi %add3A_246, %add3A_263 : i32
    %mul3A_265 = arith.constant 1024 : i32
    %mul3A_266 = arith.muli %add3A, %mul3A_265 : i32
    %add3A_267 = arith.constant 52232192 : i32
    %add3A_268 = arith.addi %add3A_267, %mul3A_266 : i32
    %dma_start3A_269 = tpu.memref_slice %arg8[%add3A_268] : memref<52428800xf32, #tpu.memory_space<hbm>> -> memref<1024xf32, #tpu.memory_space<hbm>>
    %dma_start3A_270 = tpu.memref_slice %arg19[%add3A_264] : memref<393216xf32, #tpu.memory_space<vmem_shared>> -> memref<1024xf32, #tpu.memory_space<vmem_shared>>
    tpu.enqueue_dma source(%dma_start3A_270 : memref<1024xf32, #tpu.memory_space<vmem_shared>>) target(%dma_start3A_269 : memref<1024xf32, #tpu.memory_space<hbm>>) target_semaphore(%arg26 : memref<!tpu.dma_semaphore, #tpu.memory_space<semaphore_mem>>)
    %add3A_271 = arith.constant 3072 : i32
    %add3A_272 = arith.addi %add3A_246, %add3A_271 : i32
    %mul3A_273 = arith.constant 1024 : i32
    %mul3A_274 = arith.muli %add3A, %mul3A_273 : i32
    %add3A_275 = arith.constant 52264960 : i32
    %add3A_276 = arith.addi %add3A_275, %mul3A_274 : i32
    %dma_start3A_277 = tpu.memref_slice %arg8[%add3A_276] : memref<52428800xf32, #tpu.memory_space<hbm>> -> memref<1024xf32, #tpu.memory_space<hbm>>
    %dma_start3A_278 = tpu.memref_slice %arg19[%add3A_272] : memref<393216xf32, #tpu.memory_space<vmem_shared>> -> memref<1024xf32, #tpu.memory_space<vmem_shared>>
    tpu.enqueue_dma source(%dma_start3A_278 : memref<1024xf32, #tpu.memory_space<vmem_shared>>) target(%dma_start3A_277 : memref<1024xf32, #tpu.memory_space<hbm>>) target_semaphore(%arg26 : memref<!tpu.dma_semaphore, #tpu.memory_space<semaphore_mem>>)
    %add3A_279 = arith.constant 4096 : i32
    %add3A_280 = arith.addi %add3A_246, %add3A_279 : i32
    %mul3A_281 = arith.constant 1024 : i32
    %mul3A_282 = arith.muli %add3A, %mul3A_281 : i32
    %add3A_283 = arith.constant 52297728 : i32
    %add3A_284 = arith.addi %add3A_283, %mul3A_282 : i32
    %dma_start3A_285 = tpu.memref_slice %arg8[%add3A_284] : memref<52428800xf32, #tpu.memory_space<hbm>> -> memref<1024xf32, #tpu.memory_space<hbm>>
    %dma_start3A_286 = tpu.memref_slice %arg19[%add3A_280] : memref<393216xf32, #tpu.memory_space<vmem_shared>> -> memref<1024xf32, #tpu.memory_space<vmem_shared>>
    tpu.enqueue_dma source(%dma_start3A_286 : memref<1024xf32, #tpu.memory_space<vmem_shared>>) target(%dma_start3A_285 : memref<1024xf32, #tpu.memory_space<hbm>>) target_semaphore(%arg26 : memref<!tpu.dma_semaphore, #tpu.memory_space<semaphore_mem>>)
    %add3A_287 = arith.constant 5120 : i32
    %add3A_288 = arith.addi %add3A_246, %add3A_287 : i32
    %mul3A_289 = arith.constant 1024 : i32
    %mul3A_290 = arith.muli %add3A, %mul3A_289 : i32
    %add3A_291 = arith.constant 52330496 : i32
    %add3A_292 = arith.addi %add3A_291, %mul3A_290 : i32
    %dma_start3A_293 = tpu.memref_slice %arg8[%add3A_292] : memref<52428800xf32, #tpu.memory_space<hbm>> -> memref<1024xf32, #tpu.memory_space<hbm>>
    %dma_start3A_294 = tpu.memref_slice %arg19[%add3A_288] : memref<393216xf32, #tpu.memory_space<vmem_shared>> -> memref<1024xf32, #tpu.memory_space<vmem_shared>>
    tpu.enqueue_dma source(%dma_start3A_294 : memref<1024xf32, #tpu.memory_space<vmem_shared>>) target(%dma_start3A_293 : memref<1024xf32, #tpu.memory_space<hbm>>) target_semaphore(%arg26 : memref<!tpu.dma_semaphore, #tpu.memory_space<semaphore_mem>>)
    %add3A_295 = arith.constant 6144 : i32
    %add3A_296 = arith.addi %add3A_246, %add3A_295 : i32
    %mul3A_297 = arith.constant 1024 : i32
    %mul3A_298 = arith.muli %add3A, %mul3A_297 : i32
    %add3A_299 = arith.constant 52363264 : i32
    %add3A_300 = arith.addi %add3A_299, %mul3A_298 : i32
    %dma_start3A_301 = tpu.memref_slice %arg8[%add3A_300] : memref<52428800xf32, #tpu.memory_space<hbm>> -> memref<1024xf32, #tpu.memory_space<hbm>>
    %dma_start3A_302 = tpu.memref_slice %arg19[%add3A_296] : memref<393216xf32, #tpu.memory_space<vmem_shared>> -> memref<1024xf32, #tpu.memory_space<vmem_shared>>
    tpu.enqueue_dma source(%dma_start3A_302 : memref<1024xf32, #tpu.memory_space<vmem_shared>>) target(%dma_start3A_301 : memref<1024xf32, #tpu.memory_space<hbm>>) target_semaphore(%arg26 : memref<!tpu.dma_semaphore, #tpu.memory_space<semaphore_mem>>)
    %add3A_303 = arith.constant 7168 : i32
    %add3A_304 = arith.addi %add3A_246, %add3A_303 : i32
    %mul3A_305 = arith.constant 1024 : i32
    %mul3A_306 = arith.muli %add3A, %mul3A_305 : i32
    %add3A_307 = arith.constant 52396032 : i32
    %add3A_308 = arith.addi %add3A_307, %mul3A_306 : i32
    %dma_start3A_309 = tpu.memref_slice %arg8[%add3A_308] : memref<52428800xf32, #tpu.memory_space<hbm>> -> memref<1024xf32, #tpu.memory_space<hbm>>
    %dma_start3A_310 = tpu.memref_slice %arg19[%add3A_304] : memref<393216xf32, #tpu.memory_space<vmem_shared>> -> memref<1024xf32, #tpu.memory_space<vmem_shared>>
    tpu.enqueue_dma source(%dma_start3A_310 : memref<1024xf32, #tpu.memory_space<vmem_shared>>) target(%dma_start3A_309 : memref<1024xf32, #tpu.memory_space<hbm>>) target_semaphore(%arg26 : memref<!tpu.dma_semaphore, #tpu.memory_space<semaphore_mem>>)
    %add3A_311 = arith.constant 16384 : i32
    %add3A_312 = arith.addi %mul3A_2, %add3A_311 : i32
    %mul3A_313 = arith.constant 1024 : i32
    %mul3A_314 = arith.muli %add3A, %mul3A_313 : i32
    %mul3A_315 = arith.constant 8 : i32
    %mul3A_316 = arith.muli %mul3A_314, %mul3A_315 : i32
    %dma_wait3A_317 = tpu.memref_slice %arg8[%mul3A_316] : memref<52428800xf32, #tpu.memory_space<hbm>> -> memref<8192xf32, #tpu.memory_space<hbm>>
    %dma_wait3A_318 = tpu.memref_slice %arg19[%add3A_312] : memref<393216xf32, #tpu.memory_space<vmem_shared>> -> memref<8192xf32, #tpu.memory_space<vmem_shared>>
    tpu.wait_dma2 semaphore(%arg26 : memref<!tpu.dma_semaphore, #tpu.memory_space<semaphore_mem>>) src(%dma_wait3A_318 : memref<8192xf32, #tpu.memory_space<vmem_shared>>) dst(%dma_wait3A_317 : memref<8192xf32, #tpu.memory_space<hbm>>)
    %add3A_319 = arith.constant 0 : i32
    %add3A_320 = arith.addi %mul3A_2, %add3A_319 : i32
    %mul3A_321 = arith.constant 1024 : i32
    %mul3A_322 = arith.muli %add3A, %mul3A_321 : i32
    %mul3A_323 = arith.constant 8 : i32
    %mul3A_324 = arith.muli %mul3A_322, %mul3A_323 : i32
    %dma_wait3A_325 = tpu.memref_slice %arg8[%mul3A_324] : memref<52428800xf32, #tpu.memory_space<hbm>> -> memref<8192xf32, #tpu.memory_space<hbm>>
    %dma_wait3A_326 = tpu.memref_slice %arg19[%add3A_320] : memref<393216xf32, #tpu.memory_space<vmem_shared>> -> memref<8192xf32, #tpu.memory_space<vmem_shared>>
    tpu.wait_dma2 semaphore(%arg25 : memref<!tpu.dma_semaphore, #tpu.memory_space<semaphore_mem>>) src(%dma_wait3A_326 : memref<8192xf32, #tpu.memory_space<vmem_shared>>) dst(%dma_wait3A_325 : memref<8192xf32, #tpu.memory_space<hbm>>)
    %add3A_327 = arith.constant 8192 : i32
    %add3A_328 = arith.addi %mul3A_2, %add3A_327 : i32
    %mul3A_329 = arith.constant 1024 : i32
    %mul3A_330 = arith.muli %add3A, %mul3A_329 : i32
    %mul3A_331 = arith.constant 8 : i32
    %mul3A_332 = arith.muli %mul3A_330, %mul3A_331 : i32
    %dma_wait3A_333 = tpu.memref_slice %arg8[%mul3A_332] : memref<52428800xf32, #tpu.memory_space<hbm>> -> memref<8192xf32, #tpu.memory_space<hbm>>
    %dma_wait3A_334 = tpu.memref_slice %arg19[%add3A_328] : memref<393216xf32, #tpu.memory_space<vmem_shared>> -> memref<8192xf32, #tpu.memory_space<vmem_shared>>
    tpu.wait_dma2 semaphore(%arg26 : memref<!tpu.dma_semaphore, #tpu.memory_space<semaphore_mem>>) src(%dma_wait3A_334 : memref<8192xf32, #tpu.memory_space<vmem_shared>>) dst(%dma_wait3A_333 : memref<8192xf32, #tpu.memory_space<hbm>>)
    return
  }
}

</mosaic_0001>

<sc_bundles>
// kernel: kernel.3.cloned.1.call-start
scs
__scs_entry_jumppad:
0x0: {  	(pc) =	sbr.rel $0x88, $3  }
0x1: {  	(tag) =	ssettag $0x0;
	lr =	simm.s32 $0x1  }
0x2: {  	[smem:$0x3F9B] =	sst lr;
	_ =	strace $0xD0000000  }
0x3: {  	_ = 	snop  }
0x4: {  	_ = 	snop  }
0x5: {  	_ = 	snop  }
0x6: {  	_ = 	snop  }
0x7: {  	_ = 	snop  }
__scs_overlays_trampoline_lowered:
0x8: {  	[smem:$0x3FAA] =	sst s0  }
0x9: {  	[smem:$0x3FAB] =	sst s1  }
0xa: {  	[smem:$0x3FAC] =	sst s2  }
0xb: {  	[smem:$0x3FAD] =	sst s3  }
0xc: {  	[smem:$0x3FAE] =	sst s4  }
0xd: {  	[smem:$0x3FAF] =	sst s5  }
0xe: {  	[smem:$0x3FB0] =	sst s6  }
0xf: {  	[smem:$0x3FB1] =	sst s7  }
0x10: {  	[smem:$0x3FB2] =	sst s8  }
0x11: {  	[smem:$0x3FB3] =	sst s9;
	s0 =	simm.s32 @!p0 $0x0  }
0x12: {  	s1 =	sld [smem:$0x3F99];
	s0 =	simm.s32 @p0 $0x1  }
0x13: {  	[smem:$0x3FB4] =	sst s0;
	s0 =	simm.s32 @!p1 $0x0  }
0x14: {  	s2 =	sld [smem:$0x3F98];
	s0 =	simm.s32 @p1 $0x1  }
0x15: {  	[smem:$0x3FB5] =	sst s0;
	s0 =	simm.s32 @!p2 $0x0  }
0x16: {  	s3 =	sld [smem:$0x3FDB];
	s0 =	simm.s32 @p2 $0x1  }
0x17: {  	s4 =	simm.s32 $0x1BF5;
	[smem:$0x3FB7] =	sst s0  }
0x18: {  	s0 =	sld [smem:$0x3F9A];
	_ =	swait.ge [sflag:s4], $0x0  }
0x19: {  	s7 =	sld [smem:$0x3F9B]  }
0x1a: {  	s8 =	sadd.s32 $0xFFFFE003, lr  }
0x1b: {  	s9 =	sadd.s32 $0xFFFFFEF7, lr;
	s5 =	simm.s32 $0xFFFFFFFF;
	p2 =	slt.u32 s8, $0xFFFFF086  }
0x1c: {  	p1 =	slt.u32 s9, $0xF7A;
	s5 =	simm.s32 @!p2 $0x0  }
0x1d: {  	s5 =	simm.s32 @p1 $0x1;
	p0 =	seq.s32 s7, s2  }
0x1e: {  	s7 =	smul.u32 @!p0 $0xF7A, s2;
	p2 =	seq.s32 @!p0 s5, $0x0  }
0x1f: {  	s9 =	smul.u32 $0xF7A, s1;
	s8 =	simm.s32 @!p0 $0x1BF5;
	p2 =	por !p2, p0  }
0x20: {  	[sflag:s8] =	ssyncset.s32 @!p0 $0xFFFFF086;
	s6 =	sadd.s32 @!p0 s3, s7;
	s7 =	simm.s32 @!p0 $0x108  }
0x21: {  	s3 =	sadd.s32 s3, s9;
	s6 =	sadd.s32 @!p0 $0x88, s6;
	s7 =	simm.s32 @p2 $0x1082  }
0x22: {  	[simem:s7], [sflag:s8] =	dma.local @!p0 [hbm:s6], $0xF7A  }
0x23: {  	s9 =	sor.u32 $0xD0000000, s2;
	s6 =	simm.s32 $0x108;
	_ =	swait.ge @!p0 [sflag:s8], $0x0  }
0x24: {  	s3 =	sadd.s32 $0x88, s3;
	s6 =	simm.s32 @!p1 $0x1082;
	[sflag:s4] =	ssyncset.s32 $0xFFFFF086  }
0x25: {  	[simem:s6], [sflag:s4] =	dma.local [hbm:s3], $0xF7A  }
0x26: {  	[smem:$0x3F9B] =	sst s1;
	(tag) =	ssettag s2;
	_ =	strace s9  }
0x27: {  	s1 =	sld [smem:$0x3FAB]  }
0x28: {  	s2 =	sld [smem:$0x3FAC]  }
0x29: {  	s4 =	sld [smem:$0x3FAE]  }
0x2a: {  	p0 =	seq.s32 s5, $0x0;
	s5 =	sld [smem:$0x3FAF]  }
0x2b: {  	s6 =	sld [smem:$0x3FB0]  }
0x2c: {  	s7 =	sld [smem:$0x3FB1]  }
0x2d: {  	s3 =	simm.s32 $0x108;
	s8 =	sld [smem:$0x3FB2]  }
0x2e: {  	s3 =	simm.s32 @!p0 $0x1082;
	s9 =	sld [smem:$0x3FB3]  }
0x2f: {  	lr =	sadd.s32 s0, s3;
	s0 =	sld [smem:$0x3FAA]  }
0x30: {  	s3 =	sld [smem:$0x3FAD]  }
0x31: {  	[smem:$0x3FB6] =	sst s10  }
0x32: {  	s10 =	sld [smem:$0x3FB4];
	_ =	sdelay $0x3  }
0x33: {  	p0 =	seq.s32 s10, $0x1;
	s10 =	sld [smem:$0x3FB6];
	_ =	sdelay $0x3  }
0x34: {  	[smem:$0x3FB6] =	sst s10  }
0x35: {  	s10 =	sld [smem:$0x3FB5];
	_ =	sdelay $0x3  }
0x36: {  	p1 =	seq.s32 s10, $0x1;
	s10 =	sld [smem:$0x3FB6];
	_ =	sdelay $0x3  }
0x37: {  	[smem:$0x3FB6] =	sst s10  }
0x38: {  	s10 =	sld [smem:$0x3FB7]  }
0x39: {  	_ = 	snop;
	(pc) =	sbr.ind lr, $3  }
0x3a: {  	_ = 	snop  }
0x3b: {  	_ = 	snop  }
0x3c: {  	p2 =	seq.s32 s10, $0x1;
	s10 =	sld [smem:$0x3FB6]  }
0x3d: {  	_ =	shalt  }
0x3e: {  	_ =	shalt  }
0x3f: {  	_ =	shalt  }
0x40: {  	_ =	shalt  }
0x41: {  	_ =	shalt  }
0x42: {  	_ =	shalt  }
0x43: {  	_ =	shalt  }
0x44: {  	_ =	shalt  }
0x45: {  	_ =	shalt  }
0x46: {  	_ =	shalt  }
0x47: {  	_ =	shalt  }
0x48: {  	_ =	shalt  }
0x49: {  	_ =	shalt  }
0x4a: {  	_ =	shalt  }
0x4b: {  	_ =	shalt  }
0x4c: {  	_ =	shalt  }
0x4d: {  	_ =	shalt  }
0x4e: {  	_ =	shalt  }
0x4f: {  	_ =	shalt  }
0x50: {  	_ =	shalt  }
0x51: {  	_ =	shalt  }
0x52: {  	_ =	shalt  }
0x53: {  	_ =	shalt  }
0x54: {  	_ =	shalt  }
0x55: {  	_ =	shalt  }
0x56: {  	_ =	shalt  }
0x57: {  	_ =	shalt  }
0x58: {  	_ =	shalt  }
0x59: {  	_ =	shalt  }
0x5a: {  	_ =	shalt  }
0x5b: {  	_ =	shalt  }
0x5c: {  	_ =	shalt  }
0x5d: {  	_ =	shalt  }
0x5e: {  	_ =	shalt  }
0x5f: {  	_ =	shalt  }
0x60: {  	_ =	shalt  }
0x61: {  	_ =	shalt  }
0x62: {  	_ =	shalt  }
0x63: {  	_ =	shalt  }
0x64: {  	_ =	shalt  }
0x65: {  	_ =	shalt  }
0x66: {  	_ =	shalt  }
0x67: {  	_ =	shalt  }
0x68: {  	_ =	shalt  }
0x69: {  	_ =	shalt  }
0x6a: {  	_ =	shalt  }
0x6b: {  	_ =	shalt  }
0x6c: {  	_ =	shalt  }
0x6d: {  	_ =	shalt  }
0x6e: {  	_ =	shalt  }
0x6f: {  	_ =	shalt  }
0x70: {  	_ =	shalt  }
0x71: {  	_ =	shalt  }
0x72: {  	_ =	shalt  }
0x73: {  	_ =	shalt  }
0x74: {  	_ =	shalt  }
0x75: {  	_ =	shalt  }
0x76: {  	_ =	shalt  }
0x77: {  	_ =	shalt  }
0x78: {  	_ =	shalt  }
0x79: {  	_ =	shalt  }
0x7a: {  	_ =	shalt  }
0x7b: {  	_ =	shalt  }
0x7c: {  	_ =	shalt  }
0x7d: {  	_ =	shalt  }
0x7e: {  	_ =	shalt  }
0x7f: {  	_ =	shalt  }
0x80: {  	_ =	shalt  }
0x81: {  	_ =	shalt  }
0x82: {  	_ =	shalt  }
0x83: {  	_ =	shalt  }
0x84: {  	_ =	shalt  }
0x85: {  	_ =	shalt  }
0x86: {  	_ =	shalt  }
0x87: {  	_ =	shalt  }
.Lfunc_end0:
.L_simem_size_0:
called_computation_lowered:
.L_overlay_start_0:
0x88: {  	s2 =	sld [smem:$0x3FD9]  }
0x89: {  	s3 =	sld [smem:$0x3FFE];
	_ =	sdelay $0x1  }
0x8a: {  	s1 =	srdreg.scid  }
0x8b: {  	s0 =	sand.u32 $0x1, s1  }
0x8c: {  	s17 =	sshll.u32 s0, $0xA;
	s2 =	sadd.s32 s3, s2  }
0x8d: {  	s2 =	sadd.s32 s2, s17  }
0x8e: {  	[smem:$0x3FC2] =	sst s2  }
0x8f: {  	_ = 	snop  }
0x90: {  	s2 =	sld [smem:$0x3FC9]  }
0x91: {  	s18 =	sld [smem:$0x3FC8]  }
0x92: {  	s4 =	sld [smem:$0x3FC7]  }
0x93: {  	s5 =	sld [smem:$0x3FC5]  }
0x94: {  	s6 =	sld [smem:$0x3FC4]  }
0x95: {  	s7 =	sld [smem:$0x3FD0];
	(tm) =	ssettm $0x1  }
0x96: {  	s8 =	sld [smem:$0x3FFB];
	_ =	sdelay $0x3  }
0x97: {  	_ =	strace s8  }
0x98: {  	s8 =	sld [smem:$0x3FFC];
	_ =	sdelay $0x3  }
0x99: {  	_ =	strace s8  }
0x9a: {  	s8 =	sld [smem:$0x3FFD];
	_ =	sdelay $0x3  }
0x9b: {  	_ =	strace s8  }
0x9c: {  	_ =	strace $0x8FFFFFFF  }
0x9d: {  	s19 =	sld [smem:$0x3FDB];
	_ =	sdelay $0x1  }
0x9e: {  	s9 =	simm.s32 $_scs_section_size  }
0x9f: {  	s10 =	simm.s32 $_size__tile_overlayer_lowered;
	s11 =	simm.s32 $_tile_overlayer_lowered  }
0xa0: {  	s22 =	simm.s32 $0x1BFF;
	s21 =	sshll.u32 s11, $0x1;
	s8 =	sadd.s32 s9, s19  }
0xa1: {  	s12 =	simm.s32 $0x0;
	s20 =	sshll.u32 s10, $0x1;
	s10 =	sadd.s32 s21, s8  }
0xa2: {  	[timem:s12], [sflag:s22] =	dma.local [hbm:s10], s20  }
0xa3: {  	_ =	swait.ge [sflag:s22], s20  }
0xa4: {  	s9 =	ssub.s32 $0x0, s20;
	[sflag:s22] =	ssyncset.done $0x0  }
0xa5: {  	[sflag:s22] =	ssyncadd.s32 s9;
	_ =	sdelay $0x1  }
0xa6: {  	s23 =	simm.s32 $0x1B8B  }
0xa7: {  	_ =	swait.ge [sflag:s23], $0x1  }
0xa8: {  	[sflag:s23] =	ssyncset.done $0x0  }
0xa9: {  	s25 =	simm.s32 $0x1B8E;
	s24 =	sld [smem:$0x3FFE];
	[sflag:s23] =	ssyncadd.s32 $0xFFFFFFFF  }
0xaa: {  	s26 =	simm.s32 $execute0_lowered;
	[smem:$0x3FD2] =	sst s25  }
0xab: {  	s10 =	sshll.u32 s26, $0x1;
	_ =	strace $0x80000046;
	[dreg:$0x1] =	wrdreg $0xFFFFFFFF  }
0xac: {  	s28 =	simm.s32 $_size_execute0_lowered;
	s8 =	sadd.s32 s8, s10;
	[dreg:$0x0] =	wrdreg $0x0  }
0xad: {  	s10 =	sshll.u32 s28, $0x1;
	[dreg:$0x2] =	wrdreg s8  }
0xae: {  	[dreg:$0x3] =	wrdreg s10  }
0xaf: {  	[dreg:$0x4] =	wrdreg $0xC0  }
0xb0: {  	_ =	task [dreg:s12], $0x5FFFF  }
0xb1: {  	[dreg:$0x1] =	wrdreg $0xFFFFFFFF  }
0xb2: {  	[dreg:$0x0] =	wrdreg $0x60  }
0xb3: {  	[dreg:$0x2] =	wrdreg s2  }
0xb4: {  	[dreg:$0x3] =	wrdreg s18  }
0xb5: {  	[dreg:$0x4] =	wrdreg s4  }
0xb6: {  	[dreg:$0x5] =	wrdreg s24  }
0xb7: {  	[dreg:$0x6] =	wrdreg s5  }
0xb8: {  	[dreg:$0x7] =	wrdreg s6  }
0xb9: {  	[dreg:$0x8] =	wrdreg s7  }
0xba: {  	[dreg:$0x9] =	wrdreg $0x181800  }
0xbb: {  	[dreg:$0xa] =	wrdreg $0x9  }
0xbc: {  	_ =	task.clear_ibuf [dreg:s12], $0xBFFFF;
	_ =	strace $0x90000046  }
0xbd: {  	s29 =	simm.s32 $0x9;
	_ =	strace $0x80000048  }
0xbe: {  	_ =	swait.ge [sflag:s29], $0x1  }
0xbf: {  	[sflag:s29] =	ssyncadd.s32 $0xFFFFFFFF  }
0xc0: {  	_ =	strace $0x90000048  }
0xc1: {  	_ =	sfence  }
0xc2: {  	s30 =	sld [smem:$0x0];
	_ =	sdelay $0x2  }
0xc3: {  	s31 =	sshll.u32 s1, $0xD;
	s1 =	sshrl.u32 s1, $0x2  }
0xc4: {  	s3 =	sand.u32 $0x4000, s31;
	s1 =	sadd.s32 s1, s30  }
0xc5: {  	s0 =	sor.u32 s3, s0;
	s1 =	sshll.u32 s1, $0x11  }
0xc6: {  	s0 =	sor.u32 s1, s0  }
0xc7: {  	s0 =	sadd.s32 $0x8F2B, s0  }
0xc8: {  	[sflag:s0] =	ssyncadd.remote.s32 $0x1  }
0xc9: {  	_ =	sfence.sel $0xFFFF  }
0xca: {  	[dreg:$0x0] =	wrdreg $0xFFFFFFFF;
	(pc) =	sbr.abs _section_cstart, $3  }
0xcb: {  	[dreg:$0x1] =	wrdreg $0xFFFFFFFF  }
0xcc: {  	_ =	task.clear_ibuf [dreg:s12], $0x2FFFF;
	_ =	strace $0x9FFFFFFF  }
0xcd: {  	(tm) =	ssettm $0x7FFFFFFF  }
tec
execute0_lowered:
.L_overlay_start_1:
0x0: {  	(tag) =	ssettag $0x1  }
0x1: {  	s0 =	rddreg [dreg:$0x0]  }
0x2: {  	s1 =	rddreg [dreg:$0x1]  }
0x3: {  	s2 =	rddreg [dreg:$0x2]  }
0x4: {  	s5 =	rddreg [dreg:$0x3];
	s4 =	simm.s32 $0x0;
	s6 =	srdreg.scid  }
0x5: {  	[smem:$0x7FF] =	sst s4;
	s4 =	stileid.u32  }
0x6: {  	s3 =	rddreg [dreg:$0x6];
	s7 =	sand.u32 $0x1, s6;
	s10 =	sshll.u32 s4, $0x1  }
0x7: {  	s8 =	rddreg [dreg:$0x7];
	s6 =	sadd.s32 $0x400, s5;
	s10 =	sor.u32 s7, s10  }
0x8: {  	_ =	strace $0x80000047;
	s9 =	ssub.s32 $0x2, s7;
	s23 =	sshll.u32 s10, $0x7  }
0x9: {  	s22 =	sshrl.u32 s9, $0x1;
	s24 =	sshll.u32 s10, $0x4;
	s0 =	sadd.s32 s0, s23  }
0xa: {  	s5 =	ssub.s32 s9, s22;
	s1 =	sadd.s32 s1, s24;
	[dreg:$0x9] =	wrdreg s0  }
0xb: {  	s2 =	sadd.s32 s2, s24;
	s24 =	smax.u32 s5, $0x1;
	[dreg:$0xa] =	wrdreg s1  }
0xc: {  	s11 =	smul.u32 $0x18000, s4;
	s9 =	sadd.s32 s23, s3;
	[dreg:$0x1c] =	wrdreg s24  }
0xd: {  	s26 =	sadd.s32 $0x630000, s9;
	[dreg:$0xb] =	wrdreg s2  }
0xe: {  	s25 =	sshrl.u32 s11, $0x2;
	s1 =	sadd.s32 $0x631000, s9;
	[dreg:$0xc] =	wrdreg s26  }
0xf: {  	s11 =	sadd.s32 s25, s8;
	s8 =	sadd.s32 $0x632000, s9;
	[dreg:$0xd] =	wrdreg s1  }
0x10: {  	s7 =	sshll.u32 s10, $0xA;
	s10 =	sadd.s32 $0x633000, s9;
	[dreg:$0xe] =	wrdreg s8  }
0x11: {  	s12 =	sadd.s32 $0x634000, s9;
	[dreg:$0xf] =	wrdreg s10  }
0x12: {  	s13 =	sadd.s32 $0x635000, s9;
	[dreg:$0x10] =	wrdreg s12  }
0x13: {  	s14 =	sadd.s32 $0x636000, s9;
	[dreg:$0x11] =	wrdreg s13  }
0x14: {  	s15 =	sadd.s32 $0x637000, s9;
	[dreg:$0x12] =	wrdreg s14  }
0x15: {  	s16 =	sadd.s32 $0x638000, s9;
	[dreg:$0x13] =	wrdreg s15  }
0x16: {  	s31 =	simm.s32 $0x80;
	s17 =	sadd.s32 $0x639000, s9;
	[dreg:$0x14] =	wrdreg s16  }
0x17: {  	s28 =	sadd.s32 $0x5000, s3;
	s18 =	sadd.s32 $0x63A000, s9;
	[dreg:$0x15] =	wrdreg s17  }
0x18: {  	s29 =	sadd.s32 $0x6000, s3;
	s19 =	sadd.s32 $0x63B000, s9;
	[dreg:$0x16] =	wrdreg s18  }
0x19: {  	s30 =	sadd.s32 $0x7000, s3;
	s20 =	sadd.s32 $0x63C000, s9;
	[dreg:$0x17] =	wrdreg s19  }
0x1a: {  	s21 =	sadd.s32 $0x63D000, s9;
	s22 =	sadd.s32 $0x63E000, s9;
	[dreg:$0x18] =	wrdreg s20  }
0x1b: {  	s23 =	sadd.s32 $0x63F000, s9;
	s25 =	sadd.s32 $0x400, s11;
	[dreg:$0x19] =	wrdreg s21  }
0x1c: {  	s5 =	sadd.s32 $0x1000, s11;
	s24 =	sadd.s32 $0x6400, s2;
	[dreg:$0x1a] =	wrdreg s22  }
0x1d: {  	[dreg:$0x1b] =	wrdreg s23;
	s1 =	sadd.s32 $0x800, s11;
	s0 =	sshrl.u32 s25, $0x3  }
0x1e: {  	s8 =	sadd.s32 $0x1400, s11;
	s10 =	sadd.s32 $0x1800, s11;
	s12 =	sadd.s32 $0x1C00, s11  }
0x1f: {  	s13 =	sadd.s32 $0x2000, s11;
	s15 =	sadd.s32 $0x2400, s11;
	s16 =	sadd.s32 $0x2800, s11  }
0x20: {  	s17 =	sadd.s32 $0x2C00, s11;
	s19 =	sadd.s32 $0x3000, s11;
	[smem:$0x7FB] =	sst s24  }
0x21: {  	s20 =	sadd.s32 $0x3400, s11;
	s25 =	sadd.s32 $0xC800, s2;
	[dreg:$0x1d] =	wrdreg s0  }
0x22: {  	s21 =	sadd.s32 $0x3800, s11;
	s26 =	sshrl.u32 s1, $0x3;
	[smem:$0x7FC] =	sst s25  }
0x23: {  	s23 =	sadd.s32 $0x3C00, s11;
	s9 =	sshrl.u32 s8, $0x3;
	[dreg:$0x1e] =	wrdreg s26  }
0x24: {  	s24 =	sadd.s32 $0x2000, s3;
	s14 =	sshrl.u32 s13, $0x3;
	[smem:$0x7F0] =	sst s9  }
0x25: {  	s1 =	sadd.s32 $0xC00, s11;
	s18 =	sshrl.u32 s17, $0x3;
	[smem:$0x7F3] =	sst s14  }
0x26: {  	s22 =	sshrl.u32 s21, $0x3;
	s25 =	sadd.s32 $0x3000, s3;
	[smem:$0x7F6] =	sst s18  }
0x27: {  	s13 =	simm.s32 $0x10100;
	s0 =	sshrl.u32 s1, $0x3;
	[smem:$0x7F9] =	sst s22  }
0x28: {  	s26 =	sadd.s32 $0x12C00, s2;
	s2 =	simm.s32 $0x1;
	[dreg:$0x1f] =	wrdreg s0  }
0x29: {  	s9 =	simm.s32 $0x7;
	s0 =	sshrl.u32 s5, $0x3;
	[smem:$0x7FD] =	sst s26  }
0x2a: {  	s14 =	simm.s32 $0x2;
	[smem:$0x7EF] =	sst s0;
	s0 =	sshrl.u32 s10, $0x3  }
0x2b: {  	v0 =	vlaneseq.u32;
	v2 =	vimm.s32 $0x0;
	s18 =	simm.s32 $0x0;
	[smem:$0x7F1] =	sst s0;
	s0 =	sshrl.u32 s12, $0x3  }
0x2c: {  	v3 =	vimm.s32 $0x1;
	v4 =	vimm.s32 $0x2;
	v5 =	vimm.s32 $0x3;
	s26 =	sadd.s32 $0x4000, s3;
	[smem:$0x7F2] =	sst s0;
	s0 =	sshrl.u32 s15, $0x3  }
.Ltmp0:
0x2d: {  	v6 =	vimm.s32 $0x4;
	v7 =	vimm.s32 $0x5;
	v8 =	vimm.s32 $0x6;
	[smem:$0x7F4] =	sst s0;
	s0 =	sshrl.u32 s16, $0x3;
	(pc) =	sbr.rel .LBB2_1-.Ltmp0, $4  }
0x2e: {  	v9 =	vimm.s32 $0x7;
	v10 =	vimm.s32 $0x8;
	v11 =	vimm.s32 $0x9;
	s10 =	simm.s32 $0x1000;
	[smem:$0x7F5] =	sst s0;
	s0 =	sshrl.u32 s19, $0x3  }
0x2f: {  	v12 =	vimm.s32 $0xA;
	v13 =	vimm.s32 $0xB;
	v14 =	vimm.s32 $0xC;
	s12 =	simm.s32 $0x4;
	[smem:$0x7F7] =	sst s0;
	s0 =	sshrl.u32 s20, $0x3  }
0x30: {  	v15 =	vimm.s32 $0xD;
	v16 =	vimm.s32 $0xE;
	v1 =	vand.u32 $0x7, v0;
	s15 =	simm.s32 $0x3;
	[smem:$0x7F8] =	sst s0;
	s0 =	sshrl.u32 s23, $0x3  }
0x31: {  	v17 =	vimm.s32 $0xF;
	v0 =	vmul.u32 $0x80, v0;
	v1 =	vmul.u32 $0x80, v1;
	s16 =	simm.s32 $0xC800;
	s23 =	sadd.s32 $0x1000, s3;
	[smem:$0x7FA] =	sst s0  }
.LBB2_26:
0x32: {  	_ =	swait.ge [sflag:s12], $0x2000  }
0x33: {  	s0 =	sshll.u32 s4, $0x6;
	s5 =	sshrl.u32 s11, $0x3;
	[sflag:s12] =	ssyncset.done $0x0  }
0x34: {  	s1 =	sor.u32 $0x1C06, s0;
	s8 =	rddreg [dreg:$0xc];
	[sflag:s12] =	ssyncadd.s32 $0xFFFFE000  }
0x35: {  	[hbm:s8], [sflag:s1] =	dma.local [spmem:s5], $0x80  }
0x36: {  	s5 =	rddreg [dreg:$0xd]  }
0x37: {  	s8 =	rddreg [dreg:$0x1d]  }
0x38: {  	[hbm:s5], [sflag:s1] =	dma.local [spmem:s8], $0x80  }
0x39: {  	s5 =	rddreg [dreg:$0xe]  }
0x3a: {  	s8 =	rddreg [dreg:$0x1e]  }
0x3b: {  	[hbm:s5], [sflag:s1] =	dma.local [spmem:s8], $0x80  }
0x3c: {  	s5 =	rddreg [dreg:$0xf]  }
0x3d: {  	s8 =	rddreg [dreg:$0x1f]  }
0x3e: {  	[hbm:s5], [sflag:s1] =	dma.local [spmem:s8], $0x80  }
0x3f: {  	s8 =	sld [smem:$0x7EF];
	_ =	sdelay $0x1  }
0x40: {  	s5 =	rddreg [dreg:$0x10]  }
0x41: {  	[hbm:s5], [sflag:s1] =	dma.local [spmem:s8], $0x80  }
0x42: {  	s8 =	sld [smem:$0x7F0];
	_ =	sdelay $0x1  }
0x43: {  	s5 =	rddreg [dreg:$0x11]  }
0x44: {  	[hbm:s5], [sflag:s1] =	dma.local [spmem:s8], $0x80  }
0x45: {  	s8 =	sld [smem:$0x7F1];
	_ =	sdelay $0x1  }
0x46: {  	s5 =	rddreg [dreg:$0x12]  }
0x47: {  	[hbm:s5], [sflag:s1] =	dma.local [spmem:s8], $0x80  }
0x48: {  	s8 =	sld [smem:$0x7F2];
	_ =	sdelay $0x1  }
0x49: {  	s17 =	simm.s32 $0x5;
	s5 =	rddreg [dreg:$0x13]  }
0x4a: {  	[hbm:s5], [sflag:s1] =	dma.local [spmem:s8], $0x80  }
0x4b: {  	_ =	swait.ge [sflag:s17], $0x2000  }
0x4c: {  	s20 =	sld [smem:$0x7F3]  }
0x4d: {  	[sflag:s17] =	ssyncset.done $0x0  }
0x4e: {  	s0 =	sor.u32 $0x1C07, s0;
	s19 =	rddreg [dreg:$0x14];
	[sflag:s17] =	ssyncadd.s32 $0xFFFFE000  }
0x4f: {  	[hbm:s19], [sflag:s0] =	dma.local [spmem:s20], $0x80  }
0x50: {  	s5 =	sld [smem:$0x7F4];
	_ =	sdelay $0x1  }
0x51: {  	s1 =	rddreg [dreg:$0x15]  }
0x52: {  	[hbm:s1], [sflag:s0] =	dma.local [spmem:s5], $0x80  }
0x53: {  	s5 =	sld [smem:$0x7F5];
	_ =	sdelay $0x1  }
0x54: {  	s1 =	rddreg [dreg:$0x16]  }
0x55: {  	[hbm:s1], [sflag:s0] =	dma.local [spmem:s5], $0x80  }
0x56: {  	s5 =	sld [smem:$0x7F6];
	_ =	sdelay $0x1  }
0x57: {  	s1 =	rddreg [dreg:$0x17]  }
0x58: {  	[hbm:s1], [sflag:s0] =	dma.local [spmem:s5], $0x80  }
0x59: {  	s5 =	sld [smem:$0x7F7];
	_ =	sdelay $0x1  }
0x5a: {  	s1 =	rddreg [dreg:$0x18]  }
0x5b: {  	[hbm:s1], [sflag:s0] =	dma.local [spmem:s5], $0x80  }
0x5c: {  	s5 =	sld [smem:$0x7F8];
	_ =	sdelay $0x1  }
0x5d: {  	s1 =	rddreg [dreg:$0x19]  }
0x5e: {  	[hbm:s1], [sflag:s0] =	dma.local [spmem:s5], $0x80  }
0x5f: {  	s5 =	sld [smem:$0x7F9];
	_ =	sdelay $0x1  }
0x60: {  	s1 =	rddreg [dreg:$0x1a]  }
0x61: {  	[hbm:s1], [sflag:s0] =	dma.local [spmem:s5], $0x80  }
0x62: {  	s5 =	sld [smem:$0x7FA];
	_ =	sdelay $0x1  }
0x63: {  	s1 =	rddreg [dreg:$0x1b]  }
0x64: {  	[hbm:s1], [sflag:s0] =	dma.local [spmem:s5], $0x80  }
0x65: {  	_ =	swait.ge [sflag:s9], $0x400  }
0x66: {  	[sflag:s9] =	ssyncset.done $0x0  }
0x67: {  	s21 =	simm.s32 $0x6;
	[sflag:s9] =	ssyncadd.s32 $0xFFFFFC00  }
0x68: {  	_ =	swait.ge [sflag:s21], $0x400  }
0x69: {  	[sflag:s21] =	ssyncset.done $0x0  }
0x6a: {  	[sflag:s21] =	ssyncadd.s32 $0xFFFFFC00  }
0x6b: {  	_ =	swait.ge [sflag:s9], $0x400  }
0x6c: {  	s18 =	sadd.s32 $0x1, s18;
	s22 =	rddreg [dreg:$0x1c]  }
0x6d: {  	p0 =	sne.s32 s18, s22  }
.Ltmp1:
0x6e: {  	_ = 	snop;
	(pc) =	sbr.rel @!p0 .LBB2_27-.Ltmp1, $3  }
0x6f: {  	_ =	sdelay $0x1  }
0x70: {  	[sflag:s9] =	ssyncset.done $0x0  }
0x71: {  	s10 =	simm.s32 $0x1000;
	s16 =	simm.s32 $0xC800;
	[sflag:s9] =	ssyncadd.s32 $0xFFFFFC00  }
.LBB2_1:
0x72: {  	s1 =	simm.s32 $0x0  }
0x73: {  	s0 =	rddreg [dreg:$0x9];
	s5 =	simm.s32 $0x400;
	s8 =	simm.s32 $0x8000  }
0x74: {  	[tilespmem:s1], [sflag:$0x1] =	stream.strided.gather [hbm4b:s0+s5], $0x6400, s8, s5, $0x38;
	[tilespmem:$0x1E180] =	vst v63  }
0x75: {  	s21 =	rddreg [dreg:$0xa];
	s22 =	simm.s32 $0x6400  }
0x76: {  	[tilespmem:s22], [sflag:$0x1] =	stream.strided.gather [hbm4b:s21+s31], $0x6400, s10, s31, $0x38;
	[tilespmem:$0x1E180] =	vst v63  }
0x77: {  	s17 =	simm.s32 $0x18100;
	s19 =	simm.s32 $0x8;
	s8 =	rddreg [dreg:$0x4]  }
0x78: {  	[tilespmem:s17], [sflag:$0x8] =	stream.linear.gather [hbm4b:s8+s1], $0x40, $0x38;
	[tilespmem:$0x1E180] =	vst v63  }
0x79: {  	_ =	swait.ge [sflag:s19], $0x40  }
0x7a: {  	[sflag:s19] =	ssyncset.done $0x0  }
0x7b: {  	[sflag:s19] =	ssyncadd.s32 $0xFFFFFFC0  }
0x7c: {  	s21 =	simm.s32 $0x18140;
	s20 =	rddreg [dreg:$0x5]  }
0x7d: {  	[tilespmem:s21], [sflag:$0x8] =	stream.linear.gather [hbm4b:s20+s1], $0x40, $0x38;
	[tilespmem:$0x1E180] =	vst v63  }
0x7e: {  	_ =	swait.ge [sflag:s19], $0x40  }
0x7f: {  	[sflag:s19] =	ssyncset.done $0x0  }
0x80: {  	[sflag:s19] =	ssyncadd.s32 $0xFFFFFFC0  }
0x81: {  	_ =	swait.ge [sflag:s2], $0x6400  }
0x82: {  	[sflag:s2] =	ssyncset.done $0x0  }
0x83: {  	[sflag:s2] =	ssyncadd.s32 $0xFFFF9C00  }
0x84: {  	_ =	swait.ge [sflag:s2], $0x6400  }
0x85: {  	[sflag:s2] =	ssyncset.done $0x0  }
0x86: {  	s22 =	rddreg [dreg:$0xb];
	[sflag:s2] =	ssyncadd.s32 $0xFFFF9C00  }
0x87: {  	[tilespmem:s16], [sflag:$0x1] =	stream.strided.gather [hbm4b:s22+s31], $0x1900, s10, s31, $0x38;
	[tilespmem:$0x1E180] =	vst v63  }
0x88: {  	_ =	swait.ge [sflag:s2], $0x1900  }
0x89: {  	[sflag:s2] =	ssyncset.done $0x0  }
0x8a: {  	s0 =	simm.s32 $0x0;
	[sflag:s2] =	ssyncadd.s32 $0xFFFFE700  }
0x8b: {  	v25 =	vld [tilespmem:s0+$0xC800]  }
0x8c: {  	v29 =	vld [tilespmem:s0+$0xC810]  }
0x8d: {  	v23 =	vld [tilespmem:s0+$0xC820]  }
0x8e: {  	v22 =	vld [tilespmem:s0+$0xC830]  }
0x8f: {  	v21 =	vld [tilespmem:s0+$0xC840]  }
0x90: {  	v20 =	vld [tilespmem:s0+$0xC850]  }
0x91: {  	v19 =	vld [tilespmem:s0+$0xC860]  }
0x92: {  	v18 =	vld [tilespmem:s0+$0xC870]  }
0x93: {  	v30 =	vld [tilespmem:s0+$0x6400]  }
0x94: {  	v31 =	vld [tilespmem:s0+$0x6410]  }
0x95: {  	v28 =	vld [tilespmem:s0+$0x6420]  }
0x96: {  	v27 =	vld [tilespmem:s0+$0x6430]  }
0x97: {  	v26 =	vld [tilespmem:s0+$0x6440]  }
0x98: {  	v24 =	vld [tilespmem:s0+$0x6450];
	v30 =	vadd.f32 v25, v30  }
0x99: {  	s5 =	simm.s32 $0x200;
	v29 =	vadd.f32 v29, v31;
	v25 =	vld [tilespmem:s0+$0x6460]  }
.LBB2_2:
0x9a: {  	s8 =	sshra.s32 s5, $0x2;
	p0 =	sne.s32 s5, $0x6200;
	[tilespmem:s0+$0x6400] =	vst v30;
	v23 =	vadd.f32 v23, v28;
	v28 =	vld [tilespmem:s0+$0x6470]  }
0x9b: {  	v30 =	vld [tilespmem:s8+$0xC800];
	[tilespmem:s0+$0x6410] =	vst v29;
	v22 =	vadd.f32 v22, v27  }
0x9c: {  	v29 =	vld [tilespmem:s8+$0xC810];
	[tilespmem:s0+$0x6420] =	vst v23;
	v21 =	vadd.f32 v21, v26  }
0x9d: {  	v23 =	vld [tilespmem:s8+$0xC820];
	[tilespmem:s0+$0x6430] =	vst v22;
	v20 =	vadd.f32 v20, v24  }
0x9e: {  	v22 =	vld [tilespmem:s8+$0xC830];
	[tilespmem:s0+$0x6440] =	vst v21;
	v19 =	vadd.f32 v19, v25  }
0x9f: {  	v21 =	vld [tilespmem:s8+$0xC840];
	[tilespmem:s0+$0x6450] =	vst v20;
	v18 =	vadd.f32 v18, v28  }
0xa0: {  	v20 =	vld [tilespmem:s8+$0xC850];
	[tilespmem:s0+$0x6460] =	vst v19  }
0xa1: {  	v19 =	vld [tilespmem:s8+$0xC860];
	[tilespmem:s0+$0x6470] =	vst v18;
	s0 =	smov.u32 s8  }
0xa2: {  	v18 =	vld [tilespmem:s0+$0xC870]  }
0xa3: {  	v24 =	vld [tilespmem:s0+$0x6400]  }
0xa4: {  	v25 =	vld [tilespmem:s0+$0x6410]  }
.Ltmp2:
0xa5: {  	v28 =	vld [tilespmem:s0+$0x6420];
	(pc) =	sbr.rel @p0 .LBB2_2-.Ltmp2, $4  }
0xa6: {  	v27 =	vld [tilespmem:s0+$0x6430]  }
0xa7: {  	v26 =	vld [tilespmem:s0+$0x6440]  }
0xa8: {  	v30 =	vadd.f32 v30, v24;
	v24 =	vld [tilespmem:s0+$0x6450]  }
0xa9: {  	s5 =	sadd.s32 $0x200, s5;
	v29 =	vadd.f32 v29, v25;
	v25 =	vld [tilespmem:s0+$0x6460]  }
0xaa: {  	[tilespmem:s0+$0x6400] =	vst v30;
	v23 =	vadd.f32 v23, v28;
	v28 =	vld [tilespmem:s0+$0x6470]  }
0xab: {  	[tilespmem:s0+$0x6410] =	vst v29;
	v22 =	vadd.f32 v22, v27  }
0xac: {  	[tilespmem:s0+$0x6420] =	vst v23;
	v21 =	vadd.f32 v21, v26  }
0xad: {  	[tilespmem:s0+$0x6430] =	vst v22;
	v20 =	vadd.f32 v20, v24  }
0xae: {  	[tilespmem:s0+$0x6440] =	vst v21;
	v19 =	vadd.f32 v19, v25  }
0xaf: {  	s22 =	sld [smem:$0x7FB];
	[tilespmem:s0+$0x6450] =	vst v20;
	v18 =	vadd.f32 v18, v28  }
0xb0: {  	[tilespmem:s0+$0x6460] =	vst v19  }
0xb1: {  	[tilespmem:s0+$0x6470] =	vst v18  }
0xb2: {  	[tilespmem:s16], [sflag:$0x1] =	stream.strided.gather [hbm4b:s22+s31], $0x1900, s10, s31, $0x38;
	[tilespmem:$0x1E180] =	vst v63  }
0xb3: {  	_ =	swait.ge [sflag:s2], $0x1900  }
0xb4: {  	[sflag:s2] =	ssyncset.done $0x0  }
0xb5: {  	s0 =	simm.s32 $0x0;
	[sflag:s2] =	ssyncadd.s32 $0xFFFFE700  }
0xb6: {  	v25 =	vld [tilespmem:s0+$0xC800]  }
0xb7: {  	v29 =	vld [tilespmem:s0+$0xC810]  }
0xb8: {  	v23 =	vld [tilespmem:s0+$0xC820]  }
0xb9: {  	v22 =	vld [tilespmem:s0+$0xC830]  }
0xba: {  	v21 =	vld [tilespmem:s0+$0xC840]  }
0xbb: {  	v20 =	vld [tilespmem:s0+$0xC850]  }
0xbc: {  	v19 =	vld [tilespmem:s0+$0xC860]  }
0xbd: {  	v18 =	vld [tilespmem:s0+$0xC870]  }
0xbe: {  	v30 =	vld [tilespmem:s0+$0x7D00]  }
0xbf: {  	v31 =	vld [tilespmem:s0+$0x7D10]  }
0xc0: {  	v28 =	vld [tilespmem:s0+$0x7D20]  }
0xc1: {  	v27 =	vld [tilespmem:s0+$0x7D30]  }
0xc2: {  	v26 =	vld [tilespmem:s0+$0x7D40]  }
0xc3: {  	v24 =	vld [tilespmem:s0+$0x7D50];
	v30 =	vadd.f32 v25, v30  }
0xc4: {  	s5 =	simm.s32 $0x200;
	v29 =	vadd.f32 v29, v31;
	v25 =	vld [tilespmem:s0+$0x7D60]  }
.LBB2_4:
0xc5: {  	s8 =	sshra.s32 s5, $0x2;
	p0 =	sne.s32 s5, $0x6200;
	[tilespmem:s0+$0x7D00] =	vst v30;
	v23 =	vadd.f32 v23, v28;
	v28 =	vld [tilespmem:s0+$0x7D70]  }
0xc6: {  	v30 =	vld [tilespmem:s8+$0xC800];
	[tilespmem:s0+$0x7D10] =	vst v29;
	v22 =	vadd.f32 v22, v27  }
0xc7: {  	v29 =	vld [tilespmem:s8+$0xC810];
	[tilespmem:s0+$0x7D20] =	vst v23;
	v21 =	vadd.f32 v21, v26  }
0xc8: {  	v23 =	vld [tilespmem:s8+$0xC820];
	[tilespmem:s0+$0x7D30] =	vst v22;
	v20 =	vadd.f32 v20, v24  }
0xc9: {  	v22 =	vld [tilespmem:s8+$0xC830];
	[tilespmem:s0+$0x7D40] =	vst v21;
	v19 =	vadd.f32 v19, v25  }
0xca: {  	v21 =	vld [tilespmem:s8+$0xC840];
	[tilespmem:s0+$0x7D50] =	vst v20;
	v18 =	vadd.f32 v18, v28  }
0xcb: {  	v20 =	vld [tilespmem:s8+$0xC850];
	[tilespmem:s0+$0x7D60] =	vst v19  }
0xcc: {  	v19 =	vld [tilespmem:s8+$0xC860];
	[tilespmem:s0+$0x7D70] =	vst v18;
	s0 =	smov.u32 s8  }
0xcd: {  	v18 =	vld [tilespmem:s0+$0xC870]  }
0xce: {  	v24 =	vld [tilespmem:s0+$0x7D00]  }
0xcf: {  	v25 =	vld [tilespmem:s0+$0x7D10]  }
.Ltmp3:
0xd0: {  	v28 =	vld [tilespmem:s0+$0x7D20];
	(pc) =	sbr.rel @p0 .LBB2_4-.Ltmp3, $4  }
0xd1: {  	v27 =	vld [tilespmem:s0+$0x7D30]  }
0xd2: {  	v26 =	vld [tilespmem:s0+$0x7D40]  }
0xd3: {  	v30 =	vadd.f32 v30, v24;
	v24 =	vld [tilespmem:s0+$0x7D50]  }
0xd4: {  	s5 =	sadd.s32 $0x200, s5;
	v29 =	vadd.f32 v29, v25;
	v25 =	vld [tilespmem:s0+$0x7D60]  }
0xd5: {  	[tilespmem:s0+$0x7D00] =	vst v30;
	v23 =	vadd.f32 v23, v28;
	v28 =	vld [tilespmem:s0+$0x7D70]  }
0xd6: {  	[tilespmem:s0+$0x7D10] =	vst v29;
	v22 =	vadd.f32 v22, v27  }
0xd7: {  	[tilespmem:s0+$0x7D20] =	vst v23;
	v21 =	vadd.f32 v21, v26  }
0xd8: {  	[tilespmem:s0+$0x7D30] =	vst v22;
	v20 =	vadd.f32 v20, v24  }
0xd9: {  	[tilespmem:s0+$0x7D40] =	vst v21;
	v19 =	vadd.f32 v19, v25  }
0xda: {  	s22 =	sld [smem:$0x7FC];
	[tilespmem:s0+$0x7D50] =	vst v20;
	v18 =	vadd.f32 v18, v28  }
0xdb: {  	[tilespmem:s0+$0x7D60] =	vst v19  }
0xdc: {  	[tilespmem:s0+$0x7D70] =	vst v18  }
0xdd: {  	[tilespmem:s16], [sflag:$0x1] =	stream.strided.gather [hbm4b:s22+s31], $0x1900, s10, s31, $0x38;
	[tilespmem:$0x1E180] =	vst v63  }
0xde: {  	_ =	swait.ge [sflag:s2], $0x1900  }
0xdf: {  	[sflag:s2] =	ssyncset.done $0x0  }
0xe0: {  	s0 =	simm.s32 $0x0;
	[sflag:s2] =	ssyncadd.s32 $0xFFFFE700  }
0xe1: {  	v25 =	vld [tilespmem:s0+$0xC800]  }
0xe2: {  	v29 =	vld [tilespmem:s0+$0xC810]  }
0xe3: {  	v23 =	vld [tilespmem:s0+$0xC820]  }
0xe4: {  	v22 =	vld [tilespmem:s0+$0xC830]  }
0xe5: {  	v21 =	vld [tilespmem:s0+$0xC840]  }
0xe6: {  	v20 =	vld [tilespmem:s0+$0xC850]  }
0xe7: {  	v19 =	vld [tilespmem:s0+$0xC860]  }
0xe8: {  	v18 =	vld [tilespmem:s0+$0xC870]  }
0xe9: {  	v30 =	vld [tilespmem:s0+$0x9600]  }
0xea: {  	v31 =	vld [tilespmem:s0+$0x9610]  }
0xeb: {  	v28 =	vld [tilespmem:s0+$0x9620]  }
0xec: {  	v27 =	vld [tilespmem:s0+$0x9630]  }
0xed: {  	v26 =	vld [tilespmem:s0+$0x9640]  }
0xee: {  	v24 =	vld [tilespmem:s0+$0x9650];
	v30 =	vadd.f32 v25, v30  }
0xef: {  	s5 =	simm.s32 $0x200;
	v29 =	vadd.f32 v29, v31;
	v25 =	vld [tilespmem:s0+$0x9660]  }
.LBB2_6:
0xf0: {  	s8 =	sshra.s32 s5, $0x2;
	p0 =	sne.s32 s5, $0x6200;
	[tilespmem:s0+$0x9600] =	vst v30;
	v23 =	vadd.f32 v23, v28;
	v28 =	vld [tilespmem:s0+$0x9670]  }
0xf1: {  	v30 =	vld [tilespmem:s8+$0xC800];
	[tilespmem:s0+$0x9610] =	vst v29;
	v22 =	vadd.f32 v22, v27  }
0xf2: {  	v29 =	vld [tilespmem:s8+$0xC810];
	[tilespmem:s0+$0x9620] =	vst v23;
	v21 =	vadd.f32 v21, v26  }
0xf3: {  	v23 =	vld [tilespmem:s8+$0xC820];
	[tilespmem:s0+$0x9630] =	vst v22;
	v20 =	vadd.f32 v20, v24  }
0xf4: {  	v22 =	vld [tilespmem:s8+$0xC830];
	[tilespmem:s0+$0x9640] =	vst v21;
	v19 =	vadd.f32 v19, v25  }
0xf5: {  	v21 =	vld [tilespmem:s8+$0xC840];
	[tilespmem:s0+$0x9650] =	vst v20;
	v18 =	vadd.f32 v18, v28  }
0xf6: {  	v20 =	vld [tilespmem:s8+$0xC850];
	[tilespmem:s0+$0x9660] =	vst v19  }
0xf7: {  	v19 =	vld [tilespmem:s8+$0xC860];
	[tilespmem:s0+$0x9670] =	vst v18;
	s0 =	smov.u32 s8  }
0xf8: {  	v18 =	vld [tilespmem:s0+$0xC870]  }
0xf9: {  	v24 =	vld [tilespmem:s0+$0x9600]  }
0xfa: {  	v25 =	vld [tilespmem:s0+$0x9610]  }
.Ltmp4:
0xfb: {  	v28 =	vld [tilespmem:s0+$0x9620];
	(pc) =	sbr.rel @p0 .LBB2_6-.Ltmp4, $4  }
0xfc: {  	v27 =	vld [tilespmem:s0+$0x9630]  }
0xfd: {  	v26 =	vld [tilespmem:s0+$0x9640]  }
0xfe: {  	v30 =	vadd.f32 v30, v24;
	v24 =	vld [tilespmem:s0+$0x9650]  }
0xff: {  	s5 =	sadd.s32 $0x200, s5;
	v29 =	vadd.f32 v29, v25;
	v25 =	vld [tilespmem:s0+$0x9660]  }
0x100: {  	[tilespmem:s0+$0x9600] =	vst v30;
	v23 =	vadd.f32 v23, v28;
	v28 =	vld [tilespmem:s0+$0x9670]  }
0x101: {  	[tilespmem:s0+$0x9610] =	vst v29;
	v22 =	vadd.f32 v22, v27  }
0x102: {  	[tilespmem:s0+$0x9620] =	vst v23;
	v21 =	vadd.f32 v21, v26  }
0x103: {  	[tilespmem:s0+$0x9630] =	vst v22;
	v20 =	vadd.f32 v20, v24  }
0x104: {  	[tilespmem:s0+$0x9640] =	vst v21;
	v19 =	vadd.f32 v19, v25  }
0x105: {  	s22 =	sld [smem:$0x7FD];
	[tilespmem:s0+$0x9650] =	vst v20;
	v18 =	vadd.f32 v18, v28  }
0x106: {  	[tilespmem:s0+$0x9660] =	vst v19  }
0x107: {  	[tilespmem:s0+$0x9670] =	vst v18  }
0x108: {  	[tilespmem:s16], [sflag:$0x1] =	stream.strided.gather [hbm4b:s22+s31], $0x1900, s10, s31, $0x38;
	[tilespmem:$0x1E180] =	vst v63  }
0x109: {  	_ =	swait.ge [sflag:s2], $0x1900  }
0x10a: {  	[sflag:s2] =	ssyncset.done $0x0  }
0x10b: {  	s0 =	simm.s32 $0x0;
	[sflag:s2] =	ssyncadd.s32 $0xFFFFE700  }
0x10c: {  	v25 =	vld [tilespmem:s0+$0xC800]  }
0x10d: {  	v29 =	vld [tilespmem:s0+$0xC810]  }
0x10e: {  	v23 =	vld [tilespmem:s0+$0xC820]  }
0x10f: {  	v22 =	vld [tilespmem:s0+$0xC830]  }
0x110: {  	v21 =	vld [tilespmem:s0+$0xC840]  }
0x111: {  	v20 =	vld [tilespmem:s0+$0xC850]  }
0x112: {  	v19 =	vld [tilespmem:s0+$0xC860]  }
0x113: {  	v18 =	vld [tilespmem:s0+$0xC870]  }
0x114: {  	v30 =	vld [tilespmem:s0+$0xAF00]  }
0x115: {  	v31 =	vld [tilespmem:s0+$0xAF10]  }
0x116: {  	v28 =	vld [tilespmem:s0+$0xAF20]  }
0x117: {  	v27 =	vld [tilespmem:s0+$0xAF30]  }
0x118: {  	v26 =	vld [tilespmem:s0+$0xAF40]  }
0x119: {  	v24 =	vld [tilespmem:s0+$0xAF50];
	v30 =	vadd.f32 v25, v30  }
0x11a: {  	s5 =	simm.s32 $0x0;
	s8 =	simm.s32 $0x200;
	v29 =	vadd.f32 v29, v31;
	v25 =	vld [tilespmem:s0+$0xAF60]  }
.LBB2_8:
0x11b: {  	s10 =	sshra.s32 s8, $0x2;
	p0 =	sne.s32 s8, $0x6200;
	[tilespmem:s0+$0xAF00] =	vst v30;
	v23 =	vadd.f32 v23, v28;
	v28 =	vld [tilespmem:s0+$0xAF70]  }
0x11c: {  	v30 =	vld [tilespmem:s10+$0xC800];
	[tilespmem:s0+$0xAF10] =	vst v29;
	v22 =	vadd.f32 v22, v27  }
0x11d: {  	v29 =	vld [tilespmem:s10+$0xC810];
	[tilespmem:s0+$0xAF20] =	vst v23;
	v21 =	vadd.f32 v21, v26  }
0x11e: {  	v23 =	vld [tilespmem:s10+$0xC820];
	[tilespmem:s0+$0xAF30] =	vst v22;
	v20 =	vadd.f32 v20, v24  }
0x11f: {  	v22 =	vld [tilespmem:s10+$0xC830];
	[tilespmem:s0+$0xAF40] =	vst v21;
	v19 =	vadd.f32 v19, v25  }
0x120: {  	v21 =	vld [tilespmem:s10+$0xC840];
	[tilespmem:s0+$0xAF50] =	vst v20;
	v18 =	vadd.f32 v18, v28  }
0x121: {  	v20 =	vld [tilespmem:s10+$0xC850];
	[tilespmem:s0+$0xAF60] =	vst v19  }
0x122: {  	v19 =	vld [tilespmem:s10+$0xC860];
	[tilespmem:s0+$0xAF70] =	vst v18;
	s0 =	smov.u32 s10  }
0x123: {  	v18 =	vld [tilespmem:s0+$0xC870]  }
0x124: {  	v24 =	vld [tilespmem:s0+$0xAF00]  }
0x125: {  	v25 =	vld [tilespmem:s0+$0xAF10]  }
.Ltmp5:
0x126: {  	v28 =	vld [tilespmem:s0+$0xAF20];
	(pc) =	sbr.rel @p0 .LBB2_8-.Ltmp5, $4  }
0x127: {  	v27 =	vld [tilespmem:s0+$0xAF30]  }
0x128: {  	v26 =	vld [tilespmem:s0+$0xAF40]  }
0x129: {  	v30 =	vadd.f32 v30, v24;
	v24 =	vld [tilespmem:s0+$0xAF50]  }
0x12a: {  	s8 =	sadd.s32 $0x200, s8;
	v29 =	vadd.f32 v29, v25;
	v25 =	vld [tilespmem:s0+$0xAF60]  }
0x12b: {  	[tilespmem:s0+$0xAF00] =	vst v30;
	v23 =	vadd.f32 v23, v28;
	v60 =	vld [tilespmem:s0+$0xAF70]  }
0x12c: {  	[tilespmem:s0+$0xAF10] =	vst v29;
	v22 =	vadd.f32 v22, v27  }
0x12d: {  	v61 =	vmov s5;
	[tilespmem:s0+$0xAF20] =	vst v23;
	v21 =	vadd.f32 v21, v26  }
0x12e: {  	v62 =	vshll.u32 v61, $0x7;
	[tilespmem:s0+$0xAF30] =	vst v22;
	v20 =	vadd.f32 v20, v24  }
0x12f: {  	v63 =	vor.u32 v0, v62;
	[tilespmem:s0+$0xAF40] =	vst v21;
	v19 =	vadd.f32 v19, v25  }
0x130: {  	v21 =	vand.u32 $0x1C00, v63;
	[tilespmem:s0+$0xAF50] =	vst v20;
	v18 =	vadd.f32 v18, v60;
	v20 =	vshrl.u32 v61, $0x6  }
0x131: {  	s22 =	sand.u32 $0x7FC0, s5;
	[tilespmem:s0+$0xAF60] =	vst v19;
	v19 =	vor.u32 v21, v20  }
0x132: {  	s5 =	simm.s32 $0x10;
	s8 =	sshrl.u32 s22, $0x2;
	[tilespmem:s0+$0xAF70] =	vst v18;
	s0 =	simm.s32 $0x40;
	v18 =	vor.u32 v1, v19  }
.LBB2_10:
0x133: {  	v19 =	vmov s5;
	p0 =	sne.s32 s0, $0x7FC0;
	[tilespmem:s8+$0x16100] =	vst v18;
	s8 =	smov.u32 s0;
	s0 =	sadd.s32 $0x40, s0  }
.Ltmp6:
0x134: {  	v18 =	vshll.u32 v19, $0x7;
	(pc) =	sbr.rel @p0 .LBB2_10-.Ltmp6, $4  }
0x135: {  	v18 =	vor.u32 v0, v18  }
0x136: {  	v19 =	vshrl.u32 v19, $0x6;
	v18 =	vand.u32 $0x1C00, v18  }
0x137: {  	s8 =	sand.u32 $0x7FC0, s8;
	v18 =	vor.u32 v18, v19  }
0x138: {  	s5 =	sadd.s32 $0x10, s5;
	s8 =	sshrl.u32 s8, $0x2;
	v18 =	vor.u32 v1, v18  }
0x139: {  	[tilespmem:s8+$0x16100] =	vst v18  }
0x13a: {  	v22 =	vld [tilespmem:$0x18140]  }
0x13b: {  	v23 =	vld [tilespmem:$0x18150]  }
0x13c: {  	v24 =	vld [tilespmem:$0x18160]  }
0x13d: {  	v25 =	vld [tilespmem:$0x18170];
	_ =	sdelay $0x1  }
0x13e: {  	v18 =	vld [tilespmem:$0x18100]  }
0x13f: {  	s19 =	simm.s32 $0x0;
	v19 =	vld [tilespmem:$0x18110]  }
0x140: {  	s0 =	simm.s32 $0xE100;
	s8 =	simm.s32 $0x6400;
	s21 =	simm.s32 $0x6480;
	v20 =	vld [tilespmem:$0x18120];
	v22 =	vadd.f32 v22, v22;
	v23 =	vadd.f32 v23, v23  }
0x141: {  	v21 =	vld [tilespmem:$0x18130];
	[tilespmem:s0], [sflag:$0x2] =	stream.indirect.gather [hbm4b:s6+s31], $0x40, s19, s31, $0xb8;
	v24 =	vadd.f32 v24, v24;
	v25 =	vadd.f32 v25, v25  }
.LBB2_12:
0x142: {  	p0 =	slt.u32 s19, $0x2  }
.Ltmp7:
0x143: {  	_ = 	snop;
	(pc) =	sbr.rel @p0 .LBB2_15-.Ltmp7, $2  }
0x144: {  	_ =	sdelay $0x2  }
0x145: {  	s22 =	sshll.u32 s19, $0x1  }
.Ltmp8:
0x146: {  	(pc) =	sbr.rel .LBB2_14-.Ltmp8, $4  }
0x147: {  	_ = 	snop  }
0x148: {  	_ =	swait.ge [sflag:s9], $0x400  }
0x149: {  	[sflag:s9] =	ssyncset.done $0x0  }
0x14a: {  	[sflag:s9] =	ssyncadd.s32 $0xFFFFFC00  }
.LBB2_15:
0x14b: {  	p0 =	seq.s32 s19, $0x0  }
.Ltmp9:
0x14c: {  	_ = 	snop;
	(pc) =	sbr.rel @p0 .LBB2_16-.Ltmp9, $1  }
0x14d: {  	_ =	sdelay $0x3  }
.LBB2_14:
0x14e: {  	s0 =	sadd.s32 $0xFFFFFFFE, s22  }
0x14f: {  	s5 =	smul.u32 $0x5556, s0;
	_ =	sdelay $0x1  }
0x150: {  	s10 =	sshrl.u32 s5, $0x1F;
	s5 =	sshrl.u32 s5, $0x10  }
0x151: {  	s5 =	sadd.s32 s10, s5  }
0x152: {  	s5 =	smul.u32 $0x3, s5;
	_ =	sdelay $0x1  }
0x153: {  	s5 =	ssub.s32 s0, s5  }
0x154: {  	s5 =	sshll.u32 s5, $0x10  }
0x155: {  	_ =	swait.ge [sflag:s12], $0x2000;
	s5 =	sshra.s32 s5, $0x10  }
0x156: {  	s0 =	sshll.u32 s0, $0x12;
	p0 =	slt.s32 s5, $0x0;
	s5 =	sshll.u32 s5, $0xD  }
0x157: {  	s17 =	sshll.u32 s4, $0x6;
	s0 =	sor.u32 s7, s0;
	s10 =	sadd.s32 $0x6000, s5  }
0x158: {  	[sflag:s12] =	ssyncset.done $0x0;
	s0 =	sshrl.u32 s0, $0x3;
	s5 =	smov.u32 @p0 s10  }
0x159: {  	[sflag:s12] =	ssyncadd.s32 $0xFFFFE000;
	s16 =	sadd.s32 s3, s0;
	s5 =	sadd.s32 s5, s11  }
0x15a: {  	s10 =	sor.u32 $0x1C06, s17;
	s17 =	sshrl.u32 s5, $0x3;
	s20 =	sadd.s32 $0x400, s5  }
0x15b: {  	[hbm:s16], [sflag:s10] =	dma.local [spmem:s17], $0x80  }
0x15c: {  	s1 =	sadd.s32 s0, s23;
	s16 =	sshrl.u32 s20, $0x3;
	s20 =	sadd.s32 $0x800, s5  }
0x15d: {  	[hbm:s1], [sflag:s10] =	dma.local [spmem:s16], $0x80  }
0x15e: {  	s1 =	sadd.s32 s0, s24;
	s16 =	sshrl.u32 s20, $0x3;
	s20 =	sadd.s32 $0xC00, s5  }
0x15f: {  	[hbm:s1], [sflag:s10] =	dma.local [spmem:s16], $0x80  }
0x160: {  	p0 =	por $0x0, $0x0;
	s1 =	sadd.s32 s0, s25;
	s16 =	sshrl.u32 s20, $0x3  }
0x161: {  	[hbm:s1], [sflag:s10] =	dma.local [spmem:s16], $0x80  }
0x162: {  	s17 =	sadd.s32 $0x1800, s5;
	s20 =	sadd.s32 $0x1000, s5;
	s1 =	sadd.s32 s0, s26  }
0x163: {  	s16 =	sshrl.u32 s20, $0x3;
	s20 =	sadd.s32 $0x1400, s5;
	s5 =	sadd.s32 $0x1C00, s5  }
0x164: {  	[hbm:s1], [sflag:s10] =	dma.local [spmem:s16], $0x80  }
0x165: {  	s1 =	sadd.s32 s0, s28;
	s16 =	sshrl.u32 s20, $0x3;
	s20 =	sadd.s32 s0, s29  }
0x166: {  	[hbm:s1], [sflag:s10] =	dma.local [spmem:s16], $0x80  }
0x167: {  	s0 =	sadd.s32 s0, s30;
	s5 =	sshrl.u32 s5, $0x3;
	s16 =	sshrl.u32 s17, $0x3  }
0x168: {  	[hbm:s20], [sflag:s10] =	dma.local [spmem:s16], $0x80  }
0x169: {  	[hbm:s0], [sflag:s10] =	dma.local [spmem:s5], $0x80  }
.LBB2_17:
0x16a: {  	s0 =	smul.u32 $0x156, s19;
	s10 =	sor.u32 $0x1, s22  }
0x16b: {  	s16 =	sshll.u32 s19, $0x8;
	s5 =	sshll.u32 s10, $0x7  }
0x16c: {  	s16 =	sand.u32 $0x7C00, s16;
	s0 =	sshrl.u32 s0, $0x9;
	s5 =	sand.u32 $0x380, s5  }
0x16d: {  	s0 =	sand.u32 $0x7F, s0;
	s5 =	sor.u32 s5, s16  }
0x16e: {  	[tilespmem:s13], [sflag:$0x3] =	stream.indirect.gather [hbm4b:s6+s31], $0x40, s5, s31, $0xb8;
	[tilespmem:$0x1E180] =	vst v63  }
0x16f: {  	s0 =	smul.u32 $0x3, s0;
	_ =	swait.ge [sflag:s14], $0x2000  }
0x170: {  	[sflag:s14] =	ssyncset.done $0x0  }
0x171: {  	s17 =	simm.s32 $0x1000;
	s0 =	ssub.s32 s22, s0;
	[sflag:s14] =	ssyncadd.s32 $0xFFFFE000  }
0x172: {  	s20 =	smov.u32 s8;
	s16 =	simm.s32 $0x0;
	s5 =	sand.u32 $0xFF, s0;
	v26 =	vld [tilespmem:s8+$0x0]  }
.LBB2_18:
0x173: {  	p1 =	seq.s32 s17, $0x7000;
	_ =	sdelay $0x1  }
0x174: {  	s0 =	sshra.s32 s16, $0x2;
	s16 =	smov.u32 s17  }
0x175: {  	v27 =	vld [tilespmem:s0+$0xE100]  }
0x176: {  	v28 =	vperm.xlane v26, v2;
	v29 =	vld [tilespmem:s0+$0xE110];
	v30 =	vperm.xlane v26, v3  }
0x177: {  	v32 =	vperm.xlane v26, v4;
	v33 =	vperm.xlane v26, v5;
	v31 =	vld [tilespmem:s0+$0xE120]  }
0x178: {  	v34 =	vmul.f32 v28, v18;
	v35 =	vmul.f32 v28, v19;
	v36 =	vld [tilespmem:s0+$0xE130]  }
0x179: {  	v37 =	vmul.f32 v28, v20;
	v28 =	vmul.f32 v28, v21;
	v38 =	vld [tilespmem:s0+$0xE140]  }
0x17a: {  	v39 =	vmul.f32 v30, v18;
	v34 =	vadd.f32 v34, v22;
	v35 =	vadd.f32 v35, v23;
	v40 =	vld [tilespmem:s0+$0xE150]  }
0x17b: {  	v41 =	vmul.f32 v30, v19;
	v37 =	vadd.f32 v37, v24;
	v28 =	vadd.f32 v28, v25;
	v42 =	vld [tilespmem:s0+$0xE160]  }
0x17c: {  	v27 =	vadd.f32 v34, v27;
	v29 =	vadd.f32 v29, v35;
	v34 =	vmul.f32 v30, v20;
	v35 =	vld [tilespmem:s0+$0xE170]  }
0x17d: {  	v31 =	vadd.f32 v31, v37;
	v30 =	vmul.f32 v30, v21;
	v28 =	vadd.f32 v36, v28;
	v36 =	vld [tilespmem:s0+$0xE180]  }
0x17e: {  	v37 =	vadd.f32 v41, v23;
	[tilespmem:s0+$0x12100] =	vst v27;
	v27 =	vadd.f32 v39, v22;
	v39 =	vmul.f32 v32, v18;
	v41 =	vld [tilespmem:s0+$0xE190]  }
0x17f: {  	v30 =	vadd.f32 v30, v25;
	[tilespmem:s0+$0x12110] =	vst v29;
	v29 =	vadd.f32 v34, v24;
	v34 =	vmul.f32 v32, v19;
	v43 =	vld [tilespmem:s0+$0xE1A0]  }
0x180: {  	[tilespmem:s0+$0x12120] =	vst v31;
	v27 =	vadd.f32 v27, v38;
	v31 =	vadd.f32 v40, v37;
	v37 =	vmul.f32 v32, v20;
	v38 =	vld [tilespmem:s0+$0xE1B0]  }
0x181: {  	[tilespmem:s0+$0x12130] =	vst v28;
	v28 =	vadd.f32 v42, v29;
	v29 =	vadd.f32 v35, v30;
	v30 =	vmul.f32 v32, v21;
	v32 =	vld [tilespmem:s0+$0xE1C0]  }
0x182: {  	v34 =	vadd.f32 v34, v23;
	v35 =	vmul.f32 v33, v18;
	[tilespmem:s0+$0x12140] =	vst v27;
	v27 =	vadd.f32 v39, v22;
	v39 =	vld [tilespmem:s0+$0xE1D0]  }
0x183: {  	[tilespmem:s0+$0x12150] =	vst v31;
	v31 =	vadd.f32 v37, v24;
	v30 =	vadd.f32 v30, v25;
	v37 =	vmul.f32 v33, v19;
	v40 =	vld [tilespmem:s0+$0xE1E0]  }
0x184: {  	[tilespmem:s0+$0x12160] =	vst v28;
	v27 =	vadd.f32 v27, v36;
	v28 =	vadd.f32 v41, v34;
	v34 =	vmul.f32 v33, v20;
	v36 =	vld [tilespmem:s0+$0xE1F0]  }
0x185: {  	[tilespmem:s0+$0x12170] =	vst v29;
	v29 =	vadd.f32 v43, v31;
	v30 =	vadd.f32 v38, v30;
	v31 =	vmul.f32 v33, v21  }
0x186: {  	v33 =	vadd.f32 v37, v23;
	[tilespmem:s0+$0x12180] =	vst v27;
	v27 =	vadd.f32 v35, v22;
	v35 =	vperm.xlane v26, v6  }
0x187: {  	v37 =	vperm.xlane v26, v7;
	[tilespmem:s0+$0x12190] =	vst v28;
	v28 =	vadd.f32 v34, v24;
	v31 =	vadd.f32 v31, v25;
	v34 =	vld [tilespmem:s0+$0xE200]  }
0x188: {  	[tilespmem:s0+$0x121A0] =	vst v29;
	v27 =	vadd.f32 v27, v32;
	v29 =	vadd.f32 v39, v33;
	v32 =	vmul.f32 v35, v18;
	v33 =	vld [tilespmem:s0+$0xE210]  }
0x189: {  	[tilespmem:s0+$0x121B0] =	vst v30;
	v28 =	vadd.f32 v40, v28;
	v30 =	vadd.f32 v36, v31;
	v31 =	vmul.f32 v35, v19;
	v36 =	vld [tilespmem:s0+$0xE220]  }
0x18a: {  	[tilespmem:s0+$0x121C0] =	vst v27;
	v27 =	vadd.f32 v32, v22;
	v32 =	vmul.f32 v35, v20;
	v38 =	vld [tilespmem:s0+$0xE230];
	v35 =	vmul.f32 v35, v21  }
0x18b: {  	v39 =	vmul.f32 v37, v18;
	v40 =	vmul.f32 v37, v19;
	[tilespmem:s0+$0x121D0] =	vst v29;
	v29 =	vadd.f32 v31, v23;
	v31 =	vld [tilespmem:s0+$0xE240]  }
0x18c: {  	[tilespmem:s0+$0x121E0] =	vst v28;
	v27 =	vadd.f32 v27, v34;
	v28 =	vadd.f32 v32, v24;
	v32 =	vld [tilespmem:s0+$0xE250];
	v34 =	vmul.f32 v37, v20  }
0x18d: {  	[tilespmem:s0+$0x121F0] =	vst v30;
	v29 =	vadd.f32 v33, v29;
	v30 =	vadd.f32 v35, v25;
	v33 =	vld [tilespmem:s0+$0xE260];
	v35 =	vmul.f32 v37, v21  }
0x18e: {  	v37 =	vperm.xlane v26, v8;
	[tilespmem:s0+$0x12200] =	vst v27;
	v27 =	vadd.f32 v36, v28;
	v28 =	vadd.f32 v39, v22;
	v36 =	vld [tilespmem:s0+$0xE270]  }
0x18f: {  	v39 =	vperm.xlane v26, v9;
	[tilespmem:s0+$0x12210] =	vst v29;
	v29 =	vadd.f32 v38, v30;
	v30 =	vadd.f32 v40, v23;
	v38 =	vld [tilespmem:s0+$0xE280]  }
0x190: {  	[tilespmem:s0+$0x12220] =	vst v27;
	v27 =	vadd.f32 v28, v31;
	v28 =	vadd.f32 v34, v24;
	v31 =	vmul.f32 v37, v18;
	v34 =	vld [tilespmem:s0+$0xE290]  }
0x191: {  	[tilespmem:s0+$0x12230] =	vst v29;
	v29 =	vadd.f32 v32, v30;
	v30 =	vadd.f32 v35, v25;
	v32 =	vmul.f32 v37, v19;
	v35 =	vld [tilespmem:s0+$0xE2A0]  }
0x192: {  	[tilespmem:s0+$0x12240] =	vst v27;
	v27 =	vadd.f32 v33, v28;
	v28 =	vadd.f32 v31, v22;
	v31 =	vmul.f32 v37, v20;
	v33 =	vld [tilespmem:s0+$0xE2B0]  }
0x193: {  	[tilespmem:s0+$0x12250] =	vst v29;
	v29 =	vadd.f32 v36, v30;
	v30 =	vadd.f32 v32, v23;
	v32 =	vmul.f32 v37, v21;
	v36 =	vld [tilespmem:s0+$0xE2C0]  }
0x194: {  	[tilespmem:s0+$0x12260] =	vst v27;
	v27 =	vadd.f32 v28, v38;
	v28 =	vadd.f32 v31, v24;
	v31 =	vmul.f32 v39, v18;
	v37 =	vld [tilespmem:s0+$0xE2D0]  }
0x195: {  	[tilespmem:s0+$0x12270] =	vst v29;
	v29 =	vadd.f32 v34, v30;
	v30 =	vadd.f32 v32, v25;
	v32 =	vmul.f32 v39, v19;
	v34 =	vld [tilespmem:s0+$0xE2E0]  }
0x196: {  	[tilespmem:s0+$0x12280] =	vst v27;
	v27 =	vadd.f32 v35, v28;
	v28 =	vadd.f32 v31, v22;
	v31 =	vmul.f32 v39, v20;
	v35 =	vld [tilespmem:s0+$0xE2F0]  }
0x197: {  	[tilespmem:s0+$0x12290] =	vst v29;
	v29 =	vadd.f32 v33, v30;
	v30 =	vadd.f32 v32, v23;
	v32 =	vmul.f32 v39, v21;
	v33 =	vld [tilespmem:s0+$0xE300]  }
0x198: {  	[tilespmem:s0+$0x122A0] =	vst v27;
	v27 =	vadd.f32 v28, v36;
	v28 =	vadd.f32 v31, v24;
	v31 =	vperm.xlane v26, v10;
	v36 =	vld [tilespmem:s0+$0xE310]  }
0x199: {  	[tilespmem:s0+$0x122B0] =	vst v29;
	v29 =	vadd.f32 v37, v30;
	v30 =	vadd.f32 v32, v25;
	v32 =	vld [tilespmem:s0+$0xE320];
	v37 =	vperm.xlane v26, v11  }
0x19a: {  	[tilespmem:s0+$0x122C0] =	vst v27;
	v27 =	vadd.f32 v34, v28;
	v28 =	vmul.f32 v31, v18;
	v34 =	vmul.f32 v31, v19;
	v38 =	vld [tilespmem:s0+$0xE330]  }
0x19b: {  	[tilespmem:s0+$0x122D0] =	vst v29;
	v29 =	vadd.f32 v35, v30;
	v30 =	vmul.f32 v31, v20;
	v31 =	vmul.f32 v31, v21;
	v35 =	vld [tilespmem:s0+$0xE340]  }
0x19c: {  	[tilespmem:s0+$0x122E0] =	vst v27;
	v27 =	vadd.f32 v28, v22;
	v28 =	vadd.f32 v34, v23;
	v34 =	vmul.f32 v37, v18;
	v39 =	vld [tilespmem:s0+$0xE350]  }
0x19d: {  	[tilespmem:s0+$0x122F0] =	vst v29;
	v29 =	vadd.f32 v30, v24;
	v30 =	vadd.f32 v31, v25;
	v31 =	vmul.f32 v37, v19;
	v40 =	vld [tilespmem:s0+$0xE360]  }
0x19e: {  	v27 =	vadd.f32 v27, v33;
	v28 =	vadd.f32 v36, v28;
	v33 =	vmul.f32 v37, v20;
	v36 =	vld [tilespmem:s0+$0xE370]  }
0x19f: {  	v29 =	vadd.f32 v32, v29;
	v30 =	vadd.f32 v38, v30;
	v32 =	vmul.f32 v37, v21  }
0x1a0: {  	v31 =	vadd.f32 v31, v23;
	[tilespmem:s0+$0x12300] =	vst v27;
	v27 =	vadd.f32 v34, v22;
	v34 =	vperm.xlane v26, v12  }
0x1a1: {  	v37 =	vperm.xlane v26, v13;
	[tilespmem:s0+$0x12310] =	vst v28;
	v28 =	vadd.f32 v33, v24;
	v32 =	vadd.f32 v32, v25;
	v33 =	vld [tilespmem:s0+$0xE380]  }
0x1a2: {  	[tilespmem:s0+$0x12320] =	vst v29;
	v27 =	vadd.f32 v27, v35;
	v29 =	vadd.f32 v39, v31;
	v31 =	vmul.f32 v34, v18;
	v35 =	vld [tilespmem:s0+$0xE390]  }
0x1a3: {  	[tilespmem:s0+$0x12330] =	vst v30;
	v28 =	vadd.f32 v40, v28;
	v30 =	vadd.f32 v36, v32;
	v32 =	vmul.f32 v34, v19;
	v36 =	vld [tilespmem:s0+$0xE3A0]  }
0x1a4: {  	[tilespmem:s0+$0x12340] =	vst v27;
	v27 =	vadd.f32 v31, v22;
	v31 =	vmul.f32 v34, v20;
	v38 =	vld [tilespmem:s0+$0xE3B0];
	v34 =	vmul.f32 v34, v21  }
0x1a5: {  	v39 =	vmul.f32 v37, v18;
	v40 =	vmul.f32 v37, v19;
	[tilespmem:s0+$0x12350] =	vst v29;
	v29 =	vadd.f32 v32, v23;
	v32 =	vld [tilespmem:s0+$0xE3C0]  }
0x1a6: {  	[tilespmem:s0+$0x12360] =	vst v28;
	v27 =	vadd.f32 v27, v33;
	v28 =	vadd.f32 v31, v24;
	v31 =	vld [tilespmem:s0+$0xE3D0];
	v33 =	vmul.f32 v37, v20  }
0x1a7: {  	[tilespmem:s0+$0x12370] =	vst v30;
	v29 =	vadd.f32 v35, v29;
	v30 =	vadd.f32 v34, v25;
	v34 =	vld [tilespmem:s0+$0xE3E0];
	v35 =	vmul.f32 v37, v21  }
0x1a8: {  	v37 =	vperm.xlane v26, v14;
	[tilespmem:s0+$0x12380] =	vst v27;
	v27 =	vadd.f32 v36, v28;
	v28 =	vadd.f32 v39, v22;
	v36 =	vld [tilespmem:s0+$0xE3F0]  }
0x1a9: {  	v39 =	vperm.xlane v26, v15;
	[tilespmem:s0+$0x12390] =	vst v29;
	v29 =	vadd.f32 v38, v30;
	v30 =	vadd.f32 v40, v23;
	v38 =	vld [tilespmem:s0+$0xE400]  }
0x1aa: {  	[tilespmem:s0+$0x123A0] =	vst v27;
	v27 =	vadd.f32 v28, v32;
	v28 =	vadd.f32 v33, v24;
	v32 =	vmul.f32 v37, v18;
	v33 =	vld [tilespmem:s0+$0xE410]  }
0x1ab: {  	[tilespmem:s0+$0x123B0] =	vst v29;
	v29 =	vadd.f32 v31, v30;
	v30 =	vadd.f32 v35, v25;
	v31 =	vmul.f32 v37, v19;
	v35 =	vld [tilespmem:s0+$0xE420]  }
0x1ac: {  	[tilespmem:s0+$0x123C0] =	vst v27;
	v27 =	vadd.f32 v34, v28;
	v28 =	vadd.f32 v32, v22;
	v32 =	vmul.f32 v37, v20;
	v34 =	vld [tilespmem:s0+$0xE430]  }
0x1ad: {  	[tilespmem:s0+$0x123D0] =	vst v29;
	v29 =	vadd.f32 v36, v30;
	v30 =	vadd.f32 v31, v23;
	v31 =	vmul.f32 v37, v21;
	v36 =	vld [tilespmem:s0+$0xE440]  }
0x1ae: {  	[tilespmem:s0+$0x123E0] =	vst v27;
	v27 =	vadd.f32 v28, v38;
	v28 =	vadd.f32 v32, v24;
	v32 =	vmul.f32 v39, v18;
	v37 =	vld [tilespmem:s0+$0xE450]  }
0x1af: {  	[tilespmem:s0+$0x123F0] =	vst v29;
	v29 =	vadd.f32 v33, v30;
	v30 =	vadd.f32 v31, v25;
	v31 =	vmul.f32 v39, v19;
	v33 =	vld [tilespmem:s0+$0xE460]  }
0x1b0: {  	[tilespmem:s0+$0x12400] =	vst v27;
	v27 =	vadd.f32 v35, v28;
	v28 =	vadd.f32 v32, v22;
	v32 =	vmul.f32 v39, v20;
	v35 =	vld [tilespmem:s0+$0xE470]  }
0x1b1: {  	[tilespmem:s0+$0x12410] =	vst v29;
	v29 =	vadd.f32 v34, v30;
	v30 =	vadd.f32 v31, v23;
	v31 =	vmul.f32 v39, v21;
	v34 =	vld [tilespmem:s0+$0xE480]  }
0x1b2: {  	[tilespmem:s0+$0x12420] =	vst v27;
	v27 =	vadd.f32 v28, v36;
	v28 =	vadd.f32 v32, v24;
	v32 =	vperm.xlane v26, v16;
	v36 =	vld [tilespmem:s0+$0xE490]  }
0x1b3: {  	v26 =	vperm.xlane v26, v17;
	[tilespmem:s0+$0x12430] =	vst v29;
	v29 =	vadd.f32 v37, v30;
	v30 =	vadd.f32 v31, v25;
	v31 =	vld [tilespmem:s0+$0xE4A0]  }
0x1b4: {  	[tilespmem:s0+$0x12440] =	vst v27;
	v27 =	vadd.f32 v33, v28;
	v28 =	vmul.f32 v32, v18;
	v33 =	vmul.f32 v32, v19;
	v37 =	vld [tilespmem:s0+$0xE4B0]  }
0x1b5: {  	[tilespmem:s0+$0x12450] =	vst v29;
	v29 =	vadd.f32 v35, v30;
	v30 =	vmul.f32 v32, v20;
	v32 =	vmul.f32 v32, v21;
	v35 =	vld [tilespmem:s0+$0xE4C0]  }
0x1b6: {  	[tilespmem:s0+$0x12460] =	vst v27;
	v27 =	vadd.f32 v28, v22;
	v28 =	vadd.f32 v33, v23;
	v33 =	vmul.f32 v26, v18;
	v38 =	vld [tilespmem:s0+$0xE4D0]  }
0x1b7: {  	[tilespmem:s0+$0x12470] =	vst v29;
	v29 =	vadd.f32 v30, v24;
	v30 =	vadd.f32 v32, v25;
	v32 =	vmul.f32 v26, v19;
	v39 =	vld [tilespmem:s0+$0xE4E0]  }
0x1b8: {  	v27 =	vadd.f32 v27, v34;
	v28 =	vadd.f32 v36, v28;
	v34 =	vmul.f32 v26, v20;
	v36 =	vld [tilespmem:s0+$0xE4F0]  }
0x1b9: {  	v26 =	vmul.f32 v26, v21;
	v29 =	vadd.f32 v31, v29;
	v30 =	vadd.f32 v37, v30  }
0x1ba: {  	v31 =	vadd.f32 v32, v23;
	[tilespmem:s0+$0x12480] =	vst v27;
	v27 =	vadd.f32 v33, v22  }
0x1bb: {  	v26 =	vadd.f32 v26, v25;
	[tilespmem:s0+$0x12490] =	vst v28;
	v28 =	vadd.f32 v34, v24  }
0x1bc: {  	[tilespmem:s0+$0x124A0] =	vst v29;
	v27 =	vadd.f32 v27, v35;
	v29 =	vadd.f32 v38, v31  }
0x1bd: {  	[tilespmem:s0+$0x124B0] =	vst v30;
	v28 =	vadd.f32 v39, v28;
	v26 =	vadd.f32 v36, v26  }
.Ltmp10:
0x1be: {  	[tilespmem:s0+$0x124C0] =	vst v27;
	(pc) =	sbr.rel @!p1 .LBB2_18-.Ltmp10, $4  }
0x1bf: {  	[tilespmem:s0+$0x124D0] =	vst v29  }
0x1c0: {  	[tilespmem:s0+$0x124E0] =	vst v28  }
0x1c1: {  	s20 =	sadd.s32 $0x10, s20;
	[tilespmem:s0+$0x124F0] =	vst v26  }
0x1c2: {  	s17 =	sadd.s32 $0x1000, s17;
	v26 =	vld [tilespmem:s20+$0x0]  }
0x1c3: {  	_ =	sdelay $0x3  }
0x1c4: {  	v28 =	vperm.xlane v26, v2  }
0x1c5: {  	s0 =	sshra.s32 s16, $0x2;
	v30 =	vperm.xlane v26, v3;
	v32 =	vperm.xlane v26, v4  }
0x1c6: {  	v27 =	vld [tilespmem:s0+$0xE100];
	v34 =	vmul.f32 v28, v18;
	v35 =	vmul.f32 v28, v19  }
0x1c7: {  	v29 =	vld [tilespmem:s0+$0xE110];
	v37 =	vmul.f32 v28, v20;
	v28 =	vmul.f32 v28, v21  }
0x1c8: {  	v31 =	vld [tilespmem:s0+$0xE120];
	v39 =	vmul.f32 v30, v18;
	v41 =	vmul.f32 v30, v19  }
0x1c9: {  	v36 =	vld [tilespmem:s0+$0xE130];
	v47 =	vmul.f32 v30, v20;
	v30 =	vmul.f32 v30, v21  }
0x1ca: {  	v38 =	vld [tilespmem:s0+$0xE140];
	v52 =	vmul.f32 v32, v18;
	v34 =	vadd.f32 v34, v22;
	v35 =	vadd.f32 v35, v23  }
0x1cb: {  	v40 =	vld [tilespmem:s0+$0xE150];
	v44 =	vmul.f32 v32, v19;
	v37 =	vadd.f32 v37, v24;
	v28 =	vadd.f32 v28, v25  }
0x1cc: {  	v48 =	vld [tilespmem:s0+$0xE170];
	v54 =	vmul.f32 v32, v20;
	v50 =	vadd.f32 v39, v22;
	v51 =	vadd.f32 v41, v23  }
0x1cd: {  	v49 =	vld [tilespmem:s0+$0xE180];
	v32 =	vmul.f32 v32, v21;
	v30 =	vadd.f32 v30, v25;
	v57 =	vadd.f32 v52, v22  }
0x1ce: {  	v43 =	vld [tilespmem:s0+$0xE190];
	v58 =	vadd.f32 v44, v23;
	v61 =	vadd.f32 v54, v24  }
0x1cf: {  	v55 =	vld [tilespmem:s0+$0xE1B0];
	v33 =	vperm.xlane v26, v5;
	v32 =	vadd.f32 v32, v25;
	v27 =	vadd.f32 v34, v27  }
0x1d0: {  	v42 =	vld [tilespmem:s0+$0xE160];
	v29 =	vadd.f32 v29, v35;
	v31 =	vadd.f32 v31, v37  }
0x1d1: {  	v45 =	vld [tilespmem:s0+$0xE1A0];
	v59 =	vmul.f32 v33, v18;
	v28 =	vadd.f32 v36, v28;
	v34 =	vadd.f32 v47, v24;
	[tilespmem:s0+$0x12100] =	vst v27  }
0x1d2: {  	v56 =	vld [tilespmem:s0+$0xE1C0];
	v62 =	vmul.f32 v33, v19;
	v37 =	vadd.f32 v50, v38;
	v53 =	vadd.f32 v40, v51;
	[tilespmem:s0+$0x12110] =	vst v29  }
0x1d3: {  	v60 =	vld [tilespmem:s0+$0xE1D0];
	v52 =	vperm.xlane v26, v6;
	v30 =	vadd.f32 v48, v30;
	v46 =	vadd.f32 v57, v49;
	[tilespmem:s0+$0x12120] =	vst v31  }
0x1d4: {  	v47 =	vadd.f32 v43, v58;
	v48 =	vmul.f32 v33, v20;
	v32 =	vadd.f32 v55, v32;
	[tilespmem:s0+$0x12130] =	vst v28  }
0x1d5: {  	v63 =	vld [tilespmem:s0+$0xE1E0];
	v33 =	vmul.f32 v33, v21;
	v50 =	vadd.f32 v59, v22;
	v51 =	vadd.f32 v62, v23;
	[tilespmem:s0+$0x12140] =	vst v37  }
0x1d6: {  	v49 =	vld [tilespmem:s0+$0xE1F0];
	v40 =	vperm.xlane v26, v7;
	v58 =	vmul.f32 v52, v19;
	v27 =	vadd.f32 v42, v34;
	[tilespmem:s0+$0x12150] =	vst v53  }
0x1d7: {  	v59 =	vld [tilespmem:s0+$0xE220];
	v39 =	vmul.f32 v52, v21;
	v31 =	vadd.f32 v45, v61;
	v33 =	vadd.f32 v33, v25;
	[tilespmem:s0+$0x12170] =	vst v30  }
0x1d8: {  	v53 =	vld [tilespmem:s0+$0xE200];
	v54 =	vadd.f32 v50, v56;
	v55 =	vadd.f32 v60, v51;
	v56 =	vmul.f32 v52, v18;
	[tilespmem:s0+$0x12180] =	vst v46  }
0x1d9: {  	[tilespmem:s0+$0x12190] =	vst v47;
	v61 =	vmul.f32 v52, v20;
	v45 =	vld [tilespmem:s0+$0xE240];
	v46 =	vmul.f32 v40, v18;
	v52 =	vadd.f32 v39, v25  }
0x1da: {  	v57 =	vld [tilespmem:s0+$0xE210];
	[tilespmem:s0+$0x12160] =	vst v27;
	v27 =	vadd.f32 v48, v24;
	v60 =	vadd.f32 v56, v22  }
0x1db: {  	v62 =	vld [tilespmem:s0+$0xE230];
	v47 =	vmul.f32 v40, v19;
	v48 =	vadd.f32 v61, v24;
	[tilespmem:s0+$0x121D0] =	vst v55;
	v55 =	vadd.f32 v46, v22  }
0x1dc: {  	[tilespmem:s0+$0x121B0] =	vst v32;
	v50 =	vmul.f32 v40, v20;
	v56 =	vld [tilespmem:s0+$0xE270];
	v28 =	vadd.f32 v49, v33;
	v27 =	vadd.f32 v63, v27  }
0x1dd: {  	[tilespmem:s0+$0x121C0] =	vst v54;
	v54 =	vmul.f32 v40, v21;
	v49 =	vld [tilespmem:s0+$0xE250];
	v63 =	vadd.f32 v58, v23;
	v32 =	vadd.f32 v59, v48  }
0x1de: {  	v42 =	vperm.xlane v26, v9;
	[tilespmem:s0+$0x121A0] =	vst v31;
	v29 =	vadd.f32 v60, v53;
	v53 =	vld [tilespmem:s0+$0xE260];
	v60 =	vadd.f32 v55, v45  }
0x1df: {  	[tilespmem:s0+$0x121F0] =	vst v28;
	v45 =	vadd.f32 v54, v25;
	v51 =	vadd.f32 v57, v63;
	v57 =	vperm.xlane v26, v8  }
0x1e0: {  	v61 =	vadd.f32 v50, v24;
	v43 =	vmul.f32 v42, v20;
	v58 =	vadd.f32 v47, v23;
	v59 =	vld [tilespmem:s0+$0xE280];
	[tilespmem:s0+$0x121E0] =	vst v27  }
0x1e1: {  	v27 =	vadd.f32 v62, v52;
	v63 =	vld [tilespmem:s0+$0xE290];
	[tilespmem:s0+$0x12220] =	vst v32;
	v31 =	vadd.f32 v56, v45;
	v62 =	vmul.f32 v57, v18  }
0x1e2: {  	v47 =	vld [tilespmem:s0+$0xE2A0];
	[tilespmem:s0+$0x12200] =	vst v29;
	v44 =	vadd.f32 v49, v58;
	v46 =	vmul.f32 v57, v19;
	v50 =	vmul.f32 v57, v20  }
0x1e3: {  	v54 =	vld [tilespmem:s0+$0xE2C0];
	[tilespmem:s0+$0x12240] =	vst v60;
	v60 =	vmul.f32 v42, v19;
	v48 =	vadd.f32 v53, v61;
	v49 =	vadd.f32 v62, v22  }
0x1e4: {  	[tilespmem:s0+$0x12210] =	vst v51;
	v51 =	vld [tilespmem:s0+$0xE2B0];
	v52 =	vadd.f32 v46, v23;
	v53 =	vmul.f32 v57, v21;
	v55 =	vadd.f32 v50, v24  }
0x1e5: {  	v38 =	vld [tilespmem:s0+$0xE300];
	v56 =	vmul.f32 v42, v18;
	[tilespmem:s0+$0x12230] =	vst v27;
	v46 =	vadd.f32 v60, v23;
	v27 =	vadd.f32 v49, v59  }
0x1e6: {  	[tilespmem:s0+$0x12270] =	vst v31;
	v57 =	vld [tilespmem:s0+$0xE2D0];
	v50 =	vperm.xlane v26, v10;
	v58 =	vadd.f32 v63, v52;
	v59 =	vadd.f32 v53, v25  }
0x1e7: {  	v40 =	vperm.xlane v26, v11;
	v61 =	vld [tilespmem:s0+$0xE2E0];
	[tilespmem:s0+$0x12250] =	vst v44;
	v62 =	vadd.f32 v47, v55;
	v63 =	vadd.f32 v56, v22  }
0x1e8: {  	v44 =	vld [tilespmem:s0+$0xE2F0];
	[tilespmem:s0+$0x12260] =	vst v48;
	v47 =	vmul.f32 v42, v21;
	v49 =	vadd.f32 v43, v24;
	v56 =	vmul.f32 v50, v19  }
0x1e9: {  	v60 =	vld [tilespmem:s0+$0xE340];
	v34 =	vmul.f32 v50, v21;
	v45 =	vadd.f32 v51, v59;
	v48 =	vadd.f32 v63, v54;
	[tilespmem:s0+$0x12280] =	vst v27  }
0x1ea: {  	v53 =	vld [tilespmem:s0+$0xE320];
	v55 =	vmul.f32 v50, v18;
	v52 =	vadd.f32 v47, v25;
	[tilespmem:s0+$0x122A0] =	vst v62;
	v62 =	vadd.f32 v56, v23  }
0x1eb: {  	v51 =	vld [tilespmem:s0+$0xE310];
	[tilespmem:s0+$0x12290] =	vst v58;
	v59 =	vmul.f32 v50, v20;
	v47 =	vadd.f32 v34, v25;
	v27 =	vadd.f32 v57, v46  }
0x1ec: {  	v63 =	vmul.f32 v40, v18;
	v54 =	vadd.f32 v61, v49;
	v57 =	vld [tilespmem:s0+$0xE330];
	v61 =	vadd.f32 v55, v22;
	[tilespmem:s0+$0x122B0] =	vst v45  }
0x1ed: {  	v55 =	vmul.f32 v40, v21;
	v58 =	vadd.f32 v44, v52;
	[tilespmem:s0+$0x122C0] =	vst v48;
	v46 =	vadd.f32 v59, v24  }
0x1ee: {  	v45 =	vld [tilespmem:s0+$0xE350];
	v56 =	vadd.f32 v63, v22;
	v59 =	vperm.xlane v26, v13;
	[tilespmem:s0+$0x122D0] =	vst v27;
	v27 =	vadd.f32 v61, v38  }
0x1ef: {  	v48 =	vmul.f32 v40, v19;
	v52 =	vld [tilespmem:s0+$0xE370];
	[tilespmem:s0+$0x122E0] =	vst v54;
	v32 =	vadd.f32 v55, v25;
	v53 =	vadd.f32 v53, v46  }
0x1f0: {  	[tilespmem:s0+$0x122F0] =	vst v58;
	v29 =	vadd.f32 v56, v60;
	v55 =	vmul.f32 v59, v20;
	v50 =	vadd.f32 v51, v62  }
0x1f1: {  	v49 =	vld [tilespmem:s0+$0xE360];
	v51 =	vmul.f32 v40, v20;
	[tilespmem:s0+$0x12300] =	vst v27;
	v54 =	vadd.f32 v57, v47;
	v57 =	vperm.xlane v26, v12  }
0x1f2: {  	v34 =	vadd.f32 v48, v23;
	v58 =	vld [tilespmem:s0+$0xE380];
	v37 =	vmul.f32 v59, v21;
	[tilespmem:s0+$0x12320] =	vst v53  }
0x1f3: {  	v62 =	vld [tilespmem:s0+$0xE390];
	[tilespmem:s0+$0x12340] =	vst v29;
	v41 =	vadd.f32 v55, v24;
	v27 =	vadd.f32 v51, v24;
	v61 =	vmul.f32 v57, v18  }
0x1f4: {  	v44 =	vld [tilespmem:s0+$0xE3A0];
	[tilespmem:s0+$0x12310] =	vst v50;
	v60 =	vadd.f32 v45, v34;
	v63 =	vadd.f32 v52, v32;
	v43 =	vmul.f32 v57, v19  }
0x1f5: {  	v47 =	vld [tilespmem:s0+$0xE3B0];
	v50 =	vmul.f32 v59, v18;
	[tilespmem:s0+$0x12330] =	vst v54;
	v46 =	vmul.f32 v57, v20;
	v45 =	vadd.f32 v61, v22  }
0x1f6: {  	v35 =	vmul.f32 v57, v21;
	v57 =	vld [tilespmem:s0+$0xE3E0];
	v27 =	vadd.f32 v49, v27;
	[tilespmem:s0+$0x12350] =	vst v60;
	v48 =	vadd.f32 v43, v23  }
0x1f7: {  	v51 =	vmul.f32 v59, v19;
	v49 =	vld [tilespmem:s0+$0xE3C0];
	[tilespmem:s0+$0x12370] =	vst v63;
	v53 =	vadd.f32 v46, v24;
	v52 =	vadd.f32 v45, v58  }
0x1f8: {  	v54 =	vld [tilespmem:s0+$0xE3D0];
	v56 =	vadd.f32 v35, v25;
	v61 =	vperm.xlane v26, v14;
	[tilespmem:s0+$0x12360] =	vst v27;
	v27 =	vadd.f32 v62, v48  }
0x1f9: {  	v40 =	vperm.xlane v26, v15;
	v59 =	vadd.f32 v50, v22;
	v60 =	vld [tilespmem:s0+$0xE3F0];
	v58 =	vadd.f32 v44, v53;
	[tilespmem:s0+$0x12380] =	vst v52  }
0x1fa: {  	v63 =	vld [tilespmem:s0+$0xE400];
	v29 =	vadd.f32 v47, v56;
	v62 =	vadd.f32 v51, v23;
	v42 =	vmul.f32 v61, v18;
	[tilespmem:s0+$0x12390] =	vst v27  }
0x1fb: {  	v43 =	vld [tilespmem:s0+$0xE410];
	v45 =	vadd.f32 v37, v25;
	v46 =	vmul.f32 v61, v19;
	v48 =	vadd.f32 v57, v41;
	[tilespmem:s0+$0x123A0] =	vst v58  }
0x1fc: {  	v47 =	vld [tilespmem:s0+$0xE420];
	v50 =	vmul.f32 v61, v20;
	v53 =	vmul.f32 v61, v21;
	v27 =	vadd.f32 v59, v49;
	[tilespmem:s0+$0x123B0] =	vst v29  }
0x1fd: {  	v51 =	vld [tilespmem:s0+$0xE430];
	v61 =	vmul.f32 v40, v19;
	v44 =	vadd.f32 v54, v62;
	v49 =	vadd.f32 v42, v22;
	[tilespmem:s0+$0x123E0] =	vst v48  }
0x1fe: {  	v57 =	vmul.f32 v40, v18;
	v52 =	vadd.f32 v46, v23;
	v54 =	vld [tilespmem:s0+$0xE440];
	[tilespmem:s0+$0x123C0] =	vst v27;
	v27 =	vadd.f32 v60, v45  }
0x1ff: {  	v41 =	vperm.xlane v26, v16;
	v56 =	vadd.f32 v50, v24;
	v58 =	vld [tilespmem:s0+$0xE450];
	[tilespmem:s0+$0x123D0] =	vst v44;
	v55 =	vadd.f32 v49, v63  }
0x200: {  	v26 =	vperm.xlane v26, v17;
	v59 =	vadd.f32 v43, v52;
	v60 =	vadd.f32 v53, v25;
	v63 =	vld [tilespmem:s0+$0xE470];
	[tilespmem:s0+$0x123F0] =	vst v27  }
0x201: {  	v32 =	vadd.f32 v57, v22;
	v43 =	vmul.f32 v40, v21;
	v44 =	vld [tilespmem:s0+$0xE480];
	v31 =	vadd.f32 v47, v56;
	[tilespmem:s0+$0x12400] =	vst v55  }
0x202: {  	v33 =	vadd.f32 v61, v23;
	v46 =	vmul.f32 v41, v18;
	v27 =	vld [tilespmem:s0+$0xE460];
	[tilespmem:s0+$0x12410] =	vst v59;
	v42 =	vadd.f32 v51, v60  }
0x203: {  	v62 =	vmul.f32 v40, v20;
	v45 =	vld [tilespmem:s0+$0xE490];
	v47 =	vadd.f32 v43, v25;
	v32 =	vadd.f32 v32, v54;
	[tilespmem:s0+$0x12420] =	vst v31  }
0x204: {  	v48 =	vld [tilespmem:s0+$0xE4A0];
	v49 =	vmul.f32 v41, v19;
	v36 =	vadd.f32 v46, v22;
	v33 =	vadd.f32 v58, v33;
	[tilespmem:s0+$0x12430] =	vst v42  }
0x205: {  	v50 =	vld [tilespmem:s0+$0xE4B0];
	v28 =	vadd.f32 v62, v24;
	v51 =	vmul.f32 v41, v20;
	[tilespmem:s0+$0x12440] =	vst v32;
	v29 =	vadd.f32 v63, v47  }
0x206: {  	v52 =	vmul.f32 v41, v21;
	v55 =	vld [tilespmem:s0+$0xE4D0];
	v54 =	vadd.f32 v49, v23;
	[tilespmem:s0+$0x12450] =	vst v33;
	v35 =	vadd.f32 v36, v44  }
0x207: {  	v57 =	vmul.f32 v26, v19;
	v58 =	vld [tilespmem:s0+$0xE4E0];
	v32 =	vadd.f32 v51, v24;
	v27 =	vadd.f32 v27, v28;
	[tilespmem:s0+$0x12470] =	vst v29  }
0x208: {  	v53 =	vld [tilespmem:s0+$0xE4C0];
	v56 =	vadd.f32 v52, v25;
	v59 =	vmul.f32 v26, v20;
	v31 =	vadd.f32 v45, v54;
	[tilespmem:s0+$0x12480] =	vst v35  }
0x209: {  	v61 =	vadd.f32 v57, v23;
	v60 =	vld [tilespmem:s0+$0xE4F0];
	v30 =	vadd.f32 v48, v32;
	[tilespmem:s0+$0x12460] =	vst v27;
	v27 =	vmul.f32 v26, v18  }
0x20a: {  	v62 =	vadd.f32 v59, v24;
	v28 =	vadd.f32 v50, v56;
	[tilespmem:s0+$0x12490] =	vst v31;
	v26 =	vmul.f32 v26, v21  }
0x20b: {  	v29 =	vadd.f32 v55, v61;
	[tilespmem:s0+$0x124A0] =	vst v30;
	v27 =	vadd.f32 v27, v22  }
0x20c: {  	v63 =	vadd.f32 v58, v62;
	[tilespmem:s0+$0x124B0] =	vst v28;
	v26 =	vadd.f32 v26, v25  }
0x20d: {  	[tilespmem:s0+$0x124D0] =	vst v29;
	v27 =	vadd.f32 v27, v53  }
0x20e: {  	[tilespmem:s0+$0x124E0] =	vst v63;
	v26 =	vadd.f32 v60, v26  }
0x20f: {  	s20 =	sshll.u32 s5, $0xD;
	s5 =	simm.s32 $0x200;
	[tilespmem:s0+$0x124C0] =	vst v27  }
0x210: {  	s16 =	simm.s32 $0x12100;
	s17 =	simm.s32 $0x16100;
	[tilespmem:s0+$0x124F0] =	vst v26;
	s0 =	sadd.s32 s20, s11  }
.LBB2_20:
0x211: {  	[spmem:s0] =	stream.indirect.scatter [tilespmem:s16], [sflag:$0x4], $0x1, s17, s31, $0xb8;
	[tilespmem:$0x1E180] =	vst v63  }
0x212: {  	s16 =	smov.u32 s5;
	p1 =	sne.s32 s5, $0x7E00  }
.Ltmp11:
0x213: {  	s5 =	sadd.s32 $0x200, s5;
	(pc) =	sbr.rel @p1 .LBB2_20-.Ltmp11, $3  }
0x214: {  	_ =	sdelay $0x1  }
0x215: {  	s17 =	sshra.s32 s16, $0x2  }
0x216: {  	s16 =	sadd.s32 $0x12100, s17;
	s17 =	sadd.s32 $0x16100, s17  }
0x217: {  	s5 =	sadd.s32 @!p0 $0xFFFFFFFF, s22  }
0x218: {  	s20 =	smulhi.u32 @!p0 $0x55555556, s5;
	s1 =	sshra.s32 @!p0 s5, $0x1F  }
0x219: {  	s1 =	smul.u32 @!p0 $0x55555556, s1  }
0x21a: {  	[spmem:s0] =	stream.indirect.scatter [tilespmem:s16], [sflag:$0x4], $0x1, s17, s31, $0xb8;
	[tilespmem:$0x1E180] =	vst v63  }
0x21b: {  	s0 =	sadd.s32 @!p0 s1, s20  }
0x21c: {  	s1 =	sshrl.u32 @!p0 s0, $0x1F  }
0x21d: {  	s0 =	sadd.s32 @!p0 s1, s0;
	s1 =	simm.s32 @!p0 $0x6  }
0x21e: {  	s0 =	smul.u32 @!p0 $0x3, s0;
	_ =	swait.ge @!p0 [sflag:s1], $0x400  }
0x21f: {  	s16 =	simm.s32 @!p0 $0x5;
	[sflag:s1] =	ssyncset.done @!p0 $0x0  }
0x220: {  	s0 =	ssub.s32 @!p0 s5, s0;
	[sflag:s1] =	ssyncadd.s32 @!p0 $0xFFFFFC00;
	s5 =	sshll.u32 @!p0 s5, $0x12  }
0x221: {  	s1 =	sshll.u32 @!p0 s0, $0xD;
	p1 =	slt.s32 @!p0 s0, $0x0;
	_ =	swait.ge @!p0 [sflag:s16], $0x2000  }
0x222: {  	s0 =	sadd.s32 @!p0 $0x6000, s1;
	p1 =	por !p1, p0;
	[sflag:s16] =	ssyncset.done @!p0 $0x0  }
0x223: {  	s0 =	smov.u32 @p1 s1;
	[sflag:s16] =	ssyncadd.s32 @!p0 $0xFFFFE000;
	s1 =	sor.u32 @!p0 s7, s5  }
0x224: {  	s5 =	sshll.u32 @!p0 s4, $0x6;
	s1 =	sshrl.u32 @!p0 s1, $0x3;
	s0 =	sadd.s32 @!p0 s0, s11  }
0x225: {  	s5 =	sor.u32 @!p0 $0x1C07, s5;
	s16 =	sadd.s32 @!p0 s3, s1;
	s17 =	sshrl.u32 @!p0 s0, $0x3  }
0x226: {  	[hbm:s16], [sflag:s5] =	dma.local @!p0 [spmem:s17], $0x80  }
0x227: {  	s16 =	sadd.s32 @!p0 $0x400, s0  }
0x228: {  	s17 =	sadd.s32 @!p0 s1, s23;
	s16 =	sshrl.u32 @!p0 s16, $0x3  }
0x229: {  	[hbm:s17], [sflag:s5] =	dma.local @!p0 [spmem:s16], $0x80  }
0x22a: {  	s16 =	sadd.s32 @!p0 $0x800, s0  }
0x22b: {  	s17 =	sadd.s32 @!p0 s1, s24;
	s16 =	sshrl.u32 @!p0 s16, $0x3  }
0x22c: {  	[hbm:s17], [sflag:s5] =	dma.local @!p0 [spmem:s16], $0x80  }
0x22d: {  	s16 =	sadd.s32 @!p0 $0xC00, s0  }
0x22e: {  	s17 =	sadd.s32 @!p0 s1, s25;
	s16 =	sshrl.u32 @!p0 s16, $0x3  }
0x22f: {  	[hbm:s17], [sflag:s5] =	dma.local @!p0 [spmem:s16], $0x80  }
0x230: {  	s16 =	sadd.s32 @!p0 $0x1000, s0  }
0x231: {  	s17 =	sadd.s32 @!p0 s1, s26;
	s16 =	sshrl.u32 @!p0 s16, $0x3  }
0x232: {  	[hbm:s17], [sflag:s5] =	dma.local @!p0 [spmem:s16], $0x80  }
0x233: {  	s16 =	sadd.s32 @!p0 $0x1400, s0  }
0x234: {  	s17 =	sadd.s32 @!p0 s1, s28;
	s16 =	sshrl.u32 @!p0 s16, $0x3  }
0x235: {  	[hbm:s17], [sflag:s5] =	dma.local @!p0 [spmem:s16], $0x80  }
0x236: {  	s16 =	sadd.s32 @!p0 $0x1800, s0;
	s17 =	sadd.s32 @!p0 s1, s29;
	s0 =	sadd.s32 @!p0 $0x1C00, s0  }
0x237: {  	s1 =	sadd.s32 @!p0 s1, s30;
	s16 =	sshrl.u32 @!p0 s16, $0x3;
	s0 =	sshrl.u32 @!p0 s0, $0x3  }
0x238: {  	[hbm:s17], [sflag:s5] =	dma.local @!p0 [spmem:s16], $0x80  }
0x239: {  	[hbm:s1], [sflag:s5] =	dma.local @!p0 [spmem:s0], $0x80  }
0x23a: {  	p0 =	seq.s32 s19, $0x63  }
0x23b: {  	s0 =	sshll.u32 @!p0 s22, $0x7  }
0x23c: {  	s20 =	smulhi.u32 $0x55555556, s10;
	s0 =	sadd.s32 @!p0 $0x100, s0  }
0x23d: {  	s5 =	simm.s32 @!p0 $0x80;
	s16 =	simm.s32 @!p0 $0xE100;
	s0 =	sand.u32 @!p0 $0xFF00, s0  }
0x23e: {  	[tilespmem:s16], [sflag:$0x2] =	stream.indirect.gather @!p0 [hbm4b:s6+s5], $0x40, s0, s5, $0xb8;
	[tilespmem:$0x1E180] =	vst v63  }
0x23f: {  	_ =	swait.ge [sflag:s15], $0x2000  }
0x240: {  	s22 =	smul.u32 $0x3, s20;
	[sflag:s15] =	ssyncset.done $0x0  }
0x241: {  	s17 =	smov.u32 s21;
	[sflag:s15] =	ssyncadd.s32 $0xFFFFE000  }
0x242: {  	s5 =	ssub.s32 s10, s22;
	s10 =	simm.s32 $0x0;
	s16 =	simm.s32 $0x1000;
	v26 =	vld [tilespmem:s21+$0x0]  }
.LBB2_22:
0x243: {  	p0 =	seq.s32 s16, $0x7000;
	_ =	sdelay $0x1  }
0x244: {  	s0 =	sshra.s32 s10, $0x2;
	s10 =	smov.u32 s16  }
0x245: {  	v27 =	vld [tilespmem:s0+$0x10100]  }
0x246: {  	v28 =	vperm.xlane v26, v2;
	v29 =	vld [tilespmem:s0+$0x10110];
	v30 =	vperm.xlane v26, v3  }
0x247: {  	v32 =	vperm.xlane v26, v4;
	v33 =	vperm.xlane v26, v5;
	v31 =	vld [tilespmem:s0+$0x10120]  }
0x248: {  	v34 =	vmul.f32 v28, v18;
	v35 =	vmul.f32 v28, v19;
	v36 =	vld [tilespmem:s0+$0x10130]  }
0x249: {  	v37 =	vmul.f32 v28, v20;
	v28 =	vmul.f32 v28, v21;
	v38 =	vld [tilespmem:s0+$0x10140]  }
0x24a: {  	v39 =	vmul.f32 v30, v18;
	v34 =	vadd.f32 v34, v22;
	v35 =	vadd.f32 v35, v23;
	v40 =	vld [tilespmem:s0+$0x10150]  }
0x24b: {  	v41 =	vmul.f32 v30, v19;
	v37 =	vadd.f32 v37, v24;
	v28 =	vadd.f32 v28, v25;
	v42 =	vld [tilespmem:s0+$0x10160]  }
0x24c: {  	v27 =	vadd.f32 v34, v27;
	v29 =	vadd.f32 v29, v35;
	v34 =	vmul.f32 v30, v20;
	v35 =	vld [tilespmem:s0+$0x10170]  }
0x24d: {  	v31 =	vadd.f32 v31, v37;
	v30 =	vmul.f32 v30, v21;
	v28 =	vadd.f32 v36, v28;
	v36 =	vld [tilespmem:s0+$0x10180]  }
0x24e: {  	v37 =	vadd.f32 v41, v23;
	[tilespmem:s0+$0x14100] =	vst v27;
	v27 =	vadd.f32 v39, v22;
	v39 =	vmul.f32 v32, v18;
	v41 =	vld [tilespmem:s0+$0x10190]  }
0x24f: {  	v30 =	vadd.f32 v30, v25;
	[tilespmem:s0+$0x14110] =	vst v29;
	v29 =	vadd.f32 v34, v24;
	v34 =	vmul.f32 v32, v19;
	v43 =	vld [tilespmem:s0+$0x101A0]  }
0x250: {  	[tilespmem:s0+$0x14120] =	vst v31;
	v27 =	vadd.f32 v27, v38;
	v31 =	vadd.f32 v40, v37;
	v37 =	vmul.f32 v32, v20;
	v38 =	vld [tilespmem:s0+$0x101B0]  }
0x251: {  	[tilespmem:s0+$0x14130] =	vst v28;
	v28 =	vadd.f32 v42, v29;
	v29 =	vadd.f32 v35, v30;
	v30 =	vmul.f32 v32, v21;
	v32 =	vld [tilespmem:s0+$0x101C0]  }
0x252: {  	v34 =	vadd.f32 v34, v23;
	v35 =	vmul.f32 v33, v18;
	[tilespmem:s0+$0x14140] =	vst v27;
	v27 =	vadd.f32 v39, v22;
	v39 =	vld [tilespmem:s0+$0x101D0]  }
0x253: {  	[tilespmem:s0+$0x14150] =	vst v31;
	v31 =	vadd.f32 v37, v24;
	v30 =	vadd.f32 v30, v25;
	v37 =	vmul.f32 v33, v19;
	v40 =	vld [tilespmem:s0+$0x101E0]  }
0x254: {  	[tilespmem:s0+$0x14160] =	vst v28;
	v27 =	vadd.f32 v27, v36;
	v28 =	vadd.f32 v41, v34;
	v34 =	vmul.f32 v33, v20;
	v36 =	vld [tilespmem:s0+$0x101F0]  }
0x255: {  	[tilespmem:s0+$0x14170] =	vst v29;
	v29 =	vadd.f32 v43, v31;
	v30 =	vadd.f32 v38, v30;
	v31 =	vmul.f32 v33, v21  }
0x256: {  	v33 =	vadd.f32 v37, v23;
	[tilespmem:s0+$0x14180] =	vst v27;
	v27 =	vadd.f32 v35, v22;
	v35 =	vperm.xlane v26, v6  }
0x257: {  	v37 =	vperm.xlane v26, v7;
	[tilespmem:s0+$0x14190] =	vst v28;
	v28 =	vadd.f32 v34, v24;
	v31 =	vadd.f32 v31, v25;
	v34 =	vld [tilespmem:s0+$0x10200]  }
0x258: {  	[tilespmem:s0+$0x141A0] =	vst v29;
	v27 =	vadd.f32 v27, v32;
	v29 =	vadd.f32 v39, v33;
	v32 =	vmul.f32 v35, v18;
	v33 =	vld [tilespmem:s0+$0x10210]  }
0x259: {  	[tilespmem:s0+$0x141B0] =	vst v30;
	v28 =	vadd.f32 v40, v28;
	v30 =	vadd.f32 v36, v31;
	v31 =	vmul.f32 v35, v19;
	v36 =	vld [tilespmem:s0+$0x10220]  }
0x25a: {  	[tilespmem:s0+$0x141C0] =	vst v27;
	v27 =	vadd.f32 v32, v22;
	v32 =	vmul.f32 v35, v20;
	v38 =	vld [tilespmem:s0+$0x10230];
	v35 =	vmul.f32 v35, v21  }
0x25b: {  	v39 =	vmul.f32 v37, v18;
	v40 =	vmul.f32 v37, v19;
	[tilespmem:s0+$0x141D0] =	vst v29;
	v29 =	vadd.f32 v31, v23;
	v31 =	vld [tilespmem:s0+$0x10240]  }
0x25c: {  	[tilespmem:s0+$0x141E0] =	vst v28;
	v27 =	vadd.f32 v27, v34;
	v28 =	vadd.f32 v32, v24;
	v32 =	vld [tilespmem:s0+$0x10250];
	v34 =	vmul.f32 v37, v20  }
0x25d: {  	[tilespmem:s0+$0x141F0] =	vst v30;
	v29 =	vadd.f32 v33, v29;
	v30 =	vadd.f32 v35, v25;
	v33 =	vld [tilespmem:s0+$0x10260];
	v35 =	vmul.f32 v37, v21  }
0x25e: {  	v37 =	vperm.xlane v26, v8;
	[tilespmem:s0+$0x14200] =	vst v27;
	v27 =	vadd.f32 v36, v28;
	v28 =	vadd.f32 v39, v22;
	v36 =	vld [tilespmem:s0+$0x10270]  }
0x25f: {  	v39 =	vperm.xlane v26, v9;
	[tilespmem:s0+$0x14210] =	vst v29;
	v29 =	vadd.f32 v38, v30;
	v30 =	vadd.f32 v40, v23;
	v38 =	vld [tilespmem:s0+$0x10280]  }
0x260: {  	[tilespmem:s0+$0x14220] =	vst v27;
	v27 =	vadd.f32 v28, v31;
	v28 =	vadd.f32 v34, v24;
	v31 =	vmul.f32 v37, v18;
	v34 =	vld [tilespmem:s0+$0x10290]  }
0x261: {  	[tilespmem:s0+$0x14230] =	vst v29;
	v29 =	vadd.f32 v32, v30;
	v30 =	vadd.f32 v35, v25;
	v32 =	vmul.f32 v37, v19;
	v35 =	vld [tilespmem:s0+$0x102A0]  }
0x262: {  	[tilespmem:s0+$0x14240] =	vst v27;
	v27 =	vadd.f32 v33, v28;
	v28 =	vadd.f32 v31, v22;
	v31 =	vmul.f32 v37, v20;
	v33 =	vld [tilespmem:s0+$0x102B0]  }
0x263: {  	[tilespmem:s0+$0x14250] =	vst v29;
	v29 =	vadd.f32 v36, v30;
	v30 =	vadd.f32 v32, v23;
	v32 =	vmul.f32 v37, v21;
	v36 =	vld [tilespmem:s0+$0x102C0]  }
0x264: {  	[tilespmem:s0+$0x14260] =	vst v27;
	v27 =	vadd.f32 v28, v38;
	v28 =	vadd.f32 v31, v24;
	v31 =	vmul.f32 v39, v18;
	v37 =	vld [tilespmem:s0+$0x102D0]  }
0x265: {  	[tilespmem:s0+$0x14270] =	vst v29;
	v29 =	vadd.f32 v34, v30;
	v30 =	vadd.f32 v32, v25;
	v32 =	vmul.f32 v39, v19;
	v34 =	vld [tilespmem:s0+$0x102E0]  }
0x266: {  	[tilespmem:s0+$0x14280] =	vst v27;
	v27 =	vadd.f32 v35, v28;
	v28 =	vadd.f32 v31, v22;
	v31 =	vmul.f32 v39, v20;
	v35 =	vld [tilespmem:s0+$0x102F0]  }
0x267: {  	[tilespmem:s0+$0x14290] =	vst v29;
	v29 =	vadd.f32 v33, v30;
	v30 =	vadd.f32 v32, v23;
	v32 =	vmul.f32 v39, v21;
	v33 =	vld [tilespmem:s0+$0x10300]  }
0x268: {  	[tilespmem:s0+$0x142A0] =	vst v27;
	v27 =	vadd.f32 v28, v36;
	v28 =	vadd.f32 v31, v24;
	v31 =	vperm.xlane v26, v10;
	v36 =	vld [tilespmem:s0+$0x10310]  }
0x269: {  	[tilespmem:s0+$0x142B0] =	vst v29;
	v29 =	vadd.f32 v37, v30;
	v30 =	vadd.f32 v32, v25;
	v32 =	vld [tilespmem:s0+$0x10320];
	v37 =	vperm.xlane v26, v11  }
0x26a: {  	[tilespmem:s0+$0x142C0] =	vst v27;
	v27 =	vadd.f32 v34, v28;
	v28 =	vmul.f32 v31, v18;
	v34 =	vmul.f32 v31, v19;
	v38 =	vld [tilespmem:s0+$0x10330]  }
0x26b: {  	[tilespmem:s0+$0x142D0] =	vst v29;
	v29 =	vadd.f32 v35, v30;
	v30 =	vmul.f32 v31, v20;
	v31 =	vmul.f32 v31, v21;
	v35 =	vld [tilespmem:s0+$0x10340]  }
0x26c: {  	[tilespmem:s0+$0x142E0] =	vst v27;
	v27 =	vadd.f32 v28, v22;
	v28 =	vadd.f32 v34, v23;
	v34 =	vmul.f32 v37, v18;
	v39 =	vld [tilespmem:s0+$0x10350]  }
0x26d: {  	[tilespmem:s0+$0x142F0] =	vst v29;
	v29 =	vadd.f32 v30, v24;
	v30 =	vadd.f32 v31, v25;
	v31 =	vmul.f32 v37, v19;
	v40 =	vld [tilespmem:s0+$0x10360]  }
0x26e: {  	v27 =	vadd.f32 v27, v33;
	v28 =	vadd.f32 v36, v28;
	v33 =	vmul.f32 v37, v20;
	v36 =	vld [tilespmem:s0+$0x10370]  }
0x26f: {  	v29 =	vadd.f32 v32, v29;
	v30 =	vadd.f32 v38, v30;
	v32 =	vmul.f32 v37, v21  }
0x270: {  	v31 =	vadd.f32 v31, v23;
	[tilespmem:s0+$0x14300] =	vst v27;
	v27 =	vadd.f32 v34, v22;
	v34 =	vperm.xlane v26, v12  }
0x271: {  	v37 =	vperm.xlane v26, v13;
	[tilespmem:s0+$0x14310] =	vst v28;
	v28 =	vadd.f32 v33, v24;
	v32 =	vadd.f32 v32, v25;
	v33 =	vld [tilespmem:s0+$0x10380]  }
0x272: {  	[tilespmem:s0+$0x14320] =	vst v29;
	v27 =	vadd.f32 v27, v35;
	v29 =	vadd.f32 v39, v31;
	v31 =	vmul.f32 v34, v18;
	v35 =	vld [tilespmem:s0+$0x10390]  }
0x273: {  	[tilespmem:s0+$0x14330] =	vst v30;
	v28 =	vadd.f32 v40, v28;
	v30 =	vadd.f32 v36, v32;
	v32 =	vmul.f32 v34, v19;
	v36 =	vld [tilespmem:s0+$0x103A0]  }
0x274: {  	[tilespmem:s0+$0x14340] =	vst v27;
	v27 =	vadd.f32 v31, v22;
	v31 =	vmul.f32 v34, v20;
	v38 =	vld [tilespmem:s0+$0x103B0];
	v34 =	vmul.f32 v34, v21  }
0x275: {  	v39 =	vmul.f32 v37, v18;
	v40 =	vmul.f32 v37, v19;
	[tilespmem:s0+$0x14350] =	vst v29;
	v29 =	vadd.f32 v32, v23;
	v32 =	vld [tilespmem:s0+$0x103C0]  }
0x276: {  	[tilespmem:s0+$0x14360] =	vst v28;
	v27 =	vadd.f32 v27, v33;
	v28 =	vadd.f32 v31, v24;
	v31 =	vld [tilespmem:s0+$0x103D0];
	v33 =	vmul.f32 v37, v20  }
0x277: {  	[tilespmem:s0+$0x14370] =	vst v30;
	v29 =	vadd.f32 v35, v29;
	v30 =	vadd.f32 v34, v25;
	v34 =	vld [tilespmem:s0+$0x103E0];
	v35 =	vmul.f32 v37, v21  }
0x278: {  	v37 =	vperm.xlane v26, v14;
	[tilespmem:s0+$0x14380] =	vst v27;
	v27 =	vadd.f32 v36, v28;
	v28 =	vadd.f32 v39, v22;
	v36 =	vld [tilespmem:s0+$0x103F0]  }
0x279: {  	v39 =	vperm.xlane v26, v15;
	[tilespmem:s0+$0x14390] =	vst v29;
	v29 =	vadd.f32 v38, v30;
	v30 =	vadd.f32 v40, v23;
	v38 =	vld [tilespmem:s0+$0x10400]  }
0x27a: {  	[tilespmem:s0+$0x143A0] =	vst v27;
	v27 =	vadd.f32 v28, v32;
	v28 =	vadd.f32 v33, v24;
	v32 =	vmul.f32 v37, v18;
	v33 =	vld [tilespmem:s0+$0x10410]  }
0x27b: {  	[tilespmem:s0+$0x143B0] =	vst v29;
	v29 =	vadd.f32 v31, v30;
	v30 =	vadd.f32 v35, v25;
	v31 =	vmul.f32 v37, v19;
	v35 =	vld [tilespmem:s0+$0x10420]  }
0x27c: {  	[tilespmem:s0+$0x143C0] =	vst v27;
	v27 =	vadd.f32 v34, v28;
	v28 =	vadd.f32 v32, v22;
	v32 =	vmul.f32 v37, v20;
	v34 =	vld [tilespmem:s0+$0x10430]  }
0x27d: {  	[tilespmem:s0+$0x143D0] =	vst v29;
	v29 =	vadd.f32 v36, v30;
	v30 =	vadd.f32 v31, v23;
	v31 =	vmul.f32 v37, v21;
	v36 =	vld [tilespmem:s0+$0x10440]  }
0x27e: {  	[tilespmem:s0+$0x143E0] =	vst v27;
	v27 =	vadd.f32 v28, v38;
	v28 =	vadd.f32 v32, v24;
	v32 =	vmul.f32 v39, v18;
	v37 =	vld [tilespmem:s0+$0x10450]  }
0x27f: {  	[tilespmem:s0+$0x143F0] =	vst v29;
	v29 =	vadd.f32 v33, v30;
	v30 =	vadd.f32 v31, v25;
	v31 =	vmul.f32 v39, v19;
	v33 =	vld [tilespmem:s0+$0x10460]  }
0x280: {  	[tilespmem:s0+$0x14400] =	vst v27;
	v27 =	vadd.f32 v35, v28;
	v28 =	vadd.f32 v32, v22;
	v32 =	vmul.f32 v39, v20;
	v35 =	vld [tilespmem:s0+$0x10470]  }
0x281: {  	[tilespmem:s0+$0x14410] =	vst v29;
	v29 =	vadd.f32 v34, v30;
	v30 =	vadd.f32 v31, v23;
	v31 =	vmul.f32 v39, v21;
	v34 =	vld [tilespmem:s0+$0x10480]  }
0x282: {  	[tilespmem:s0+$0x14420] =	vst v27;
	v27 =	vadd.f32 v28, v36;
	v28 =	vadd.f32 v32, v24;
	v32 =	vperm.xlane v26, v16;
	v36 =	vld [tilespmem:s0+$0x10490]  }
0x283: {  	v26 =	vperm.xlane v26, v17;
	[tilespmem:s0+$0x14430] =	vst v29;
	v29 =	vadd.f32 v37, v30;
	v30 =	vadd.f32 v31, v25;
	v31 =	vld [tilespmem:s0+$0x104A0]  }
0x284: {  	[tilespmem:s0+$0x14440] =	vst v27;
	v27 =	vadd.f32 v33, v28;
	v28 =	vmul.f32 v32, v18;
	v33 =	vmul.f32 v32, v19;
	v37 =	vld [tilespmem:s0+$0x104B0]  }
0x285: {  	[tilespmem:s0+$0x14450] =	vst v29;
	v29 =	vadd.f32 v35, v30;
	v30 =	vmul.f32 v32, v20;
	v32 =	vmul.f32 v32, v21;
	v35 =	vld [tilespmem:s0+$0x104C0]  }
0x286: {  	[tilespmem:s0+$0x14460] =	vst v27;
	v27 =	vadd.f32 v28, v22;
	v28 =	vadd.f32 v33, v23;
	v33 =	vmul.f32 v26, v18;
	v38 =	vld [tilespmem:s0+$0x104D0]  }
0x287: {  	[tilespmem:s0+$0x14470] =	vst v29;
	v29 =	vadd.f32 v30, v24;
	v30 =	vadd.f32 v32, v25;
	v32 =	vmul.f32 v26, v19;
	v39 =	vld [tilespmem:s0+$0x104E0]  }
0x288: {  	v27 =	vadd.f32 v27, v34;
	v28 =	vadd.f32 v36, v28;
	v34 =	vmul.f32 v26, v20;
	v36 =	vld [tilespmem:s0+$0x104F0]  }
0x289: {  	v26 =	vmul.f32 v26, v21;
	v29 =	vadd.f32 v31, v29;
	v30 =	vadd.f32 v37, v30  }
0x28a: {  	v31 =	vadd.f32 v32, v23;
	[tilespmem:s0+$0x14480] =	vst v27;
	v27 =	vadd.f32 v33, v22  }
0x28b: {  	v26 =	vadd.f32 v26, v25;
	[tilespmem:s0+$0x14490] =	vst v28;
	v28 =	vadd.f32 v34, v24  }
0x28c: {  	[tilespmem:s0+$0x144A0] =	vst v29;
	v27 =	vadd.f32 v27, v35;
	v29 =	vadd.f32 v38, v31  }
0x28d: {  	[tilespmem:s0+$0x144B0] =	vst v30;
	v28 =	vadd.f32 v39, v28;
	v26 =	vadd.f32 v36, v26  }
.Ltmp12:
0x28e: {  	[tilespmem:s0+$0x144C0] =	vst v27;
	(pc) =	sbr.rel @!p0 .LBB2_22-.Ltmp12, $4  }
0x28f: {  	[tilespmem:s0+$0x144D0] =	vst v29  }
0x290: {  	[tilespmem:s0+$0x144E0] =	vst v28  }
0x291: {  	s17 =	sadd.s32 $0x10, s17;
	[tilespmem:s0+$0x144F0] =	vst v26  }
0x292: {  	s16 =	sadd.s32 $0x1000, s16;
	v26 =	vld [tilespmem:s17+$0x0]  }
0x293: {  	_ =	sdelay $0x3  }
0x294: {  	v28 =	vperm.xlane v26, v2  }
0x295: {  	s0 =	sshra.s32 s10, $0x2;
	v30 =	vperm.xlane v26, v3;
	v32 =	vperm.xlane v26, v4  }
0x296: {  	v27 =	vld [tilespmem:s0+$0x10100];
	v34 =	vmul.f32 v28, v18;
	v35 =	vmul.f32 v28, v19  }
0x297: {  	v29 =	vld [tilespmem:s0+$0x10110];
	v37 =	vmul.f32 v28, v20;
	v28 =	vmul.f32 v28, v21  }
0x298: {  	v31 =	vld [tilespmem:s0+$0x10120];
	v39 =	vmul.f32 v30, v18;
	v41 =	vmul.f32 v30, v19  }
0x299: {  	v36 =	vld [tilespmem:s0+$0x10130];
	v47 =	vmul.f32 v30, v20;
	v30 =	vmul.f32 v30, v21  }
0x29a: {  	v38 =	vld [tilespmem:s0+$0x10140];
	v52 =	vmul.f32 v32, v18;
	v34 =	vadd.f32 v34, v22;
	v35 =	vadd.f32 v35, v23  }
0x29b: {  	v40 =	vld [tilespmem:s0+$0x10150];
	v44 =	vmul.f32 v32, v19;
	v37 =	vadd.f32 v37, v24;
	v28 =	vadd.f32 v28, v25  }
0x29c: {  	v48 =	vld [tilespmem:s0+$0x10170];
	v54 =	vmul.f32 v32, v20;
	v50 =	vadd.f32 v39, v22;
	v51 =	vadd.f32 v41, v23  }
0x29d: {  	v49 =	vld [tilespmem:s0+$0x10180];
	v32 =	vmul.f32 v32, v21;
	v30 =	vadd.f32 v30, v25;
	v57 =	vadd.f32 v52, v22  }
0x29e: {  	v43 =	vld [tilespmem:s0+$0x10190];
	v58 =	vadd.f32 v44, v23;
	v61 =	vadd.f32 v54, v24  }
0x29f: {  	v55 =	vld [tilespmem:s0+$0x101B0];
	v33 =	vperm.xlane v26, v5;
	v32 =	vadd.f32 v32, v25;
	v27 =	vadd.f32 v34, v27  }
0x2a0: {  	v42 =	vld [tilespmem:s0+$0x10160];
	v29 =	vadd.f32 v29, v35;
	v31 =	vadd.f32 v31, v37  }
0x2a1: {  	v45 =	vld [tilespmem:s0+$0x101A0];
	v59 =	vmul.f32 v33, v18;
	v28 =	vadd.f32 v36, v28;
	v34 =	vadd.f32 v47, v24;
	[tilespmem:s0+$0x14100] =	vst v27  }
0x2a2: {  	v56 =	vld [tilespmem:s0+$0x101C0];
	v62 =	vmul.f32 v33, v19;
	v37 =	vadd.f32 v50, v38;
	v53 =	vadd.f32 v40, v51;
	[tilespmem:s0+$0x14110] =	vst v29  }
0x2a3: {  	v60 =	vld [tilespmem:s0+$0x101D0];
	v52 =	vperm.xlane v26, v6;
	v30 =	vadd.f32 v48, v30;
	v46 =	vadd.f32 v57, v49;
	[tilespmem:s0+$0x14120] =	vst v31  }
0x2a4: {  	v47 =	vadd.f32 v43, v58;
	v48 =	vmul.f32 v33, v20;
	v32 =	vadd.f32 v55, v32;
	[tilespmem:s0+$0x14130] =	vst v28  }
0x2a5: {  	v63 =	vld [tilespmem:s0+$0x101E0];
	v33 =	vmul.f32 v33, v21;
	v50 =	vadd.f32 v59, v22;
	v51 =	vadd.f32 v62, v23;
	[tilespmem:s0+$0x14140] =	vst v37  }
0x2a6: {  	v49 =	vld [tilespmem:s0+$0x101F0];
	v40 =	vperm.xlane v26, v7;
	v58 =	vmul.f32 v52, v19;
	v27 =	vadd.f32 v42, v34;
	[tilespmem:s0+$0x14150] =	vst v53  }
0x2a7: {  	v59 =	vld [tilespmem:s0+$0x10220];
	v39 =	vmul.f32 v52, v21;
	v31 =	vadd.f32 v45, v61;
	v33 =	vadd.f32 v33, v25;
	[tilespmem:s0+$0x14170] =	vst v30  }
0x2a8: {  	v53 =	vld [tilespmem:s0+$0x10200];
	v54 =	vadd.f32 v50, v56;
	v55 =	vadd.f32 v60, v51;
	v56 =	vmul.f32 v52, v18;
	[tilespmem:s0+$0x14180] =	vst v46  }
0x2a9: {  	[tilespmem:s0+$0x14190] =	vst v47;
	v61 =	vmul.f32 v52, v20;
	v45 =	vld [tilespmem:s0+$0x10240];
	v46 =	vmul.f32 v40, v18;
	v52 =	vadd.f32 v39, v25  }
0x2aa: {  	v57 =	vld [tilespmem:s0+$0x10210];
	[tilespmem:s0+$0x14160] =	vst v27;
	v27 =	vadd.f32 v48, v24;
	v60 =	vadd.f32 v56, v22  }
0x2ab: {  	v62 =	vld [tilespmem:s0+$0x10230];
	v47 =	vmul.f32 v40, v19;
	v48 =	vadd.f32 v61, v24;
	[tilespmem:s0+$0x141D0] =	vst v55;
	v55 =	vadd.f32 v46, v22  }
0x2ac: {  	[tilespmem:s0+$0x141B0] =	vst v32;
	v50 =	vmul.f32 v40, v20;
	v56 =	vld [tilespmem:s0+$0x10270];
	v28 =	vadd.f32 v49, v33;
	v27 =	vadd.f32 v63, v27  }
0x2ad: {  	[tilespmem:s0+$0x141C0] =	vst v54;
	v54 =	vmul.f32 v40, v21;
	v49 =	vld [tilespmem:s0+$0x10250];
	v63 =	vadd.f32 v58, v23;
	v32 =	vadd.f32 v59, v48  }
0x2ae: {  	v42 =	vperm.xlane v26, v9;
	[tilespmem:s0+$0x141A0] =	vst v31;
	v29 =	vadd.f32 v60, v53;
	v53 =	vld [tilespmem:s0+$0x10260];
	v60 =	vadd.f32 v55, v45  }
0x2af: {  	[tilespmem:s0+$0x141F0] =	vst v28;
	v45 =	vadd.f32 v54, v25;
	v51 =	vadd.f32 v57, v63;
	v57 =	vperm.xlane v26, v8  }
0x2b0: {  	v61 =	vadd.f32 v50, v24;
	v43 =	vmul.f32 v42, v20;
	v58 =	vadd.f32 v47, v23;
	v59 =	vld [tilespmem:s0+$0x10280];
	[tilespmem:s0+$0x141E0] =	vst v27  }
0x2b1: {  	v27 =	vadd.f32 v62, v52;
	v63 =	vld [tilespmem:s0+$0x10290];
	[tilespmem:s0+$0x14220] =	vst v32;
	v31 =	vadd.f32 v56, v45;
	v62 =	vmul.f32 v57, v18  }
0x2b2: {  	v47 =	vld [tilespmem:s0+$0x102A0];
	[tilespmem:s0+$0x14200] =	vst v29;
	v44 =	vadd.f32 v49, v58;
	v46 =	vmul.f32 v57, v19;
	v50 =	vmul.f32 v57, v20  }
0x2b3: {  	v54 =	vld [tilespmem:s0+$0x102C0];
	[tilespmem:s0+$0x14240] =	vst v60;
	v60 =	vmul.f32 v42, v19;
	v48 =	vadd.f32 v53, v61;
	v49 =	vadd.f32 v62, v22  }
0x2b4: {  	[tilespmem:s0+$0x14210] =	vst v51;
	v51 =	vld [tilespmem:s0+$0x102B0];
	v52 =	vadd.f32 v46, v23;
	v53 =	vmul.f32 v57, v21;
	v55 =	vadd.f32 v50, v24  }
0x2b5: {  	v38 =	vld [tilespmem:s0+$0x10300];
	v56 =	vmul.f32 v42, v18;
	[tilespmem:s0+$0x14230] =	vst v27;
	v46 =	vadd.f32 v60, v23;
	v27 =	vadd.f32 v49, v59  }
0x2b6: {  	[tilespmem:s0+$0x14270] =	vst v31;
	v57 =	vld [tilespmem:s0+$0x102D0];
	v50 =	vperm.xlane v26, v10;
	v58 =	vadd.f32 v63, v52;
	v59 =	vadd.f32 v53, v25  }
0x2b7: {  	v40 =	vperm.xlane v26, v11;
	v61 =	vld [tilespmem:s0+$0x102E0];
	[tilespmem:s0+$0x14250] =	vst v44;
	v62 =	vadd.f32 v47, v55;
	v63 =	vadd.f32 v56, v22  }
0x2b8: {  	v44 =	vld [tilespmem:s0+$0x102F0];
	[tilespmem:s0+$0x14260] =	vst v48;
	v47 =	vmul.f32 v42, v21;
	v49 =	vadd.f32 v43, v24;
	v56 =	vmul.f32 v50, v19  }
0x2b9: {  	v60 =	vld [tilespmem:s0+$0x10340];
	v34 =	vmul.f32 v50, v21;
	v45 =	vadd.f32 v51, v59;
	v48 =	vadd.f32 v63, v54;
	[tilespmem:s0+$0x14280] =	vst v27  }
0x2ba: {  	v53 =	vld [tilespmem:s0+$0x10320];
	v55 =	vmul.f32 v50, v18;
	v52 =	vadd.f32 v47, v25;
	[tilespmem:s0+$0x142A0] =	vst v62;
	v62 =	vadd.f32 v56, v23  }
0x2bb: {  	v51 =	vld [tilespmem:s0+$0x10310];
	[tilespmem:s0+$0x14290] =	vst v58;
	v59 =	vmul.f32 v50, v20;
	v47 =	vadd.f32 v34, v25;
	v27 =	vadd.f32 v57, v46  }
0x2bc: {  	v63 =	vmul.f32 v40, v18;
	v54 =	vadd.f32 v61, v49;
	v57 =	vld [tilespmem:s0+$0x10330];
	v61 =	vadd.f32 v55, v22;
	[tilespmem:s0+$0x142B0] =	vst v45  }
0x2bd: {  	v55 =	vmul.f32 v40, v21;
	v58 =	vadd.f32 v44, v52;
	[tilespmem:s0+$0x142C0] =	vst v48;
	v46 =	vadd.f32 v59, v24  }
0x2be: {  	v45 =	vld [tilespmem:s0+$0x10350];
	v56 =	vadd.f32 v63, v22;
	v59 =	vperm.xlane v26, v13;
	[tilespmem:s0+$0x142D0] =	vst v27;
	v27 =	vadd.f32 v61, v38  }
0x2bf: {  	v48 =	vmul.f32 v40, v19;
	v52 =	vld [tilespmem:s0+$0x10370];
	[tilespmem:s0+$0x142E0] =	vst v54;
	v32 =	vadd.f32 v55, v25;
	v53 =	vadd.f32 v53, v46  }
0x2c0: {  	[tilespmem:s0+$0x142F0] =	vst v58;
	v29 =	vadd.f32 v56, v60;
	v55 =	vmul.f32 v59, v20;
	v50 =	vadd.f32 v51, v62  }
0x2c1: {  	v49 =	vld [tilespmem:s0+$0x10360];
	v51 =	vmul.f32 v40, v20;
	[tilespmem:s0+$0x14300] =	vst v27;
	v54 =	vadd.f32 v57, v47;
	v57 =	vperm.xlane v26, v12  }
0x2c2: {  	v34 =	vadd.f32 v48, v23;
	v58 =	vld [tilespmem:s0+$0x10380];
	v37 =	vmul.f32 v59, v21;
	[tilespmem:s0+$0x14320] =	vst v53  }
0x2c3: {  	v62 =	vld [tilespmem:s0+$0x10390];
	[tilespmem:s0+$0x14340] =	vst v29;
	v41 =	vadd.f32 v55, v24;
	v27 =	vadd.f32 v51, v24;
	v61 =	vmul.f32 v57, v18  }
0x2c4: {  	v44 =	vld [tilespmem:s0+$0x103A0];
	[tilespmem:s0+$0x14310] =	vst v50;
	v60 =	vadd.f32 v45, v34;
	v63 =	vadd.f32 v52, v32;
	v43 =	vmul.f32 v57, v19  }
0x2c5: {  	v47 =	vld [tilespmem:s0+$0x103B0];
	v50 =	vmul.f32 v59, v18;
	[tilespmem:s0+$0x14330] =	vst v54;
	v46 =	vmul.f32 v57, v20;
	v45 =	vadd.f32 v61, v22  }
0x2c6: {  	v35 =	vmul.f32 v57, v21;
	v57 =	vld [tilespmem:s0+$0x103E0];
	v27 =	vadd.f32 v49, v27;
	[tilespmem:s0+$0x14350] =	vst v60;
	v48 =	vadd.f32 v43, v23  }
0x2c7: {  	v51 =	vmul.f32 v59, v19;
	v49 =	vld [tilespmem:s0+$0x103C0];
	[tilespmem:s0+$0x14370] =	vst v63;
	v53 =	vadd.f32 v46, v24;
	v52 =	vadd.f32 v45, v58  }
0x2c8: {  	v54 =	vld [tilespmem:s0+$0x103D0];
	v56 =	vadd.f32 v35, v25;
	v61 =	vperm.xlane v26, v14;
	[tilespmem:s0+$0x14360] =	vst v27;
	v27 =	vadd.f32 v62, v48  }
0x2c9: {  	v40 =	vperm.xlane v26, v15;
	v59 =	vadd.f32 v50, v22;
	v60 =	vld [tilespmem:s0+$0x103F0];
	v58 =	vadd.f32 v44, v53;
	[tilespmem:s0+$0x14380] =	vst v52  }
0x2ca: {  	v63 =	vld [tilespmem:s0+$0x10400];
	v29 =	vadd.f32 v47, v56;
	v62 =	vadd.f32 v51, v23;
	v42 =	vmul.f32 v61, v18;
	[tilespmem:s0+$0x14390] =	vst v27  }
0x2cb: {  	v43 =	vld [tilespmem:s0+$0x10410];
	v45 =	vadd.f32 v37, v25;
	v46 =	vmul.f32 v61, v19;
	v48 =	vadd.f32 v57, v41;
	[tilespmem:s0+$0x143A0] =	vst v58  }
0x2cc: {  	v47 =	vld [tilespmem:s0+$0x10420];
	v50 =	vmul.f32 v61, v20;
	v53 =	vmul.f32 v61, v21;
	v27 =	vadd.f32 v59, v49;
	[tilespmem:s0+$0x143B0] =	vst v29  }
0x2cd: {  	v51 =	vld [tilespmem:s0+$0x10430];
	v61 =	vmul.f32 v40, v19;
	v44 =	vadd.f32 v54, v62;
	v49 =	vadd.f32 v42, v22;
	[tilespmem:s0+$0x143E0] =	vst v48  }
0x2ce: {  	v57 =	vmul.f32 v40, v18;
	v52 =	vadd.f32 v46, v23;
	v54 =	vld [tilespmem:s0+$0x10440];
	[tilespmem:s0+$0x143C0] =	vst v27;
	v27 =	vadd.f32 v60, v45  }
0x2cf: {  	v41 =	vperm.xlane v26, v16;
	v56 =	vadd.f32 v50, v24;
	v58 =	vld [tilespmem:s0+$0x10450];
	[tilespmem:s0+$0x143D0] =	vst v44;
	v55 =	vadd.f32 v49, v63  }
0x2d0: {  	v26 =	vperm.xlane v26, v17;
	v59 =	vadd.f32 v43, v52;
	v60 =	vadd.f32 v53, v25;
	v63 =	vld [tilespmem:s0+$0x10470];
	[tilespmem:s0+$0x143F0] =	vst v27  }
0x2d1: {  	v32 =	vadd.f32 v57, v22;
	v43 =	vmul.f32 v40, v21;
	v44 =	vld [tilespmem:s0+$0x10480];
	v31 =	vadd.f32 v47, v56;
	[tilespmem:s0+$0x14400] =	vst v55  }
0x2d2: {  	v33 =	vadd.f32 v61, v23;
	v46 =	vmul.f32 v41, v18;
	v27 =	vld [tilespmem:s0+$0x10460];
	[tilespmem:s0+$0x14410] =	vst v59;
	v42 =	vadd.f32 v51, v60  }
0x2d3: {  	v62 =	vmul.f32 v40, v20;
	v45 =	vld [tilespmem:s0+$0x10490];
	v47 =	vadd.f32 v43, v25;
	v32 =	vadd.f32 v32, v54;
	[tilespmem:s0+$0x14420] =	vst v31  }
0x2d4: {  	v48 =	vld [tilespmem:s0+$0x104A0];
	v49 =	vmul.f32 v41, v19;
	v36 =	vadd.f32 v46, v22;
	v33 =	vadd.f32 v58, v33;
	[tilespmem:s0+$0x14430] =	vst v42  }
0x2d5: {  	v50 =	vld [tilespmem:s0+$0x104B0];
	v28 =	vadd.f32 v62, v24;
	v51 =	vmul.f32 v41, v20;
	[tilespmem:s0+$0x14440] =	vst v32;
	v29 =	vadd.f32 v63, v47  }
0x2d6: {  	v52 =	vmul.f32 v41, v21;
	v55 =	vld [tilespmem:s0+$0x104D0];
	v54 =	vadd.f32 v49, v23;
	[tilespmem:s0+$0x14450] =	vst v33;
	v35 =	vadd.f32 v36, v44  }
0x2d7: {  	v57 =	vmul.f32 v26, v19;
	v58 =	vld [tilespmem:s0+$0x104E0];
	v32 =	vadd.f32 v51, v24;
	v27 =	vadd.f32 v27, v28;
	[tilespmem:s0+$0x14470] =	vst v29  }
0x2d8: {  	v53 =	vld [tilespmem:s0+$0x104C0];
	v56 =	vadd.f32 v52, v25;
	v59 =	vmul.f32 v26, v20;
	v31 =	vadd.f32 v45, v54;
	[tilespmem:s0+$0x14480] =	vst v35  }
0x2d9: {  	v61 =	vadd.f32 v57, v23;
	v60 =	vld [tilespmem:s0+$0x104F0];
	v30 =	vadd.f32 v48, v32;
	[tilespmem:s0+$0x14460] =	vst v27;
	v27 =	vmul.f32 v26, v18  }
0x2da: {  	v62 =	vadd.f32 v59, v24;
	v28 =	vadd.f32 v50, v56;
	[tilespmem:s0+$0x14490] =	vst v31;
	v26 =	vmul.f32 v26, v21  }
0x2db: {  	v29 =	vadd.f32 v55, v61;
	[tilespmem:s0+$0x144A0] =	vst v30;
	v27 =	vadd.f32 v27, v22  }
0x2dc: {  	v63 =	vadd.f32 v58, v62;
	[tilespmem:s0+$0x144B0] =	vst v28;
	v26 =	vadd.f32 v26, v25  }
0x2dd: {  	[tilespmem:s0+$0x144D0] =	vst v29;
	v27 =	vadd.f32 v27, v53  }
0x2de: {  	[tilespmem:s0+$0x144E0] =	vst v63;
	v26 =	vadd.f32 v60, v26  }
0x2df: {  	s22 =	sshll.u32 s5, $0xD;
	[tilespmem:s0+$0x144C0] =	vst v27  }
0x2e0: {  	s5 =	simm.s32 $0x200;
	[tilespmem:s0+$0x144F0] =	vst v26;
	s0 =	sand.u32 $0x3FFFE000, s22  }
0x2e1: {  	s10 =	simm.s32 $0x14100;
	s16 =	simm.s32 $0x16100;
	s0 =	sadd.s32 s0, s11  }
.LBB2_24:
0x2e2: {  	[spmem:s0] =	stream.indirect.scatter [tilespmem:s10], [sflag:$0x5], $0x1, s16, s31, $0xb8;
	[tilespmem:$0x1E180] =	vst v63  }
0x2e3: {  	s1 =	smov.u32 s5;
	p0 =	sne.s32 s5, $0x7E00  }
.Ltmp13:
0x2e4: {  	s5 =	sadd.s32 $0x200, s5;
	(pc) =	sbr.rel @p0 .LBB2_24-.Ltmp13, $3  }
0x2e5: {  	_ =	sdelay $0x1  }
0x2e6: {  	s1 =	sshra.s32 s1, $0x2  }
0x2e7: {  	s10 =	sadd.s32 $0x14100, s1;
	s16 =	sadd.s32 $0x16100, s1  }
0x2e8: {  	s19 =	sadd.s32 $0x1, s19  }
0x2e9: {  	p0 =	sne.s32 s19, $0x64  }
.Ltmp14:
0x2ea: {  	_ = 	snop;
	(pc) =	sbr.rel @p0 .LBB2_12-.Ltmp14, $4  }
.Ltmp15:
0x2eb: {  	_ = 	snop;
	(pc) =	sbr.rel @!p0 .LBB2_26-.Ltmp15, $4  }
0x2ec: {  	_ = 	snop  }
0x2ed: {  	[spmem:s0] =	stream.indirect.scatter [tilespmem:s10], [sflag:$0x5], $0x1, s16, s31, $0xb8;
	[tilespmem:$0x1E180] =	vst v63  }
0x2ee: {  	s8 =	sadd.s32 $0x100, s8;
	s21 =	sadd.s32 $0x100, s21  }
0x2ef: {  	_ = 	snop  }
.LBB2_16:
.Ltmp16:
0x2f0: {  	(pc) =	sbr.rel .LBB2_17-.Ltmp16, $2  }
0x2f1: {  	_ =	sdelay $0x2  }
0x2f2: {  	p0 =	por $0x1, $0x1  }
.LBB2_27:
0x2f3: {  	_ =	sfence.sel $0x180000  }
0x2f4: {  	[bflag:$0x0] =	sbarrier.arrive $0xFFFF  }
0x2f5: {  	_ =	strace $0x90000047  }
0x2f6: {  	[bflag:$0x2] =	sbarrier.arrive $0xFFFF  }
0x2f7: {  	p0 =	sne.s32 s4, $0x0;
	s0 =	rddreg [dreg:$0x8]  }
0x2f8: {  	s0 =	sadd.s32 @!p0 $0x100000, s0  }
0x2f9: {  	[sflag:s0] =	ssyncadd.tile.s32 @!p0 $0x1;
	_ =	shalt  }
.Lfunc_end2:
_tile_overlayer_lowered:
.L_overlay_start_2:
0x2fa: {  	(tag) =	ssettag $0x2  }
0x2fb: {  	s0 =	rddreg [dreg:$0x0];
	s2 =	stileid.u32  }
0x2fc: {  	s1 =	rddreg [dreg:$0x1];
	p0 =	sne.s32 s2, $0x0  }
0x2fd: {  	s3 =	rddreg [dreg:$0x2];
	[bflag:$0x3] =	sbarrier.arrive $0xFFFF;
	s2 =	simm.s32 @!p0 $0x1C08  }
0x2fe: {  	[timem:s3], [sflag:s2] =	dma.local @!p0 [hbm:s0], s1  }
0x2ff: {  	s0 =	simm.s32 @!p0 $0x8  }
0x300: {  	_ =	swait.ge @!p0 [sflag:s0], s1  }
0x301: {  	s1 =	ssub.s32 @!p0 $0x0, s1;
	[sflag:s0] =	ssyncset.done @!p0 $0x0  }
0x302: {  	[sflag:s0] =	ssyncadd.s32 @!p0 s1  }
0x303: {  	[bflag:$0x3] =	sbarrier.arrive $0xFFFF  }
0x304: {  	_ =	shalt  }

</sc_bundles>
